<compile_context>
chip_gen: v7x
topology: tpu7x:2x2x1
jax: 0.10.2.dev20260603
libtpu: 0.0.44.dev20260713+nightly
codegen_flags: <defaults>
</compile_context>

<pallas_src>
import functools

import jax
import jax.numpy as jnp
from jax import lax
from jax.experimental import pallas as pl
from jax.experimental.pallas import tpu as pltpu
from jax.experimental.pallas import tpu_sc as plsc

N_TILES = 32
SUBCORES = 16
CHUNK = 128


def _sc_segment_sum(table, src3, dst3, n_pad, with_deg):
    d = table.shape[1]
    n_chunks = src3.shape[1]
    rows_per_tile = n_pad // SUBCORES

    out_type = [jax.ShapeDtypeStruct((2, n_pad, d), jnp.float32)]
    scratch = [
        pltpu.VMEM((n_chunks, CHUNK), jnp.int32),
        pltpu.VMEM((n_chunks, CHUNK), jnp.int32),
        pltpu.VMEM((CHUNK, d), jnp.float32),
        pltpu.VMEM((16, d), jnp.float32),
        pltpu.VMEM_SHARED((n_pad, d), jnp.float32),
        pltpu.SemaphoreType.DMA,
    ]
    if with_deg:
        out_type.append(jax.ShapeDtypeStruct((2, n_pad), jnp.float32))
        scratch += [
            pltpu.VMEM((CHUNK,), jnp.float32),
            pltpu.VMEM((rows_per_tile,), jnp.float32),
            pltpu.VMEM_SHARED((n_pad,), jnp.float32),
        ]

    mesh = plsc.VectorSubcoreMesh(core_axis_name="c", subcore_axis_name="s")

    def body(*refs):
        if with_deg:
            (tbl, srcs, dsts, out, deg_out,
             src_v, dst_v, rows_v, zb, acc, sem, ones_v, zrow, dacc) = refs
        else:
            (tbl, srcs, dsts, out,
             src_v, dst_v, rows_v, zb, acc, sem) = refs
        c = lax.axis_index("c")
        s = lax.axis_index("s")
        g = c * SUBCORES + s

        z16 = jnp.zeros((16,), jnp.float32)
        for i in range(16):
            for j in range(d // 16):
                zb[i, pl.ds(j * 16, 16)] = z16
        if with_deg:
            for i in range(rows_per_tile // 16):
                zrow[pl.ds(i * 16, 16)] = z16
            one16 = jnp.ones((16,), jnp.float32)
            for i in range(CHUNK // 16):
                ones_v[pl.ds(i * 16, 16)] = one16

        base = s * rows_per_tile
        for r in range(rows_per_tile // 16):
            pltpu.sync_copy(zb, acc.at[pl.ds(base + r * 16, 16)])
        if with_deg:
            pltpu.sync_copy(zrow, dacc.at[pl.ds(base, rows_per_tile)])
        plsc.subcore_barrier()

        pltpu.sync_copy(srcs.at[g], src_v)
        pltpu.sync_copy(dsts.at[g], dst_v)

        def chunk_body(j, carry):
            pltpu.async_copy(tbl.at[src_v.at[j]], rows_v, sem).wait()
            pltpu.sync_copy(rows_v, acc.at[dst_v.at[j]], add=True)
            if with_deg:
                pltpu.sync_copy(ones_v, dacc.at[dst_v.at[j]], add=True)
            return carry

        lax.fori_loop(0, n_chunks, chunk_body, 0)
        plsc.subcore_barrier()

        pltpu.sync_copy(acc.at[pl.ds(base, rows_per_tile)],
                        out.at[c, pl.ds(base, rows_per_tile)])
        if with_deg:
            pltpu.sync_copy(dacc.at[pl.ds(base, rows_per_tile)],
                            deg_out.at[c, pl.ds(base, rows_per_tile)])

    fn = pl.kernel(
        body, out_type=out_type, mesh=mesh, scratch_types=scratch,
        compiler_params=pltpu.CompilerParams(use_tc_tiling_on_sc=False))
    return fn(table, src3, dst3)


def _tc_project2(x, wlT, wrT, b, blk):
    n, k = x.shape
    m = wlT.shape[1]

    def body(x_ref, wl_ref, wr_ref, b_ref, xl_ref, xr_ref):
        xb = x_ref[...]
        xl_ref[...] = jnp.dot(xb, wl_ref[...], preferred_element_type=jnp.float32)
        xr_ref[...] = (jnp.dot(xb, wr_ref[...], preferred_element_type=jnp.float32)
                       + b_ref[...])

    grid = n // blk
    return pl.pallas_call(
        body,
        grid=(grid,),
        in_specs=[
            pl.BlockSpec((blk, k), lambda i: (i, 0)),
            pl.BlockSpec((k, m), lambda i: (0, 0)),
            pl.BlockSpec((k, m), lambda i: (0, 0)),
            pl.BlockSpec((1, m), lambda i: (0, 0)),
        ],
        out_specs=[
            pl.BlockSpec((blk, m), lambda i: (i, 0)),
            pl.BlockSpec((blk, m), lambda i: (i, 0)),
        ],
        out_shape=[
            jax.ShapeDtypeStruct((n, m), jnp.float32),
            jax.ShapeDtypeStruct((n, m), jnp.float32),
        ],
    )(x, wlT, wrT, b)


def _tc_layer2(p, d3, xr, w2lT, w2rT, b2, blk):
    n, m = xr.shape
    m2 = w2lT.shape[1]

    def body(p_ref, d_ref, xr_ref, wl_ref, wr_ref, b_ref, xl2_ref, xr2_ref):
        p_blk = p_ref[...]
        agg = p_blk[0] + p_blk[1]
        dg = d_ref[...]
        deg = dg[0] + dg[1]
        r = 1.0 / jnp.maximum(deg, 1.0)
        h = jnp.maximum(agg * r + xr_ref[...], 0.0)
        xl2_ref[...] = jnp.dot(h, wl_ref[...], preferred_element_type=jnp.float32)
        xr2_ref[...] = (jnp.dot(h, wr_ref[...], preferred_element_type=jnp.float32)
                        + b_ref[...])

    grid = n // blk
    return pl.pallas_call(
        body,
        grid=(grid,),
        in_specs=[
            pl.BlockSpec((2, blk, m), lambda i: (0, i, 0)),
            pl.BlockSpec((2, blk, 1), lambda i: (0, i, 0)),
            pl.BlockSpec((blk, m), lambda i: (i, 0)),
            pl.BlockSpec((m, m2), lambda i: (0, 0)),
            pl.BlockSpec((m, m2), lambda i: (0, 0)),
            pl.BlockSpec((1, m2), lambda i: (0, 0)),
        ],
        out_specs=[
            pl.BlockSpec((blk, m2), lambda i: (i, 0)),
            pl.BlockSpec((blk, m2), lambda i: (i, 0)),
        ],
        out_shape=[
            jax.ShapeDtypeStruct((n, m2), jnp.float32),
            jax.ShapeDtypeStruct((n, m2), jnp.float32),
        ],
    )(p, d3, xr, w2lT, w2rT, b2)


def _tc_head(q, d3, xr2, wc1T, bc1, wc2T, bc2, blk):
    n, m = xr2.shape
    k1 = wc1T.shape[1]
    k2 = wc2T.shape[1]

    def body(q_ref, d_ref, xr_ref, w1_ref, b1_ref, w2_ref, b2_ref, o_ref):
        q_blk = q_ref[...]
        agg = q_blk[0] + q_blk[1]
        dg = d_ref[...]
        deg = dg[0] + dg[1]
        r = 1.0 / jnp.maximum(deg, 1.0)
        h2 = jnp.maximum(agg * r + xr_ref[...], 0.0)
        t = jnp.maximum(
            jnp.dot(h2, w1_ref[...], preferred_element_type=jnp.float32)
            + b1_ref[...], 0.0)
        o_ref[...] = (jnp.dot(t, w2_ref[...], preferred_element_type=jnp.float32)
                      + b2_ref[...])

    grid = n // blk
    return pl.pallas_call(
        body,
        grid=(grid,),
        in_specs=[
            pl.BlockSpec((2, blk, m), lambda i: (0, i, 0)),
            pl.BlockSpec((2, blk, 1), lambda i: (0, i, 0)),
            pl.BlockSpec((blk, m), lambda i: (i, 0)),
            pl.BlockSpec((m, k1), lambda i: (0, 0)),
            pl.BlockSpec((1, k1), lambda i: (0, 0)),
            pl.BlockSpec((k1, k2), lambda i: (0, 0)),
            pl.BlockSpec((1, k2), lambda i: (0, 0)),
        ],
        out_specs=pl.BlockSpec((blk, k2), lambda i: (i, 0)),
        out_shape=jax.ShapeDtypeStruct((n, k2), jnp.float32),
    )(q, d3, xr2, wc1T, bc1, wc2T, bc2)


def kernel(x, edge_index, W1l, W1r, b1, W2l, W2r, b2, Wc1, bc1, Wc2, bc2):
    n, d_in = x.shape
    e = edge_index.shape[1]
    hid = W1l.shape[0]
    hid2 = W2l.shape[0]

    n_pad = ((n // (SUBCORES * 16)) + 1) * SUBCORES * 16 if n % (SUBCORES * 16) else n
    per_tile = -(-e // N_TILES)
    n_chunks = -(-per_tile // CHUNK)
    e_pad = N_TILES * n_chunks * CHUNK

    src = edge_index[0].astype(jnp.int32)
    dst = edge_index[1].astype(jnp.int32)
    pad = e_pad - e
    src3 = jnp.concatenate([src, jnp.zeros((pad,), jnp.int32)]
                           ).reshape(N_TILES, n_chunks, CHUNK)
    dst3 = jnp.concatenate([dst, jnp.full((pad,), n, jnp.int32)]
                           ).reshape(N_TILES, n_chunks, CHUNK)

    blk = 400 if n % 400 == 0 else 8 * (n // 8)

    xl, xr1 = _tc_project2(x, W1l.T, W1r.T, b1.reshape(1, -1), blk)
    p1, degp = _sc_segment_sum(xl, src3, dst3, n_pad, with_deg=True)
    d3 = degp.reshape(2, n_pad, 1)

    xl2, xr2 = _tc_layer2(p1, d3, xr1, W2l.T, W2r.T, b2.reshape(1, -1), blk)
    p2 = _sc_segment_sum(xl2, src3, dst3, n_pad, with_deg=False)[0]

    return _tc_head(p2, d3, xr2, Wc1.T, bc1.reshape(1, -1), Wc2.T,
                    bc2.reshape(1, -1), blk)

# --- scband reference (transcript-rebuilt; emitter-appended) ---
"""Pipeline reference for scband-hydra-gnn-7773890806311 (READ-ONLY COPY).

The authoritative reference and input builder live on the scoring server;
editing this copy changes nothing except your own understanding.
"""

import jax, jax.numpy as jnp
import numpy as np

N_NODES = 10000
N_EDGES = 320000
D_IN = 128
HID = 64


def setup_inputs(seed: int = 0) -> dict:
    key = jax.random.key(seed)
    ks = jax.random.split(key, 16)
    x = jax.random.normal(ks[0], (N_NODES, D_IN), dtype=jnp.float32)
    edge_index = jax.random.randint(ks[1], (2, N_EDGES), 0, N_NODES, dtype=jnp.int64)
    # SAGEConv layer 1: in=128 -> out=64 (lin_l has bias, lin_r no bias, PyG convention)
    W1l = jax.random.normal(ks[2], (HID, D_IN), dtype=jnp.float32) * (1.0 / np.sqrt(D_IN))
    W1r = jax.random.normal(ks[3], (HID, D_IN), dtype=jnp.float32) * (1.0 / np.sqrt(D_IN))
    b1 = jnp.zeros((HID,), dtype=jnp.float32)
    # SAGEConv layer 2: in=64 -> out=32 (hidden_channels // 2)
    W2l = jax.random.normal(ks[4], (HID // 2, HID), dtype=jnp.float32) * (1.0 / np.sqrt(HID))
    W2r = jax.random.normal(ks[5], (HID // 2, HID), dtype=jnp.float32) * (1.0 / np.sqrt(HID))
    b2 = jnp.zeros((HID // 2,), dtype=jnp.float32)
    # classifier: Linear(32, 16) -> ReLU -> Linear(16, 2)
    Wc1 = jax.random.normal(ks[6], (16, HID // 2), dtype=jnp.float32) * (1.0 / np.sqrt(HID // 2))
    bc1 = jnp.zeros((16,), dtype=jnp.float32)
    Wc2 = jax.random.normal(ks[7], (2, 16), dtype=jnp.float32) * (1.0 / np.sqrt(16))
    bc2 = jnp.zeros((2,), dtype=jnp.float32)
    return {"x": x, "edge_index": edge_index, "W1l": W1l, "W1r": W1r, "b1": b1,
            "W2l": W2l, "W2r": W2r, "b2": b2, "Wc1": Wc1, "bc1": bc1, "Wc2": Wc2, "bc2": bc2}


def _sage_conv(x, edge_index, Wl, Wr, b):
    # PyG SAGEConv with mean aggregation:
    #   out = lin_l(mean_{j in N(i)} x_j) + lin_r(x_i)
    src = edge_index[0]
    dst = edge_index[1]
    msgs = jnp.take(x, src, axis=0)  # gather source-node features per edge
    agg = jax.ops.segment_sum(msgs, dst, num_segments=x.shape[0])
    deg = jax.ops.segment_sum(jnp.ones((edge_index.shape[1],), dtype=x.dtype), dst,
                              num_segments=x.shape[0])
    agg = agg / jnp.clip(deg, 1.0, None)[:, None]
    return agg @ Wl.T + b + x @ Wr.T


def reference(x, edge_index, W1l, W1r, b1, W2l, W2r, b2, Wc1, bc1, Wc2, bc2):
    # dropout is identity in eval mode (training=False)
    h = _sage_conv(x, edge_index, W1l, W1r, b1)
    h = jax.nn.relu(h)
    h = _sage_conv(h, edge_index, W2l, W2r, b2)
    h = jax.nn.relu(h)
    h = h @ Wc1.T + bc1
    h = jax.nn.relu(h)
    out = h @ Wc2.T + bc2
    return out

if __name__ == "__main__":
    import jax
    _d = setup_inputs()
    print(jax.jit(kernel)(*tuple(_d.values())))

</pallas_src>

<mosaic_0001>
#map = affine_map<(d0, d1) -> (0, 0)>
#map1 = affine_map<(d0, d1) -> (0, 0, 0)>
module attributes {stable_mosaic.version = 14 : i64} {
  func.func @body(%arg0: i32, %arg1: i32, %arg2: memref<10000x32xf32, #tpu.memory_space<hbm>>, %arg3: memref<32x79x128xi32, #tpu.memory_space<hbm>>, %arg4: memref<32x79x128xi32, #tpu.memory_space<hbm>>, %arg5: memref<2x10240x32xf32, #tpu.memory_space<hbm>>, %arg6: memref<79x128xi32, #tpu.memory_space<vmem>>, %arg7: memref<79x128xi32, #tpu.memory_space<vmem>>, %arg8: memref<128x32xf32, #tpu.memory_space<vmem>>, %arg9: memref<16x32xf32, #tpu.memory_space<vmem>>, %arg10: memref<10240x32xf32, #tpu.memory_space<vmem_shared>>, %arg11: memref<!tpu.dma_semaphore, #tpu.memory_space<semaphore_mem>>) attributes {dimension_semantics = [#tpu.dimension_semantics<core_parallel>, #tpu.dimension_semantics<subcore_parallel>], iteration_bounds = array<i64: 2, 16>, scalar_prefetch = 0 : i64, scratch_operands = 6 : i64, tpu.core_type = #tpu.core_type<sc_vector_subcore>, window_params = [{transform_indices = #map}, {transform_indices = #map1}, {transform_indices = #map1}, {transform_indices = #map1}]} {
    %mul3A = arith.constant 16 : i32
    %mul3A_0 = arith.muli %arg0, %mul3A : i32
    %add3A = arith.addi %mul3A_0, %arg1 : i32
    %broadcast_in_dim3A = arith.constant 0.000000e+00 : f32
    %broadcast_in_dim3A_1 = vector.broadcast %broadcast_in_dim3A : f32 to vector<16xf32>
    %swap3A = arith.constant 0 : i32
    %swap3A_2 = arith.index_cast %swap3A : i32 to index
    %swap3A_3 = arith.constant 0 : index
    %swap3A_4 = tpu.vector_load %arg9[%swap3A_2, %swap3A_3] {strides = array<i32>} : memref<16x32xf32, #tpu.memory_space<vmem>>, vector<1x16xf32>,
    %swap3A_5 = vector.shape_cast %swap3A_4 : vector<1x16xf32> to vector<16xf32>
    %swap3A_6 = vector.shape_cast %broadcast_in_dim3A_1 : vector<16xf32> to vector<1x16xf32>
    tpu.vector_store %arg9[%swap3A_2, %swap3A_3], %swap3A_6 {strides = array<i32>} : memref<16x32xf32, #tpu.memory_space<vmem>>, vector<1x16xf32>,
    %swap3A_7 = arith.constant 0 : i32
    %swap3A_8 = arith.index_cast %swap3A_7 : i32 to index
    %swap3A_9 = arith.constant 16 : index
    %swap3A_10 = tpu.vector_load %arg9[%swap3A_8, %swap3A_9] {strides = array<i32>} : memref<16x32xf32, #tpu.memory_space<vmem>>, vector<1x16xf32>,
    %swap3A_11 = vector.shape_cast %swap3A_10 : vector<1x16xf32> to vector<16xf32>
    %swap3A_12 = vector.shape_cast %broadcast_in_dim3A_1 : vector<16xf32> to vector<1x16xf32>
    tpu.vector_store %arg9[%swap3A_8, %swap3A_9], %swap3A_12 {strides = array<i32>} : memref<16x32xf32, #tpu.memory_space<vmem>>, vector<1x16xf32>,
    %swap3A_13 = arith.constant 1 : i32
    %swap3A_14 = arith.index_cast %swap3A_13 : i32 to index
    %swap3A_15 = arith.constant 0 : index
    %swap3A_16 = tpu.vector_load %arg9[%swap3A_14, %swap3A_15] {strides = array<i32>} : memref<16x32xf32, #tpu.memory_space<vmem>>, vector<1x16xf32>,
    %swap3A_17 = vector.shape_cast %swap3A_16 : vector<1x16xf32> to vector<16xf32>
    %swap3A_18 = vector.shape_cast %broadcast_in_dim3A_1 : vector<16xf32> to vector<1x16xf32>
    tpu.vector_store %arg9[%swap3A_14, %swap3A_15], %swap3A_18 {strides = array<i32>} : memref<16x32xf32, #tpu.memory_space<vmem>>, vector<1x16xf32>,
    %swap3A_19 = arith.constant 1 : i32
    %swap3A_20 = arith.index_cast %swap3A_19 : i32 to index
    %swap3A_21 = arith.constant 16 : index
    %swap3A_22 = tpu.vector_load %arg9[%swap3A_20, %swap3A_21] {strides = array<i32>} : memref<16x32xf32, #tpu.memory_space<vmem>>, vector<1x16xf32>,
    %swap3A_23 = vector.shape_cast %swap3A_22 : vector<1x16xf32> to vector<16xf32>
    %swap3A_24 = vector.shape_cast %broadcast_in_dim3A_1 : vector<16xf32> to vector<1x16xf32>
    tpu.vector_store %arg9[%swap3A_20, %swap3A_21], %swap3A_24 {strides = array<i32>} : memref<16x32xf32, #tpu.memory_space<vmem>>, vector<1x16xf32>,
    %swap3A_25 = arith.constant 2 : i32
    %swap3A_26 = arith.index_cast %swap3A_25 : i32 to index
    %swap3A_27 = arith.constant 0 : index
    %swap3A_28 = tpu.vector_load %arg9[%swap3A_26, %swap3A_27] {strides = array<i32>} : memref<16x32xf32, #tpu.memory_space<vmem>>, vector<1x16xf32>,
    %swap3A_29 = vector.shape_cast %swap3A_28 : vector<1x16xf32> to vector<16xf32>
    %swap3A_30 = vector.shape_cast %broadcast_in_dim3A_1 : vector<16xf32> to vector<1x16xf32>
    tpu.vector_store %arg9[%swap3A_26, %swap3A_27], %swap3A_30 {strides = array<i32>} : memref<16x32xf32, #tpu.memory_space<vmem>>, vector<1x16xf32>,
    %swap3A_31 = arith.constant 2 : i32
    %swap3A_32 = arith.index_cast %swap3A_31 : i32 to index
    %swap3A_33 = arith.constant 16 : index
    %swap3A_34 = tpu.vector_load %arg9[%swap3A_32, %swap3A_33] {strides = array<i32>} : memref<16x32xf32, #tpu.memory_space<vmem>>, vector<1x16xf32>,
    %swap3A_35 = vector.shape_cast %swap3A_34 : vector<1x16xf32> to vector<16xf32>
    %swap3A_36 = vector.shape_cast %broadcast_in_dim3A_1 : vector<16xf32> to vector<1x16xf32>
    tpu.vector_store %arg9[%swap3A_32, %swap3A_33], %swap3A_36 {strides = array<i32>} : memref<16x32xf32, #tpu.memory_space<vmem>>, vector<1x16xf32>,
    %swap3A_37 = arith.constant 3 : i32
    %swap3A_38 = arith.index_cast %swap3A_37 : i32 to index
    %swap3A_39 = arith.constant 0 : index
    %swap3A_40 = tpu.vector_load %arg9[%swap3A_38, %swap3A_39] {strides = array<i32>} : memref<16x32xf32, #tpu.memory_space<vmem>>, vector<1x16xf32>,
    %swap3A_41 = vector.shape_cast %swap3A_40 : vector<1x16xf32> to vector<16xf32>
    %swap3A_42 = vector.shape_cast %broadcast_in_dim3A_1 : vector<16xf32> to vector<1x16xf32>
    tpu.vector_store %arg9[%swap3A_38, %swap3A_39], %swap3A_42 {strides = array<i32>} : memref<16x32xf32, #tpu.memory_space<vmem>>, vector<1x16xf32>,
    %swap3A_43 = arith.constant 3 : i32
    %swap3A_44 = arith.index_cast %swap3A_43 : i32 to index
    %swap3A_45 = arith.constant 16 : index
    %swap3A_46 = tpu.vector_load %arg9[%swap3A_44, %swap3A_45] {strides = array<i32>} : memref<16x32xf32, #tpu.memory_space<vmem>>, vector<1x16xf32>,
    %swap3A_47 = vector.shape_cast %swap3A_46 : vector<1x16xf32> to vector<16xf32>
    %swap3A_48 = vector.shape_cast %broadcast_in_dim3A_1 : vector<16xf32> to vector<1x16xf32>
    tpu.vector_store %arg9[%swap3A_44, %swap3A_45], %swap3A_48 {strides = array<i32>} : memref<16x32xf32, #tpu.memory_space<vmem>>, vector<1x16xf32>,
    %swap3A_49 = arith.constant 4 : i32
    %swap3A_50 = arith.index_cast %swap3A_49 : i32 to index
    %swap3A_51 = arith.constant 0 : index
    %swap3A_52 = tpu.vector_load %arg9[%swap3A_50, %swap3A_51] {strides = array<i32>} : memref<16x32xf32, #tpu.memory_space<vmem>>, vector<1x16xf32>,
    %swap3A_53 = vector.shape_cast %swap3A_52 : vector<1x16xf32> to vector<16xf32>
    %swap3A_54 = vector.shape_cast %broadcast_in_dim3A_1 : vector<16xf32> to vector<1x16xf32>
    tpu.vector_store %arg9[%swap3A_50, %swap3A_51], %swap3A_54 {strides = array<i32>} : memref<16x32xf32, #tpu.memory_space<vmem>>, vector<1x16xf32>,
    %swap3A_55 = arith.constant 4 : i32
    %swap3A_56 = arith.index_cast %swap3A_55 : i32 to index
    %swap3A_57 = arith.constant 16 : index
    %swap3A_58 = tpu.vector_load %arg9[%swap3A_56, %swap3A_57] {strides = array<i32>} : memref<16x32xf32, #tpu.memory_space<vmem>>, vector<1x16xf32>,
    %swap3A_59 = vector.shape_cast %swap3A_58 : vector<1x16xf32> to vector<16xf32>
    %swap3A_60 = vector.shape_cast %broadcast_in_dim3A_1 : vector<16xf32> to vector<1x16xf32>
    tpu.vector_store %arg9[%swap3A_56, %swap3A_57], %swap3A_60 {strides = array<i32>} : memref<16x32xf32, #tpu.memory_space<vmem>>, vector<1x16xf32>,
    %swap3A_61 = arith.constant 5 : i32
    %swap3A_62 = arith.index_cast %swap3A_61 : i32 to index
    %swap3A_63 = arith.constant 0 : index
    %swap3A_64 = tpu.vector_load %arg9[%swap3A_62, %swap3A_63] {strides = array<i32>} : memref<16x32xf32, #tpu.memory_space<vmem>>, vector<1x16xf32>,
    %swap3A_65 = vector.shape_cast %swap3A_64 : vector<1x16xf32> to vector<16xf32>
    %swap3A_66 = vector.shape_cast %broadcast_in_dim3A_1 : vector<16xf32> to vector<1x16xf32>
    tpu.vector_store %arg9[%swap3A_62, %swap3A_63], %swap3A_66 {strides = array<i32>} : memref<16x32xf32, #tpu.memory_space<vmem>>, vector<1x16xf32>,
    %swap3A_67 = arith.constant 5 : i32
    %swap3A_68 = arith.index_cast %swap3A_67 : i32 to index
    %swap3A_69 = arith.constant 16 : index
    %swap3A_70 = tpu.vector_load %arg9[%swap3A_68, %swap3A_69] {strides = array<i32>} : memref<16x32xf32, #tpu.memory_space<vmem>>, vector<1x16xf32>,
    %swap3A_71 = vector.shape_cast %swap3A_70 : vector<1x16xf32> to vector<16xf32>
    %swap3A_72 = vector.shape_cast %broadcast_in_dim3A_1 : vector<16xf32> to vector<1x16xf32>
    tpu.vector_store %arg9[%swap3A_68, %swap3A_69], %swap3A_72 {strides = array<i32>} : memref<16x32xf32, #tpu.memory_space<vmem>>, vector<1x16xf32>,
    %swap3A_73 = arith.constant 6 : i32
    %swap3A_74 = arith.index_cast %swap3A_73 : i32 to index
    %swap3A_75 = arith.constant 0 : index
    %swap3A_76 = tpu.vector_load %arg9[%swap3A_74, %swap3A_75] {strides = array<i32>} : memref<16x32xf32, #tpu.memory_space<vmem>>, vector<1x16xf32>,
    %swap3A_77 = vector.shape_cast %swap3A_76 : vector<1x16xf32> to vector<16xf32>
    %swap3A_78 = vector.shape_cast %broadcast_in_dim3A_1 : vector<16xf32> to vector<1x16xf32>
    tpu.vector_store %arg9[%swap3A_74, %swap3A_75], %swap3A_78 {strides = array<i32>} : memref<16x32xf32, #tpu.memory_space<vmem>>, vector<1x16xf32>,
    %swap3A_79 = arith.constant 6 : i32
    %swap3A_80 = arith.index_cast %swap3A_79 : i32 to index
    %swap3A_81 = arith.constant 16 : index
    %swap3A_82 = tpu.vector_load %arg9[%swap3A_80, %swap3A_81] {strides = array<i32>} : memref<16x32xf32, #tpu.memory_space<vmem>>, vector<1x16xf32>,
    %swap3A_83 = vector.shape_cast %swap3A_82 : vector<1x16xf32> to vector<16xf32>
    %swap3A_84 = vector.shape_cast %broadcast_in_dim3A_1 : vector<16xf32> to vector<1x16xf32>
    tpu.vector_store %arg9[%swap3A_80, %swap3A_81], %swap3A_84 {strides = array<i32>} : memref<16x32xf32, #tpu.memory_space<vmem>>, vector<1x16xf32>,
    %swap3A_85 = arith.constant 7 : i32
    %swap3A_86 = arith.index_cast %swap3A_85 : i32 to index
    %swap3A_87 = arith.constant 0 : index
    %swap3A_88 = tpu.vector_load %arg9[%swap3A_86, %swap3A_87] {strides = array<i32>} : memref<16x32xf32, #tpu.memory_space<vmem>>, vector<1x16xf32>,
    %swap3A_89 = vector.shape_cast %swap3A_88 : vector<1x16xf32> to vector<16xf32>
    %swap3A_90 = vector.shape_cast %broadcast_in_dim3A_1 : vector<16xf32> to vector<1x16xf32>
    tpu.vector_store %arg9[%swap3A_86, %swap3A_87], %swap3A_90 {strides = array<i32>} : memref<16x32xf32, #tpu.memory_space<vmem>>, vector<1x16xf32>,
    %swap3A_91 = arith.constant 7 : i32
    %swap3A_92 = arith.index_cast %swap3A_91 : i32 to index
    %swap3A_93 = arith.constant 16 : index
    %swap3A_94 = tpu.vector_load %arg9[%swap3A_92, %swap3A_93] {strides = array<i32>} : memref<16x32xf32, #tpu.memory_space<vmem>>, vector<1x16xf32>,
    %swap3A_95 = vector.shape_cast %swap3A_94 : vector<1x16xf32> to vector<16xf32>
    %swap3A_96 = vector.shape_cast %broadcast_in_dim3A_1 : vector<16xf32> to vector<1x16xf32>
    tpu.vector_store %arg9[%swap3A_92, %swap3A_93], %swap3A_96 {strides = array<i32>} : memref<16x32xf32, #tpu.memory_space<vmem>>, vector<1x16xf32>,
    %swap3A_97 = arith.constant 8 : i32
    %swap3A_98 = arith.index_cast %swap3A_97 : i32 to index
    %swap3A_99 = arith.constant 0 : index
    %swap3A_100 = tpu.vector_load %arg9[%swap3A_98, %swap3A_99] {strides = array<i32>} : memref<16x32xf32, #tpu.memory_space<vmem>>, vector<1x16xf32>,
    %swap3A_101 = vector.shape_cast %swap3A_100 : vector<1x16xf32> to vector<16xf32>
    %swap3A_102 = vector.shape_cast %broadcast_in_dim3A_1 : vector<16xf32> to vector<1x16xf32>
    tpu.vector_store %arg9[%swap3A_98, %swap3A_99], %swap3A_102 {strides = array<i32>} : memref<16x32xf32, #tpu.memory_space<vmem>>, vector<1x16xf32>,
    %swap3A_103 = arith.constant 8 : i32
    %swap3A_104 = arith.index_cast %swap3A_103 : i32 to index
    %swap3A_105 = arith.constant 16 : index
    %swap3A_106 = tpu.vector_load %arg9[%swap3A_104, %swap3A_105] {strides = array<i32>} : memref<16x32xf32, #tpu.memory_space<vmem>>, vector<1x16xf32>,
    %swap3A_107 = vector.shape_cast %swap3A_106 : vector<1x16xf32> to vector<16xf32>
    %swap3A_108 = vector.shape_cast %broadcast_in_dim3A_1 : vector<16xf32> to vector<1x16xf32>
    tpu.vector_store %arg9[%swap3A_104, %swap3A_105], %swap3A_108 {strides = array<i32>} : memref<16x32xf32, #tpu.memory_space<vmem>>, vector<1x16xf32>,
    %swap3A_109 = arith.constant 9 : i32
    %swap3A_110 = arith.index_cast %swap3A_109 : i32 to index
    %swap3A_111 = arith.constant 0 : index
    %swap3A_112 = tpu.vector_load %arg9[%swap3A_110, %swap3A_111] {strides = array<i32>} : memref<16x32xf32, #tpu.memory_space<vmem>>, vector<1x16xf32>,
    %swap3A_113 = vector.shape_cast %swap3A_112 : vector<1x16xf32> to vector<16xf32>
    %swap3A_114 = vector.shape_cast %broadcast_in_dim3A_1 : vector<16xf32> to vector<1x16xf32>
    tpu.vector_store %arg9[%swap3A_110, %swap3A_111], %swap3A_114 {strides = array<i32>} : memref<16x32xf32, #tpu.memory_space<vmem>>, vector<1x16xf32>,
    %swap3A_115 = arith.constant 9 : i32
    %swap3A_116 = arith.index_cast %swap3A_115 : i32 to index
    %swap3A_117 = arith.constant 16 : index
    %swap3A_118 = tpu.vector_load %arg9[%swap3A_116, %swap3A_117] {strides = array<i32>} : memref<16x32xf32, #tpu.memory_space<vmem>>, vector<1x16xf32>,
    %swap3A_119 = vector.shape_cast %swap3A_118 : vector<1x16xf32> to vector<16xf32>
    %swap3A_120 = vector.shape_cast %broadcast_in_dim3A_1 : vector<16xf32> to vector<1x16xf32>
    tpu.vector_store %arg9[%swap3A_116, %swap3A_117], %swap3A_120 {strides = array<i32>} : memref<16x32xf32, #tpu.memory_space<vmem>>, vector<1x16xf32>,
    %swap3A_121 = arith.constant 10 : i32
    %swap3A_122 = arith.index_cast %swap3A_121 : i32 to index
    %swap3A_123 = arith.constant 0 : index
    %swap3A_124 = tpu.vector_load %arg9[%swap3A_122, %swap3A_123] {strides = array<i32>} : memref<16x32xf32, #tpu.memory_space<vmem>>, vector<1x16xf32>,
    %swap3A_125 = vector.shape_cast %swap3A_124 : vector<1x16xf32> to vector<16xf32>
    %swap3A_126 = vector.shape_cast %broadcast_in_dim3A_1 : vector<16xf32> to vector<1x16xf32>
    tpu.vector_store %arg9[%swap3A_122, %swap3A_123], %swap3A_126 {strides = array<i32>} : memref<16x32xf32, #tpu.memory_space<vmem>>, vector<1x16xf32>,
    %swap3A_127 = arith.constant 10 : i32
    %swap3A_128 = arith.index_cast %swap3A_127 : i32 to index
    %swap3A_129 = arith.constant 16 : index
    %swap3A_130 = tpu.vector_load %arg9[%swap3A_128, %swap3A_129] {strides = array<i32>} : memref<16x32xf32, #tpu.memory_space<vmem>>, vector<1x16xf32>,
    %swap3A_131 = vector.shape_cast %swap3A_130 : vector<1x16xf32> to vector<16xf32>
    %swap3A_132 = vector.shape_cast %broadcast_in_dim3A_1 : vector<16xf32> to vector<1x16xf32>
    tpu.vector_store %arg9[%swap3A_128, %swap3A_129], %swap3A_132 {strides = array<i32>} : memref<16x32xf32, #tpu.memory_space<vmem>>, vector<1x16xf32>,
    %swap3A_133 = arith.constant 11 : i32
    %swap3A_134 = arith.index_cast %swap3A_133 : i32 to index
    %swap3A_135 = arith.constant 0 : index
    %swap3A_136 = tpu.vector_load %arg9[%swap3A_134, %swap3A_135] {strides = array<i32>} : memref<16x32xf32, #tpu.memory_space<vmem>>, vector<1x16xf32>,
    %swap3A_137 = vector.shape_cast %swap3A_136 : vector<1x16xf32> to vector<16xf32>
    %swap3A_138 = vector.shape_cast %broadcast_in_dim3A_1 : vector<16xf32> to vector<1x16xf32>
    tpu.vector_store %arg9[%swap3A_134, %swap3A_135], %swap3A_138 {strides = array<i32>} : memref<16x32xf32, #tpu.memory_space<vmem>>, vector<1x16xf32>,
    %swap3A_139 = arith.constant 11 : i32
    %swap3A_140 = arith.index_cast %swap3A_139 : i32 to index
    %swap3A_141 = arith.constant 16 : index
    %swap3A_142 = tpu.vector_load %arg9[%swap3A_140, %swap3A_141] {strides = array<i32>} : memref<16x32xf32, #tpu.memory_space<vmem>>, vector<1x16xf32>,
    %swap3A_143 = vector.shape_cast %swap3A_142 : vector<1x16xf32> to vector<16xf32>
    %swap3A_144 = vector.shape_cast %broadcast_in_dim3A_1 : vector<16xf32> to vector<1x16xf32>
    tpu.vector_store %arg9[%swap3A_140, %swap3A_141], %swap3A_144 {strides = array<i32>} : memref<16x32xf32, #tpu.memory_space<vmem>>, vector<1x16xf32>,
    %swap3A_145 = arith.constant 12 : i32
    %swap3A_146 = arith.index_cast %swap3A_145 : i32 to index
    %swap3A_147 = arith.constant 0 : index
    %swap3A_148 = tpu.vector_load %arg9[%swap3A_146, %swap3A_147] {strides = array<i32>} : memref<16x32xf32, #tpu.memory_space<vmem>>, vector<1x16xf32>,
    %swap3A_149 = vector.shape_cast %swap3A_148 : vector<1x16xf32> to vector<16xf32>
    %swap3A_150 = vector.shape_cast %broadcast_in_dim3A_1 : vector<16xf32> to vector<1x16xf32>
    tpu.vector_store %arg9[%swap3A_146, %swap3A_147], %swap3A_150 {strides = array<i32>} : memref<16x32xf32, #tpu.memory_space<vmem>>, vector<1x16xf32>,
    %swap3A_151 = arith.constant 12 : i32
    %swap3A_152 = arith.index_cast %swap3A_151 : i32 to index
    %swap3A_153 = arith.constant 16 : index
    %swap3A_154 = tpu.vector_load %arg9[%swap3A_152, %swap3A_153] {strides = array<i32>} : memref<16x32xf32, #tpu.memory_space<vmem>>, vector<1x16xf32>,
    %swap3A_155 = vector.shape_cast %swap3A_154 : vector<1x16xf32> to vector<16xf32>
    %swap3A_156 = vector.shape_cast %broadcast_in_dim3A_1 : vector<16xf32> to vector<1x16xf32>
    tpu.vector_store %arg9[%swap3A_152, %swap3A_153], %swap3A_156 {strides = array<i32>} : memref<16x32xf32, #tpu.memory_space<vmem>>, vector<1x16xf32>,
    %swap3A_157 = arith.constant 13 : i32
    %swap3A_158 = arith.index_cast %swap3A_157 : i32 to index
    %swap3A_159 = arith.constant 0 : index
    %swap3A_160 = tpu.vector_load %arg9[%swap3A_158, %swap3A_159] {strides = array<i32>} : memref<16x32xf32, #tpu.memory_space<vmem>>, vector<1x16xf32>,
    %swap3A_161 = vector.shape_cast %swap3A_160 : vector<1x16xf32> to vector<16xf32>
    %swap3A_162 = vector.shape_cast %broadcast_in_dim3A_1 : vector<16xf32> to vector<1x16xf32>
    tpu.vector_store %arg9[%swap3A_158, %swap3A_159], %swap3A_162 {strides = array<i32>} : memref<16x32xf32, #tpu.memory_space<vmem>>, vector<1x16xf32>,
    %swap3A_163 = arith.constant 13 : i32
    %swap3A_164 = arith.index_cast %swap3A_163 : i32 to index
    %swap3A_165 = arith.constant 16 : index
    %swap3A_166 = tpu.vector_load %arg9[%swap3A_164, %swap3A_165] {strides = array<i32>} : memref<16x32xf32, #tpu.memory_space<vmem>>, vector<1x16xf32>,
    %swap3A_167 = vector.shape_cast %swap3A_166 : vector<1x16xf32> to vector<16xf32>
    %swap3A_168 = vector.shape_cast %broadcast_in_dim3A_1 : vector<16xf32> to vector<1x16xf32>
    tpu.vector_store %arg9[%swap3A_164, %swap3A_165], %swap3A_168 {strides = array<i32>} : memref<16x32xf32, #tpu.memory_space<vmem>>, vector<1x16xf32>,
    %swap3A_169 = arith.constant 14 : i32
    %swap3A_170 = arith.index_cast %swap3A_169 : i32 to index
    %swap3A_171 = arith.constant 0 : index
    %swap3A_172 = tpu.vector_load %arg9[%swap3A_170, %swap3A_171] {strides = array<i32>} : memref<16x32xf32, #tpu.memory_space<vmem>>, vector<1x16xf32>,
    %swap3A_173 = vector.shape_cast %swap3A_172 : vector<1x16xf32> to vector<16xf32>
    %swap3A_174 = vector.shape_cast %broadcast_in_dim3A_1 : vector<16xf32> to vector<1x16xf32>
    tpu.vector_store %arg9[%swap3A_170, %swap3A_171], %swap3A_174 {strides = array<i32>} : memref<16x32xf32, #tpu.memory_space<vmem>>, vector<1x16xf32>,
    %swap3A_175 = arith.constant 14 : i32
    %swap3A_176 = arith.index_cast %swap3A_175 : i32 to index
    %swap3A_177 = arith.constant 16 : index
    %swap3A_178 = tpu.vector_load %arg9[%swap3A_176, %swap3A_177] {strides = array<i32>} : memref<16x32xf32, #tpu.memory_space<vmem>>, vector<1x16xf32>,
    %swap3A_179 = vector.shape_cast %swap3A_178 : vector<1x16xf32> to vector<16xf32>
    %swap3A_180 = vector.shape_cast %broadcast_in_dim3A_1 : vector<16xf32> to vector<1x16xf32>
    tpu.vector_store %arg9[%swap3A_176, %swap3A_177], %swap3A_180 {strides = array<i32>} : memref<16x32xf32, #tpu.memory_space<vmem>>, vector<1x16xf32>,
    %swap3A_181 = arith.constant 15 : i32
    %swap3A_182 = arith.index_cast %swap3A_181 : i32 to index
    %swap3A_183 = arith.constant 0 : index
    %swap3A_184 = tpu.vector_load %arg9[%swap3A_182, %swap3A_183] {strides = array<i32>} : memref<16x32xf32, #tpu.memory_space<vmem>>, vector<1x16xf32>,
    %swap3A_185 = vector.shape_cast %swap3A_184 : vector<1x16xf32> to vector<16xf32>
    %swap3A_186 = vector.shape_cast %broadcast_in_dim3A_1 : vector<16xf32> to vector<1x16xf32>
    tpu.vector_store %arg9[%swap3A_182, %swap3A_183], %swap3A_186 {strides = array<i32>} : memref<16x32xf32, #tpu.memory_space<vmem>>, vector<1x16xf32>,
    %swap3A_187 = arith.constant 15 : i32
    %swap3A_188 = arith.index_cast %swap3A_187 : i32 to index
    %swap3A_189 = arith.constant 16 : index
    %swap3A_190 = tpu.vector_load %arg9[%swap3A_188, %swap3A_189] {strides = array<i32>} : memref<16x32xf32, #tpu.memory_space<vmem>>, vector<1x16xf32>,
    %swap3A_191 = vector.shape_cast %swap3A_190 : vector<1x16xf32> to vector<16xf32>
    %swap3A_192 = vector.shape_cast %broadcast_in_dim3A_1 : vector<16xf32> to vector<1x16xf32>
    tpu.vector_store %arg9[%swap3A_188, %swap3A_189], %swap3A_192 {strides = array<i32>} : memref<16x32xf32, #tpu.memory_space<vmem>>, vector<1x16xf32>,
    %mul3A_193 = arith.constant 640 : i32
    %mul3A_194 = arith.muli %arg1, %mul3A_193 : i32
    %add3A_195 = arith.constant 0 : i32
    %add3A_196 = arith.addi %mul3A_194, %add3A_195 : i32
    "tpu.region"() ({
      %run_scoped3A = tpu.sem_alloc : memref<!tpu.dma_semaphore, #tpu.memory_space<semaphore_mem>>
      %dma_start3A = arith.constant 0 : i32
      %dma_start3A_281 = tpu.memref_slice %arg10[%add3A_196, %dma_start3A] : memref<10240x32xf32, #tpu.memory_space<vmem_shared>> -> memref<16x32xf32, #tpu.memory_space<vmem_shared>>
      %dma_start3A_282 = arith.constant 0 : i32
      %dma_start3A_283 = tpu.memref_slice %arg10[%add3A_196, %dma_start3A_282] : memref<10240x32xf32, #tpu.memory_space<vmem_shared>> -> memref<16x32xf32, #tpu.memory_space<vmem_shared>>
      tpu.enqueue_dma source(%arg9 : memref<16x32xf32, #tpu.memory_space<vmem>>) target(%dma_start3A_283 : memref<16x32xf32, #tpu.memory_space<vmem_shared>>) target_semaphore(%run_scoped3A : memref<!tpu.dma_semaphore, #tpu.memory_space<semaphore_mem>>)
      %dma_wait3A = arith.constant 0 : i32
      %dma_wait3A_284 = tpu.memref_slice %arg10[%add3A_196, %dma_wait3A] : memref<10240x32xf32, #tpu.memory_space<vmem_shared>> -> memref<16x32xf32, #tpu.memory_space<vmem_shared>>
      %dma_wait3A_285 = arith.constant 0 : i32
      %dma_wait3A_286 = tpu.memref_slice %arg10[%add3A_196, %dma_wait3A_285] : memref<10240x32xf32, #tpu.memory_space<vmem_shared>> -> memref<16x32xf32, #tpu.memory_space<vmem_shared>>
      tpu.wait_dma2 semaphore(%run_scoped3A : memref<!tpu.dma_semaphore, #tpu.memory_space<semaphore_mem>>) src(%arg9 : memref<16x32xf32, #tpu.memory_space<vmem>>) dst(%dma_wait3A_286 : memref<16x32xf32, #tpu.memory_space<vmem_shared>>)
      tpu.yield
    }) : () -> ()
    %add3A_197 = arith.constant 16 : i32
    %add3A_198 = arith.addi %mul3A_194, %add3A_197 : i32
    "tpu.region"() ({
      %run_scoped3A = tpu.sem_alloc : memref<!tpu.dma_semaphore, #tpu.memory_space<semaphore_mem>>
      %dma_start3A = arith.constant 0 : i32
      %dma_start3A_281 = tpu.memref_slice %arg10[%add3A_198, %dma_start3A] : memref<10240x32xf32, #tpu.memory_space<vmem_shared>> -> memref<16x32xf32, #tpu.memory_space<vmem_shared>>
      %dma_start3A_282 = arith.constant 0 : i32
      %dma_start3A_283 = tpu.memref_slice %arg10[%add3A_198, %dma_start3A_282] : memref<10240x32xf32, #tpu.memory_space<vmem_shared>> -> memref<16x32xf32, #tpu.memory_space<vmem_shared>>
      tpu.enqueue_dma source(%arg9 : memref<16x32xf32, #tpu.memory_space<vmem>>) target(%dma_start3A_283 : memref<16x32xf32, #tpu.memory_space<vmem_shared>>) target_semaphore(%run_scoped3A : memref<!tpu.dma_semaphore, #tpu.memory_space<semaphore_mem>>)
      %dma_wait3A = arith.constant 0 : i32
      %dma_wait3A_284 = tpu.memref_slice %arg10[%add3A_198, %dma_wait3A] : memref<10240x32xf32, #tpu.memory_space<vmem_shared>> -> memref<16x32xf32, #tpu.memory_space<vmem_shared>>
      %dma_wait3A_285 = arith.constant 0 : i32
      %dma_wait3A_286 = tpu.memref_slice %arg10[%add3A_198, %dma_wait3A_285] : memref<10240x32xf32, #tpu.memory_space<vmem_shared>> -> memref<16x32xf32, #tpu.memory_space<vmem_shared>>
      tpu.wait_dma2 semaphore(%run_scoped3A : memref<!tpu.dma_semaphore, #tpu.memory_space<semaphore_mem>>) src(%arg9 : memref<16x32xf32, #tpu.memory_space<vmem>>) dst(%dma_wait3A_286 : memref<16x32xf32, #tpu.memory_space<vmem_shared>>)
      tpu.yield
    }) : () -> ()
    %add3A_199 = arith.constant 32 : i32
    %add3A_200 = arith.addi %mul3A_194, %add3A_199 : i32
    "tpu.region"() ({
      %run_scoped3A = tpu.sem_alloc : memref<!tpu.dma_semaphore, #tpu.memory_space<semaphore_mem>>
      %dma_start3A = arith.constant 0 : i32
      %dma_start3A_281 = tpu.memref_slice %arg10[%add3A_200, %dma_start3A] : memref<10240x32xf32, #tpu.memory_space<vmem_shared>> -> memref<16x32xf32, #tpu.memory_space<vmem_shared>>
      %dma_start3A_282 = arith.constant 0 : i32
      %dma_start3A_283 = tpu.memref_slice %arg10[%add3A_200, %dma_start3A_282] : memref<10240x32xf32, #tpu.memory_space<vmem_shared>> -> memref<16x32xf32, #tpu.memory_space<vmem_shared>>
      tpu.enqueue_dma source(%arg9 : memref<16x32xf32, #tpu.memory_space<vmem>>) target(%dma_start3A_283 : memref<16x32xf32, #tpu.memory_space<vmem_shared>>) target_semaphore(%run_scoped3A : memref<!tpu.dma_semaphore, #tpu.memory_space<semaphore_mem>>)
      %dma_wait3A = arith.constant 0 : i32
      %dma_wait3A_284 = tpu.memref_slice %arg10[%add3A_200, %dma_wait3A] : memref<10240x32xf32, #tpu.memory_space<vmem_shared>> -> memref<16x32xf32, #tpu.memory_space<vmem_shared>>
      %dma_wait3A_285 = arith.constant 0 : i32
      %dma_wait3A_286 = tpu.memref_slice %arg10[%add3A_200, %dma_wait3A_285] : memref<10240x32xf32, #tpu.memory_space<vmem_shared>> -> memref<16x32xf32, #tpu.memory_space<vmem_shared>>
      tpu.wait_dma2 semaphore(%run_scoped3A : memref<!tpu.dma_semaphore, #tpu.memory_space<semaphore_mem>>) src(%arg9 : memref<16x32xf32, #tpu.memory_space<vmem>>) dst(%dma_wait3A_286 : memref<16x32xf32, #tpu.memory_space<vmem_shared>>)
      tpu.yield
    }) : () -> ()
    %add3A_201 = arith.constant 48 : i32
    %add3A_202 = arith.addi %mul3A_194, %add3A_201 : i32
    "tpu.region"() ({
      %run_scoped3A = tpu.sem_alloc : memref<!tpu.dma_semaphore, #tpu.memory_space<semaphore_mem>>
      %dma_start3A = arith.constant 0 : i32
      %dma_start3A_281 = tpu.memref_slice %arg10[%add3A_202, %dma_start3A] : memref<10240x32xf32, #tpu.memory_space<vmem_shared>> -> memref<16x32xf32, #tpu.memory_space<vmem_shared>>
      %dma_start3A_282 = arith.constant 0 : i32
      %dma_start3A_283 = tpu.memref_slice %arg10[%add3A_202, %dma_start3A_282] : memref<10240x32xf32, #tpu.memory_space<vmem_shared>> -> memref<16x32xf32, #tpu.memory_space<vmem_shared>>
      tpu.enqueue_dma source(%arg9 : memref<16x32xf32, #tpu.memory_space<vmem>>) target(%dma_start3A_283 : memref<16x32xf32, #tpu.memory_space<vmem_shared>>) target_semaphore(%run_scoped3A : memref<!tpu.dma_semaphore, #tpu.memory_space<semaphore_mem>>)
      %dma_wait3A = arith.constant 0 : i32
      %dma_wait3A_284 = tpu.memref_slice %arg10[%add3A_202, %dma_wait3A] : memref<10240x32xf32, #tpu.memory_space<vmem_shared>> -> memref<16x32xf32, #tpu.memory_space<vmem_shared>>
      %dma_wait3A_285 = arith.constant 0 : i32
      %dma_wait3A_286 = tpu.memref_slice %arg10[%add3A_202, %dma_wait3A_285] : memref<10240x32xf32, #tpu.memory_space<vmem_shared>> -> memref<16x32xf32, #tpu.memory_space<vmem_shared>>
      tpu.wait_dma2 semaphore(%run_scoped3A : memref<!tpu.dma_semaphore, #tpu.memory_space<semaphore_mem>>) src(%arg9 : memref<16x32xf32, #tpu.memory_space<vmem>>) dst(%dma_wait3A_286 : memref<16x32xf32, #tpu.memory_space<vmem_shared>>)
      tpu.yield
    }) : () -> ()
    %add3A_203 = arith.constant 64 : i32
    %add3A_204 = arith.addi %mul3A_194, %add3A_203 : i32
    "tpu.region"() ({
      %run_scoped3A = tpu.sem_alloc : memref<!tpu.dma_semaphore, #tpu.memory_space<semaphore_mem>>
      %dma_start3A = arith.constant 0 : i32
      %dma_start3A_281 = tpu.memref_slice %arg10[%add3A_204, %dma_start3A] : memref<10240x32xf32, #tpu.memory_space<vmem_shared>> -> memref<16x32xf32, #tpu.memory_space<vmem_shared>>
      %dma_start3A_282 = arith.constant 0 : i32
      %dma_start3A_283 = tpu.memref_slice %arg10[%add3A_204, %dma_start3A_282] : memref<10240x32xf32, #tpu.memory_space<vmem_shared>> -> memref<16x32xf32, #tpu.memory_space<vmem_shared>>
      tpu.enqueue_dma source(%arg9 : memref<16x32xf32, #tpu.memory_space<vmem>>) target(%dma_start3A_283 : memref<16x32xf32, #tpu.memory_space<vmem_shared>>) target_semaphore(%run_scoped3A : memref<!tpu.dma_semaphore, #tpu.memory_space<semaphore_mem>>)
      %dma_wait3A = arith.constant 0 : i32
      %dma_wait3A_284 = tpu.memref_slice %arg10[%add3A_204, %dma_wait3A] : memref<10240x32xf32, #tpu.memory_space<vmem_shared>> -> memref<16x32xf32, #tpu.memory_space<vmem_shared>>
      %dma_wait3A_285 = arith.constant 0 : i32
      %dma_wait3A_286 = tpu.memref_slice %arg10[%add3A_204, %dma_wait3A_285] : memref<10240x32xf32, #tpu.memory_space<vmem_shared>> -> memref<16x32xf32, #tpu.memory_space<vmem_shared>>
      tpu.wait_dma2 semaphore(%run_scoped3A : memref<!tpu.dma_semaphore, #tpu.memory_space<semaphore_mem>>) src(%arg9 : memref<16x32xf32, #tpu.memory_space<vmem>>) dst(%dma_wait3A_286 : memref<16x32xf32, #tpu.memory_space<vmem_shared>>)
      tpu.yield
    }) : () -> ()
    %add3A_205 = arith.constant 80 : i32
    %add3A_206 = arith.addi %mul3A_194, %add3A_205 : i32
    "tpu.region"() ({
      %run_scoped3A = tpu.sem_alloc : memref<!tpu.dma_semaphore, #tpu.memory_space<semaphore_mem>>
      %dma_start3A = arith.constant 0 : i32
      %dma_start3A_281 = tpu.memref_slice %arg10[%add3A_206, %dma_start3A] : memref<10240x32xf32, #tpu.memory_space<vmem_shared>> -> memref<16x32xf32, #tpu.memory_space<vmem_shared>>
      %dma_start3A_282 = arith.constant 0 : i32
      %dma_start3A_283 = tpu.memref_slice %arg10[%add3A_206, %dma_start3A_282] : memref<10240x32xf32, #tpu.memory_space<vmem_shared>> -> memref<16x32xf32, #tpu.memory_space<vmem_shared>>
      tpu.enqueue_dma source(%arg9 : memref<16x32xf32, #tpu.memory_space<vmem>>) target(%dma_start3A_283 : memref<16x32xf32, #tpu.memory_space<vmem_shared>>) target_semaphore(%run_scoped3A : memref<!tpu.dma_semaphore, #tpu.memory_space<semaphore_mem>>)
      %dma_wait3A = arith.constant 0 : i32
      %dma_wait3A_284 = tpu.memref_slice %arg10[%add3A_206, %dma_wait3A] : memref<10240x32xf32, #tpu.memory_space<vmem_shared>> -> memref<16x32xf32, #tpu.memory_space<vmem_shared>>
      %dma_wait3A_285 = arith.constant 0 : i32
      %dma_wait3A_286 = tpu.memref_slice %arg10[%add3A_206, %dma_wait3A_285] : memref<10240x32xf32, #tpu.memory_space<vmem_shared>> -> memref<16x32xf32, #tpu.memory_space<vmem_shared>>
      tpu.wait_dma2 semaphore(%run_scoped3A : memref<!tpu.dma_semaphore, #tpu.memory_space<semaphore_mem>>) src(%arg9 : memref<16x32xf32, #tpu.memory_space<vmem>>) dst(%dma_wait3A_286 : memref<16x32xf32, #tpu.memory_space<vmem_shared>>)
      tpu.yield
    }) : () -> ()
    %add3A_207 = arith.constant 96 : i32
    %add3A_208 = arith.addi %mul3A_194, %add3A_207 : i32
    "tpu.region"() ({
      %run_scoped3A = tpu.sem_alloc : memref<!tpu.dma_semaphore, #tpu.memory_space<semaphore_mem>>
      %dma_start3A = arith.constant 0 : i32
      %dma_start3A_281 = tpu.memref_slice %arg10[%add3A_208, %dma_start3A] : memref<10240x32xf32, #tpu.memory_space<vmem_shared>> -> memref<16x32xf32, #tpu.memory_space<vmem_shared>>
      %dma_start3A_282 = arith.constant 0 : i32
      %dma_start3A_283 = tpu.memref_slice %arg10[%add3A_208, %dma_start3A_282] : memref<10240x32xf32, #tpu.memory_space<vmem_shared>> -> memref<16x32xf32, #tpu.memory_space<vmem_shared>>
      tpu.enqueue_dma source(%arg9 : memref<16x32xf32, #tpu.memory_space<vmem>>) target(%dma_start3A_283 : memref<16x32xf32, #tpu.memory_space<vmem_shared>>) target_semaphore(%run_scoped3A : memref<!tpu.dma_semaphore, #tpu.memory_space<semaphore_mem>>)
      %dma_wait3A = arith.constant 0 : i32
      %dma_wait3A_284 = tpu.memref_slice %arg10[%add3A_208, %dma_wait3A] : memref<10240x32xf32, #tpu.memory_space<vmem_shared>> -> memref<16x32xf32, #tpu.memory_space<vmem_shared>>
      %dma_wait3A_285 = arith.constant 0 : i32
      %dma_wait3A_286 = tpu.memref_slice %arg10[%add3A_208, %dma_wait3A_285] : memref<10240x32xf32, #tpu.memory_space<vmem_shared>> -> memref<16x32xf32, #tpu.memory_space<vmem_shared>>
      tpu.wait_dma2 semaphore(%run_scoped3A : memref<!tpu.dma_semaphore, #tpu.memory_space<semaphore_mem>>) src(%arg9 : memref<16x32xf32, #tpu.memory_space<vmem>>) dst(%dma_wait3A_286 : memref<16x32xf32, #tpu.memory_space<vmem_shared>>)
      tpu.yield
    }) : () -> ()
    %add3A_209 = arith.constant 112 : i32
    %add3A_210 = arith.addi %mul3A_194, %add3A_209 : i32
    "tpu.region"() ({
      %run_scoped3A = tpu.sem_alloc : memref<!tpu.dma_semaphore, #tpu.memory_space<semaphore_mem>>
      %dma_start3A = arith.constant 0 : i32
      %dma_start3A_281 = tpu.memref_slice %arg10[%add3A_210, %dma_start3A] : memref<10240x32xf32, #tpu.memory_space<vmem_shared>> -> memref<16x32xf32, #tpu.memory_space<vmem_shared>>
      %dma_start3A_282 = arith.constant 0 : i32
      %dma_start3A_283 = tpu.memref_slice %arg10[%add3A_210, %dma_start3A_282] : memref<10240x32xf32, #tpu.memory_space<vmem_shared>> -> memref<16x32xf32, #tpu.memory_space<vmem_shared>>
      tpu.enqueue_dma source(%arg9 : memref<16x32xf32, #tpu.memory_space<vmem>>) target(%dma_start3A_283 : memref<16x32xf32, #tpu.memory_space<vmem_shared>>) target_semaphore(%run_scoped3A : memref<!tpu.dma_semaphore, #tpu.memory_space<semaphore_mem>>)
      %dma_wait3A = arith.constant 0 : i32
      %dma_wait3A_284 = tpu.memref_slice %arg10[%add3A_210, %dma_wait3A] : memref<10240x32xf32, #tpu.memory_space<vmem_shared>> -> memref<16x32xf32, #tpu.memory_space<vmem_shared>>
      %dma_wait3A_285 = arith.constant 0 : i32
      %dma_wait3A_286 = tpu.memref_slice %arg10[%add3A_210, %dma_wait3A_285] : memref<10240x32xf32, #tpu.memory_space<vmem_shared>> -> memref<16x32xf32, #tpu.memory_space<vmem_shared>>
      tpu.wait_dma2 semaphore(%run_scoped3A : memref<!tpu.dma_semaphore, #tpu.memory_space<semaphore_mem>>) src(%arg9 : memref<16x32xf32, #tpu.memory_space<vmem>>) dst(%dma_wait3A_286 : memref<16x32xf32, #tpu.memory_space<vmem_shared>>)
      tpu.yield
    }) : () -> ()
    %add3A_211 = arith.constant 128 : i32
    %add3A_212 = arith.addi %mul3A_194, %add3A_211 : i32
    "tpu.region"() ({
      %run_scoped3A = tpu.sem_alloc : memref<!tpu.dma_semaphore, #tpu.memory_space<semaphore_mem>>
      %dma_start3A = arith.constant 0 : i32
      %dma_start3A_281 = tpu.memref_slice %arg10[%add3A_212, %dma_start3A] : memref<10240x32xf32, #tpu.memory_space<vmem_shared>> -> memref<16x32xf32, #tpu.memory_space<vmem_shared>>
      %dma_start3A_282 = arith.constant 0 : i32
      %dma_start3A_283 = tpu.memref_slice %arg10[%add3A_212, %dma_start3A_282] : memref<10240x32xf32, #tpu.memory_space<vmem_shared>> -> memref<16x32xf32, #tpu.memory_space<vmem_shared>>
      tpu.enqueue_dma source(%arg9 : memref<16x32xf32, #tpu.memory_space<vmem>>) target(%dma_start3A_283 : memref<16x32xf32, #tpu.memory_space<vmem_shared>>) target_semaphore(%run_scoped3A : memref<!tpu.dma_semaphore, #tpu.memory_space<semaphore_mem>>)
      %dma_wait3A = arith.constant 0 : i32
      %dma_wait3A_284 = tpu.memref_slice %arg10[%add3A_212, %dma_wait3A] : memref<10240x32xf32, #tpu.memory_space<vmem_shared>> -> memref<16x32xf32, #tpu.memory_space<vmem_shared>>
      %dma_wait3A_285 = arith.constant 0 : i32
      %dma_wait3A_286 = tpu.memref_slice %arg10[%add3A_212, %dma_wait3A_285] : memref<10240x32xf32, #tpu.memory_space<vmem_shared>> -> memref<16x32xf32, #tpu.memory_space<vmem_shared>>
      tpu.wait_dma2 semaphore(%run_scoped3A : memref<!tpu.dma_semaphore, #tpu.memory_space<semaphore_mem>>) src(%arg9 : memref<16x32xf32, #tpu.memory_space<vmem>>) dst(%dma_wait3A_286 : memref<16x32xf32, #tpu.memory_space<vmem_shared>>)
      tpu.yield
    }) : () -> ()
    %add3A_213 = arith.constant 144 : i32
    %add3A_214 = arith.addi %mul3A_194, %add3A_213 : i32
    "tpu.region"() ({
      %run_scoped3A = tpu.sem_alloc : memref<!tpu.dma_semaphore, #tpu.memory_space<semaphore_mem>>
      %dma_start3A = arith.constant 0 : i32
      %dma_start3A_281 = tpu.memref_slice %arg10[%add3A_214, %dma_start3A] : memref<10240x32xf32, #tpu.memory_space<vmem_shared>> -> memref<16x32xf32, #tpu.memory_space<vmem_shared>>
      %dma_start3A_282 = arith.constant 0 : i32
      %dma_start3A_283 = tpu.memref_slice %arg10[%add3A_214, %dma_start3A_282] : memref<10240x32xf32, #tpu.memory_space<vmem_shared>> -> memref<16x32xf32, #tpu.memory_space<vmem_shared>>
      tpu.enqueue_dma source(%arg9 : memref<16x32xf32, #tpu.memory_space<vmem>>) target(%dma_start3A_283 : memref<16x32xf32, #tpu.memory_space<vmem_shared>>) target_semaphore(%run_scoped3A : memref<!tpu.dma_semaphore, #tpu.memory_space<semaphore_mem>>)
      %dma_wait3A = arith.constant 0 : i32
      %dma_wait3A_284 = tpu.memref_slice %arg10[%add3A_214, %dma_wait3A] : memref<10240x32xf32, #tpu.memory_space<vmem_shared>> -> memref<16x32xf32, #tpu.memory_space<vmem_shared>>
      %dma_wait3A_285 = arith.constant 0 : i32
      %dma_wait3A_286 = tpu.memref_slice %arg10[%add3A_214, %dma_wait3A_285] : memref<10240x32xf32, #tpu.memory_space<vmem_shared>> -> memref<16x32xf32, #tpu.memory_space<vmem_shared>>
      tpu.wait_dma2 semaphore(%run_scoped3A : memref<!tpu.dma_semaphore, #tpu.memory_space<semaphore_mem>>) src(%arg9 : memref<16x32xf32, #tpu.memory_space<vmem>>) dst(%dma_wait3A_286 : memref<16x32xf32, #tpu.memory_space<vmem_shared>>)
      tpu.yield
    }) : () -> ()
    %add3A_215 = arith.constant 160 : i32
    %add3A_216 = arith.addi %mul3A_194, %add3A_215 : i32
    "tpu.region"() ({
      %run_scoped3A = tpu.sem_alloc : memref<!tpu.dma_semaphore, #tpu.memory_space<semaphore_mem>>
      %dma_start3A = arith.constant 0 : i32
      %dma_start3A_281 = tpu.memref_slice %arg10[%add3A_216, %dma_start3A] : memref<10240x32xf32, #tpu.memory_space<vmem_shared>> -> memref<16x32xf32, #tpu.memory_space<vmem_shared>>
      %dma_start3A_282 = arith.constant 0 : i32
      %dma_start3A_283 = tpu.memref_slice %arg10[%add3A_216, %dma_start3A_282] : memref<10240x32xf32, #tpu.memory_space<vmem_shared>> -> memref<16x32xf32, #tpu.memory_space<vmem_shared>>
      tpu.enqueue_dma source(%arg9 : memref<16x32xf32, #tpu.memory_space<vmem>>) target(%dma_start3A_283 : memref<16x32xf32, #tpu.memory_space<vmem_shared>>) target_semaphore(%run_scoped3A : memref<!tpu.dma_semaphore, #tpu.memory_space<semaphore_mem>>)
      %dma_wait3A = arith.constant 0 : i32
      %dma_wait3A_284 = tpu.memref_slice %arg10[%add3A_216, %dma_wait3A] : memref<10240x32xf32, #tpu.memory_space<vmem_shared>> -> memref<16x32xf32, #tpu.memory_space<vmem_shared>>
      %dma_wait3A_285 = arith.constant 0 : i32
      %dma_wait3A_286 = tpu.memref_slice %arg10[%add3A_216, %dma_wait3A_285] : memref<10240x32xf32, #tpu.memory_space<vmem_shared>> -> memref<16x32xf32, #tpu.memory_space<vmem_shared>>
      tpu.wait_dma2 semaphore(%run_scoped3A : memref<!tpu.dma_semaphore, #tpu.memory_space<semaphore_mem>>) src(%arg9 : memref<16x32xf32, #tpu.memory_space<vmem>>) dst(%dma_wait3A_286 : memref<16x32xf32, #tpu.memory_space<vmem_shared>>)
      tpu.yield
    }) : () -> ()
    %add3A_217 = arith.constant 176 : i32
    %add3A_218 = arith.addi %mul3A_194, %add3A_217 : i32
    "tpu.region"() ({
      %run_scoped3A = tpu.sem_alloc : memref<!tpu.dma_semaphore, #tpu.memory_space<semaphore_mem>>
      %dma_start3A = arith.constant 0 : i32
      %dma_start3A_281 = tpu.memref_slice %arg10[%add3A_218, %dma_start3A] : memref<10240x32xf32, #tpu.memory_space<vmem_shared>> -> memref<16x32xf32, #tpu.memory_space<vmem_shared>>
      %dma_start3A_282 = arith.constant 0 : i32
      %dma_start3A_283 = tpu.memref_slice %arg10[%add3A_218, %dma_start3A_282] : memref<10240x32xf32, #tpu.memory_space<vmem_shared>> -> memref<16x32xf32, #tpu.memory_space<vmem_shared>>
      tpu.enqueue_dma source(%arg9 : memref<16x32xf32, #tpu.memory_space<vmem>>) target(%dma_start3A_283 : memref<16x32xf32, #tpu.memory_space<vmem_shared>>) target_semaphore(%run_scoped3A : memref<!tpu.dma_semaphore, #tpu.memory_space<semaphore_mem>>)
      %dma_wait3A = arith.constant 0 : i32
      %dma_wait3A_284 = tpu.memref_slice %arg10[%add3A_218, %dma_wait3A] : memref<10240x32xf32, #tpu.memory_space<vmem_shared>> -> memref<16x32xf32, #tpu.memory_space<vmem_shared>>
      %dma_wait3A_285 = arith.constant 0 : i32
      %dma_wait3A_286 = tpu.memref_slice %arg10[%add3A_218, %dma_wait3A_285] : memref<10240x32xf32, #tpu.memory_space<vmem_shared>> -> memref<16x32xf32, #tpu.memory_space<vmem_shared>>
      tpu.wait_dma2 semaphore(%run_scoped3A : memref<!tpu.dma_semaphore, #tpu.memory_space<semaphore_mem>>) src(%arg9 : memref<16x32xf32, #tpu.memory_space<vmem>>) dst(%dma_wait3A_286 : memref<16x32xf32, #tpu.memory_space<vmem_shared>>)
      tpu.yield
    }) : () -> ()
    %add3A_219 = arith.constant 192 : i32
    %add3A_220 = arith.addi %mul3A_194, %add3A_219 : i32
    "tpu.region"() ({
      %run_scoped3A = tpu.sem_alloc : memref<!tpu.dma_semaphore, #tpu.memory_space<semaphore_mem>>
      %dma_start3A = arith.constant 0 : i32
      %dma_start3A_281 = tpu.memref_slice %arg10[%add3A_220, %dma_start3A] : memref<10240x32xf32, #tpu.memory_space<vmem_shared>> -> memref<16x32xf32, #tpu.memory_space<vmem_shared>>
      %dma_start3A_282 = arith.constant 0 : i32
      %dma_start3A_283 = tpu.memref_slice %arg10[%add3A_220, %dma_start3A_282] : memref<10240x32xf32, #tpu.memory_space<vmem_shared>> -> memref<16x32xf32, #tpu.memory_space<vmem_shared>>
      tpu.enqueue_dma source(%arg9 : memref<16x32xf32, #tpu.memory_space<vmem>>) target(%dma_start3A_283 : memref<16x32xf32, #tpu.memory_space<vmem_shared>>) target_semaphore(%run_scoped3A : memref<!tpu.dma_semaphore, #tpu.memory_space<semaphore_mem>>)
      %dma_wait3A = arith.constant 0 : i32
      %dma_wait3A_284 = tpu.memref_slice %arg10[%add3A_220, %dma_wait3A] : memref<10240x32xf32, #tpu.memory_space<vmem_shared>> -> memref<16x32xf32, #tpu.memory_space<vmem_shared>>
      %dma_wait3A_285 = arith.constant 0 : i32
      %dma_wait3A_286 = tpu.memref_slice %arg10[%add3A_220, %dma_wait3A_285] : memref<10240x32xf32, #tpu.memory_space<vmem_shared>> -> memref<16x32xf32, #tpu.memory_space<vmem_shared>>
      tpu.wait_dma2 semaphore(%run_scoped3A : memref<!tpu.dma_semaphore, #tpu.memory_space<semaphore_mem>>) src(%arg9 : memref<16x32xf32, #tpu.memory_space<vmem>>) dst(%dma_wait3A_286 : memref<16x32xf32, #tpu.memory_space<vmem_shared>>)
      tpu.yield
    }) : () -> ()
    %add3A_221 = arith.constant 208 : i32
    %add3A_222 = arith.addi %mul3A_194, %add3A_221 : i32
    "tpu.region"() ({
      %run_scoped3A = tpu.sem_alloc : memref<!tpu.dma_semaphore, #tpu.memory_space<semaphore_mem>>
      %dma_start3A = arith.constant 0 : i32
      %dma_start3A_281 = tpu.memref_slice %arg10[%add3A_222, %dma_start3A] : memref<10240x32xf32, #tpu.memory_space<vmem_shared>> -> memref<16x32xf32, #tpu.memory_space<vmem_shared>>
      %dma_start3A_282 = arith.constant 0 : i32
      %dma_start3A_283 = tpu.memref_slice %arg10[%add3A_222, %dma_start3A_282] : memref<10240x32xf32, #tpu.memory_space<vmem_shared>> -> memref<16x32xf32, #tpu.memory_space<vmem_shared>>
      tpu.enqueue_dma source(%arg9 : memref<16x32xf32, #tpu.memory_space<vmem>>) target(%dma_start3A_283 : memref<16x32xf32, #tpu.memory_space<vmem_shared>>) target_semaphore(%run_scoped3A : memref<!tpu.dma_semaphore, #tpu.memory_space<semaphore_mem>>)
      %dma_wait3A = arith.constant 0 : i32
      %dma_wait3A_284 = tpu.memref_slice %arg10[%add3A_222, %dma_wait3A] : memref<10240x32xf32, #tpu.memory_space<vmem_shared>> -> memref<16x32xf32, #tpu.memory_space<vmem_shared>>
      %dma_wait3A_285 = arith.constant 0 : i32
      %dma_wait3A_286 = tpu.memref_slice %arg10[%add3A_222, %dma_wait3A_285] : memref<10240x32xf32, #tpu.memory_space<vmem_shared>> -> memref<16x32xf32, #tpu.memory_space<vmem_shared>>
      tpu.wait_dma2 semaphore(%run_scoped3A : memref<!tpu.dma_semaphore, #tpu.memory_space<semaphore_mem>>) src(%arg9 : memref<16x32xf32, #tpu.memory_space<vmem>>) dst(%dma_wait3A_286 : memref<16x32xf32, #tpu.memory_space<vmem_shared>>)
      tpu.yield
    }) : () -> ()
    %add3A_223 = arith.constant 224 : i32
    %add3A_224 = arith.addi %mul3A_194, %add3A_223 : i32
    "tpu.region"() ({
      %run_scoped3A = tpu.sem_alloc : memref<!tpu.dma_semaphore, #tpu.memory_space<semaphore_mem>>
      %dma_start3A = arith.constant 0 : i32
      %dma_start3A_281 = tpu.memref_slice %arg10[%add3A_224, %dma_start3A] : memref<10240x32xf32, #tpu.memory_space<vmem_shared>> -> memref<16x32xf32, #tpu.memory_space<vmem_shared>>
      %dma_start3A_282 = arith.constant 0 : i32
      %dma_start3A_283 = tpu.memref_slice %arg10[%add3A_224, %dma_start3A_282] : memref<10240x32xf32, #tpu.memory_space<vmem_shared>> -> memref<16x32xf32, #tpu.memory_space<vmem_shared>>
      tpu.enqueue_dma source(%arg9 : memref<16x32xf32, #tpu.memory_space<vmem>>) target(%dma_start3A_283 : memref<16x32xf32, #tpu.memory_space<vmem_shared>>) target_semaphore(%run_scoped3A : memref<!tpu.dma_semaphore, #tpu.memory_space<semaphore_mem>>)
      %dma_wait3A = arith.constant 0 : i32
      %dma_wait3A_284 = tpu.memref_slice %arg10[%add3A_224, %dma_wait3A] : memref<10240x32xf32, #tpu.memory_space<vmem_shared>> -> memref<16x32xf32, #tpu.memory_space<vmem_shared>>
      %dma_wait3A_285 = arith.constant 0 : i32
      %dma_wait3A_286 = tpu.memref_slice %arg10[%add3A_224, %dma_wait3A_285] : memref<10240x32xf32, #tpu.memory_space<vmem_shared>> -> memref<16x32xf32, #tpu.memory_space<vmem_shared>>
      tpu.wait_dma2 semaphore(%run_scoped3A : memref<!tpu.dma_semaphore, #tpu.memory_space<semaphore_mem>>) src(%arg9 : memref<16x32xf32, #tpu.memory_space<vmem>>) dst(%dma_wait3A_286 : memref<16x32xf32, #tpu.memory_space<vmem_shared>>)
      tpu.yield
    }) : () -> ()
    %add3A_225 = arith.constant 240 : i32
    %add3A_226 = arith.addi %mul3A_194, %add3A_225 : i32
    "tpu.region"() ({
      %run_scoped3A = tpu.sem_alloc : memref<!tpu.dma_semaphore, #tpu.memory_space<semaphore_mem>>
      %dma_start3A = arith.constant 0 : i32
      %dma_start3A_281 = tpu.memref_slice %arg10[%add3A_226, %dma_start3A] : memref<10240x32xf32, #tpu.memory_space<vmem_shared>> -> memref<16x32xf32, #tpu.memory_space<vmem_shared>>
      %dma_start3A_282 = arith.constant 0 : i32
      %dma_start3A_283 = tpu.memref_slice %arg10[%add3A_226, %dma_start3A_282] : memref<10240x32xf32, #tpu.memory_space<vmem_shared>> -> memref<16x32xf32, #tpu.memory_space<vmem_shared>>
      tpu.enqueue_dma source(%arg9 : memref<16x32xf32, #tpu.memory_space<vmem>>) target(%dma_start3A_283 : memref<16x32xf32, #tpu.memory_space<vmem_shared>>) target_semaphore(%run_scoped3A : memref<!tpu.dma_semaphore, #tpu.memory_space<semaphore_mem>>)
      %dma_wait3A = arith.constant 0 : i32
      %dma_wait3A_284 = tpu.memref_slice %arg10[%add3A_226, %dma_wait3A] : memref<10240x32xf32, #tpu.memory_space<vmem_shared>> -> memref<16x32xf32, #tpu.memory_space<vmem_shared>>
      %dma_wait3A_285 = arith.constant 0 : i32
      %dma_wait3A_286 = tpu.memref_slice %arg10[%add3A_226, %dma_wait3A_285] : memref<10240x32xf32, #tpu.memory_space<vmem_shared>> -> memref<16x32xf32, #tpu.memory_space<vmem_shared>>
      tpu.wait_dma2 semaphore(%run_scoped3A : memref<!tpu.dma_semaphore, #tpu.memory_space<semaphore_mem>>) src(%arg9 : memref<16x32xf32, #tpu.memory_space<vmem>>) dst(%dma_wait3A_286 : memref<16x32xf32, #tpu.memory_space<vmem_shared>>)
      tpu.yield
    }) : () -> ()
    %add3A_227 = arith.constant 256 : i32
    %add3A_228 = arith.addi %mul3A_194, %add3A_227 : i32
    "tpu.region"() ({
      %run_scoped3A = tpu.sem_alloc : memref<!tpu.dma_semaphore, #tpu.memory_space<semaphore_mem>>
      %dma_start3A = arith.constant 0 : i32
      %dma_start3A_281 = tpu.memref_slice %arg10[%add3A_228, %dma_start3A] : memref<10240x32xf32, #tpu.memory_space<vmem_shared>> -> memref<16x32xf32, #tpu.memory_space<vmem_shared>>
      %dma_start3A_282 = arith.constant 0 : i32
      %dma_start3A_283 = tpu.memref_slice %arg10[%add3A_228, %dma_start3A_282] : memref<10240x32xf32, #tpu.memory_space<vmem_shared>> -> memref<16x32xf32, #tpu.memory_space<vmem_shared>>
      tpu.enqueue_dma source(%arg9 : memref<16x32xf32, #tpu.memory_space<vmem>>) target(%dma_start3A_283 : memref<16x32xf32, #tpu.memory_space<vmem_shared>>) target_semaphore(%run_scoped3A : memref<!tpu.dma_semaphore, #tpu.memory_space<semaphore_mem>>)
      %dma_wait3A = arith.constant 0 : i32
      %dma_wait3A_284 = tpu.memref_slice %arg10[%add3A_228, %dma_wait3A] : memref<10240x32xf32, #tpu.memory_space<vmem_shared>> -> memref<16x32xf32, #tpu.memory_space<vmem_shared>>
      %dma_wait3A_285 = arith.constant 0 : i32
      %dma_wait3A_286 = tpu.memref_slice %arg10[%add3A_228, %dma_wait3A_285] : memref<10240x32xf32, #tpu.memory_space<vmem_shared>> -> memref<16x32xf32, #tpu.memory_space<vmem_shared>>
      tpu.wait_dma2 semaphore(%run_scoped3A : memref<!tpu.dma_semaphore, #tpu.memory_space<semaphore_mem>>) src(%arg9 : memref<16x32xf32, #tpu.memory_space<vmem>>) dst(%dma_wait3A_286 : memref<16x32xf32, #tpu.memory_space<vmem_shared>>)
      tpu.yield
    }) : () -> ()
    %add3A_229 = arith.constant 272 : i32
    %add3A_230 = arith.addi %mul3A_194, %add3A_229 : i32
    "tpu.region"() ({
      %run_scoped3A = tpu.sem_alloc : memref<!tpu.dma_semaphore, #tpu.memory_space<semaphore_mem>>
      %dma_start3A = arith.constant 0 : i32
      %dma_start3A_281 = tpu.memref_slice %arg10[%add3A_230, %dma_start3A] : memref<10240x32xf32, #tpu.memory_space<vmem_shared>> -> memref<16x32xf32, #tpu.memory_space<vmem_shared>>
      %dma_start3A_282 = arith.constant 0 : i32
      %dma_start3A_283 = tpu.memref_slice %arg10[%add3A_230, %dma_start3A_282] : memref<10240x32xf32, #tpu.memory_space<vmem_shared>> -> memref<16x32xf32, #tpu.memory_space<vmem_shared>>
      tpu.enqueue_dma source(%arg9 : memref<16x32xf32, #tpu.memory_space<vmem>>) target(%dma_start3A_283 : memref<16x32xf32, #tpu.memory_space<vmem_shared>>) target_semaphore(%run_scoped3A : memref<!tpu.dma_semaphore, #tpu.memory_space<semaphore_mem>>)
      %dma_wait3A = arith.constant 0 : i32
      %dma_wait3A_284 = tpu.memref_slice %arg10[%add3A_230, %dma_wait3A] : memref<10240x32xf32, #tpu.memory_space<vmem_shared>> -> memref<16x32xf32, #tpu.memory_space<vmem_shared>>
      %dma_wait3A_285 = arith.constant 0 : i32
      %dma_wait3A_286 = tpu.memref_slice %arg10[%add3A_230, %dma_wait3A_285] : memref<10240x32xf32, #tpu.memory_space<vmem_shared>> -> memref<16x32xf32, #tpu.memory_space<vmem_shared>>
      tpu.wait_dma2 semaphore(%run_scoped3A : memref<!tpu.dma_semaphore, #tpu.memory_space<semaphore_mem>>) src(%arg9 : memref<16x32xf32, #tpu.memory_space<vmem>>) dst(%dma_wait3A_286 : memref<16x32xf32, #tpu.memory_space<vmem_shared>>)
      tpu.yield
    }) : () -> ()
    %add3A_231 = arith.constant 288 : i32
    %add3A_232 = arith.addi %mul3A_194, %add3A_231 : i32
    "tpu.region"() ({
      %run_scoped3A = tpu.sem_alloc : memref<!tpu.dma_semaphore, #tpu.memory_space<semaphore_mem>>
      %dma_start3A = arith.constant 0 : i32
      %dma_start3A_281 = tpu.memref_slice %arg10[%add3A_232, %dma_start3A] : memref<10240x32xf32, #tpu.memory_space<vmem_shared>> -> memref<16x32xf32, #tpu.memory_space<vmem_shared>>
      %dma_start3A_282 = arith.constant 0 : i32
      %dma_start3A_283 = tpu.memref_slice %arg10[%add3A_232, %dma_start3A_282] : memref<10240x32xf32, #tpu.memory_space<vmem_shared>> -> memref<16x32xf32, #tpu.memory_space<vmem_shared>>
      tpu.enqueue_dma source(%arg9 : memref<16x32xf32, #tpu.memory_space<vmem>>) target(%dma_start3A_283 : memref<16x32xf32, #tpu.memory_space<vmem_shared>>) target_semaphore(%run_scoped3A : memref<!tpu.dma_semaphore, #tpu.memory_space<semaphore_mem>>)
      %dma_wait3A = arith.constant 0 : i32
      %dma_wait3A_284 = tpu.memref_slice %arg10[%add3A_232, %dma_wait3A] : memref<10240x32xf32, #tpu.memory_space<vmem_shared>> -> memref<16x32xf32, #tpu.memory_space<vmem_shared>>
      %dma_wait3A_285 = arith.constant 0 : i32
      %dma_wait3A_286 = tpu.memref_slice %arg10[%add3A_232, %dma_wait3A_285] : memref<10240x32xf32, #tpu.memory_space<vmem_shared>> -> memref<16x32xf32, #tpu.memory_space<vmem_shared>>
      tpu.wait_dma2 semaphore(%run_scoped3A : memref<!tpu.dma_semaphore, #tpu.memory_space<semaphore_mem>>) src(%arg9 : memref<16x32xf32, #tpu.memory_space<vmem>>) dst(%dma_wait3A_286 : memref<16x32xf32, #tpu.memory_space<vmem_shared>>)
      tpu.yield
    }) : () -> ()
    %add3A_233 = arith.constant 304 : i32
    %add3A_234 = arith.addi %mul3A_194, %add3A_233 : i32
    "tpu.region"() ({
      %run_scoped3A = tpu.sem_alloc : memref<!tpu.dma_semaphore, #tpu.memory_space<semaphore_mem>>
      %dma_start3A = arith.constant 0 : i32
      %dma_start3A_281 = tpu.memref_slice %arg10[%add3A_234, %dma_start3A] : memref<10240x32xf32, #tpu.memory_space<vmem_shared>> -> memref<16x32xf32, #tpu.memory_space<vmem_shared>>
      %dma_start3A_282 = arith.constant 0 : i32
      %dma_start3A_283 = tpu.memref_slice %arg10[%add3A_234, %dma_start3A_282] : memref<10240x32xf32, #tpu.memory_space<vmem_shared>> -> memref<16x32xf32, #tpu.memory_space<vmem_shared>>
      tpu.enqueue_dma source(%arg9 : memref<16x32xf32, #tpu.memory_space<vmem>>) target(%dma_start3A_283 : memref<16x32xf32, #tpu.memory_space<vmem_shared>>) target_semaphore(%run_scoped3A : memref<!tpu.dma_semaphore, #tpu.memory_space<semaphore_mem>>)
      %dma_wait3A = arith.constant 0 : i32
      %dma_wait3A_284 = tpu.memref_slice %arg10[%add3A_234, %dma_wait3A] : memref<10240x32xf32, #tpu.memory_space<vmem_shared>> -> memref<16x32xf32, #tpu.memory_space<vmem_shared>>
      %dma_wait3A_285 = arith.constant 0 : i32
      %dma_wait3A_286 = tpu.memref_slice %arg10[%add3A_234, %dma_wait3A_285] : memref<10240x32xf32, #tpu.memory_space<vmem_shared>> -> memref<16x32xf32, #tpu.memory_space<vmem_shared>>
      tpu.wait_dma2 semaphore(%run_scoped3A : memref<!tpu.dma_semaphore, #tpu.memory_space<semaphore_mem>>) src(%arg9 : memref<16x32xf32, #tpu.memory_space<vmem>>) dst(%dma_wait3A_286 : memref<16x32xf32, #tpu.memory_space<vmem_shared>>)
      tpu.yield
    }) : () -> ()
    %add3A_235 = arith.constant 320 : i32
    %add3A_236 = arith.addi %mul3A_194, %add3A_235 : i32
    "tpu.region"() ({
      %run_scoped3A = tpu.sem_alloc : memref<!tpu.dma_semaphore, #tpu.memory_space<semaphore_mem>>
      %dma_start3A = arith.constant 0 : i32
      %dma_start3A_281 = tpu.memref_slice %arg10[%add3A_236, %dma_start3A] : memref<10240x32xf32, #tpu.memory_space<vmem_shared>> -> memref<16x32xf32, #tpu.memory_space<vmem_shared>>
      %dma_start3A_282 = arith.constant 0 : i32
      %dma_start3A_283 = tpu.memref_slice %arg10[%add3A_236, %dma_start3A_282] : memref<10240x32xf32, #tpu.memory_space<vmem_shared>> -> memref<16x32xf32, #tpu.memory_space<vmem_shared>>
      tpu.enqueue_dma source(%arg9 : memref<16x32xf32, #tpu.memory_space<vmem>>) target(%dma_start3A_283 : memref<16x32xf32, #tpu.memory_space<vmem_shared>>) target_semaphore(%run_scoped3A : memref<!tpu.dma_semaphore, #tpu.memory_space<semaphore_mem>>)
      %dma_wait3A = arith.constant 0 : i32
      %dma_wait3A_284 = tpu.memref_slice %arg10[%add3A_236, %dma_wait3A] : memref<10240x32xf32, #tpu.memory_space<vmem_shared>> -> memref<16x32xf32, #tpu.memory_space<vmem_shared>>
      %dma_wait3A_285 = arith.constant 0 : i32
      %dma_wait3A_286 = tpu.memref_slice %arg10[%add3A_236, %dma_wait3A_285] : memref<10240x32xf32, #tpu.memory_space<vmem_shared>> -> memref<16x32xf32, #tpu.memory_space<vmem_shared>>
      tpu.wait_dma2 semaphore(%run_scoped3A : memref<!tpu.dma_semaphore, #tpu.memory_space<semaphore_mem>>) src(%arg9 : memref<16x32xf32, #tpu.memory_space<vmem>>) dst(%dma_wait3A_286 : memref<16x32xf32, #tpu.memory_space<vmem_shared>>)
      tpu.yield
    }) : () -> ()
    %add3A_237 = arith.constant 336 : i32
    %add3A_238 = arith.addi %mul3A_194, %add3A_237 : i32
    "tpu.region"() ({
      %run_scoped3A = tpu.sem_alloc : memref<!tpu.dma_semaphore, #tpu.memory_space<semaphore_mem>>
      %dma_start3A = arith.constant 0 : i32
      %dma_start3A_281 = tpu.memref_slice %arg10[%add3A_238, %dma_start3A] : memref<10240x32xf32, #tpu.memory_space<vmem_shared>> -> memref<16x32xf32, #tpu.memory_space<vmem_shared>>
      %dma_start3A_282 = arith.constant 0 : i32
      %dma_start3A_283 = tpu.memref_slice %arg10[%add3A_238, %dma_start3A_282] : memref<10240x32xf32, #tpu.memory_space<vmem_shared>> -> memref<16x32xf32, #tpu.memory_space<vmem_shared>>
      tpu.enqueue_dma source(%arg9 : memref<16x32xf32, #tpu.memory_space<vmem>>) target(%dma_start3A_283 : memref<16x32xf32, #tpu.memory_space<vmem_shared>>) target_semaphore(%run_scoped3A : memref<!tpu.dma_semaphore, #tpu.memory_space<semaphore_mem>>)
      %dma_wait3A = arith.constant 0 : i32
      %dma_wait3A_284 = tpu.memref_slice %arg10[%add3A_238, %dma_wait3A] : memref<10240x32xf32, #tpu.memory_space<vmem_shared>> -> memref<16x32xf32, #tpu.memory_space<vmem_shared>>
      %dma_wait3A_285 = arith.constant 0 : i32
      %dma_wait3A_286 = tpu.memref_slice %arg10[%add3A_238, %dma_wait3A_285] : memref<10240x32xf32, #tpu.memory_space<vmem_shared>> -> memref<16x32xf32, #tpu.memory_space<vmem_shared>>
      tpu.wait_dma2 semaphore(%run_scoped3A : memref<!tpu.dma_semaphore, #tpu.memory_space<semaphore_mem>>) src(%arg9 : memref<16x32xf32, #tpu.memory_space<vmem>>) dst(%dma_wait3A_286 : memref<16x32xf32, #tpu.memory_space<vmem_shared>>)
      tpu.yield
    }) : () -> ()
    %add3A_239 = arith.constant 352 : i32
    %add3A_240 = arith.addi %mul3A_194, %add3A_239 : i32
    "tpu.region"() ({
      %run_scoped3A = tpu.sem_alloc : memref<!tpu.dma_semaphore, #tpu.memory_space<semaphore_mem>>
      %dma_start3A = arith.constant 0 : i32
      %dma_start3A_281 = tpu.memref_slice %arg10[%add3A_240, %dma_start3A] : memref<10240x32xf32, #tpu.memory_space<vmem_shared>> -> memref<16x32xf32, #tpu.memory_space<vmem_shared>>
      %dma_start3A_282 = arith.constant 0 : i32
      %dma_start3A_283 = tpu.memref_slice %arg10[%add3A_240, %dma_start3A_282] : memref<10240x32xf32, #tpu.memory_space<vmem_shared>> -> memref<16x32xf32, #tpu.memory_space<vmem_shared>>
      tpu.enqueue_dma source(%arg9 : memref<16x32xf32, #tpu.memory_space<vmem>>) target(%dma_start3A_283 : memref<16x32xf32, #tpu.memory_space<vmem_shared>>) target_semaphore(%run_scoped3A : memref<!tpu.dma_semaphore, #tpu.memory_space<semaphore_mem>>)
      %dma_wait3A = arith.constant 0 : i32
      %dma_wait3A_284 = tpu.memref_slice %arg10[%add3A_240, %dma_wait3A] : memref<10240x32xf32, #tpu.memory_space<vmem_shared>> -> memref<16x32xf32, #tpu.memory_space<vmem_shared>>
      %dma_wait3A_285 = arith.constant 0 : i32
      %dma_wait3A_286 = tpu.memref_slice %arg10[%add3A_240, %dma_wait3A_285] : memref<10240x32xf32, #tpu.memory_space<vmem_shared>> -> memref<16x32xf32, #tpu.memory_space<vmem_shared>>
      tpu.wait_dma2 semaphore(%run_scoped3A : memref<!tpu.dma_semaphore, #tpu.memory_space<semaphore_mem>>) src(%arg9 : memref<16x32xf32, #tpu.memory_space<vmem>>) dst(%dma_wait3A_286 : memref<16x32xf32, #tpu.memory_space<vmem_shared>>)
      tpu.yield
    }) : () -> ()
    %add3A_241 = arith.constant 368 : i32
    %add3A_242 = arith.addi %mul3A_194, %add3A_241 : i32
    "tpu.region"() ({
      %run_scoped3A = tpu.sem_alloc : memref<!tpu.dma_semaphore, #tpu.memory_space<semaphore_mem>>
      %dma_start3A = arith.constant 0 : i32
      %dma_start3A_281 = tpu.memref_slice %arg10[%add3A_242, %dma_start3A] : memref<10240x32xf32, #tpu.memory_space<vmem_shared>> -> memref<16x32xf32, #tpu.memory_space<vmem_shared>>
      %dma_start3A_282 = arith.constant 0 : i32
      %dma_start3A_283 = tpu.memref_slice %arg10[%add3A_242, %dma_start3A_282] : memref<10240x32xf32, #tpu.memory_space<vmem_shared>> -> memref<16x32xf32, #tpu.memory_space<vmem_shared>>
      tpu.enqueue_dma source(%arg9 : memref<16x32xf32, #tpu.memory_space<vmem>>) target(%dma_start3A_283 : memref<16x32xf32, #tpu.memory_space<vmem_shared>>) target_semaphore(%run_scoped3A : memref<!tpu.dma_semaphore, #tpu.memory_space<semaphore_mem>>)
      %dma_wait3A = arith.constant 0 : i32
      %dma_wait3A_284 = tpu.memref_slice %arg10[%add3A_242, %dma_wait3A] : memref<10240x32xf32, #tpu.memory_space<vmem_shared>> -> memref<16x32xf32, #tpu.memory_space<vmem_shared>>
      %dma_wait3A_285 = arith.constant 0 : i32
      %dma_wait3A_286 = tpu.memref_slice %arg10[%add3A_242, %dma_wait3A_285] : memref<10240x32xf32, #tpu.memory_space<vmem_shared>> -> memref<16x32xf32, #tpu.memory_space<vmem_shared>>
      tpu.wait_dma2 semaphore(%run_scoped3A : memref<!tpu.dma_semaphore, #tpu.memory_space<semaphore_mem>>) src(%arg9 : memref<16x32xf32, #tpu.memory_space<vmem>>) dst(%dma_wait3A_286 : memref<16x32xf32, #tpu.memory_space<vmem_shared>>)
      tpu.yield
    }) : () -> ()
    %add3A_243 = arith.constant 384 : i32
    %add3A_244 = arith.addi %mul3A_194, %add3A_243 : i32
    "tpu.region"() ({
      %run_scoped3A = tpu.sem_alloc : memref<!tpu.dma_semaphore, #tpu.memory_space<semaphore_mem>>
      %dma_start3A = arith.constant 0 : i32
      %dma_start3A_281 = tpu.memref_slice %arg10[%add3A_244, %dma_start3A] : memref<10240x32xf32, #tpu.memory_space<vmem_shared>> -> memref<16x32xf32, #tpu.memory_space<vmem_shared>>
      %dma_start3A_282 = arith.constant 0 : i32
      %dma_start3A_283 = tpu.memref_slice %arg10[%add3A_244, %dma_start3A_282] : memref<10240x32xf32, #tpu.memory_space<vmem_shared>> -> memref<16x32xf32, #tpu.memory_space<vmem_shared>>
      tpu.enqueue_dma source(%arg9 : memref<16x32xf32, #tpu.memory_space<vmem>>) target(%dma_start3A_283 : memref<16x32xf32, #tpu.memory_space<vmem_shared>>) target_semaphore(%run_scoped3A : memref<!tpu.dma_semaphore, #tpu.memory_space<semaphore_mem>>)
      %dma_wait3A = arith.constant 0 : i32
      %dma_wait3A_284 = tpu.memref_slice %arg10[%add3A_244, %dma_wait3A] : memref<10240x32xf32, #tpu.memory_space<vmem_shared>> -> memref<16x32xf32, #tpu.memory_space<vmem_shared>>
      %dma_wait3A_285 = arith.constant 0 : i32
      %dma_wait3A_286 = tpu.memref_slice %arg10[%add3A_244, %dma_wait3A_285] : memref<10240x32xf32, #tpu.memory_space<vmem_shared>> -> memref<16x32xf32, #tpu.memory_space<vmem_shared>>
      tpu.wait_dma2 semaphore(%run_scoped3A : memref<!tpu.dma_semaphore, #tpu.memory_space<semaphore_mem>>) src(%arg9 : memref<16x32xf32, #tpu.memory_space<vmem>>) dst(%dma_wait3A_286 : memref<16x32xf32, #tpu.memory_space<vmem_shared>>)
      tpu.yield
    }) : () -> ()
    %add3A_245 = arith.constant 400 : i32
    %add3A_246 = arith.addi %mul3A_194, %add3A_245 : i32
    "tpu.region"() ({
      %run_scoped3A = tpu.sem_alloc : memref<!tpu.dma_semaphore, #tpu.memory_space<semaphore_mem>>
      %dma_start3A = arith.constant 0 : i32
      %dma_start3A_281 = tpu.memref_slice %arg10[%add3A_246, %dma_start3A] : memref<10240x32xf32, #tpu.memory_space<vmem_shared>> -> memref<16x32xf32, #tpu.memory_space<vmem_shared>>
      %dma_start3A_282 = arith.constant 0 : i32
      %dma_start3A_283 = tpu.memref_slice %arg10[%add3A_246, %dma_start3A_282] : memref<10240x32xf32, #tpu.memory_space<vmem_shared>> -> memref<16x32xf32, #tpu.memory_space<vmem_shared>>
      tpu.enqueue_dma source(%arg9 : memref<16x32xf32, #tpu.memory_space<vmem>>) target(%dma_start3A_283 : memref<16x32xf32, #tpu.memory_space<vmem_shared>>) target_semaphore(%run_scoped3A : memref<!tpu.dma_semaphore, #tpu.memory_space<semaphore_mem>>)
      %dma_wait3A = arith.constant 0 : i32
      %dma_wait3A_284 = tpu.memref_slice %arg10[%add3A_246, %dma_wait3A] : memref<10240x32xf32, #tpu.memory_space<vmem_shared>> -> memref<16x32xf32, #tpu.memory_space<vmem_shared>>
      %dma_wait3A_285 = arith.constant 0 : i32
      %dma_wait3A_286 = tpu.memref_slice %arg10[%add3A_246, %dma_wait3A_285] : memref<10240x32xf32, #tpu.memory_space<vmem_shared>> -> memref<16x32xf32, #tpu.memory_space<vmem_shared>>
      tpu.wait_dma2 semaphore(%run_scoped3A : memref<!tpu.dma_semaphore, #tpu.memory_space<semaphore_mem>>) src(%arg9 : memref<16x32xf32, #tpu.memory_space<vmem>>) dst(%dma_wait3A_286 : memref<16x32xf32, #tpu.memory_space<vmem_shared>>)
      tpu.yield
    }) : () -> ()
    %add3A_247 = arith.constant 416 : i32
    %add3A_248 = arith.addi %mul3A_194, %add3A_247 : i32
    "tpu.region"() ({
      %run_scoped3A = tpu.sem_alloc : memref<!tpu.dma_semaphore, #tpu.memory_space<semaphore_mem>>
      %dma_start3A = arith.constant 0 : i32
      %dma_start3A_281 = tpu.memref_slice %arg10[%add3A_248, %dma_start3A] : memref<10240x32xf32, #tpu.memory_space<vmem_shared>> -> memref<16x32xf32, #tpu.memory_space<vmem_shared>>
      %dma_start3A_282 = arith.constant 0 : i32
      %dma_start3A_283 = tpu.memref_slice %arg10[%add3A_248, %dma_start3A_282] : memref<10240x32xf32, #tpu.memory_space<vmem_shared>> -> memref<16x32xf32, #tpu.memory_space<vmem_shared>>
      tpu.enqueue_dma source(%arg9 : memref<16x32xf32, #tpu.memory_space<vmem>>) target(%dma_start3A_283 : memref<16x32xf32, #tpu.memory_space<vmem_shared>>) target_semaphore(%run_scoped3A : memref<!tpu.dma_semaphore, #tpu.memory_space<semaphore_mem>>)
      %dma_wait3A = arith.constant 0 : i32
      %dma_wait3A_284 = tpu.memref_slice %arg10[%add3A_248, %dma_wait3A] : memref<10240x32xf32, #tpu.memory_space<vmem_shared>> -> memref<16x32xf32, #tpu.memory_space<vmem_shared>>
      %dma_wait3A_285 = arith.constant 0 : i32
      %dma_wait3A_286 = tpu.memref_slice %arg10[%add3A_248, %dma_wait3A_285] : memref<10240x32xf32, #tpu.memory_space<vmem_shared>> -> memref<16x32xf32, #tpu.memory_space<vmem_shared>>
      tpu.wait_dma2 semaphore(%run_scoped3A : memref<!tpu.dma_semaphore, #tpu.memory_space<semaphore_mem>>) src(%arg9 : memref<16x32xf32, #tpu.memory_space<vmem>>) dst(%dma_wait3A_286 : memref<16x32xf32, #tpu.memory_space<vmem_shared>>)
      tpu.yield
    }) : () -> ()
    %add3A_249 = arith.constant 432 : i32
    %add3A_250 = arith.addi %mul3A_194, %add3A_249 : i32
    "tpu.region"() ({
      %run_scoped3A = tpu.sem_alloc : memref<!tpu.dma_semaphore, #tpu.memory_space<semaphore_mem>>
      %dma_start3A = arith.constant 0 : i32
      %dma_start3A_281 = tpu.memref_slice %arg10[%add3A_250, %dma_start3A] : memref<10240x32xf32, #tpu.memory_space<vmem_shared>> -> memref<16x32xf32, #tpu.memory_space<vmem_shared>>
      %dma_start3A_282 = arith.constant 0 : i32
      %dma_start3A_283 = tpu.memref_slice %arg10[%add3A_250, %dma_start3A_282] : memref<10240x32xf32, #tpu.memory_space<vmem_shared>> -> memref<16x32xf32, #tpu.memory_space<vmem_shared>>
      tpu.enqueue_dma source(%arg9 : memref<16x32xf32, #tpu.memory_space<vmem>>) target(%dma_start3A_283 : memref<16x32xf32, #tpu.memory_space<vmem_shared>>) target_semaphore(%run_scoped3A : memref<!tpu.dma_semaphore, #tpu.memory_space<semaphore_mem>>)
      %dma_wait3A = arith.constant 0 : i32
      %dma_wait3A_284 = tpu.memref_slice %arg10[%add3A_250, %dma_wait3A] : memref<10240x32xf32, #tpu.memory_space<vmem_shared>> -> memref<16x32xf32, #tpu.memory_space<vmem_shared>>
      %dma_wait3A_285 = arith.constant 0 : i32
      %dma_wait3A_286 = tpu.memref_slice %arg10[%add3A_250, %dma_wait3A_285] : memref<10240x32xf32, #tpu.memory_space<vmem_shared>> -> memref<16x32xf32, #tpu.memory_space<vmem_shared>>
      tpu.wait_dma2 semaphore(%run_scoped3A : memref<!tpu.dma_semaphore, #tpu.memory_space<semaphore_mem>>) src(%arg9 : memref<16x32xf32, #tpu.memory_space<vmem>>) dst(%dma_wait3A_286 : memref<16x32xf32, #tpu.memory_space<vmem_shared>>)
      tpu.yield
    }) : () -> ()
    %add3A_251 = arith.constant 448 : i32
    %add3A_252 = arith.addi %mul3A_194, %add3A_251 : i32
    "tpu.region"() ({
      %run_scoped3A = tpu.sem_alloc : memref<!tpu.dma_semaphore, #tpu.memory_space<semaphore_mem>>
      %dma_start3A = arith.constant 0 : i32
      %dma_start3A_281 = tpu.memref_slice %arg10[%add3A_252, %dma_start3A] : memref<10240x32xf32, #tpu.memory_space<vmem_shared>> -> memref<16x32xf32, #tpu.memory_space<vmem_shared>>
      %dma_start3A_282 = arith.constant 0 : i32
      %dma_start3A_283 = tpu.memref_slice %arg10[%add3A_252, %dma_start3A_282] : memref<10240x32xf32, #tpu.memory_space<vmem_shared>> -> memref<16x32xf32, #tpu.memory_space<vmem_shared>>
      tpu.enqueue_dma source(%arg9 : memref<16x32xf32, #tpu.memory_space<vmem>>) target(%dma_start3A_283 : memref<16x32xf32, #tpu.memory_space<vmem_shared>>) target_semaphore(%run_scoped3A : memref<!tpu.dma_semaphore, #tpu.memory_space<semaphore_mem>>)
      %dma_wait3A = arith.constant 0 : i32
      %dma_wait3A_284 = tpu.memref_slice %arg10[%add3A_252, %dma_wait3A] : memref<10240x32xf32, #tpu.memory_space<vmem_shared>> -> memref<16x32xf32, #tpu.memory_space<vmem_shared>>
      %dma_wait3A_285 = arith.constant 0 : i32
      %dma_wait3A_286 = tpu.memref_slice %arg10[%add3A_252, %dma_wait3A_285] : memref<10240x32xf32, #tpu.memory_space<vmem_shared>> -> memref<16x32xf32, #tpu.memory_space<vmem_shared>>
      tpu.wait_dma2 semaphore(%run_scoped3A : memref<!tpu.dma_semaphore, #tpu.memory_space<semaphore_mem>>) src(%arg9 : memref<16x32xf32, #tpu.memory_space<vmem>>) dst(%dma_wait3A_286 : memref<16x32xf32, #tpu.memory_space<vmem_shared>>)
      tpu.yield
    }) : () -> ()
    %add3A_253 = arith.constant 464 : i32
    %add3A_254 = arith.addi %mul3A_194, %add3A_253 : i32
    "tpu.region"() ({
      %run_scoped3A = tpu.sem_alloc : memref<!tpu.dma_semaphore, #tpu.memory_space<semaphore_mem>>
      %dma_start3A = arith.constant 0 : i32
      %dma_start3A_281 = tpu.memref_slice %arg10[%add3A_254, %dma_start3A] : memref<10240x32xf32, #tpu.memory_space<vmem_shared>> -> memref<16x32xf32, #tpu.memory_space<vmem_shared>>
      %dma_start3A_282 = arith.constant 0 : i32
      %dma_start3A_283 = tpu.memref_slice %arg10[%add3A_254, %dma_start3A_282] : memref<10240x32xf32, #tpu.memory_space<vmem_shared>> -> memref<16x32xf32, #tpu.memory_space<vmem_shared>>
      tpu.enqueue_dma source(%arg9 : memref<16x32xf32, #tpu.memory_space<vmem>>) target(%dma_start3A_283 : memref<16x32xf32, #tpu.memory_space<vmem_shared>>) target_semaphore(%run_scoped3A : memref<!tpu.dma_semaphore, #tpu.memory_space<semaphore_mem>>)
      %dma_wait3A = arith.constant 0 : i32
      %dma_wait3A_284 = tpu.memref_slice %arg10[%add3A_254, %dma_wait3A] : memref<10240x32xf32, #tpu.memory_space<vmem_shared>> -> memref<16x32xf32, #tpu.memory_space<vmem_shared>>
      %dma_wait3A_285 = arith.constant 0 : i32
      %dma_wait3A_286 = tpu.memref_slice %arg10[%add3A_254, %dma_wait3A_285] : memref<10240x32xf32, #tpu.memory_space<vmem_shared>> -> memref<16x32xf32, #tpu.memory_space<vmem_shared>>
      tpu.wait_dma2 semaphore(%run_scoped3A : memref<!tpu.dma_semaphore, #tpu.memory_space<semaphore_mem>>) src(%arg9 : memref<16x32xf32, #tpu.memory_space<vmem>>) dst(%dma_wait3A_286 : memref<16x32xf32, #tpu.memory_space<vmem_shared>>)
      tpu.yield
    }) : () -> ()
    %add3A_255 = arith.constant 480 : i32
    %add3A_256 = arith.addi %mul3A_194, %add3A_255 : i32
    "tpu.region"() ({
      %run_scoped3A = tpu.sem_alloc : memref<!tpu.dma_semaphore, #tpu.memory_space<semaphore_mem>>
      %dma_start3A = arith.constant 0 : i32
      %dma_start3A_281 = tpu.memref_slice %arg10[%add3A_256, %dma_start3A] : memref<10240x32xf32, #tpu.memory_space<vmem_shared>> -> memref<16x32xf32, #tpu.memory_space<vmem_shared>>
      %dma_start3A_282 = arith.constant 0 : i32
      %dma_start3A_283 = tpu.memref_slice %arg10[%add3A_256, %dma_start3A_282] : memref<10240x32xf32, #tpu.memory_space<vmem_shared>> -> memref<16x32xf32, #tpu.memory_space<vmem_shared>>
      tpu.enqueue_dma source(%arg9 : memref<16x32xf32, #tpu.memory_space<vmem>>) target(%dma_start3A_283 : memref<16x32xf32, #tpu.memory_space<vmem_shared>>) target_semaphore(%run_scoped3A : memref<!tpu.dma_semaphore, #tpu.memory_space<semaphore_mem>>)
      %dma_wait3A = arith.constant 0 : i32
      %dma_wait3A_284 = tpu.memref_slice %arg10[%add3A_256, %dma_wait3A] : memref<10240x32xf32, #tpu.memory_space<vmem_shared>> -> memref<16x32xf32, #tpu.memory_space<vmem_shared>>
      %dma_wait3A_285 = arith.constant 0 : i32
      %dma_wait3A_286 = tpu.memref_slice %arg10[%add3A_256, %dma_wait3A_285] : memref<10240x32xf32, #tpu.memory_space<vmem_shared>> -> memref<16x32xf32, #tpu.memory_space<vmem_shared>>
      tpu.wait_dma2 semaphore(%run_scoped3A : memref<!tpu.dma_semaphore, #tpu.memory_space<semaphore_mem>>) src(%arg9 : memref<16x32xf32, #tpu.memory_space<vmem>>) dst(%dma_wait3A_286 : memref<16x32xf32, #tpu.memory_space<vmem_shared>>)
      tpu.yield
    }) : () -> ()
    %add3A_257 = arith.constant 496 : i32
    %add3A_258 = arith.addi %mul3A_194, %add3A_257 : i32
    "tpu.region"() ({
      %run_scoped3A = tpu.sem_alloc : memref<!tpu.dma_semaphore, #tpu.memory_space<semaphore_mem>>
      %dma_start3A = arith.constant 0 : i32
      %dma_start3A_281 = tpu.memref_slice %arg10[%add3A_258, %dma_start3A] : memref<10240x32xf32, #tpu.memory_space<vmem_shared>> -> memref<16x32xf32, #tpu.memory_space<vmem_shared>>
      %dma_start3A_282 = arith.constant 0 : i32
      %dma_start3A_283 = tpu.memref_slice %arg10[%add3A_258, %dma_start3A_282] : memref<10240x32xf32, #tpu.memory_space<vmem_shared>> -> memref<16x32xf32, #tpu.memory_space<vmem_shared>>
      tpu.enqueue_dma source(%arg9 : memref<16x32xf32, #tpu.memory_space<vmem>>) target(%dma_start3A_283 : memref<16x32xf32, #tpu.memory_space<vmem_shared>>) target_semaphore(%run_scoped3A : memref<!tpu.dma_semaphore, #tpu.memory_space<semaphore_mem>>)
      %dma_wait3A = arith.constant 0 : i32
      %dma_wait3A_284 = tpu.memref_slice %arg10[%add3A_258, %dma_wait3A] : memref<10240x32xf32, #tpu.memory_space<vmem_shared>> -> memref<16x32xf32, #tpu.memory_space<vmem_shared>>
      %dma_wait3A_285 = arith.constant 0 : i32
      %dma_wait3A_286 = tpu.memref_slice %arg10[%add3A_258, %dma_wait3A_285] : memref<10240x32xf32, #tpu.memory_space<vmem_shared>> -> memref<16x32xf32, #tpu.memory_space<vmem_shared>>
      tpu.wait_dma2 semaphore(%run_scoped3A : memref<!tpu.dma_semaphore, #tpu.memory_space<semaphore_mem>>) src(%arg9 : memref<16x32xf32, #tpu.memory_space<vmem>>) dst(%dma_wait3A_286 : memref<16x32xf32, #tpu.memory_space<vmem_shared>>)
      tpu.yield
    }) : () -> ()
    %add3A_259 = arith.constant 512 : i32
    %add3A_260 = arith.addi %mul3A_194, %add3A_259 : i32
    "tpu.region"() ({
      %run_scoped3A = tpu.sem_alloc : memref<!tpu.dma_semaphore, #tpu.memory_space<semaphore_mem>>
      %dma_start3A = arith.constant 0 : i32
      %dma_start3A_281 = tpu.memref_slice %arg10[%add3A_260, %dma_start3A] : memref<10240x32xf32, #tpu.memory_space<vmem_shared>> -> memref<16x32xf32, #tpu.memory_space<vmem_shared>>
      %dma_start3A_282 = arith.constant 0 : i32
      %dma_start3A_283 = tpu.memref_slice %arg10[%add3A_260, %dma_start3A_282] : memref<10240x32xf32, #tpu.memory_space<vmem_shared>> -> memref<16x32xf32, #tpu.memory_space<vmem_shared>>
      tpu.enqueue_dma source(%arg9 : memref<16x32xf32, #tpu.memory_space<vmem>>) target(%dma_start3A_283 : memref<16x32xf32, #tpu.memory_space<vmem_shared>>) target_semaphore(%run_scoped3A : memref<!tpu.dma_semaphore, #tpu.memory_space<semaphore_mem>>)
      %dma_wait3A = arith.constant 0 : i32
      %dma_wait3A_284 = tpu.memref_slice %arg10[%add3A_260, %dma_wait3A] : memref<10240x32xf32, #tpu.memory_space<vmem_shared>> -> memref<16x32xf32, #tpu.memory_space<vmem_shared>>
      %dma_wait3A_285 = arith.constant 0 : i32
      %dma_wait3A_286 = tpu.memref_slice %arg10[%add3A_260, %dma_wait3A_285] : memref<10240x32xf32, #tpu.memory_space<vmem_shared>> -> memref<16x32xf32, #tpu.memory_space<vmem_shared>>
      tpu.wait_dma2 semaphore(%run_scoped3A : memref<!tpu.dma_semaphore, #tpu.memory_space<semaphore_mem>>) src(%arg9 : memref<16x32xf32, #tpu.memory_space<vmem>>) dst(%dma_wait3A_286 : memref<16x32xf32, #tpu.memory_space<vmem_shared>>)
      tpu.yield
    }) : () -> ()
    %add3A_261 = arith.constant 528 : i32
    %add3A_262 = arith.addi %mul3A_194, %add3A_261 : i32
    "tpu.region"() ({
      %run_scoped3A = tpu.sem_alloc : memref<!tpu.dma_semaphore, #tpu.memory_space<semaphore_mem>>
      %dma_start3A = arith.constant 0 : i32
      %dma_start3A_281 = tpu.memref_slice %arg10[%add3A_262, %dma_start3A] : memref<10240x32xf32, #tpu.memory_space<vmem_shared>> -> memref<16x32xf32, #tpu.memory_space<vmem_shared>>
      %dma_start3A_282 = arith.constant 0 : i32
      %dma_start3A_283 = tpu.memref_slice %arg10[%add3A_262, %dma_start3A_282] : memref<10240x32xf32, #tpu.memory_space<vmem_shared>> -> memref<16x32xf32, #tpu.memory_space<vmem_shared>>
      tpu.enqueue_dma source(%arg9 : memref<16x32xf32, #tpu.memory_space<vmem>>) target(%dma_start3A_283 : memref<16x32xf32, #tpu.memory_space<vmem_shared>>) target_semaphore(%run_scoped3A : memref<!tpu.dma_semaphore, #tpu.memory_space<semaphore_mem>>)
      %dma_wait3A = arith.constant 0 : i32
      %dma_wait3A_284 = tpu.memref_slice %arg10[%add3A_262, %dma_wait3A] : memref<10240x32xf32, #tpu.memory_space<vmem_shared>> -> memref<16x32xf32, #tpu.memory_space<vmem_shared>>
      %dma_wait3A_285 = arith.constant 0 : i32
      %dma_wait3A_286 = tpu.memref_slice %arg10[%add3A_262, %dma_wait3A_285] : memref<10240x32xf32, #tpu.memory_space<vmem_shared>> -> memref<16x32xf32, #tpu.memory_space<vmem_shared>>
      tpu.wait_dma2 semaphore(%run_scoped3A : memref<!tpu.dma_semaphore, #tpu.memory_space<semaphore_mem>>) src(%arg9 : memref<16x32xf32, #tpu.memory_space<vmem>>) dst(%dma_wait3A_286 : memref<16x32xf32, #tpu.memory_space<vmem_shared>>)
      tpu.yield
    }) : () -> ()
    %add3A_263 = arith.constant 544 : i32
    %add3A_264 = arith.addi %mul3A_194, %add3A_263 : i32
    "tpu.region"() ({
      %run_scoped3A = tpu.sem_alloc : memref<!tpu.dma_semaphore, #tpu.memory_space<semaphore_mem>>
      %dma_start3A = arith.constant 0 : i32
      %dma_start3A_281 = tpu.memref_slice %arg10[%add3A_264, %dma_start3A] : memref<10240x32xf32, #tpu.memory_space<vmem_shared>> -> memref<16x32xf32, #tpu.memory_space<vmem_shared>>
      %dma_start3A_282 = arith.constant 0 : i32
      %dma_start3A_283 = tpu.memref_slice %arg10[%add3A_264, %dma_start3A_282] : memref<10240x32xf32, #tpu.memory_space<vmem_shared>> -> memref<16x32xf32, #tpu.memory_space<vmem_shared>>
      tpu.enqueue_dma source(%arg9 : memref<16x32xf32, #tpu.memory_space<vmem>>) target(%dma_start3A_283 : memref<16x32xf32, #tpu.memory_space<vmem_shared>>) target_semaphore(%run_scoped3A : memref<!tpu.dma_semaphore, #tpu.memory_space<semaphore_mem>>)
      %dma_wait3A = arith.constant 0 : i32
      %dma_wait3A_284 = tpu.memref_slice %arg10[%add3A_264, %dma_wait3A] : memref<10240x32xf32, #tpu.memory_space<vmem_shared>> -> memref<16x32xf32, #tpu.memory_space<vmem_shared>>
      %dma_wait3A_285 = arith.constant 0 : i32
      %dma_wait3A_286 = tpu.memref_slice %arg10[%add3A_264, %dma_wait3A_285] : memref<10240x32xf32, #tpu.memory_space<vmem_shared>> -> memref<16x32xf32, #tpu.memory_space<vmem_shared>>
      tpu.wait_dma2 semaphore(%run_scoped3A : memref<!tpu.dma_semaphore, #tpu.memory_space<semaphore_mem>>) src(%arg9 : memref<16x32xf32, #tpu.memory_space<vmem>>) dst(%dma_wait3A_286 : memref<16x32xf32, #tpu.memory_space<vmem_shared>>)
      tpu.yield
    }) : () -> ()
    %add3A_265 = arith.constant 560 : i32
    %add3A_266 = arith.addi %mul3A_194, %add3A_265 : i32
    "tpu.region"() ({
      %run_scoped3A = tpu.sem_alloc : memref<!tpu.dma_semaphore, #tpu.memory_space<semaphore_mem>>
      %dma_start3A = arith.constant 0 : i32
      %dma_start3A_281 = tpu.memref_slice %arg10[%add3A_266, %dma_start3A] : memref<10240x32xf32, #tpu.memory_space<vmem_shared>> -> memref<16x32xf32, #tpu.memory_space<vmem_shared>>
      %dma_start3A_282 = arith.constant 0 : i32
      %dma_start3A_283 = tpu.memref_slice %arg10[%add3A_266, %dma_start3A_282] : memref<10240x32xf32, #tpu.memory_space<vmem_shared>> -> memref<16x32xf32, #tpu.memory_space<vmem_shared>>
      tpu.enqueue_dma source(%arg9 : memref<16x32xf32, #tpu.memory_space<vmem>>) target(%dma_start3A_283 : memref<16x32xf32, #tpu.memory_space<vmem_shared>>) target_semaphore(%run_scoped3A : memref<!tpu.dma_semaphore, #tpu.memory_space<semaphore_mem>>)
      %dma_wait3A = arith.constant 0 : i32
      %dma_wait3A_284 = tpu.memref_slice %arg10[%add3A_266, %dma_wait3A] : memref<10240x32xf32, #tpu.memory_space<vmem_shared>> -> memref<16x32xf32, #tpu.memory_space<vmem_shared>>
      %dma_wait3A_285 = arith.constant 0 : i32
      %dma_wait3A_286 = tpu.memref_slice %arg10[%add3A_266, %dma_wait3A_285] : memref<10240x32xf32, #tpu.memory_space<vmem_shared>> -> memref<16x32xf32, #tpu.memory_space<vmem_shared>>
      tpu.wait_dma2 semaphore(%run_scoped3A : memref<!tpu.dma_semaphore, #tpu.memory_space<semaphore_mem>>) src(%arg9 : memref<16x32xf32, #tpu.memory_space<vmem>>) dst(%dma_wait3A_286 : memref<16x32xf32, #tpu.memory_space<vmem_shared>>)
      tpu.yield
    }) : () -> ()
    %add3A_267 = arith.constant 576 : i32
    %add3A_268 = arith.addi %mul3A_194, %add3A_267 : i32
    "tpu.region"() ({
      %run_scoped3A = tpu.sem_alloc : memref<!tpu.dma_semaphore, #tpu.memory_space<semaphore_mem>>
      %dma_start3A = arith.constant 0 : i32
      %dma_start3A_281 = tpu.memref_slice %arg10[%add3A_268, %dma_start3A] : memref<10240x32xf32, #tpu.memory_space<vmem_shared>> -> memref<16x32xf32, #tpu.memory_space<vmem_shared>>
      %dma_start3A_282 = arith.constant 0 : i32
      %dma_start3A_283 = tpu.memref_slice %arg10[%add3A_268, %dma_start3A_282] : memref<10240x32xf32, #tpu.memory_space<vmem_shared>> -> memref<16x32xf32, #tpu.memory_space<vmem_shared>>
      tpu.enqueue_dma source(%arg9 : memref<16x32xf32, #tpu.memory_space<vmem>>) target(%dma_start3A_283 : memref<16x32xf32, #tpu.memory_space<vmem_shared>>) target_semaphore(%run_scoped3A : memref<!tpu.dma_semaphore, #tpu.memory_space<semaphore_mem>>)
      %dma_wait3A = arith.constant 0 : i32
      %dma_wait3A_284 = tpu.memref_slice %arg10[%add3A_268, %dma_wait3A] : memref<10240x32xf32, #tpu.memory_space<vmem_shared>> -> memref<16x32xf32, #tpu.memory_space<vmem_shared>>
      %dma_wait3A_285 = arith.constant 0 : i32
      %dma_wait3A_286 = tpu.memref_slice %arg10[%add3A_268, %dma_wait3A_285] : memref<10240x32xf32, #tpu.memory_space<vmem_shared>> -> memref<16x32xf32, #tpu.memory_space<vmem_shared>>
      tpu.wait_dma2 semaphore(%run_scoped3A : memref<!tpu.dma_semaphore, #tpu.memory_space<semaphore_mem>>) src(%arg9 : memref<16x32xf32, #tpu.memory_space<vmem>>) dst(%dma_wait3A_286 : memref<16x32xf32, #tpu.memory_space<vmem_shared>>)
      tpu.yield
    }) : () -> ()
    %add3A_269 = arith.constant 592 : i32
    %add3A_270 = arith.addi %mul3A_194, %add3A_269 : i32
    "tpu.region"() ({
      %run_scoped3A = tpu.sem_alloc : memref<!tpu.dma_semaphore, #tpu.memory_space<semaphore_mem>>
      %dma_start3A = arith.constant 0 : i32
      %dma_start3A_281 = tpu.memref_slice %arg10[%add3A_270, %dma_start3A] : memref<10240x32xf32, #tpu.memory_space<vmem_shared>> -> memref<16x32xf32, #tpu.memory_space<vmem_shared>>
      %dma_start3A_282 = arith.constant 0 : i32
      %dma_start3A_283 = tpu.memref_slice %arg10[%add3A_270, %dma_start3A_282] : memref<10240x32xf32, #tpu.memory_space<vmem_shared>> -> memref<16x32xf32, #tpu.memory_space<vmem_shared>>
      tpu.enqueue_dma source(%arg9 : memref<16x32xf32, #tpu.memory_space<vmem>>) target(%dma_start3A_283 : memref<16x32xf32, #tpu.memory_space<vmem_shared>>) target_semaphore(%run_scoped3A : memref<!tpu.dma_semaphore, #tpu.memory_space<semaphore_mem>>)
      %dma_wait3A = arith.constant 0 : i32
      %dma_wait3A_284 = tpu.memref_slice %arg10[%add3A_270, %dma_wait3A] : memref<10240x32xf32, #tpu.memory_space<vmem_shared>> -> memref<16x32xf32, #tpu.memory_space<vmem_shared>>
      %dma_wait3A_285 = arith.constant 0 : i32
      %dma_wait3A_286 = tpu.memref_slice %arg10[%add3A_270, %dma_wait3A_285] : memref<10240x32xf32, #tpu.memory_space<vmem_shared>> -> memref<16x32xf32, #tpu.memory_space<vmem_shared>>
      tpu.wait_dma2 semaphore(%run_scoped3A : memref<!tpu.dma_semaphore, #tpu.memory_space<semaphore_mem>>) src(%arg9 : memref<16x32xf32, #tpu.memory_space<vmem>>) dst(%dma_wait3A_286 : memref<16x32xf32, #tpu.memory_space<vmem_shared>>)
      tpu.yield
    }) : () -> ()
    %add3A_271 = arith.constant 608 : i32
    %add3A_272 = arith.addi %mul3A_194, %add3A_271 : i32
    "tpu.region"() ({
      %run_scoped3A = tpu.sem_alloc : memref<!tpu.dma_semaphore, #tpu.memory_space<semaphore_mem>>
      %dma_start3A = arith.constant 0 : i32
      %dma_start3A_281 = tpu.memref_slice %arg10[%add3A_272, %dma_start3A] : memref<10240x32xf32, #tpu.memory_space<vmem_shared>> -> memref<16x32xf32, #tpu.memory_space<vmem_shared>>
      %dma_start3A_282 = arith.constant 0 : i32
      %dma_start3A_283 = tpu.memref_slice %arg10[%add3A_272, %dma_start3A_282] : memref<10240x32xf32, #tpu.memory_space<vmem_shared>> -> memref<16x32xf32, #tpu.memory_space<vmem_shared>>
      tpu.enqueue_dma source(%arg9 : memref<16x32xf32, #tpu.memory_space<vmem>>) target(%dma_start3A_283 : memref<16x32xf32, #tpu.memory_space<vmem_shared>>) target_semaphore(%run_scoped3A : memref<!tpu.dma_semaphore, #tpu.memory_space<semaphore_mem>>)
      %dma_wait3A = arith.constant 0 : i32
      %dma_wait3A_284 = tpu.memref_slice %arg10[%add3A_272, %dma_wait3A] : memref<10240x32xf32, #tpu.memory_space<vmem_shared>> -> memref<16x32xf32, #tpu.memory_space<vmem_shared>>
      %dma_wait3A_285 = arith.constant 0 : i32
      %dma_wait3A_286 = tpu.memref_slice %arg10[%add3A_272, %dma_wait3A_285] : memref<10240x32xf32, #tpu.memory_space<vmem_shared>> -> memref<16x32xf32, #tpu.memory_space<vmem_shared>>
      tpu.wait_dma2 semaphore(%run_scoped3A : memref<!tpu.dma_semaphore, #tpu.memory_space<semaphore_mem>>) src(%arg9 : memref<16x32xf32, #tpu.memory_space<vmem>>) dst(%dma_wait3A_286 : memref<16x32xf32, #tpu.memory_space<vmem_shared>>)
      tpu.yield
    }) : () -> ()
    %add3A_273 = arith.constant 624 : i32
    %add3A_274 = arith.addi %mul3A_194, %add3A_273 : i32
    "tpu.region"() ({
      %run_scoped3A = tpu.sem_alloc : memref<!tpu.dma_semaphore, #tpu.memory_space<semaphore_mem>>
      %dma_start3A = arith.constant 0 : i32
      %dma_start3A_281 = tpu.memref_slice %arg10[%add3A_274, %dma_start3A] : memref<10240x32xf32, #tpu.memory_space<vmem_shared>> -> memref<16x32xf32, #tpu.memory_space<vmem_shared>>
      %dma_start3A_282 = arith.constant 0 : i32
      %dma_start3A_283 = tpu.memref_slice %arg10[%add3A_274, %dma_start3A_282] : memref<10240x32xf32, #tpu.memory_space<vmem_shared>> -> memref<16x32xf32, #tpu.memory_space<vmem_shared>>
      tpu.enqueue_dma source(%arg9 : memref<16x32xf32, #tpu.memory_space<vmem>>) target(%dma_start3A_283 : memref<16x32xf32, #tpu.memory_space<vmem_shared>>) target_semaphore(%run_scoped3A : memref<!tpu.dma_semaphore, #tpu.memory_space<semaphore_mem>>)
      %dma_wait3A = arith.constant 0 : i32
      %dma_wait3A_284 = tpu.memref_slice %arg10[%add3A_274, %dma_wait3A] : memref<10240x32xf32, #tpu.memory_space<vmem_shared>> -> memref<16x32xf32, #tpu.memory_space<vmem_shared>>
      %dma_wait3A_285 = arith.constant 0 : i32
      %dma_wait3A_286 = tpu.memref_slice %arg10[%add3A_274, %dma_wait3A_285] : memref<10240x32xf32, #tpu.memory_space<vmem_shared>> -> memref<16x32xf32, #tpu.memory_space<vmem_shared>>
      tpu.wait_dma2 semaphore(%run_scoped3A : memref<!tpu.dma_semaphore, #tpu.memory_space<semaphore_mem>>) src(%arg9 : memref<16x32xf32, #tpu.memory_space<vmem>>) dst(%dma_wait3A_286 : memref<16x32xf32, #tpu.memory_space<vmem_shared>>)
      tpu.yield
    }) : () -> ()
    %barrier3A = arith.constant 0 : index
    tpu.barrier barrier_id(%barrier3A)
    "tpu.region"() ({
      %run_scoped3A = tpu.sem_alloc : memref<!tpu.dma_semaphore, #tpu.memory_space<semaphore_mem>>
      %dma_start3A = arith.constant 0 : i32
      %dma_start3A_281 = arith.constant 0 : i32
      %dma_start3A_282 = tpu.memref_slice %arg3[%add3A, %dma_start3A, %dma_start3A_281] : memref<32x79x128xi32, #tpu.memory_space<hbm>> -> memref<1x79x128xi32, #tpu.memory_space<hbm>>
      %dma_start3A_283 = tpu.memref_squeeze %dma_start3A_282 : memref<1x79x128xi32, #tpu.memory_space<hbm>> -> memref<79x128xi32, #tpu.memory_space<hbm>>
      %dma_start3A_284 = arith.constant 0 : i32
      %dma_start3A_285 = arith.constant 0 : i32
      %dma_start3A_286 = tpu.memref_slice %arg3[%add3A, %dma_start3A_284, %dma_start3A_285] : memref<32x79x128xi32, #tpu.memory_space<hbm>> -> memref<1x79x128xi32, #tpu.memory_space<hbm>>
      %dma_start3A_287 = tpu.memref_squeeze %dma_start3A_286 : memref<1x79x128xi32, #tpu.memory_space<hbm>> -> memref<79x128xi32, #tpu.memory_space<hbm>>
      tpu.enqueue_dma source(%dma_start3A_287 : memref<79x128xi32, #tpu.memory_space<hbm>>) target(%arg6 : memref<79x128xi32, #tpu.memory_space<vmem>>) target_semaphore(%run_scoped3A : memref<!tpu.dma_semaphore, #tpu.memory_space<semaphore_mem>>)
      %dma_wait3A = arith.constant 0 : i32
      %dma_wait3A_288 = arith.constant 0 : i32
      %dma_wait3A_289 = tpu.memref_slice %arg3[%add3A, %dma_wait3A, %dma_wait3A_288] : memref<32x79x128xi32, #tpu.memory_space<hbm>> -> memref<1x79x128xi32, #tpu.memory_space<hbm>>
      %dma_wait3A_290 = tpu.memref_squeeze %dma_wait3A_289 : memref<1x79x128xi32, #tpu.memory_space<hbm>> -> memref<79x128xi32, #tpu.memory_space<hbm>>
      %dma_wait3A_291 = arith.constant 0 : i32
      %dma_wait3A_292 = arith.constant 0 : i32
      %dma_wait3A_293 = tpu.memref_slice %arg3[%add3A, %dma_wait3A_291, %dma_wait3A_292] : memref<32x79x128xi32, #tpu.memory_space<hbm>> -> memref<1x79x128xi32, #tpu.memory_space<hbm>>
      %dma_wait3A_294 = tpu.memref_squeeze %dma_wait3A_293 : memref<1x79x128xi32, #tpu.memory_space<hbm>> -> memref<79x128xi32, #tpu.memory_space<hbm>>
      tpu.wait_dma2 semaphore(%run_scoped3A : memref<!tpu.dma_semaphore, #tpu.memory_space<semaphore_mem>>) src(%dma_wait3A_294 : memref<79x128xi32, #tpu.memory_space<hbm>>) dst(%arg6 : memref<79x128xi32, #tpu.memory_space<vmem>>)
      tpu.yield
    }) : () -> ()
    "tpu.region"() ({
      %run_scoped3A = tpu.sem_alloc : memref<!tpu.dma_semaphore, #tpu.memory_space<semaphore_mem>>
      %dma_start3A = arith.constant 0 : i32
      %dma_start3A_281 = arith.constant 0 : i32
      %dma_start3A_282 = tpu.memref_slice %arg4[%add3A, %dma_start3A, %dma_start3A_281] : memref<32x79x128xi32, #tpu.memory_space<hbm>> -> memref<1x79x128xi32, #tpu.memory_space<hbm>>
      %dma_start3A_283 = tpu.memref_squeeze %dma_start3A_282 : memref<1x79x128xi32, #tpu.memory_space<hbm>> -> memref<79x128xi32, #tpu.memory_space<hbm>>
      %dma_start3A_284 = arith.constant 0 : i32
      %dma_start3A_285 = arith.constant 0 : i32
      %dma_start3A_286 = tpu.memref_slice %arg4[%add3A, %dma_start3A_284, %dma_start3A_285] : memref<32x79x128xi32, #tpu.memory_space<hbm>> -> memref<1x79x128xi32, #tpu.memory_space<hbm>>
      %dma_start3A_287 = tpu.memref_squeeze %dma_start3A_286 : memref<1x79x128xi32, #tpu.memory_space<hbm>> -> memref<79x128xi32, #tpu.memory_space<hbm>>
      tpu.enqueue_dma source(%dma_start3A_287 : memref<79x128xi32, #tpu.memory_space<hbm>>) target(%arg7 : memref<79x128xi32, #tpu.memory_space<vmem>>) target_semaphore(%run_scoped3A : memref<!tpu.dma_semaphore, #tpu.memory_space<semaphore_mem>>)
      %dma_wait3A = arith.constant 0 : i32
      %dma_wait3A_288 = arith.constant 0 : i32
      %dma_wait3A_289 = tpu.memref_slice %arg4[%add3A, %dma_wait3A, %dma_wait3A_288] : memref<32x79x128xi32, #tpu.memory_space<hbm>> -> memref<1x79x128xi32, #tpu.memory_space<hbm>>
      %dma_wait3A_290 = tpu.memref_squeeze %dma_wait3A_289 : memref<1x79x128xi32, #tpu.memory_space<hbm>> -> memref<79x128xi32, #tpu.memory_space<hbm>>
      %dma_wait3A_291 = arith.constant 0 : i32
      %dma_wait3A_292 = arith.constant 0 : i32
      %dma_wait3A_293 = tpu.memref_slice %arg4[%add3A, %dma_wait3A_291, %dma_wait3A_292] : memref<32x79x128xi32, #tpu.memory_space<hbm>> -> memref<1x79x128xi32, #tpu.memory_space<hbm>>
      %dma_wait3A_294 = tpu.memref_squeeze %dma_wait3A_293 : memref<1x79x128xi32, #tpu.memory_space<hbm>> -> memref<79x128xi32, #tpu.memory_space<hbm>>
      tpu.wait_dma2 semaphore(%run_scoped3A : memref<!tpu.dma_semaphore, #tpu.memory_space<semaphore_mem>>) src(%dma_wait3A_294 : memref<79x128xi32, #tpu.memory_space<hbm>>) dst(%arg7 : memref<79x128xi32, #tpu.memory_space<vmem>>)
      tpu.yield
    }) : () -> ()
    %scan3A = arith.constant 0 : i32
    %scan3A_275 = arith.constant 0 : i32
    %scan3A_276 = arith.constant 79 : i32
    %scan3A_277 = arith.addi %scan3A_275, %scan3A_276 : i32
    %scan3A_278 = arith.constant 1 : i32
    scf.for %scan3A_281 = %scan3A_275 to %scan3A_277 step %scan3A_278  : i32 {
      %dma_start3A = arith.constant 0 : i32
      %dma_start3A_282 = tpu.memref_slice %arg6[%scan3A_281, %dma_start3A] : memref<79x128xi32, #tpu.memory_space<vmem>> -> memref<1x128xi32, #tpu.memory_space<vmem>>
      %dma_start3A_283 = tpu.memref_squeeze %dma_start3A_282 : memref<1x128xi32, #tpu.memory_space<vmem>> -> memref<128xi32, #tpu.memory_space<vmem>>
      %dma_start3A_284 = arith.constant 0 : i32
      %dma_start3A_285 = arith.constant 0 : i32
      %dma_start3A_286 = tpu.memref_slice %arg2[%dma_start3A_284, %dma_start3A_285] : memref<10000x32xf32, #tpu.memory_space<hbm>> -> memref<10000x32xf32, #tpu.memory_space<hbm>>
      tpu.enqueue_indirect_dma source(%dma_start3A_286 : memref<10000x32xf32, #tpu.memory_space<hbm>>) target(%arg8 : memref<128x32xf32, #tpu.memory_space<vmem>>) offsets(%dma_start3A_283 : memref<128xi32, #tpu.memory_space<vmem>>) semaphore(%arg11 : memref<!tpu.dma_semaphore, #tpu.memory_space<semaphore_mem>>)
      %dma_wait3A = arith.constant 0 : i32
      %dma_wait3A_287 = tpu.memref_slice %arg6[%scan3A_281, %dma_wait3A] : memref<79x128xi32, #tpu.memory_space<vmem>> -> memref<1x128xi32, #tpu.memory_space<vmem>>
      %dma_wait3A_288 = tpu.memref_squeeze %dma_wait3A_287 : memref<1x128xi32, #tpu.memory_space<vmem>> -> memref<128xi32, #tpu.memory_space<vmem>>
      %dma_wait3A_289 = arith.constant 0 : i32
      %dma_wait3A_290 = arith.constant 0 : i32
      %dma_wait3A_291 = tpu.memref_slice %arg2[%dma_wait3A_289, %dma_wait3A_290] : memref<10000x32xf32, #tpu.memory_space<hbm>> -> memref<10000x32xf32, #tpu.memory_space<hbm>>
      tpu.wait_indirect_dma semaphore(%arg11 : memref<!tpu.dma_semaphore, #tpu.memory_space<semaphore_mem>>) src(%dma_wait3A_291 : memref<10000x32xf32, #tpu.memory_space<hbm>>) dst(%arg8 : memref<128x32xf32, #tpu.memory_space<vmem>>)
      "tpu.region"() ({
        %run_scoped3A = tpu.sem_alloc : memref<!tpu.dma_semaphore, #tpu.memory_space<semaphore_mem>>
        %dma_start3A_292 = arith.constant 0 : i32
        %dma_start3A_293 = tpu.memref_slice %arg7[%scan3A_281, %dma_start3A_292] : memref<79x128xi32, #tpu.memory_space<vmem>> -> memref<1x128xi32, #tpu.memory_space<vmem>>
        %dma_start3A_294 = tpu.memref_squeeze %dma_start3A_293 : memref<1x128xi32, #tpu.memory_space<vmem>> -> memref<128xi32, #tpu.memory_space<vmem>>
        %dma_start3A_295 = arith.constant 0 : i32
        %dma_start3A_296 = arith.constant 0 : i32
        %dma_start3A_297 = tpu.memref_slice %arg10[%dma_start3A_295, %dma_start3A_296] : memref<10240x32xf32, #tpu.memory_space<vmem_shared>> -> memref<10240x32xf32, #tpu.memory_space<vmem_shared>>
        tpu.enqueue_indirect_dma source(%arg8 : memref<128x32xf32, #tpu.memory_space<vmem>>) target(%dma_start3A_297 : memref<10240x32xf32, #tpu.memory_space<vmem_shared>>) offsets(%dma_start3A_294 : memref<128xi32, #tpu.memory_space<vmem>>) semaphore(%run_scoped3A : memref<!tpu.dma_semaphore, #tpu.memory_space<semaphore_mem>>) {add = true}
        %dma_wait3A_298 = arith.constant 0 : i32
        %dma_wait3A_299 = tpu.memref_slice %arg7[%scan3A_281, %dma_wait3A_298] : memref<79x128xi32, #tpu.memory_space<vmem>> -> memref<1x128xi32, #tpu.memory_space<vmem>>
        %dma_wait3A_300 = tpu.memref_squeeze %dma_wait3A_299 : memref<1x128xi32, #tpu.memory_space<vmem>> -> memref<128xi32, #tpu.memory_space<vmem>>
        %dma_wait3A_301 = arith.constant 0 : i32
        %dma_wait3A_302 = arith.constant 0 : i32
        %dma_wait3A_303 = tpu.memref_slice %arg10[%dma_wait3A_301, %dma_wait3A_302] : memref<10240x32xf32, #tpu.memory_space<vmem_shared>> -> memref<10240x32xf32, #tpu.memory_space<vmem_shared>>
        tpu.wait_indirect_dma semaphore(%run_scoped3A : memref<!tpu.dma_semaphore, #tpu.memory_space<semaphore_mem>>) src(%arg8 : memref<128x32xf32, #tpu.memory_space<vmem>>) dst(%dma_wait3A_303 : memref<10240x32xf32, #tpu.memory_space<vmem_shared>>)
        tpu.yield
      }) : () -> ()
    }
    %scan3A_279 = arith.constant 79 : i32
    %barrier3A_280 = arith.constant 0 : index
    tpu.barrier barrier_id(%barrier3A_280)
    "tpu.region"() ({
      %run_scoped3A = tpu.sem_alloc : memref<!tpu.dma_semaphore, #tpu.memory_space<semaphore_mem>>
      %dma_start3A = arith.constant 0 : i32
      %dma_start3A_281 = tpu.memref_slice %arg5[%arg0, %mul3A_194, %dma_start3A] : memref<2x10240x32xf32, #tpu.memory_space<hbm>> -> memref<1x640x32xf32, #tpu.memory_space<hbm>>
      %dma_start3A_282 = tpu.memref_squeeze %dma_start3A_281 : memref<1x640x32xf32, #tpu.memory_space<hbm>> -> memref<640x32xf32, #tpu.memory_space<hbm>>
      %dma_start3A_283 = arith.constant 0 : i32
      %dma_start3A_284 = tpu.memref_slice %arg10[%mul3A_194, %dma_start3A_283] : memref<10240x32xf32, #tpu.memory_space<vmem_shared>> -> memref<640x32xf32, #tpu.memory_space<vmem_shared>>
      tpu.enqueue_dma source(%dma_start3A_284 : memref<640x32xf32, #tpu.memory_space<vmem_shared>>) target(%dma_start3A_282 : memref<640x32xf32, #tpu.memory_space<hbm>>) target_semaphore(%run_scoped3A : memref<!tpu.dma_semaphore, #tpu.memory_space<semaphore_mem>>)
      %dma_wait3A = arith.constant 0 : i32
      %dma_wait3A_285 = tpu.memref_slice %arg5[%arg0, %mul3A_194, %dma_wait3A] : memref<2x10240x32xf32, #tpu.memory_space<hbm>> -> memref<1x640x32xf32, #tpu.memory_space<hbm>>
      %dma_wait3A_286 = tpu.memref_squeeze %dma_wait3A_285 : memref<1x640x32xf32, #tpu.memory_space<hbm>> -> memref<640x32xf32, #tpu.memory_space<hbm>>
      %dma_wait3A_287 = arith.constant 0 : i32
      %dma_wait3A_288 = tpu.memref_slice %arg10[%mul3A_194, %dma_wait3A_287] : memref<10240x32xf32, #tpu.memory_space<vmem_shared>> -> memref<640x32xf32, #tpu.memory_space<vmem_shared>>
      tpu.wait_dma2 semaphore(%run_scoped3A : memref<!tpu.dma_semaphore, #tpu.memory_space<semaphore_mem>>) src(%dma_wait3A_288 : memref<640x32xf32, #tpu.memory_space<vmem_shared>>) dst(%dma_wait3A_286 : memref<640x32xf32, #tpu.memory_space<hbm>>)
      tpu.yield
    }) : () -> ()
    return
  }
}

#map = affine_map<(d0, d1) -> (0, 0)>
#map1 = affine_map<(d0, d1) -> (0, 0, 0)>
module attributes {stable_mosaic.version = 14 : i64} {
  func.func @body(%arg0: i32, %arg1: i32, %arg2: memref<10000x64xf32, #tpu.memory_space<hbm>>, %arg3: memref<32x79x128xi32, #tpu.memory_space<hbm>>, %arg4: memref<32x79x128xi32, #tpu.memory_space<hbm>>, %arg5: memref<2x10240x64xf32, #tpu.memory_space<hbm>>, %arg6: memref<2x10240xf32, #tpu.memory_space<hbm>>, %arg7: memref<79x128xi32, #tpu.memory_space<vmem>>, %arg8: memref<79x128xi32, #tpu.memory_space<vmem>>, %arg9: memref<128x64xf32, #tpu.memory_space<vmem>>, %arg10: memref<16x64xf32, #tpu.memory_space<vmem>>, %arg11: memref<10240x64xf32, #tpu.memory_space<vmem_shared>>, %arg12: memref<!tpu.dma_semaphore, #tpu.memory_space<semaphore_mem>>, %arg13: memref<128xf32, #tpu.memory_space<vmem>>, %arg14: memref<640xf32, #tpu.memory_space<vmem>>, %arg15: memref<10240xf32, #tpu.memory_space<vmem_shared>>) attributes {dimension_semantics = [#tpu.dimension_semantics<core_parallel>, #tpu.dimension_semantics<subcore_parallel>], iteration_bounds = array<i64: 2, 16>, scalar_prefetch = 0 : i64, scratch_operands = 9 : i64, tpu.core_type = #tpu.core_type<sc_vector_subcore>, window_params = [{transform_indices = #map}, {transform_indices = #map1}, {transform_indices = #map1}, {transform_indices = #map1}, {transform_indices = #map}]} {
    %mul3A = arith.constant 16 : i32
    %mul3A_0 = arith.muli %arg0, %mul3A : i32
    %add3A = arith.addi %mul3A_0, %arg1 : i32
    %broadcast_in_dim3A = arith.constant 0.000000e+00 : f32
    %broadcast_in_dim3A_1 = vector.broadcast %broadcast_in_dim3A : f32 to vector<16xf32>
    %swap3A = arith.constant 0 : i32
    %swap3A_2 = arith.index_cast %swap3A : i32 to index
    %swap3A_3 = arith.constant 0 : index
    %swap3A_4 = tpu.vector_load %arg10[%swap3A_2, %swap3A_3] {strides = array<i32>} : memref<16x64xf32, #tpu.memory_space<vmem>>, vector<1x16xf32>,
    %swap3A_5 = vector.shape_cast %swap3A_4 : vector<1x16xf32> to vector<16xf32>
    %swap3A_6 = vector.shape_cast %broadcast_in_dim3A_1 : vector<16xf32> to vector<1x16xf32>
    tpu.vector_store %arg10[%swap3A_2, %swap3A_3], %swap3A_6 {strides = array<i32>} : memref<16x64xf32, #tpu.memory_space<vmem>>, vector<1x16xf32>,
    %swap3A_7 = arith.constant 0 : i32
    %swap3A_8 = arith.index_cast %swap3A_7 : i32 to index
    %swap3A_9 = arith.constant 16 : index
    %swap3A_10 = tpu.vector_load %arg10[%swap3A_8, %swap3A_9] {strides = array<i32>} : memref<16x64xf32, #tpu.memory_space<vmem>>, vector<1x16xf32>,
    %swap3A_11 = vector.shape_cast %swap3A_10 : vector<1x16xf32> to vector<16xf32>
    %swap3A_12 = vector.shape_cast %broadcast_in_dim3A_1 : vector<16xf32> to vector<1x16xf32>
    tpu.vector_store %arg10[%swap3A_8, %swap3A_9], %swap3A_12 {strides = array<i32>} : memref<16x64xf32, #tpu.memory_space<vmem>>, vector<1x16xf32>,
    %swap3A_13 = arith.constant 0 : i32
    %swap3A_14 = arith.index_cast %swap3A_13 : i32 to index
    %swap3A_15 = arith.constant 32 : index
    %swap3A_16 = tpu.vector_load %arg10[%swap3A_14, %swap3A_15] {strides = array<i32>} : memref<16x64xf32, #tpu.memory_space<vmem>>, vector<1x16xf32>,
    %swap3A_17 = vector.shape_cast %swap3A_16 : vector<1x16xf32> to vector<16xf32>
    %swap3A_18 = vector.shape_cast %broadcast_in_dim3A_1 : vector<16xf32> to vector<1x16xf32>
    tpu.vector_store %arg10[%swap3A_14, %swap3A_15], %swap3A_18 {strides = array<i32>} : memref<16x64xf32, #tpu.memory_space<vmem>>, vector<1x16xf32>,
    %swap3A_19 = arith.constant 0 : i32
    %swap3A_20 = arith.index_cast %swap3A_19 : i32 to index
    %swap3A_21 = arith.constant 48 : index
    %swap3A_22 = tpu.vector_load %arg10[%swap3A_20, %swap3A_21] {strides = array<i32>} : memref<16x64xf32, #tpu.memory_space<vmem>>, vector<1x16xf32>,
    %swap3A_23 = vector.shape_cast %swap3A_22 : vector<1x16xf32> to vector<16xf32>
    %swap3A_24 = vector.shape_cast %broadcast_in_dim3A_1 : vector<16xf32> to vector<1x16xf32>
    tpu.vector_store %arg10[%swap3A_20, %swap3A_21], %swap3A_24 {strides = array<i32>} : memref<16x64xf32, #tpu.memory_space<vmem>>, vector<1x16xf32>,
    %swap3A_25 = arith.constant 1 : i32
    %swap3A_26 = arith.index_cast %swap3A_25 : i32 to index
    %swap3A_27 = arith.constant 0 : index
    %swap3A_28 = tpu.vector_load %arg10[%swap3A_26, %swap3A_27] {strides = array<i32>} : memref<16x64xf32, #tpu.memory_space<vmem>>, vector<1x16xf32>,
    %swap3A_29 = vector.shape_cast %swap3A_28 : vector<1x16xf32> to vector<16xf32>
    %swap3A_30 = vector.shape_cast %broadcast_in_dim3A_1 : vector<16xf32> to vector<1x16xf32>
    tpu.vector_store %arg10[%swap3A_26, %swap3A_27], %swap3A_30 {strides = array<i32>} : memref<16x64xf32, #tpu.memory_space<vmem>>, vector<1x16xf32>,
    %swap3A_31 = arith.constant 1 : i32
    %swap3A_32 = arith.index_cast %swap3A_31 : i32 to index
    %swap3A_33 = arith.constant 16 : index
    %swap3A_34 = tpu.vector_load %arg10[%swap3A_32, %swap3A_33] {strides = array<i32>} : memref<16x64xf32, #tpu.memory_space<vmem>>, vector<1x16xf32>,
    %swap3A_35 = vector.shape_cast %swap3A_34 : vector<1x16xf32> to vector<16xf32>
    %swap3A_36 = vector.shape_cast %broadcast_in_dim3A_1 : vector<16xf32> to vector<1x16xf32>
    tpu.vector_store %arg10[%swap3A_32, %swap3A_33], %swap3A_36 {strides = array<i32>} : memref<16x64xf32, #tpu.memory_space<vmem>>, vector<1x16xf32>,
    %swap3A_37 = arith.constant 1 : i32
    %swap3A_38 = arith.index_cast %swap3A_37 : i32 to index
    %swap3A_39 = arith.constant 32 : index
    %swap3A_40 = tpu.vector_load %arg10[%swap3A_38, %swap3A_39] {strides = array<i32>} : memref<16x64xf32, #tpu.memory_space<vmem>>, vector<1x16xf32>,
    %swap3A_41 = vector.shape_cast %swap3A_40 : vector<1x16xf32> to vector<16xf32>
    %swap3A_42 = vector.shape_cast %broadcast_in_dim3A_1 : vector<16xf32> to vector<1x16xf32>
    tpu.vector_store %arg10[%swap3A_38, %swap3A_39], %swap3A_42 {strides = array<i32>} : memref<16x64xf32, #tpu.memory_space<vmem>>, vector<1x16xf32>,
    %swap3A_43 = arith.constant 1 : i32
    %swap3A_44 = arith.index_cast %swap3A_43 : i32 to index
    %swap3A_45 = arith.constant 48 : index
    %swap3A_46 = tpu.vector_load %arg10[%swap3A_44, %swap3A_45] {strides = array<i32>} : memref<16x64xf32, #tpu.memory_space<vmem>>, vector<1x16xf32>,
    %swap3A_47 = vector.shape_cast %swap3A_46 : vector<1x16xf32> to vector<16xf32>
    %swap3A_48 = vector.shape_cast %broadcast_in_dim3A_1 : vector<16xf32> to vector<1x16xf32>
    tpu.vector_store %arg10[%swap3A_44, %swap3A_45], %swap3A_48 {strides = array<i32>} : memref<16x64xf32, #tpu.memory_space<vmem>>, vector<1x16xf32>,
    %swap3A_49 = arith.constant 2 : i32
    %swap3A_50 = arith.index_cast %swap3A_49 : i32 to index
    %swap3A_51 = arith.constant 0 : index
    %swap3A_52 = tpu.vector_load %arg10[%swap3A_50, %swap3A_51] {strides = array<i32>} : memref<16x64xf32, #tpu.memory_space<vmem>>, vector<1x16xf32>,
    %swap3A_53 = vector.shape_cast %swap3A_52 : vector<1x16xf32> to vector<16xf32>
    %swap3A_54 = vector.shape_cast %broadcast_in_dim3A_1 : vector<16xf32> to vector<1x16xf32>
    tpu.vector_store %arg10[%swap3A_50, %swap3A_51], %swap3A_54 {strides = array<i32>} : memref<16x64xf32, #tpu.memory_space<vmem>>, vector<1x16xf32>,
    %swap3A_55 = arith.constant 2 : i32
    %swap3A_56 = arith.index_cast %swap3A_55 : i32 to index
    %swap3A_57 = arith.constant 16 : index
    %swap3A_58 = tpu.vector_load %arg10[%swap3A_56, %swap3A_57] {strides = array<i32>} : memref<16x64xf32, #tpu.memory_space<vmem>>, vector<1x16xf32>,
    %swap3A_59 = vector.shape_cast %swap3A_58 : vector<1x16xf32> to vector<16xf32>
    %swap3A_60 = vector.shape_cast %broadcast_in_dim3A_1 : vector<16xf32> to vector<1x16xf32>
    tpu.vector_store %arg10[%swap3A_56, %swap3A_57], %swap3A_60 {strides = array<i32>} : memref<16x64xf32, #tpu.memory_space<vmem>>, vector<1x16xf32>,
    %swap3A_61 = arith.constant 2 : i32
    %swap3A_62 = arith.index_cast %swap3A_61 : i32 to index
    %swap3A_63 = arith.constant 32 : index
    %swap3A_64 = tpu.vector_load %arg10[%swap3A_62, %swap3A_63] {strides = array<i32>} : memref<16x64xf32, #tpu.memory_space<vmem>>, vector<1x16xf32>,
    %swap3A_65 = vector.shape_cast %swap3A_64 : vector<1x16xf32> to vector<16xf32>
    %swap3A_66 = vector.shape_cast %broadcast_in_dim3A_1 : vector<16xf32> to vector<1x16xf32>
    tpu.vector_store %arg10[%swap3A_62, %swap3A_63], %swap3A_66 {strides = array<i32>} : memref<16x64xf32, #tpu.memory_space<vmem>>, vector<1x16xf32>,
    %swap3A_67 = arith.constant 2 : i32
    %swap3A_68 = arith.index_cast %swap3A_67 : i32 to index
    %swap3A_69 = arith.constant 48 : index
    %swap3A_70 = tpu.vector_load %arg10[%swap3A_68, %swap3A_69] {strides = array<i32>} : memref<16x64xf32, #tpu.memory_space<vmem>>, vector<1x16xf32>,
    %swap3A_71 = vector.shape_cast %swap3A_70 : vector<1x16xf32> to vector<16xf32>
    %swap3A_72 = vector.shape_cast %broadcast_in_dim3A_1 : vector<16xf32> to vector<1x16xf32>
    tpu.vector_store %arg10[%swap3A_68, %swap3A_69], %swap3A_72 {strides = array<i32>} : memref<16x64xf32, #tpu.memory_space<vmem>>, vector<1x16xf32>,
    %swap3A_73 = arith.constant 3 : i32
    %swap3A_74 = arith.index_cast %swap3A_73 : i32 to index
    %swap3A_75 = arith.constant 0 : index
    %swap3A_76 = tpu.vector_load %arg10[%swap3A_74, %swap3A_75] {strides = array<i32>} : memref<16x64xf32, #tpu.memory_space<vmem>>, vector<1x16xf32>,
    %swap3A_77 = vector.shape_cast %swap3A_76 : vector<1x16xf32> to vector<16xf32>
    %swap3A_78 = vector.shape_cast %broadcast_in_dim3A_1 : vector<16xf32> to vector<1x16xf32>
    tpu.vector_store %arg10[%swap3A_74, %swap3A_75], %swap3A_78 {strides = array<i32>} : memref<16x64xf32, #tpu.memory_space<vmem>>, vector<1x16xf32>,
    %swap3A_79 = arith.constant 3 : i32
    %swap3A_80 = arith.index_cast %swap3A_79 : i32 to index
    %swap3A_81 = arith.constant 16 : index
    %swap3A_82 = tpu.vector_load %arg10[%swap3A_80, %swap3A_81] {strides = array<i32>} : memref<16x64xf32, #tpu.memory_space<vmem>>, vector<1x16xf32>,
    %swap3A_83 = vector.shape_cast %swap3A_82 : vector<1x16xf32> to vector<16xf32>
    %swap3A_84 = vector.shape_cast %broadcast_in_dim3A_1 : vector<16xf32> to vector<1x16xf32>
    tpu.vector_store %arg10[%swap3A_80, %swap3A_81], %swap3A_84 {strides = array<i32>} : memref<16x64xf32, #tpu.memory_space<vmem>>, vector<1x16xf32>,
    %swap3A_85 = arith.constant 3 : i32
    %swap3A_86 = arith.index_cast %swap3A_85 : i32 to index
    %swap3A_87 = arith.constant 32 : index
    %swap3A_88 = tpu.vector_load %arg10[%swap3A_86, %swap3A_87] {strides = array<i32>} : memref<16x64xf32, #tpu.memory_space<vmem>>, vector<1x16xf32>,
    %swap3A_89 = vector.shape_cast %swap3A_88 : vector<1x16xf32> to vector<16xf32>
    %swap3A_90 = vector.shape_cast %broadcast_in_dim3A_1 : vector<16xf32> to vector<1x16xf32>
    tpu.vector_store %arg10[%swap3A_86, %swap3A_87], %swap3A_90 {strides = array<i32>} : memref<16x64xf32, #tpu.memory_space<vmem>>, vector<1x16xf32>,
    %swap3A_91 = arith.constant 3 : i32
    %swap3A_92 = arith.index_cast %swap3A_91 : i32 to index
    %swap3A_93 = arith.constant 48 : index
    %swap3A_94 = tpu.vector_load %arg10[%swap3A_92, %swap3A_93] {strides = array<i32>} : memref<16x64xf32, #tpu.memory_space<vmem>>, vector<1x16xf32>,
    %swap3A_95 = vector.shape_cast %swap3A_94 : vector<1x16xf32> to vector<16xf32>
    %swap3A_96 = vector.shape_cast %broadcast_in_dim3A_1 : vector<16xf32> to vector<1x16xf32>
    tpu.vector_store %arg10[%swap3A_92, %swap3A_93], %swap3A_96 {strides = array<i32>} : memref<16x64xf32, #tpu.memory_space<vmem>>, vector<1x16xf32>,
    %swap3A_97 = arith.constant 4 : i32
    %swap3A_98 = arith.index_cast %swap3A_97 : i32 to index
    %swap3A_99 = arith.constant 0 : index
    %swap3A_100 = tpu.vector_load %arg10[%swap3A_98, %swap3A_99] {strides = array<i32>} : memref<16x64xf32, #tpu.memory_space<vmem>>, vector<1x16xf32>,
    %swap3A_101 = vector.shape_cast %swap3A_100 : vector<1x16xf32> to vector<16xf32>
    %swap3A_102 = vector.shape_cast %broadcast_in_dim3A_1 : vector<16xf32> to vector<1x16xf32>
    tpu.vector_store %arg10[%swap3A_98, %swap3A_99], %swap3A_102 {strides = array<i32>} : memref<16x64xf32, #tpu.memory_space<vmem>>, vector<1x16xf32>,
    %swap3A_103 = arith.constant 4 : i32
    %swap3A_104 = arith.index_cast %swap3A_103 : i32 to index
    %swap3A_105 = arith.constant 16 : index
    %swap3A_106 = tpu.vector_load %arg10[%swap3A_104, %swap3A_105] {strides = array<i32>} : memref<16x64xf32, #tpu.memory_space<vmem>>, vector<1x16xf32>,
    %swap3A_107 = vector.shape_cast %swap3A_106 : vector<1x16xf32> to vector<16xf32>
    %swap3A_108 = vector.shape_cast %broadcast_in_dim3A_1 : vector<16xf32> to vector<1x16xf32>
    tpu.vector_store %arg10[%swap3A_104, %swap3A_105], %swap3A_108 {strides = array<i32>} : memref<16x64xf32, #tpu.memory_space<vmem>>, vector<1x16xf32>,
    %swap3A_109 = arith.constant 4 : i32
    %swap3A_110 = arith.index_cast %swap3A_109 : i32 to index
    %swap3A_111 = arith.constant 32 : index
    %swap3A_112 = tpu.vector_load %arg10[%swap3A_110, %swap3A_111] {strides = array<i32>} : memref<16x64xf32, #tpu.memory_space<vmem>>, vector<1x16xf32>,
    %swap3A_113 = vector.shape_cast %swap3A_112 : vector<1x16xf32> to vector<16xf32>
    %swap3A_114 = vector.shape_cast %broadcast_in_dim3A_1 : vector<16xf32> to vector<1x16xf32>
    tpu.vector_store %arg10[%swap3A_110, %swap3A_111], %swap3A_114 {strides = array<i32>} : memref<16x64xf32, #tpu.memory_space<vmem>>, vector<1x16xf32>,
    %swap3A_115 = arith.constant 4 : i32
    %swap3A_116 = arith.index_cast %swap3A_115 : i32 to index
    %swap3A_117 = arith.constant 48 : index
    %swap3A_118 = tpu.vector_load %arg10[%swap3A_116, %swap3A_117] {strides = array<i32>} : memref<16x64xf32, #tpu.memory_space<vmem>>, vector<1x16xf32>,
    %swap3A_119 = vector.shape_cast %swap3A_118 : vector<1x16xf32> to vector<16xf32>
    %swap3A_120 = vector.shape_cast %broadcast_in_dim3A_1 : vector<16xf32> to vector<1x16xf32>
    tpu.vector_store %arg10[%swap3A_116, %swap3A_117], %swap3A_120 {strides = array<i32>} : memref<16x64xf32, #tpu.memory_space<vmem>>, vector<1x16xf32>,
    %swap3A_121 = arith.constant 5 : i32
    %swap3A_122 = arith.index_cast %swap3A_121 : i32 to index
    %swap3A_123 = arith.constant 0 : index
    %swap3A_124 = tpu.vector_load %arg10[%swap3A_122, %swap3A_123] {strides = array<i32>} : memref<16x64xf32, #tpu.memory_space<vmem>>, vector<1x16xf32>,
    %swap3A_125 = vector.shape_cast %swap3A_124 : vector<1x16xf32> to vector<16xf32>
    %swap3A_126 = vector.shape_cast %broadcast_in_dim3A_1 : vector<16xf32> to vector<1x16xf32>
    tpu.vector_store %arg10[%swap3A_122, %swap3A_123], %swap3A_126 {strides = array<i32>} : memref<16x64xf32, #tpu.memory_space<vmem>>, vector<1x16xf32>,
    %swap3A_127 = arith.constant 5 : i32
    %swap3A_128 = arith.index_cast %swap3A_127 : i32 to index
    %swap3A_129 = arith.constant 16 : index
    %swap3A_130 = tpu.vector_load %arg10[%swap3A_128, %swap3A_129] {strides = array<i32>} : memref<16x64xf32, #tpu.memory_space<vmem>>, vector<1x16xf32>,
    %swap3A_131 = vector.shape_cast %swap3A_130 : vector<1x16xf32> to vector<16xf32>
    %swap3A_132 = vector.shape_cast %broadcast_in_dim3A_1 : vector<16xf32> to vector<1x16xf32>
    tpu.vector_store %arg10[%swap3A_128, %swap3A_129], %swap3A_132 {strides = array<i32>} : memref<16x64xf32, #tpu.memory_space<vmem>>, vector<1x16xf32>,
    %swap3A_133 = arith.constant 5 : i32
    %swap3A_134 = arith.index_cast %swap3A_133 : i32 to index
    %swap3A_135 = arith.constant 32 : index
    %swap3A_136 = tpu.vector_load %arg10[%swap3A_134, %swap3A_135] {strides = array<i32>} : memref<16x64xf32, #tpu.memory_space<vmem>>, vector<1x16xf32>,
    %swap3A_137 = vector.shape_cast %swap3A_136 : vector<1x16xf32> to vector<16xf32>
    %swap3A_138 = vector.shape_cast %broadcast_in_dim3A_1 : vector<16xf32> to vector<1x16xf32>
    tpu.vector_store %arg10[%swap3A_134, %swap3A_135], %swap3A_138 {strides = array<i32>} : memref<16x64xf32, #tpu.memory_space<vmem>>, vector<1x16xf32>,
    %swap3A_139 = arith.constant 5 : i32
    %swap3A_140 = arith.index_cast %swap3A_139 : i32 to index
    %swap3A_141 = arith.constant 48 : index
    %swap3A_142 = tpu.vector_load %arg10[%swap3A_140, %swap3A_141] {strides = array<i32>} : memref<16x64xf32, #tpu.memory_space<vmem>>, vector<1x16xf32>,
    %swap3A_143 = vector.shape_cast %swap3A_142 : vector<1x16xf32> to vector<16xf32>
    %swap3A_144 = vector.shape_cast %broadcast_in_dim3A_1 : vector<16xf32> to vector<1x16xf32>
    tpu.vector_store %arg10[%swap3A_140, %swap3A_141], %swap3A_144 {strides = array<i32>} : memref<16x64xf32, #tpu.memory_space<vmem>>, vector<1x16xf32>,
    %swap3A_145 = arith.constant 6 : i32
    %swap3A_146 = arith.index_cast %swap3A_145 : i32 to index
    %swap3A_147 = arith.constant 0 : index
    %swap3A_148 = tpu.vector_load %arg10[%swap3A_146, %swap3A_147] {strides = array<i32>} : memref<16x64xf32, #tpu.memory_space<vmem>>, vector<1x16xf32>,
    %swap3A_149 = vector.shape_cast %swap3A_148 : vector<1x16xf32> to vector<16xf32>
    %swap3A_150 = vector.shape_cast %broadcast_in_dim3A_1 : vector<16xf32> to vector<1x16xf32>
    tpu.vector_store %arg10[%swap3A_146, %swap3A_147], %swap3A_150 {strides = array<i32>} : memref<16x64xf32, #tpu.memory_space<vmem>>, vector<1x16xf32>,
    %swap3A_151 = arith.constant 6 : i32
    %swap3A_152 = arith.index_cast %swap3A_151 : i32 to index
    %swap3A_153 = arith.constant 16 : index
    %swap3A_154 = tpu.vector_load %arg10[%swap3A_152, %swap3A_153] {strides = array<i32>} : memref<16x64xf32, #tpu.memory_space<vmem>>, vector<1x16xf32>,
    %swap3A_155 = vector.shape_cast %swap3A_154 : vector<1x16xf32> to vector<16xf32>
    %swap3A_156 = vector.shape_cast %broadcast_in_dim3A_1 : vector<16xf32> to vector<1x16xf32>
    tpu.vector_store %arg10[%swap3A_152, %swap3A_153], %swap3A_156 {strides = array<i32>} : memref<16x64xf32, #tpu.memory_space<vmem>>, vector<1x16xf32>,
    %swap3A_157 = arith.constant 6 : i32
    %swap3A_158 = arith.index_cast %swap3A_157 : i32 to index
    %swap3A_159 = arith.constant 32 : index
    %swap3A_160 = tpu.vector_load %arg10[%swap3A_158, %swap3A_159] {strides = array<i32>} : memref<16x64xf32, #tpu.memory_space<vmem>>, vector<1x16xf32>,
    %swap3A_161 = vector.shape_cast %swap3A_160 : vector<1x16xf32> to vector<16xf32>
    %swap3A_162 = vector.shape_cast %broadcast_in_dim3A_1 : vector<16xf32> to vector<1x16xf32>
    tpu.vector_store %arg10[%swap3A_158, %swap3A_159], %swap3A_162 {strides = array<i32>} : memref<16x64xf32, #tpu.memory_space<vmem>>, vector<1x16xf32>,
    %swap3A_163 = arith.constant 6 : i32
    %swap3A_164 = arith.index_cast %swap3A_163 : i32 to index
    %swap3A_165 = arith.constant 48 : index
    %swap3A_166 = tpu.vector_load %arg10[%swap3A_164, %swap3A_165] {strides = array<i32>} : memref<16x64xf32, #tpu.memory_space<vmem>>, vector<1x16xf32>,
    %swap3A_167 = vector.shape_cast %swap3A_166 : vector<1x16xf32> to vector<16xf32>
    %swap3A_168 = vector.shape_cast %broadcast_in_dim3A_1 : vector<16xf32> to vector<1x16xf32>
    tpu.vector_store %arg10[%swap3A_164, %swap3A_165], %swap3A_168 {strides = array<i32>} : memref<16x64xf32, #tpu.memory_space<vmem>>, vector<1x16xf32>,
    %swap3A_169 = arith.constant 7 : i32
    %swap3A_170 = arith.index_cast %swap3A_169 : i32 to index
    %swap3A_171 = arith.constant 0 : index
    %swap3A_172 = tpu.vector_load %arg10[%swap3A_170, %swap3A_171] {strides = array<i32>} : memref<16x64xf32, #tpu.memory_space<vmem>>, vector<1x16xf32>,
    %swap3A_173 = vector.shape_cast %swap3A_172 : vector<1x16xf32> to vector<16xf32>
    %swap3A_174 = vector.shape_cast %broadcast_in_dim3A_1 : vector<16xf32> to vector<1x16xf32>
    tpu.vector_store %arg10[%swap3A_170, %swap3A_171], %swap3A_174 {strides = array<i32>} : memref<16x64xf32, #tpu.memory_space<vmem>>, vector<1x16xf32>,
    %swap3A_175 = arith.constant 7 : i32
    %swap3A_176 = arith.index_cast %swap3A_175 : i32 to index
    %swap3A_177 = arith.constant 16 : index
    %swap3A_178 = tpu.vector_load %arg10[%swap3A_176, %swap3A_177] {strides = array<i32>} : memref<16x64xf32, #tpu.memory_space<vmem>>, vector<1x16xf32>,
    %swap3A_179 = vector.shape_cast %swap3A_178 : vector<1x16xf32> to vector<16xf32>
    %swap3A_180 = vector.shape_cast %broadcast_in_dim3A_1 : vector<16xf32> to vector<1x16xf32>
    tpu.vector_store %arg10[%swap3A_176, %swap3A_177], %swap3A_180 {strides = array<i32>} : memref<16x64xf32, #tpu.memory_space<vmem>>, vector<1x16xf32>,
    %swap3A_181 = arith.constant 7 : i32
    %swap3A_182 = arith.index_cast %swap3A_181 : i32 to index
    %swap3A_183 = arith.constant 32 : index
    %swap3A_184 = tpu.vector_load %arg10[%swap3A_182, %swap3A_183] {strides = array<i32>} : memref<16x64xf32, #tpu.memory_space<vmem>>, vector<1x16xf32>,
    %swap3A_185 = vector.shape_cast %swap3A_184 : vector<1x16xf32> to vector<16xf32>
    %swap3A_186 = vector.shape_cast %broadcast_in_dim3A_1 : vector<16xf32> to vector<1x16xf32>
    tpu.vector_store %arg10[%swap3A_182, %swap3A_183], %swap3A_186 {strides = array<i32>} : memref<16x64xf32, #tpu.memory_space<vmem>>, vector<1x16xf32>,
    %swap3A_187 = arith.constant 7 : i32
    %swap3A_188 = arith.index_cast %swap3A_187 : i32 to index
    %swap3A_189 = arith.constant 48 : index
    %swap3A_190 = tpu.vector_load %arg10[%swap3A_188, %swap3A_189] {strides = array<i32>} : memref<16x64xf32, #tpu.memory_space<vmem>>, vector<1x16xf32>,
    %swap3A_191 = vector.shape_cast %swap3A_190 : vector<1x16xf32> to vector<16xf32>
    %swap3A_192 = vector.shape_cast %broadcast_in_dim3A_1 : vector<16xf32> to vector<1x16xf32>
    tpu.vector_store %arg10[%swap3A_188, %swap3A_189], %swap3A_192 {strides = array<i32>} : memref<16x64xf32, #tpu.memory_space<vmem>>, vector<1x16xf32>,
    %swap3A_193 = arith.constant 8 : i32
    %swap3A_194 = arith.index_cast %swap3A_193 : i32 to index
    %swap3A_195 = arith.constant 0 : index
    %swap3A_196 = tpu.vector_load %arg10[%swap3A_194, %swap3A_195] {strides = array<i32>} : memref<16x64xf32, #tpu.memory_space<vmem>>, vector<1x16xf32>,
    %swap3A_197 = vector.shape_cast %swap3A_196 : vector<1x16xf32> to vector<16xf32>
    %swap3A_198 = vector.shape_cast %broadcast_in_dim3A_1 : vector<16xf32> to vector<1x16xf32>
    tpu.vector_store %arg10[%swap3A_194, %swap3A_195], %swap3A_198 {strides = array<i32>} : memref<16x64xf32, #tpu.memory_space<vmem>>, vector<1x16xf32>,
    %swap3A_199 = arith.constant 8 : i32
    %swap3A_200 = arith.index_cast %swap3A_199 : i32 to index
    %swap3A_201 = arith.constant 16 : index
    %swap3A_202 = tpu.vector_load %arg10[%swap3A_200, %swap3A_201] {strides = array<i32>} : memref<16x64xf32, #tpu.memory_space<vmem>>, vector<1x16xf32>,
    %swap3A_203 = vector.shape_cast %swap3A_202 : vector<1x16xf32> to vector<16xf32>
    %swap3A_204 = vector.shape_cast %broadcast_in_dim3A_1 : vector<16xf32> to vector<1x16xf32>
    tpu.vector_store %arg10[%swap3A_200, %swap3A_201], %swap3A_204 {strides = array<i32>} : memref<16x64xf32, #tpu.memory_space<vmem>>, vector<1x16xf32>,
    %swap3A_205 = arith.constant 8 : i32
    %swap3A_206 = arith.index_cast %swap3A_205 : i32 to index
    %swap3A_207 = arith.constant 32 : index
    %swap3A_208 = tpu.vector_load %arg10[%swap3A_206, %swap3A_207] {strides = array<i32>} : memref<16x64xf32, #tpu.memory_space<vmem>>, vector<1x16xf32>,
    %swap3A_209 = vector.shape_cast %swap3A_208 : vector<1x16xf32> to vector<16xf32>
    %swap3A_210 = vector.shape_cast %broadcast_in_dim3A_1 : vector<16xf32> to vector<1x16xf32>
    tpu.vector_store %arg10[%swap3A_206, %swap3A_207], %swap3A_210 {strides = array<i32>} : memref<16x64xf32, #tpu.memory_space<vmem>>, vector<1x16xf32>,
    %swap3A_211 = arith.constant 8 : i32
    %swap3A_212 = arith.index_cast %swap3A_211 : i32 to index
    %swap3A_213 = arith.constant 48 : index
    %swap3A_214 = tpu.vector_load %arg10[%swap3A_212, %swap3A_213] {strides = array<i32>} : memref<16x64xf32, #tpu.memory_space<vmem>>, vector<1x16xf32>,
    %swap3A_215 = vector.shape_cast %swap3A_214 : vector<1x16xf32> to vector<16xf32>
    %swap3A_216 = vector.shape_cast %broadcast_in_dim3A_1 : vector<16xf32> to vector<1x16xf32>
    tpu.vector_store %arg10[%swap3A_212, %swap3A_213], %swap3A_216 {strides = array<i32>} : memref<16x64xf32, #tpu.memory_space<vmem>>, vector<1x16xf32>,
    %swap3A_217 = arith.constant 9 : i32
    %swap3A_218 = arith.index_cast %swap3A_217 : i32 to index
    %swap3A_219 = arith.constant 0 : index
    %swap3A_220 = tpu.vector_load %arg10[%swap3A_218, %swap3A_219] {strides = array<i32>} : memref<16x64xf32, #tpu.memory_space<vmem>>, vector<1x16xf32>,
    %swap3A_221 = vector.shape_cast %swap3A_220 : vector<1x16xf32> to vector<16xf32>
    %swap3A_222 = vector.shape_cast %broadcast_in_dim3A_1 : vector<16xf32> to vector<1x16xf32>
    tpu.vector_store %arg10[%swap3A_218, %swap3A_219], %swap3A_222 {strides = array<i32>} : memref<16x64xf32, #tpu.memory_space<vmem>>, vector<1x16xf32>,
    %swap3A_223 = arith.constant 9 : i32
    %swap3A_224 = arith.index_cast %swap3A_223 : i32 to index
    %swap3A_225 = arith.constant 16 : index
    %swap3A_226 = tpu.vector_load %arg10[%swap3A_224, %swap3A_225] {strides = array<i32>} : memref<16x64xf32, #tpu.memory_space<vmem>>, vector<1x16xf32>,
    %swap3A_227 = vector.shape_cast %swap3A_226 : vector<1x16xf32> to vector<16xf32>
    %swap3A_228 = vector.shape_cast %broadcast_in_dim3A_1 : vector<16xf32> to vector<1x16xf32>
    tpu.vector_store %arg10[%swap3A_224, %swap3A_225], %swap3A_228 {strides = array<i32>} : memref<16x64xf32, #tpu.memory_space<vmem>>, vector<1x16xf32>,
    %swap3A_229 = arith.constant 9 : i32
    %swap3A_230 = arith.index_cast %swap3A_229 : i32 to index
    %swap3A_231 = arith.constant 32 : index
    %swap3A_232 = tpu.vector_load %arg10[%swap3A_230, %swap3A_231] {strides = array<i32>} : memref<16x64xf32, #tpu.memory_space<vmem>>, vector<1x16xf32>,
    %swap3A_233 = vector.shape_cast %swap3A_232 : vector<1x16xf32> to vector<16xf32>
    %swap3A_234 = vector.shape_cast %broadcast_in_dim3A_1 : vector<16xf32> to vector<1x16xf32>
    tpu.vector_store %arg10[%swap3A_230, %swap3A_231], %swap3A_234 {strides = array<i32>} : memref<16x64xf32, #tpu.memory_space<vmem>>, vector<1x16xf32>,
    %swap3A_235 = arith.constant 9 : i32
    %swap3A_236 = arith.index_cast %swap3A_235 : i32 to index
    %swap3A_237 = arith.constant 48 : index
    %swap3A_238 = tpu.vector_load %arg10[%swap3A_236, %swap3A_237] {strides = array<i32>} : memref<16x64xf32, #tpu.memory_space<vmem>>, vector<1x16xf32>,
    %swap3A_239 = vector.shape_cast %swap3A_238 : vector<1x16xf32> to vector<16xf32>
    %swap3A_240 = vector.shape_cast %broadcast_in_dim3A_1 : vector<16xf32> to vector<1x16xf32>
    tpu.vector_store %arg10[%swap3A_236, %swap3A_237], %swap3A_240 {strides = array<i32>} : memref<16x64xf32, #tpu.memory_space<vmem>>, vector<1x16xf32>,
    %swap3A_241 = arith.constant 10 : i32
    %swap3A_242 = arith.index_cast %swap3A_241 : i32 to index
    %swap3A_243 = arith.constant 0 : index
    %swap3A_244 = tpu.vector_load %arg10[%swap3A_242, %swap3A_243] {strides = array<i32>} : memref<16x64xf32, #tpu.memory_space<vmem>>, vector<1x16xf32>,
    %swap3A_245 = vector.shape_cast %swap3A_244 : vector<1x16xf32> to vector<16xf32>
    %swap3A_246 = vector.shape_cast %broadcast_in_dim3A_1 : vector<16xf32> to vector<1x16xf32>
    tpu.vector_store %arg10[%swap3A_242, %swap3A_243], %swap3A_246 {strides = array<i32>} : memref<16x64xf32, #tpu.memory_space<vmem>>, vector<1x16xf32>,
    %swap3A_247 = arith.constant 10 : i32
    %swap3A_248 = arith.index_cast %swap3A_247 : i32 to index
    %swap3A_249 = arith.constant 16 : index
    %swap3A_250 = tpu.vector_load %arg10[%swap3A_248, %swap3A_249] {strides = array<i32>} : memref<16x64xf32, #tpu.memory_space<vmem>>, vector<1x16xf32>,
    %swap3A_251 = vector.shape_cast %swap3A_250 : vector<1x16xf32> to vector<16xf32>
    %swap3A_252 = vector.shape_cast %broadcast_in_dim3A_1 : vector<16xf32> to vector<1x16xf32>
    tpu.vector_store %arg10[%swap3A_248, %swap3A_249], %swap3A_252 {strides = array<i32>} : memref<16x64xf32, #tpu.memory_space<vmem>>, vector<1x16xf32>,
    %swap3A_253 = arith.constant 10 : i32
    %swap3A_254 = arith.index_cast %swap3A_253 : i32 to index
    %swap3A_255 = arith.constant 32 : index
    %swap3A_256 = tpu.vector_load %arg10[%swap3A_254, %swap3A_255] {strides = array<i32>} : memref<16x64xf32, #tpu.memory_space<vmem>>, vector<1x16xf32>,
    %swap3A_257 = vector.shape_cast %swap3A_256 : vector<1x16xf32> to vector<16xf32>
    %swap3A_258 = vector.shape_cast %broadcast_in_dim3A_1 : vector<16xf32> to vector<1x16xf32>
    tpu.vector_store %arg10[%swap3A_254, %swap3A_255], %swap3A_258 {strides = array<i32>} : memref<16x64xf32, #tpu.memory_space<vmem>>, vector<1x16xf32>,
    %swap3A_259 = arith.constant 10 : i32
    %swap3A_260 = arith.index_cast %swap3A_259 : i32 to index
    %swap3A_261 = arith.constant 48 : index
    %swap3A_262 = tpu.vector_load %arg10[%swap3A_260, %swap3A_261] {strides = array<i32>} : memref<16x64xf32, #tpu.memory_space<vmem>>, vector<1x16xf32>,
    %swap3A_263 = vector.shape_cast %swap3A_262 : vector<1x16xf32> to vector<16xf32>
    %swap3A_264 = vector.shape_cast %broadcast_in_dim3A_1 : vector<16xf32> to vector<1x16xf32>
    tpu.vector_store %arg10[%swap3A_260, %swap3A_261], %swap3A_264 {strides = array<i32>} : memref<16x64xf32, #tpu.memory_space<vmem>>, vector<1x16xf32>,
    %swap3A_265 = arith.constant 11 : i32
    %swap3A_266 = arith.index_cast %swap3A_265 : i32 to index
    %swap3A_267 = arith.constant 0 : index
    %swap3A_268 = tpu.vector_load %arg10[%swap3A_266, %swap3A_267] {strides = array<i32>} : memref<16x64xf32, #tpu.memory_space<vmem>>, vector<1x16xf32>,
    %swap3A_269 = vector.shape_cast %swap3A_268 : vector<1x16xf32> to vector<16xf32>
    %swap3A_270 = vector.shape_cast %broadcast_in_dim3A_1 : vector<16xf32> to vector<1x16xf32>
    tpu.vector_store %arg10[%swap3A_266, %swap3A_267], %swap3A_270 {strides = array<i32>} : memref<16x64xf32, #tpu.memory_space<vmem>>, vector<1x16xf32>,
    %swap3A_271 = arith.constant 11 : i32
    %swap3A_272 = arith.index_cast %swap3A_271 : i32 to index
    %swap3A_273 = arith.constant 16 : index
    %swap3A_274 = tpu.vector_load %arg10[%swap3A_272, %swap3A_273] {strides = array<i32>} : memref<16x64xf32, #tpu.memory_space<vmem>>, vector<1x16xf32>,
    %swap3A_275 = vector.shape_cast %swap3A_274 : vector<1x16xf32> to vector<16xf32>
    %swap3A_276 = vector.shape_cast %broadcast_in_dim3A_1 : vector<16xf32> to vector<1x16xf32>
    tpu.vector_store %arg10[%swap3A_272, %swap3A_273], %swap3A_276 {strides = array<i32>} : memref<16x64xf32, #tpu.memory_space<vmem>>, vector<1x16xf32>,
    %swap3A_277 = arith.constant 11 : i32
    %swap3A_278 = arith.index_cast %swap3A_277 : i32 to index
    %swap3A_279 = arith.constant 32 : index
    %swap3A_280 = tpu.vector_load %arg10[%swap3A_278, %swap3A_279] {strides = array<i32>} : memref<16x64xf32, #tpu.memory_space<vmem>>, vector<1x16xf32>,
    %swap3A_281 = vector.shape_cast %swap3A_280 : vector<1x16xf32> to vector<16xf32>
    %swap3A_282 = vector.shape_cast %broadcast_in_dim3A_1 : vector<16xf32> to vector<1x16xf32>
    tpu.vector_store %arg10[%swap3A_278, %swap3A_279], %swap3A_282 {strides = array<i32>} : memref<16x64xf32, #tpu.memory_space<vmem>>, vector<1x16xf32>,
    %swap3A_283 = arith.constant 11 : i32
    %swap3A_284 = arith.index_cast %swap3A_283 : i32 to index
    %swap3A_285 = arith.constant 48 : index
    %swap3A_286 = tpu.vector_load %arg10[%swap3A_284, %swap3A_285] {strides = array<i32>} : memref<16x64xf32, #tpu.memory_space<vmem>>, vector<1x16xf32>,
    %swap3A_287 = vector.shape_cast %swap3A_286 : vector<1x16xf32> to vector<16xf32>
    %swap3A_288 = vector.shape_cast %broadcast_in_dim3A_1 : vector<16xf32> to vector<1x16xf32>
    tpu.vector_store %arg10[%swap3A_284, %swap3A_285], %swap3A_288 {strides = array<i32>} : memref<16x64xf32, #tpu.memory_space<vmem>>, vector<1x16xf32>,
    %swap3A_289 = arith.constant 12 : i32
    %swap3A_290 = arith.index_cast %swap3A_289 : i32 to index
    %swap3A_291 = arith.constant 0 : index
    %swap3A_292 = tpu.vector_load %arg10[%swap3A_290, %swap3A_291] {strides = array<i32>} : memref<16x64xf32, #tpu.memory_space<vmem>>, vector<1x16xf32>,
    %swap3A_293 = vector.shape_cast %swap3A_292 : vector<1x16xf32> to vector<16xf32>
    %swap3A_294 = vector.shape_cast %broadcast_in_dim3A_1 : vector<16xf32> to vector<1x16xf32>
    tpu.vector_store %arg10[%swap3A_290, %swap3A_291], %swap3A_294 {strides = array<i32>} : memref<16x64xf32, #tpu.memory_space<vmem>>, vector<1x16xf32>,
    %swap3A_295 = arith.constant 12 : i32
    %swap3A_296 = arith.index_cast %swap3A_295 : i32 to index
    %swap3A_297 = arith.constant 16 : index
    %swap3A_298 = tpu.vector_load %arg10[%swap3A_296, %swap3A_297] {strides = array<i32>} : memref<16x64xf32, #tpu.memory_space<vmem>>, vector<1x16xf32>,
    %swap3A_299 = vector.shape_cast %swap3A_298 : vector<1x16xf32> to vector<16xf32>
    %swap3A_300 = vector.shape_cast %broadcast_in_dim3A_1 : vector<16xf32> to vector<1x16xf32>
    tpu.vector_store %arg10[%swap3A_296, %swap3A_297], %swap3A_300 {strides = array<i32>} : memref<16x64xf32, #tpu.memory_space<vmem>>, vector<1x16xf32>,
    %swap3A_301 = arith.constant 12 : i32
    %swap3A_302 = arith.index_cast %swap3A_301 : i32 to index
    %swap3A_303 = arith.constant 32 : index
    %swap3A_304 = tpu.vector_load %arg10[%swap3A_302, %swap3A_303] {strides = array<i32>} : memref<16x64xf32, #tpu.memory_space<vmem>>, vector<1x16xf32>,
    %swap3A_305 = vector.shape_cast %swap3A_304 : vector<1x16xf32> to vector<16xf32>
    %swap3A_306 = vector.shape_cast %broadcast_in_dim3A_1 : vector<16xf32> to vector<1x16xf32>
    tpu.vector_store %arg10[%swap3A_302, %swap3A_303], %swap3A_306 {strides = array<i32>} : memref<16x64xf32, #tpu.memory_space<vmem>>, vector<1x16xf32>,
    %swap3A_307 = arith.constant 12 : i32
    %swap3A_308 = arith.index_cast %swap3A_307 : i32 to index
    %swap3A_309 = arith.constant 48 : index
    %swap3A_310 = tpu.vector_load %arg10[%swap3A_308, %swap3A_309] {strides = array<i32>} : memref<16x64xf32, #tpu.memory_space<vmem>>, vector<1x16xf32>,
    %swap3A_311 = vector.shape_cast %swap3A_310 : vector<1x16xf32> to vector<16xf32>
    %swap3A_312 = vector.shape_cast %broadcast_in_dim3A_1 : vector<16xf32> to vector<1x16xf32>
    tpu.vector_store %arg10[%swap3A_308, %swap3A_309], %swap3A_312 {strides = array<i32>} : memref<16x64xf32, #tpu.memory_space<vmem>>, vector<1x16xf32>,
    %swap3A_313 = arith.constant 13 : i32
    %swap3A_314 = arith.index_cast %swap3A_313 : i32 to index
    %swap3A_315 = arith.constant 0 : index
    %swap3A_316 = tpu.vector_load %arg10[%swap3A_314, %swap3A_315] {strides = array<i32>} : memref<16x64xf32, #tpu.memory_space<vmem>>, vector<1x16xf32>,
    %swap3A_317 = vector.shape_cast %swap3A_316 : vector<1x16xf32> to vector<16xf32>
    %swap3A_318 = vector.shape_cast %broadcast_in_dim3A_1 : vector<16xf32> to vector<1x16xf32>
    tpu.vector_store %arg10[%swap3A_314, %swap3A_315], %swap3A_318 {strides = array<i32>} : memref<16x64xf32, #tpu.memory_space<vmem>>, vector<1x16xf32>,
    %swap3A_319 = arith.constant 13 : i32
    %swap3A_320 = arith.index_cast %swap3A_319 : i32 to index
    %swap3A_321 = arith.constant 16 : index
    %swap3A_322 = tpu.vector_load %arg10[%swap3A_320, %swap3A_321] {strides = array<i32>} : memref<16x64xf32, #tpu.memory_space<vmem>>, vector<1x16xf32>,
    %swap3A_323 = vector.shape_cast %swap3A_322 : vector<1x16xf32> to vector<16xf32>
    %swap3A_324 = vector.shape_cast %broadcast_in_dim3A_1 : vector<16xf32> to vector<1x16xf32>
    tpu.vector_store %arg10[%swap3A_320, %swap3A_321], %swap3A_324 {strides = array<i32>} : memref<16x64xf32, #tpu.memory_space<vmem>>, vector<1x16xf32>,
    %swap3A_325 = arith.constant 13 : i32
    %swap3A_326 = arith.index_cast %swap3A_325 : i32 to index
    %swap3A_327 = arith.constant 32 : index
    %swap3A_328 = tpu.vector_load %arg10[%swap3A_326, %swap3A_327] {strides = array<i32>} : memref<16x64xf32, #tpu.memory_space<vmem>>, vector<1x16xf32>,
    %swap3A_329 = vector.shape_cast %swap3A_328 : vector<1x16xf32> to vector<16xf32>
    %swap3A_330 = vector.shape_cast %broadcast_in_dim3A_1 : vector<16xf32> to vector<1x16xf32>
    tpu.vector_store %arg10[%swap3A_326, %swap3A_327], %swap3A_330 {strides = array<i32>} : memref<16x64xf32, #tpu.memory_space<vmem>>, vector<1x16xf32>,
    %swap3A_331 = arith.constant 13 : i32
    %swap3A_332 = arith.index_cast %swap3A_331 : i32 to index
    %swap3A_333 = arith.constant 48 : index
    %swap3A_334 = tpu.vector_load %arg10[%swap3A_332, %swap3A_333] {strides = array<i32>} : memref<16x64xf32, #tpu.memory_space<vmem>>, vector<1x16xf32>,
    %swap3A_335 = vector.shape_cast %swap3A_334 : vector<1x16xf32> to vector<16xf32>
    %swap3A_336 = vector.shape_cast %broadcast_in_dim3A_1 : vector<16xf32> to vector<1x16xf32>
    tpu.vector_store %arg10[%swap3A_332, %swap3A_333], %swap3A_336 {strides = array<i32>} : memref<16x64xf32, #tpu.memory_space<vmem>>, vector<1x16xf32>,
    %swap3A_337 = arith.constant 14 : i32
    %swap3A_338 = arith.index_cast %swap3A_337 : i32 to index
    %swap3A_339 = arith.constant 0 : index
    %swap3A_340 = tpu.vector_load %arg10[%swap3A_338, %swap3A_339] {strides = array<i32>} : memref<16x64xf32, #tpu.memory_space<vmem>>, vector<1x16xf32>,
    %swap3A_341 = vector.shape_cast %swap3A_340 : vector<1x16xf32> to vector<16xf32>
    %swap3A_342 = vector.shape_cast %broadcast_in_dim3A_1 : vector<16xf32> to vector<1x16xf32>
    tpu.vector_store %arg10[%swap3A_338, %swap3A_339], %swap3A_342 {strides = array<i32>} : memref<16x64xf32, #tpu.memory_space<vmem>>, vector<1x16xf32>,
    %swap3A_343 = arith.constant 14 : i32
    %swap3A_344 = arith.index_cast %swap3A_343 : i32 to index
    %swap3A_345 = arith.constant 16 : index
    %swap3A_346 = tpu.vector_load %arg10[%swap3A_344, %swap3A_345] {strides = array<i32>} : memref<16x64xf32, #tpu.memory_space<vmem>>, vector<1x16xf32>,
    %swap3A_347 = vector.shape_cast %swap3A_346 : vector<1x16xf32> to vector<16xf32>
    %swap3A_348 = vector.shape_cast %broadcast_in_dim3A_1 : vector<16xf32> to vector<1x16xf32>
    tpu.vector_store %arg10[%swap3A_344, %swap3A_345], %swap3A_348 {strides = array<i32>} : memref<16x64xf32, #tpu.memory_space<vmem>>, vector<1x16xf32>,
    %swap3A_349 = arith.constant 14 : i32
    %swap3A_350 = arith.index_cast %swap3A_349 : i32 to index
    %swap3A_351 = arith.constant 32 : index
    %swap3A_352 = tpu.vector_load %arg10[%swap3A_350, %swap3A_351] {strides = array<i32>} : memref<16x64xf32, #tpu.memory_space<vmem>>, vector<1x16xf32>,
    %swap3A_353 = vector.shape_cast %swap3A_352 : vector<1x16xf32> to vector<16xf32>
    %swap3A_354 = vector.shape_cast %broadcast_in_dim3A_1 : vector<16xf32> to vector<1x16xf32>
    tpu.vector_store %arg10[%swap3A_350, %swap3A_351], %swap3A_354 {strides = array<i32>} : memref<16x64xf32, #tpu.memory_space<vmem>>, vector<1x16xf32>,
    %swap3A_355 = arith.constant 14 : i32
    %swap3A_356 = arith.index_cast %swap3A_355 : i32 to index
    %swap3A_357 = arith.constant 48 : index
    %swap3A_358 = tpu.vector_load %arg10[%swap3A_356, %swap3A_357] {strides = array<i32>} : memref<16x64xf32, #tpu.memory_space<vmem>>, vector<1x16xf32>,
    %swap3A_359 = vector.shape_cast %swap3A_358 : vector<1x16xf32> to vector<16xf32>
    %swap3A_360 = vector.shape_cast %broadcast_in_dim3A_1 : vector<16xf32> to vector<1x16xf32>
    tpu.vector_store %arg10[%swap3A_356, %swap3A_357], %swap3A_360 {strides = array<i32>} : memref<16x64xf32, #tpu.memory_space<vmem>>, vector<1x16xf32>,
    %swap3A_361 = arith.constant 15 : i32
    %swap3A_362 = arith.index_cast %swap3A_361 : i32 to index
    %swap3A_363 = arith.constant 0 : index
    %swap3A_364 = tpu.vector_load %arg10[%swap3A_362, %swap3A_363] {strides = array<i32>} : memref<16x64xf32, #tpu.memory_space<vmem>>, vector<1x16xf32>,
    %swap3A_365 = vector.shape_cast %swap3A_364 : vector<1x16xf32> to vector<16xf32>
    %swap3A_366 = vector.shape_cast %broadcast_in_dim3A_1 : vector<16xf32> to vector<1x16xf32>
    tpu.vector_store %arg10[%swap3A_362, %swap3A_363], %swap3A_366 {strides = array<i32>} : memref<16x64xf32, #tpu.memory_space<vmem>>, vector<1x16xf32>,
    %swap3A_367 = arith.constant 15 : i32
    %swap3A_368 = arith.index_cast %swap3A_367 : i32 to index
    %swap3A_369 = arith.constant 16 : index
    %swap3A_370 = tpu.vector_load %arg10[%swap3A_368, %swap3A_369] {strides = array<i32>} : memref<16x64xf32, #tpu.memory_space<vmem>>, vector<1x16xf32>,
    %swap3A_371 = vector.shape_cast %swap3A_370 : vector<1x16xf32> to vector<16xf32>
    %swap3A_372 = vector.shape_cast %broadcast_in_dim3A_1 : vector<16xf32> to vector<1x16xf32>
    tpu.vector_store %arg10[%swap3A_368, %swap3A_369], %swap3A_372 {strides = array<i32>} : memref<16x64xf32, #tpu.memory_space<vmem>>, vector<1x16xf32>,
    %swap3A_373 = arith.constant 15 : i32
    %swap3A_374 = arith.index_cast %swap3A_373 : i32 to index
    %swap3A_375 = arith.constant 32 : index
    %swap3A_376 = tpu.vector_load %arg10[%swap3A_374, %swap3A_375] {strides = array<i32>} : memref<16x64xf32, #tpu.memory_space<vmem>>, vector<1x16xf32>,
    %swap3A_377 = vector.shape_cast %swap3A_376 : vector<1x16xf32> to vector<16xf32>
    %swap3A_378 = vector.shape_cast %broadcast_in_dim3A_1 : vector<16xf32> to vector<1x16xf32>
    tpu.vector_store %arg10[%swap3A_374, %swap3A_375], %swap3A_378 {strides = array<i32>} : memref<16x64xf32, #tpu.memory_space<vmem>>, vector<1x16xf32>,
    %swap3A_379 = arith.constant 15 : i32
    %swap3A_380 = arith.index_cast %swap3A_379 : i32 to index
    %swap3A_381 = arith.constant 48 : index
    %swap3A_382 = tpu.vector_load %arg10[%swap3A_380, %swap3A_381] {strides = array<i32>} : memref<16x64xf32, #tpu.memory_space<vmem>>, vector<1x16xf32>,
    %swap3A_383 = vector.shape_cast %swap3A_382 : vector<1x16xf32> to vector<16xf32>
    %swap3A_384 = vector.shape_cast %broadcast_in_dim3A_1 : vector<16xf32> to vector<1x16xf32>
    tpu.vector_store %arg10[%swap3A_380, %swap3A_381], %swap3A_384 {strides = array<i32>} : memref<16x64xf32, #tpu.memory_space<vmem>>, vector<1x16xf32>,
    %swap3A_385 = arith.constant 0 : index
    %swap3A_386 = tpu.vector_load %arg14[%swap3A_385] {strides = array<i32>} : memref<640xf32, #tpu.memory_space<vmem>>, vector<16xf32>,
    %swap3A_387 = vector.shape_cast %swap3A_386 : vector<16xf32> to vector<16xf32>
    %swap3A_388 = vector.shape_cast %broadcast_in_dim3A_1 : vector<16xf32> to vector<16xf32>
    tpu.vector_store %arg14[%swap3A_385], %swap3A_388 {strides = array<i32>} : memref<640xf32, #tpu.memory_space<vmem>>, vector<16xf32>,
    %swap3A_389 = arith.constant 16 : index
    %swap3A_390 = tpu.vector_load %arg14[%swap3A_389] {strides = array<i32>} : memref<640xf32, #tpu.memory_space<vmem>>, vector<16xf32>,
    %swap3A_391 = vector.shape_cast %swap3A_390 : vector<16xf32> to vector<16xf32>
    %swap3A_392 = vector.shape_cast %broadcast_in_dim3A_1 : vector<16xf32> to vector<16xf32>
    tpu.vector_store %arg14[%swap3A_389], %swap3A_392 {strides = array<i32>} : memref<640xf32, #tpu.memory_space<vmem>>, vector<16xf32>,
    %swap3A_393 = arith.constant 32 : index
    %swap3A_394 = tpu.vector_load %arg14[%swap3A_393] {strides = array<i32>} : memref<640xf32, #tpu.memory_space<vmem>>, vector<16xf32>,
    %swap3A_395 = vector.shape_cast %swap3A_394 : vector<16xf32> to vector<16xf32>
    %swap3A_396 = vector.shape_cast %broadcast_in_dim3A_1 : vector<16xf32> to vector<16xf32>
    tpu.vector_store %arg14[%swap3A_393], %swap3A_396 {strides = array<i32>} : memref<640xf32, #tpu.memory_space<vmem>>, vector<16xf32>,
    %swap3A_397 = arith.constant 48 : index
    %swap3A_398 = tpu.vector_load %arg14[%swap3A_397] {strides = array<i32>} : memref<640xf32, #tpu.memory_space<vmem>>, vector<16xf32>,
    %swap3A_399 = vector.shape_cast %swap3A_398 : vector<16xf32> to vector<16xf32>
    %swap3A_400 = vector.shape_cast %broadcast_in_dim3A_1 : vector<16xf32> to vector<16xf32>
    tpu.vector_store %arg14[%swap3A_397], %swap3A_400 {strides = array<i32>} : memref<640xf32, #tpu.memory_space<vmem>>, vector<16xf32>,
    %swap3A_401 = arith.constant 64 : index
    %swap3A_402 = tpu.vector_load %arg14[%swap3A_401] {strides = array<i32>} : memref<640xf32, #tpu.memory_space<vmem>>, vector<16xf32>,
    %swap3A_403 = vector.shape_cast %swap3A_402 : vector<16xf32> to vector<16xf32>
    %swap3A_404 = vector.shape_cast %broadcast_in_dim3A_1 : vector<16xf32> to vector<16xf32>
    tpu.vector_store %arg14[%swap3A_401], %swap3A_404 {strides = array<i32>} : memref<640xf32, #tpu.memory_space<vmem>>, vector<16xf32>,
    %swap3A_405 = arith.constant 80 : index
    %swap3A_406 = tpu.vector_load %arg14[%swap3A_405] {strides = array<i32>} : memref<640xf32, #tpu.memory_space<vmem>>, vector<16xf32>,
    %swap3A_407 = vector.shape_cast %swap3A_406 : vector<16xf32> to vector<16xf32>
    %swap3A_408 = vector.shape_cast %broadcast_in_dim3A_1 : vector<16xf32> to vector<16xf32>
    tpu.vector_store %arg14[%swap3A_405], %swap3A_408 {strides = array<i32>} : memref<640xf32, #tpu.memory_space<vmem>>, vector<16xf32>,
    %swap3A_409 = arith.constant 96 : index
    %swap3A_410 = tpu.vector_load %arg14[%swap3A_409] {strides = array<i32>} : memref<640xf32, #tpu.memory_space<vmem>>, vector<16xf32>,
    %swap3A_411 = vector.shape_cast %swap3A_410 : vector<16xf32> to vector<16xf32>
    %swap3A_412 = vector.shape_cast %broadcast_in_dim3A_1 : vector<16xf32> to vector<16xf32>
    tpu.vector_store %arg14[%swap3A_409], %swap3A_412 {strides = array<i32>} : memref<640xf32, #tpu.memory_space<vmem>>, vector<16xf32>,
    %swap3A_413 = arith.constant 112 : index
    %swap3A_414 = tpu.vector_load %arg14[%swap3A_413] {strides = array<i32>} : memref<640xf32, #tpu.memory_space<vmem>>, vector<16xf32>,
    %swap3A_415 = vector.shape_cast %swap3A_414 : vector<16xf32> to vector<16xf32>
    %swap3A_416 = vector.shape_cast %broadcast_in_dim3A_1 : vector<16xf32> to vector<16xf32>
    tpu.vector_store %arg14[%swap3A_413], %swap3A_416 {strides = array<i32>} : memref<640xf32, #tpu.memory_space<vmem>>, vector<16xf32>,
    %swap3A_417 = arith.constant 128 : index
    %swap3A_418 = tpu.vector_load %arg14[%swap3A_417] {strides = array<i32>} : memref<640xf32, #tpu.memory_space<vmem>>, vector<16xf32>,
    %swap3A_419 = vector.shape_cast %swap3A_418 : vector<16xf32> to vector<16xf32>
    %swap3A_420 = vector.shape_cast %broadcast_in_dim3A_1 : vector<16xf32> to vector<16xf32>
    tpu.vector_store %arg14[%swap3A_417], %swap3A_420 {strides = array<i32>} : memref<640xf32, #tpu.memory_space<vmem>>, vector<16xf32>,
    %swap3A_421 = arith.constant 144 : index
    %swap3A_422 = tpu.vector_load %arg14[%swap3A_421] {strides = array<i32>} : memref<640xf32, #tpu.memory_space<vmem>>, vector<16xf32>,
    %swap3A_423 = vector.shape_cast %swap3A_422 : vector<16xf32> to vector<16xf32>
    %swap3A_424 = vector.shape_cast %broadcast_in_dim3A_1 : vector<16xf32> to vector<16xf32>
    tpu.vector_store %arg14[%swap3A_421], %swap3A_424 {strides = array<i32>} : memref<640xf32, #tpu.memory_space<vmem>>, vector<16xf32>,
    %swap3A_425 = arith.constant 160 : index
    %swap3A_426 = tpu.vector_load %arg14[%swap3A_425] {strides = array<i32>} : memref<640xf32, #tpu.memory_space<vmem>>, vector<16xf32>,
    %swap3A_427 = vector.shape_cast %swap3A_426 : vector<16xf32> to vector<16xf32>
    %swap3A_428 = vector.shape_cast %broadcast_in_dim3A_1 : vector<16xf32> to vector<16xf32>
    tpu.vector_store %arg14[%swap3A_425], %swap3A_428 {strides = array<i32>} : memref<640xf32, #tpu.memory_space<vmem>>, vector<16xf32>,
    %swap3A_429 = arith.constant 176 : index
    %swap3A_430 = tpu.vector_load %arg14[%swap3A_429] {strides = array<i32>} : memref<640xf32, #tpu.memory_space<vmem>>, vector<16xf32>,
    %swap3A_431 = vector.shape_cast %swap3A_430 : vector<16xf32> to vector<16xf32>
    %swap3A_432 = vector.shape_cast %broadcast_in_dim3A_1 : vector<16xf32> to vector<16xf32>
    tpu.vector_store %arg14[%swap3A_429], %swap3A_432 {strides = array<i32>} : memref<640xf32, #tpu.memory_space<vmem>>, vector<16xf32>,
    %swap3A_433 = arith.constant 192 : index
    %swap3A_434 = tpu.vector_load %arg14[%swap3A_433] {strides = array<i32>} : memref<640xf32, #tpu.memory_space<vmem>>, vector<16xf32>,
    %swap3A_435 = vector.shape_cast %swap3A_434 : vector<16xf32> to vector<16xf32>
    %swap3A_436 = vector.shape_cast %broadcast_in_dim3A_1 : vector<16xf32> to vector<16xf32>
    tpu.vector_store %arg14[%swap3A_433], %swap3A_436 {strides = array<i32>} : memref<640xf32, #tpu.memory_space<vmem>>, vector<16xf32>,
    %swap3A_437 = arith.constant 208 : index
    %swap3A_438 = tpu.vector_load %arg14[%swap3A_437] {strides = array<i32>} : memref<640xf32, #tpu.memory_space<vmem>>, vector<16xf32>,
    %swap3A_439 = vector.shape_cast %swap3A_438 : vector<16xf32> to vector<16xf32>
    %swap3A_440 = vector.shape_cast %broadcast_in_dim3A_1 : vector<16xf32> to vector<16xf32>
    tpu.vector_store %arg14[%swap3A_437], %swap3A_440 {strides = array<i32>} : memref<640xf32, #tpu.memory_space<vmem>>, vector<16xf32>,
    %swap3A_441 = arith.constant 224 : index
    %swap3A_442 = tpu.vector_load %arg14[%swap3A_441] {strides = array<i32>} : memref<640xf32, #tpu.memory_space<vmem>>, vector<16xf32>,
    %swap3A_443 = vector.shape_cast %swap3A_442 : vector<16xf32> to vector<16xf32>
    %swap3A_444 = vector.shape_cast %broadcast_in_dim3A_1 : vector<16xf32> to vector<16xf32>
    tpu.vector_store %arg14[%swap3A_441], %swap3A_444 {strides = array<i32>} : memref<640xf32, #tpu.memory_space<vmem>>, vector<16xf32>,
    %swap3A_445 = arith.constant 240 : index
    %swap3A_446 = tpu.vector_load %arg14[%swap3A_445] {strides = array<i32>} : memref<640xf32, #tpu.memory_space<vmem>>, vector<16xf32>,
    %swap3A_447 = vector.shape_cast %swap3A_446 : vector<16xf32> to vector<16xf32>
    %swap3A_448 = vector.shape_cast %broadcast_in_dim3A_1 : vector<16xf32> to vector<16xf32>
    tpu.vector_store %arg14[%swap3A_445], %swap3A_448 {strides = array<i32>} : memref<640xf32, #tpu.memory_space<vmem>>, vector<16xf32>,
    %swap3A_449 = arith.constant 256 : index
    %swap3A_450 = tpu.vector_load %arg14[%swap3A_449] {strides = array<i32>} : memref<640xf32, #tpu.memory_space<vmem>>, vector<16xf32>,
    %swap3A_451 = vector.shape_cast %swap3A_450 : vector<16xf32> to vector<16xf32>
    %swap3A_452 = vector.shape_cast %broadcast_in_dim3A_1 : vector<16xf32> to vector<16xf32>
    tpu.vector_store %arg14[%swap3A_449], %swap3A_452 {strides = array<i32>} : memref<640xf32, #tpu.memory_space<vmem>>, vector<16xf32>,
    %swap3A_453 = arith.constant 272 : index
    %swap3A_454 = tpu.vector_load %arg14[%swap3A_453] {strides = array<i32>} : memref<640xf32, #tpu.memory_space<vmem>>, vector<16xf32>,
    %swap3A_455 = vector.shape_cast %swap3A_454 : vector<16xf32> to vector<16xf32>
    %swap3A_456 = vector.shape_cast %broadcast_in_dim3A_1 : vector<16xf32> to vector<16xf32>
    tpu.vector_store %arg14[%swap3A_453], %swap3A_456 {strides = array<i32>} : memref<640xf32, #tpu.memory_space<vmem>>, vector<16xf32>,
    %swap3A_457 = arith.constant 288 : index
    %swap3A_458 = tpu.vector_load %arg14[%swap3A_457] {strides = array<i32>} : memref<640xf32, #tpu.memory_space<vmem>>, vector<16xf32>,
    %swap3A_459 = vector.shape_cast %swap3A_458 : vector<16xf32> to vector<16xf32>
    %swap3A_460 = vector.shape_cast %broadcast_in_dim3A_1 : vector<16xf32> to vector<16xf32>
    tpu.vector_store %arg14[%swap3A_457], %swap3A_460 {strides = array<i32>} : memref<640xf32, #tpu.memory_space<vmem>>, vector<16xf32>,
    %swap3A_461 = arith.constant 304 : index
    %swap3A_462 = tpu.vector_load %arg14[%swap3A_461] {strides = array<i32>} : memref<640xf32, #tpu.memory_space<vmem>>, vector<16xf32>,
    %swap3A_463 = vector.shape_cast %swap3A_462 : vector<16xf32> to vector<16xf32>
    %swap3A_464 = vector.shape_cast %broadcast_in_dim3A_1 : vector<16xf32> to vector<16xf32>
    tpu.vector_store %arg14[%swap3A_461], %swap3A_464 {strides = array<i32>} : memref<640xf32, #tpu.memory_space<vmem>>, vector<16xf32>,
    %swap3A_465 = arith.constant 320 : index
    %swap3A_466 = tpu.vector_load %arg14[%swap3A_465] {strides = array<i32>} : memref<640xf32, #tpu.memory_space<vmem>>, vector<16xf32>,
    %swap3A_467 = vector.shape_cast %swap3A_466 : vector<16xf32> to vector<16xf32>
    %swap3A_468 = vector.shape_cast %broadcast_in_dim3A_1 : vector<16xf32> to vector<16xf32>
    tpu.vector_store %arg14[%swap3A_465], %swap3A_468 {strides = array<i32>} : memref<640xf32, #tpu.memory_space<vmem>>, vector<16xf32>,
    %swap3A_469 = arith.constant 336 : index
    %swap3A_470 = tpu.vector_load %arg14[%swap3A_469] {strides = array<i32>} : memref<640xf32, #tpu.memory_space<vmem>>, vector<16xf32>,
    %swap3A_471 = vector.shape_cast %swap3A_470 : vector<16xf32> to vector<16xf32>
    %swap3A_472 = vector.shape_cast %broadcast_in_dim3A_1 : vector<16xf32> to vector<16xf32>
    tpu.vector_store %arg14[%swap3A_469], %swap3A_472 {strides = array<i32>} : memref<640xf32, #tpu.memory_space<vmem>>, vector<16xf32>,
    %swap3A_473 = arith.constant 352 : index
    %swap3A_474 = tpu.vector_load %arg14[%swap3A_473] {strides = array<i32>} : memref<640xf32, #tpu.memory_space<vmem>>, vector<16xf32>,
    %swap3A_475 = vector.shape_cast %swap3A_474 : vector<16xf32> to vector<16xf32>
    %swap3A_476 = vector.shape_cast %broadcast_in_dim3A_1 : vector<16xf32> to vector<16xf32>
    tpu.vector_store %arg14[%swap3A_473], %swap3A_476 {strides = array<i32>} : memref<640xf32, #tpu.memory_space<vmem>>, vector<16xf32>,
    %swap3A_477 = arith.constant 368 : index
    %swap3A_478 = tpu.vector_load %arg14[%swap3A_477] {strides = array<i32>} : memref<640xf32, #tpu.memory_space<vmem>>, vector<16xf32>,
    %swap3A_479 = vector.shape_cast %swap3A_478 : vector<16xf32> to vector<16xf32>
    %swap3A_480 = vector.shape_cast %broadcast_in_dim3A_1 : vector<16xf32> to vector<16xf32>
    tpu.vector_store %arg14[%swap3A_477], %swap3A_480 {strides = array<i32>} : memref<640xf32, #tpu.memory_space<vmem>>, vector<16xf32>,
    %swap3A_481 = arith.constant 384 : index
    %swap3A_482 = tpu.vector_load %arg14[%swap3A_481] {strides = array<i32>} : memref<640xf32, #tpu.memory_space<vmem>>, vector<16xf32>,
    %swap3A_483 = vector.shape_cast %swap3A_482 : vector<16xf32> to vector<16xf32>
    %swap3A_484 = vector.shape_cast %broadcast_in_dim3A_1 : vector<16xf32> to vector<16xf32>
    tpu.vector_store %arg14[%swap3A_481], %swap3A_484 {strides = array<i32>} : memref<640xf32, #tpu.memory_space<vmem>>, vector<16xf32>,
    %swap3A_485 = arith.constant 400 : index
    %swap3A_486 = tpu.vector_load %arg14[%swap3A_485] {strides = array<i32>} : memref<640xf32, #tpu.memory_space<vmem>>, vector<16xf32>,
    %swap3A_487 = vector.shape_cast %swap3A_486 : vector<16xf32> to vector<16xf32>
    %swap3A_488 = vector.shape_cast %broadcast_in_dim3A_1 : vector<16xf32> to vector<16xf32>
    tpu.vector_store %arg14[%swap3A_485], %swap3A_488 {strides = array<i32>} : memref<640xf32, #tpu.memory_space<vmem>>, vector<16xf32>,
    %swap3A_489 = arith.constant 416 : index
    %swap3A_490 = tpu.vector_load %arg14[%swap3A_489] {strides = array<i32>} : memref<640xf32, #tpu.memory_space<vmem>>, vector<16xf32>,
    %swap3A_491 = vector.shape_cast %swap3A_490 : vector<16xf32> to vector<16xf32>
    %swap3A_492 = vector.shape_cast %broadcast_in_dim3A_1 : vector<16xf32> to vector<16xf32>
    tpu.vector_store %arg14[%swap3A_489], %swap3A_492 {strides = array<i32>} : memref<640xf32, #tpu.memory_space<vmem>>, vector<16xf32>,
    %swap3A_493 = arith.constant 432 : index
    %swap3A_494 = tpu.vector_load %arg14[%swap3A_493] {strides = array<i32>} : memref<640xf32, #tpu.memory_space<vmem>>, vector<16xf32>,
    %swap3A_495 = vector.shape_cast %swap3A_494 : vector<16xf32> to vector<16xf32>
    %swap3A_496 = vector.shape_cast %broadcast_in_dim3A_1 : vector<16xf32> to vector<16xf32>
    tpu.vector_store %arg14[%swap3A_493], %swap3A_496 {strides = array<i32>} : memref<640xf32, #tpu.memory_space<vmem>>, vector<16xf32>,
    %swap3A_497 = arith.constant 448 : index
    %swap3A_498 = tpu.vector_load %arg14[%swap3A_497] {strides = array<i32>} : memref<640xf32, #tpu.memory_space<vmem>>, vector<16xf32>,
    %swap3A_499 = vector.shape_cast %swap3A_498 : vector<16xf32> to vector<16xf32>
    %swap3A_500 = vector.shape_cast %broadcast_in_dim3A_1 : vector<16xf32> to vector<16xf32>
    tpu.vector_store %arg14[%swap3A_497], %swap3A_500 {strides = array<i32>} : memref<640xf32, #tpu.memory_space<vmem>>, vector<16xf32>,
    %swap3A_501 = arith.constant 464 : index
    %swap3A_502 = tpu.vector_load %arg14[%swap3A_501] {strides = array<i32>} : memref<640xf32, #tpu.memory_space<vmem>>, vector<16xf32>,
    %swap3A_503 = vector.shape_cast %swap3A_502 : vector<16xf32> to vector<16xf32>
    %swap3A_504 = vector.shape_cast %broadcast_in_dim3A_1 : vector<16xf32> to vector<16xf32>
    tpu.vector_store %arg14[%swap3A_501], %swap3A_504 {strides = array<i32>} : memref<640xf32, #tpu.memory_space<vmem>>, vector<16xf32>,
    %swap3A_505 = arith.constant 480 : index
    %swap3A_506 = tpu.vector_load %arg14[%swap3A_505] {strides = array<i32>} : memref<640xf32, #tpu.memory_space<vmem>>, vector<16xf32>,
    %swap3A_507 = vector.shape_cast %swap3A_506 : vector<16xf32> to vector<16xf32>
    %swap3A_508 = vector.shape_cast %broadcast_in_dim3A_1 : vector<16xf32> to vector<16xf32>
    tpu.vector_store %arg14[%swap3A_505], %swap3A_508 {strides = array<i32>} : memref<640xf32, #tpu.memory_space<vmem>>, vector<16xf32>,
    %swap3A_509 = arith.constant 496 : index
    %swap3A_510 = tpu.vector_load %arg14[%swap3A_509] {strides = array<i32>} : memref<640xf32, #tpu.memory_space<vmem>>, vector<16xf32>,
    %swap3A_511 = vector.shape_cast %swap3A_510 : vector<16xf32> to vector<16xf32>
    %swap3A_512 = vector.shape_cast %broadcast_in_dim3A_1 : vector<16xf32> to vector<16xf32>
    tpu.vector_store %arg14[%swap3A_509], %swap3A_512 {strides = array<i32>} : memref<640xf32, #tpu.memory_space<vmem>>, vector<16xf32>,
    %swap3A_513 = arith.constant 512 : index
    %swap3A_514 = tpu.vector_load %arg14[%swap3A_513] {strides = array<i32>} : memref<640xf32, #tpu.memory_space<vmem>>, vector<16xf32>,
    %swap3A_515 = vector.shape_cast %swap3A_514 : vector<16xf32> to vector<16xf32>
    %swap3A_516 = vector.shape_cast %broadcast_in_dim3A_1 : vector<16xf32> to vector<16xf32>
    tpu.vector_store %arg14[%swap3A_513], %swap3A_516 {strides = array<i32>} : memref<640xf32, #tpu.memory_space<vmem>>, vector<16xf32>,
    %swap3A_517 = arith.constant 528 : index
    %swap3A_518 = tpu.vector_load %arg14[%swap3A_517] {strides = array<i32>} : memref<640xf32, #tpu.memory_space<vmem>>, vector<16xf32>,
    %swap3A_519 = vector.shape_cast %swap3A_518 : vector<16xf32> to vector<16xf32>
    %swap3A_520 = vector.shape_cast %broadcast_in_dim3A_1 : vector<16xf32> to vector<16xf32>
    tpu.vector_store %arg14[%swap3A_517], %swap3A_520 {strides = array<i32>} : memref<640xf32, #tpu.memory_space<vmem>>, vector<16xf32>,
    %swap3A_521 = arith.constant 544 : index
    %swap3A_522 = tpu.vector_load %arg14[%swap3A_521] {strides = array<i32>} : memref<640xf32, #tpu.memory_space<vmem>>, vector<16xf32>,
    %swap3A_523 = vector.shape_cast %swap3A_522 : vector<16xf32> to vector<16xf32>
    %swap3A_524 = vector.shape_cast %broadcast_in_dim3A_1 : vector<16xf32> to vector<16xf32>
    tpu.vector_store %arg14[%swap3A_521], %swap3A_524 {strides = array<i32>} : memref<640xf32, #tpu.memory_space<vmem>>, vector<16xf32>,
    %swap3A_525 = arith.constant 560 : index
    %swap3A_526 = tpu.vector_load %arg14[%swap3A_525] {strides = array<i32>} : memref<640xf32, #tpu.memory_space<vmem>>, vector<16xf32>,
    %swap3A_527 = vector.shape_cast %swap3A_526 : vector<16xf32> to vector<16xf32>
    %swap3A_528 = vector.shape_cast %broadcast_in_dim3A_1 : vector<16xf32> to vector<16xf32>
    tpu.vector_store %arg14[%swap3A_525], %swap3A_528 {strides = array<i32>} : memref<640xf32, #tpu.memory_space<vmem>>, vector<16xf32>,
    %swap3A_529 = arith.constant 576 : index
    %swap3A_530 = tpu.vector_load %arg14[%swap3A_529] {strides = array<i32>} : memref<640xf32, #tpu.memory_space<vmem>>, vector<16xf32>,
    %swap3A_531 = vector.shape_cast %swap3A_530 : vector<16xf32> to vector<16xf32>
    %swap3A_532 = vector.shape_cast %broadcast_in_dim3A_1 : vector<16xf32> to vector<16xf32>
    tpu.vector_store %arg14[%swap3A_529], %swap3A_532 {strides = array<i32>} : memref<640xf32, #tpu.memory_space<vmem>>, vector<16xf32>,
    %swap3A_533 = arith.constant 592 : index
    %swap3A_534 = tpu.vector_load %arg14[%swap3A_533] {strides = array<i32>} : memref<640xf32, #tpu.memory_space<vmem>>, vector<16xf32>,
    %swap3A_535 = vector.shape_cast %swap3A_534 : vector<16xf32> to vector<16xf32>
    %swap3A_536 = vector.shape_cast %broadcast_in_dim3A_1 : vector<16xf32> to vector<16xf32>
    tpu.vector_store %arg14[%swap3A_533], %swap3A_536 {strides = array<i32>} : memref<640xf32, #tpu.memory_space<vmem>>, vector<16xf32>,
    %swap3A_537 = arith.constant 608 : index
    %swap3A_538 = tpu.vector_load %arg14[%swap3A_537] {strides = array<i32>} : memref<640xf32, #tpu.memory_space<vmem>>, vector<16xf32>,
    %swap3A_539 = vector.shape_cast %swap3A_538 : vector<16xf32> to vector<16xf32>
    %swap3A_540 = vector.shape_cast %broadcast_in_dim3A_1 : vector<16xf32> to vector<16xf32>
    tpu.vector_store %arg14[%swap3A_537], %swap3A_540 {strides = array<i32>} : memref<640xf32, #tpu.memory_space<vmem>>, vector<16xf32>,
    %swap3A_541 = arith.constant 624 : index
    %swap3A_542 = tpu.vector_load %arg14[%swap3A_541] {strides = array<i32>} : memref<640xf32, #tpu.memory_space<vmem>>, vector<16xf32>,
    %swap3A_543 = vector.shape_cast %swap3A_542 : vector<16xf32> to vector<16xf32>
    %swap3A_544 = vector.shape_cast %broadcast_in_dim3A_1 : vector<16xf32> to vector<16xf32>
    tpu.vector_store %arg14[%swap3A_541], %swap3A_544 {strides = array<i32>} : memref<640xf32, #tpu.memory_space<vmem>>, vector<16xf32>,
    %broadcast_in_dim3A_545 = arith.constant 1.000000e+00 : f32
    %broadcast_in_dim3A_546 = vector.broadcast %broadcast_in_dim3A_545 : f32 to vector<16xf32>
    %swap3A_547 = arith.constant 0 : index
    %swap3A_548 = tpu.vector_load %arg13[%swap3A_547] {strides = array<i32>} : memref<128xf32, #tpu.memory_space<vmem>>, vector<16xf32>,
    %swap3A_549 = vector.shape_cast %swap3A_548 : vector<16xf32> to vector<16xf32>
    %swap3A_550 = vector.shape_cast %broadcast_in_dim3A_546 : vector<16xf32> to vector<16xf32>
    tpu.vector_store %arg13[%swap3A_547], %swap3A_550 {strides = array<i32>} : memref<128xf32, #tpu.memory_space<vmem>>, vector<16xf32>,
    %swap3A_551 = arith.constant 16 : index
    %swap3A_552 = tpu.vector_load %arg13[%swap3A_551] {strides = array<i32>} : memref<128xf32, #tpu.memory_space<vmem>>, vector<16xf32>,
    %swap3A_553 = vector.shape_cast %swap3A_552 : vector<16xf32> to vector<16xf32>
    %swap3A_554 = vector.shape_cast %broadcast_in_dim3A_546 : vector<16xf32> to vector<16xf32>
    tpu.vector_store %arg13[%swap3A_551], %swap3A_554 {strides = array<i32>} : memref<128xf32, #tpu.memory_space<vmem>>, vector<16xf32>,
    %swap3A_555 = arith.constant 32 : index
    %swap3A_556 = tpu.vector_load %arg13[%swap3A_555] {strides = array<i32>} : memref<128xf32, #tpu.memory_space<vmem>>, vector<16xf32>,
    %swap3A_557 = vector.shape_cast %swap3A_556 : vector<16xf32> to vector<16xf32>
    %swap3A_558 = vector.shape_cast %broadcast_in_dim3A_546 : vector<16xf32> to vector<16xf32>
    tpu.vector_store %arg13[%swap3A_555], %swap3A_558 {strides = array<i32>} : memref<128xf32, #tpu.memory_space<vmem>>, vector<16xf32>,
    %swap3A_559 = arith.constant 48 : index
    %swap3A_560 = tpu.vector_load %arg13[%swap3A_559] {strides = array<i32>} : memref<128xf32, #tpu.memory_space<vmem>>, vector<16xf32>,
    %swap3A_561 = vector.shape_cast %swap3A_560 : vector<16xf32> to vector<16xf32>
    %swap3A_562 = vector.shape_cast %broadcast_in_dim3A_546 : vector<16xf32> to vector<16xf32>
    tpu.vector_store %arg13[%swap3A_559], %swap3A_562 {strides = array<i32>} : memref<128xf32, #tpu.memory_space<vmem>>, vector<16xf32>,
    %swap3A_563 = arith.constant 64 : index
    %swap3A_564 = tpu.vector_load %arg13[%swap3A_563] {strides = array<i32>} : memref<128xf32, #tpu.memory_space<vmem>>, vector<16xf32>,
    %swap3A_565 = vector.shape_cast %swap3A_564 : vector<16xf32> to vector<16xf32>
    %swap3A_566 = vector.shape_cast %broadcast_in_dim3A_546 : vector<16xf32> to vector<16xf32>
    tpu.vector_store %arg13[%swap3A_563], %swap3A_566 {strides = array<i32>} : memref<128xf32, #tpu.memory_space<vmem>>, vector<16xf32>,
    %swap3A_567 = arith.constant 80 : index
    %swap3A_568 = tpu.vector_load %arg13[%swap3A_567] {strides = array<i32>} : memref<128xf32, #tpu.memory_space<vmem>>, vector<16xf32>,
    %swap3A_569 = vector.shape_cast %swap3A_568 : vector<16xf32> to vector<16xf32>
    %swap3A_570 = vector.shape_cast %broadcast_in_dim3A_546 : vector<16xf32> to vector<16xf32>
    tpu.vector_store %arg13[%swap3A_567], %swap3A_570 {strides = array<i32>} : memref<128xf32, #tpu.memory_space<vmem>>, vector<16xf32>,
    %swap3A_571 = arith.constant 96 : index
    %swap3A_572 = tpu.vector_load %arg13[%swap3A_571] {strides = array<i32>} : memref<128xf32, #tpu.memory_space<vmem>>, vector<16xf32>,
    %swap3A_573 = vector.shape_cast %swap3A_572 : vector<16xf32> to vector<16xf32>
    %swap3A_574 = vector.shape_cast %broadcast_in_dim3A_546 : vector<16xf32> to vector<16xf32>
    tpu.vector_store %arg13[%swap3A_571], %swap3A_574 {strides = array<i32>} : memref<128xf32, #tpu.memory_space<vmem>>, vector<16xf32>,
    %swap3A_575 = arith.constant 112 : index
    %swap3A_576 = tpu.vector_load %arg13[%swap3A_575] {strides = array<i32>} : memref<128xf32, #tpu.memory_space<vmem>>, vector<16xf32>,
    %swap3A_577 = vector.shape_cast %swap3A_576 : vector<16xf32> to vector<16xf32>
    %swap3A_578 = vector.shape_cast %broadcast_in_dim3A_546 : vector<16xf32> to vector<16xf32>
    tpu.vector_store %arg13[%swap3A_575], %swap3A_578 {strides = array<i32>} : memref<128xf32, #tpu.memory_space<vmem>>, vector<16xf32>,
    %mul3A_579 = arith.constant 640 : i32
    %mul3A_580 = arith.muli %arg1, %mul3A_579 : i32
    %add3A_581 = arith.constant 0 : i32
    %add3A_582 = arith.addi %mul3A_580, %add3A_581 : i32
    "tpu.region"() ({
      %run_scoped3A = tpu.sem_alloc : memref<!tpu.dma_semaphore, #tpu.memory_space<semaphore_mem>>
      %dma_start3A = arith.constant 0 : i32
      %dma_start3A_667 = tpu.memref_slice %arg11[%add3A_582, %dma_start3A] : memref<10240x64xf32, #tpu.memory_space<vmem_shared>> -> memref<16x64xf32, #tpu.memory_space<vmem_shared>>
      %dma_start3A_668 = arith.constant 0 : i32
      %dma_start3A_669 = tpu.memref_slice %arg11[%add3A_582, %dma_start3A_668] : memref<10240x64xf32, #tpu.memory_space<vmem_shared>> -> memref<16x64xf32, #tpu.memory_space<vmem_shared>>
      tpu.enqueue_dma source(%arg10 : memref<16x64xf32, #tpu.memory_space<vmem>>) target(%dma_start3A_669 : memref<16x64xf32, #tpu.memory_space<vmem_shared>>) target_semaphore(%run_scoped3A : memref<!tpu.dma_semaphore, #tpu.memory_space<semaphore_mem>>)
      %dma_wait3A = arith.constant 0 : i32
      %dma_wait3A_670 = tpu.memref_slice %arg11[%add3A_582, %dma_wait3A] : memref<10240x64xf32, #tpu.memory_space<vmem_shared>> -> memref<16x64xf32, #tpu.memory_space<vmem_shared>>
      %dma_wait3A_671 = arith.constant 0 : i32
      %dma_wait3A_672 = tpu.memref_slice %arg11[%add3A_582, %dma_wait3A_671] : memref<10240x64xf32, #tpu.memory_space<vmem_shared>> -> memref<16x64xf32, #tpu.memory_space<vmem_shared>>
      tpu.wait_dma2 semaphore(%run_scoped3A : memref<!tpu.dma_semaphore, #tpu.memory_space<semaphore_mem>>) src(%arg10 : memref<16x64xf32, #tpu.memory_space<vmem>>) dst(%dma_wait3A_672 : memref<16x64xf32, #tpu.memory_space<vmem_shared>>)
      tpu.yield
    }) : () -> ()
    %add3A_583 = arith.constant 16 : i32
    %add3A_584 = arith.addi %mul3A_580, %add3A_583 : i32
    "tpu.region"() ({
      %run_scoped3A = tpu.sem_alloc : memref<!tpu.dma_semaphore, #tpu.memory_space<semaphore_mem>>
      %dma_start3A = arith.constant 0 : i32
      %dma_start3A_667 = tpu.memref_slice %arg11[%add3A_584, %dma_start3A] : memref<10240x64xf32, #tpu.memory_space<vmem_shared>> -> memref<16x64xf32, #tpu.memory_space<vmem_shared>>
      %dma_start3A_668 = arith.constant 0 : i32
      %dma_start3A_669 = tpu.memref_slice %arg11[%add3A_584, %dma_start3A_668] : memref<10240x64xf32, #tpu.memory_space<vmem_shared>> -> memref<16x64xf32, #tpu.memory_space<vmem_shared>>
      tpu.enqueue_dma source(%arg10 : memref<16x64xf32, #tpu.memory_space<vmem>>) target(%dma_start3A_669 : memref<16x64xf32, #tpu.memory_space<vmem_shared>>) target_semaphore(%run_scoped3A : memref<!tpu.dma_semaphore, #tpu.memory_space<semaphore_mem>>)
      %dma_wait3A = arith.constant 0 : i32
      %dma_wait3A_670 = tpu.memref_slice %arg11[%add3A_584, %dma_wait3A] : memref<10240x64xf32, #tpu.memory_space<vmem_shared>> -> memref<16x64xf32, #tpu.memory_space<vmem_shared>>
      %dma_wait3A_671 = arith.constant 0 : i32
      %dma_wait3A_672 = tpu.memref_slice %arg11[%add3A_584, %dma_wait3A_671] : memref<10240x64xf32, #tpu.memory_space<vmem_shared>> -> memref<16x64xf32, #tpu.memory_space<vmem_shared>>
      tpu.wait_dma2 semaphore(%run_scoped3A : memref<!tpu.dma_semaphore, #tpu.memory_space<semaphore_mem>>) src(%arg10 : memref<16x64xf32, #tpu.memory_space<vmem>>) dst(%dma_wait3A_672 : memref<16x64xf32, #tpu.memory_space<vmem_shared>>)
      tpu.yield
    }) : () -> ()
    %add3A_585 = arith.constant 32 : i32
    %add3A_586 = arith.addi %mul3A_580, %add3A_585 : i32
    "tpu.region"() ({
      %run_scoped3A = tpu.sem_alloc : memref<!tpu.dma_semaphore, #tpu.memory_space<semaphore_mem>>
      %dma_start3A = arith.constant 0 : i32
      %dma_start3A_667 = tpu.memref_slice %arg11[%add3A_586, %dma_start3A] : memref<10240x64xf32, #tpu.memory_space<vmem_shared>> -> memref<16x64xf32, #tpu.memory_space<vmem_shared>>
      %dma_start3A_668 = arith.constant 0 : i32
      %dma_start3A_669 = tpu.memref_slice %arg11[%add3A_586, %dma_start3A_668] : memref<10240x64xf32, #tpu.memory_space<vmem_shared>> -> memref<16x64xf32, #tpu.memory_space<vmem_shared>>
      tpu.enqueue_dma source(%arg10 : memref<16x64xf32, #tpu.memory_space<vmem>>) target(%dma_start3A_669 : memref<16x64xf32, #tpu.memory_space<vmem_shared>>) target_semaphore(%run_scoped3A : memref<!tpu.dma_semaphore, #tpu.memory_space<semaphore_mem>>)
      %dma_wait3A = arith.constant 0 : i32
      %dma_wait3A_670 = tpu.memref_slice %arg11[%add3A_586, %dma_wait3A] : memref<10240x64xf32, #tpu.memory_space<vmem_shared>> -> memref<16x64xf32, #tpu.memory_space<vmem_shared>>
      %dma_wait3A_671 = arith.constant 0 : i32
      %dma_wait3A_672 = tpu.memref_slice %arg11[%add3A_586, %dma_wait3A_671] : memref<10240x64xf32, #tpu.memory_space<vmem_shared>> -> memref<16x64xf32, #tpu.memory_space<vmem_shared>>
      tpu.wait_dma2 semaphore(%run_scoped3A : memref<!tpu.dma_semaphore, #tpu.memory_space<semaphore_mem>>) src(%arg10 : memref<16x64xf32, #tpu.memory_space<vmem>>) dst(%dma_wait3A_672 : memref<16x64xf32, #tpu.memory_space<vmem_shared>>)
      tpu.yield
    }) : () -> ()
    %add3A_587 = arith.constant 48 : i32
    %add3A_588 = arith.addi %mul3A_580, %add3A_587 : i32
    "tpu.region"() ({
      %run_scoped3A = tpu.sem_alloc : memref<!tpu.dma_semaphore, #tpu.memory_space<semaphore_mem>>
      %dma_start3A = arith.constant 0 : i32
      %dma_start3A_667 = tpu.memref_slice %arg11[%add3A_588, %dma_start3A] : memref<10240x64xf32, #tpu.memory_space<vmem_shared>> -> memref<16x64xf32, #tpu.memory_space<vmem_shared>>
      %dma_start3A_668 = arith.constant 0 : i32
      %dma_start3A_669 = tpu.memref_slice %arg11[%add3A_588, %dma_start3A_668] : memref<10240x64xf32, #tpu.memory_space<vmem_shared>> -> memref<16x64xf32, #tpu.memory_space<vmem_shared>>
      tpu.enqueue_dma source(%arg10 : memref<16x64xf32, #tpu.memory_space<vmem>>) target(%dma_start3A_669 : memref<16x64xf32, #tpu.memory_space<vmem_shared>>) target_semaphore(%run_scoped3A : memref<!tpu.dma_semaphore, #tpu.memory_space<semaphore_mem>>)
      %dma_wait3A = arith.constant 0 : i32
      %dma_wait3A_670 = tpu.memref_slice %arg11[%add3A_588, %dma_wait3A] : memref<10240x64xf32, #tpu.memory_space<vmem_shared>> -> memref<16x64xf32, #tpu.memory_space<vmem_shared>>
      %dma_wait3A_671 = arith.constant 0 : i32
      %dma_wait3A_672 = tpu.memref_slice %arg11[%add3A_588, %dma_wait3A_671] : memref<10240x64xf32, #tpu.memory_space<vmem_shared>> -> memref<16x64xf32, #tpu.memory_space<vmem_shared>>
      tpu.wait_dma2 semaphore(%run_scoped3A : memref<!tpu.dma_semaphore, #tpu.memory_space<semaphore_mem>>) src(%arg10 : memref<16x64xf32, #tpu.memory_space<vmem>>) dst(%dma_wait3A_672 : memref<16x64xf32, #tpu.memory_space<vmem_shared>>)
      tpu.yield
    }) : () -> ()
    %add3A_589 = arith.constant 64 : i32
    %add3A_590 = arith.addi %mul3A_580, %add3A_589 : i32
    "tpu.region"() ({
      %run_scoped3A = tpu.sem_alloc : memref<!tpu.dma_semaphore, #tpu.memory_space<semaphore_mem>>
      %dma_start3A = arith.constant 0 : i32
      %dma_start3A_667 = tpu.memref_slice %arg11[%add3A_590, %dma_start3A] : memref<10240x64xf32, #tpu.memory_space<vmem_shared>> -> memref<16x64xf32, #tpu.memory_space<vmem_shared>>
      %dma_start3A_668 = arith.constant 0 : i32
      %dma_start3A_669 = tpu.memref_slice %arg11[%add3A_590, %dma_start3A_668] : memref<10240x64xf32, #tpu.memory_space<vmem_shared>> -> memref<16x64xf32, #tpu.memory_space<vmem_shared>>
      tpu.enqueue_dma source(%arg10 : memref<16x64xf32, #tpu.memory_space<vmem>>) target(%dma_start3A_669 : memref<16x64xf32, #tpu.memory_space<vmem_shared>>) target_semaphore(%run_scoped3A : memref<!tpu.dma_semaphore, #tpu.memory_space<semaphore_mem>>)
      %dma_wait3A = arith.constant 0 : i32
      %dma_wait3A_670 = tpu.memref_slice %arg11[%add3A_590, %dma_wait3A] : memref<10240x64xf32, #tpu.memory_space<vmem_shared>> -> memref<16x64xf32, #tpu.memory_space<vmem_shared>>
      %dma_wait3A_671 = arith.constant 0 : i32
      %dma_wait3A_672 = tpu.memref_slice %arg11[%add3A_590, %dma_wait3A_671] : memref<10240x64xf32, #tpu.memory_space<vmem_shared>> -> memref<16x64xf32, #tpu.memory_space<vmem_shared>>
      tpu.wait_dma2 semaphore(%run_scoped3A : memref<!tpu.dma_semaphore, #tpu.memory_space<semaphore_mem>>) src(%arg10 : memref<16x64xf32, #tpu.memory_space<vmem>>) dst(%dma_wait3A_672 : memref<16x64xf32, #tpu.memory_space<vmem_shared>>)
      tpu.yield
    }) : () -> ()
    %add3A_591 = arith.constant 80 : i32
    %add3A_592 = arith.addi %mul3A_580, %add3A_591 : i32
    "tpu.region"() ({
      %run_scoped3A = tpu.sem_alloc : memref<!tpu.dma_semaphore, #tpu.memory_space<semaphore_mem>>
      %dma_start3A = arith.constant 0 : i32
      %dma_start3A_667 = tpu.memref_slice %arg11[%add3A_592, %dma_start3A] : memref<10240x64xf32, #tpu.memory_space<vmem_shared>> -> memref<16x64xf32, #tpu.memory_space<vmem_shared>>
      %dma_start3A_668 = arith.constant 0 : i32
      %dma_start3A_669 = tpu.memref_slice %arg11[%add3A_592, %dma_start3A_668] : memref<10240x64xf32, #tpu.memory_space<vmem_shared>> -> memref<16x64xf32, #tpu.memory_space<vmem_shared>>
      tpu.enqueue_dma source(%arg10 : memref<16x64xf32, #tpu.memory_space<vmem>>) target(%dma_start3A_669 : memref<16x64xf32, #tpu.memory_space<vmem_shared>>) target_semaphore(%run_scoped3A : memref<!tpu.dma_semaphore, #tpu.memory_space<semaphore_mem>>)
      %dma_wait3A = arith.constant 0 : i32
      %dma_wait3A_670 = tpu.memref_slice %arg11[%add3A_592, %dma_wait3A] : memref<10240x64xf32, #tpu.memory_space<vmem_shared>> -> memref<16x64xf32, #tpu.memory_space<vmem_shared>>
      %dma_wait3A_671 = arith.constant 0 : i32
      %dma_wait3A_672 = tpu.memref_slice %arg11[%add3A_592, %dma_wait3A_671] : memref<10240x64xf32, #tpu.memory_space<vmem_shared>> -> memref<16x64xf32, #tpu.memory_space<vmem_shared>>
      tpu.wait_dma2 semaphore(%run_scoped3A : memref<!tpu.dma_semaphore, #tpu.memory_space<semaphore_mem>>) src(%arg10 : memref<16x64xf32, #tpu.memory_space<vmem>>) dst(%dma_wait3A_672 : memref<16x64xf32, #tpu.memory_space<vmem_shared>>)
      tpu.yield
    }) : () -> ()
    %add3A_593 = arith.constant 96 : i32
    %add3A_594 = arith.addi %mul3A_580, %add3A_593 : i32
    "tpu.region"() ({
      %run_scoped3A = tpu.sem_alloc : memref<!tpu.dma_semaphore, #tpu.memory_space<semaphore_mem>>
      %dma_start3A = arith.constant 0 : i32
      %dma_start3A_667 = tpu.memref_slice %arg11[%add3A_594, %dma_start3A] : memref<10240x64xf32, #tpu.memory_space<vmem_shared>> -> memref<16x64xf32, #tpu.memory_space<vmem_shared>>
      %dma_start3A_668 = arith.constant 0 : i32
      %dma_start3A_669 = tpu.memref_slice %arg11[%add3A_594, %dma_start3A_668] : memref<10240x64xf32, #tpu.memory_space<vmem_shared>> -> memref<16x64xf32, #tpu.memory_space<vmem_shared>>
      tpu.enqueue_dma source(%arg10 : memref<16x64xf32, #tpu.memory_space<vmem>>) target(%dma_start3A_669 : memref<16x64xf32, #tpu.memory_space<vmem_shared>>) target_semaphore(%run_scoped3A : memref<!tpu.dma_semaphore, #tpu.memory_space<semaphore_mem>>)
      %dma_wait3A = arith.constant 0 : i32
      %dma_wait3A_670 = tpu.memref_slice %arg11[%add3A_594, %dma_wait3A] : memref<10240x64xf32, #tpu.memory_space<vmem_shared>> -> memref<16x64xf32, #tpu.memory_space<vmem_shared>>
      %dma_wait3A_671 = arith.constant 0 : i32
      %dma_wait3A_672 = tpu.memref_slice %arg11[%add3A_594, %dma_wait3A_671] : memref<10240x64xf32, #tpu.memory_space<vmem_shared>> -> memref<16x64xf32, #tpu.memory_space<vmem_shared>>
      tpu.wait_dma2 semaphore(%run_scoped3A : memref<!tpu.dma_semaphore, #tpu.memory_space<semaphore_mem>>) src(%arg10 : memref<16x64xf32, #tpu.memory_space<vmem>>) dst(%dma_wait3A_672 : memref<16x64xf32, #tpu.memory_space<vmem_shared>>)
      tpu.yield
    }) : () -> ()
    %add3A_595 = arith.constant 112 : i32
    %add3A_596 = arith.addi %mul3A_580, %add3A_595 : i32
    "tpu.region"() ({
      %run_scoped3A = tpu.sem_alloc : memref<!tpu.dma_semaphore, #tpu.memory_space<semaphore_mem>>
      %dma_start3A = arith.constant 0 : i32
      %dma_start3A_667 = tpu.memref_slice %arg11[%add3A_596, %dma_start3A] : memref<10240x64xf32, #tpu.memory_space<vmem_shared>> -> memref<16x64xf32, #tpu.memory_space<vmem_shared>>
      %dma_start3A_668 = arith.constant 0 : i32
      %dma_start3A_669 = tpu.memref_slice %arg11[%add3A_596, %dma_start3A_668] : memref<10240x64xf32, #tpu.memory_space<vmem_shared>> -> memref<16x64xf32, #tpu.memory_space<vmem_shared>>
      tpu.enqueue_dma source(%arg10 : memref<16x64xf32, #tpu.memory_space<vmem>>) target(%dma_start3A_669 : memref<16x64xf32, #tpu.memory_space<vmem_shared>>) target_semaphore(%run_scoped3A : memref<!tpu.dma_semaphore, #tpu.memory_space<semaphore_mem>>)
      %dma_wait3A = arith.constant 0 : i32
      %dma_wait3A_670 = tpu.memref_slice %arg11[%add3A_596, %dma_wait3A] : memref<10240x64xf32, #tpu.memory_space<vmem_shared>> -> memref<16x64xf32, #tpu.memory_space<vmem_shared>>
      %dma_wait3A_671 = arith.constant 0 : i32
      %dma_wait3A_672 = tpu.memref_slice %arg11[%add3A_596, %dma_wait3A_671] : memref<10240x64xf32, #tpu.memory_space<vmem_shared>> -> memref<16x64xf32, #tpu.memory_space<vmem_shared>>
      tpu.wait_dma2 semaphore(%run_scoped3A : memref<!tpu.dma_semaphore, #tpu.memory_space<semaphore_mem>>) src(%arg10 : memref<16x64xf32, #tpu.memory_space<vmem>>) dst(%dma_wait3A_672 : memref<16x64xf32, #tpu.memory_space<vmem_shared>>)
      tpu.yield
    }) : () -> ()
    %add3A_597 = arith.constant 128 : i32
    %add3A_598 = arith.addi %mul3A_580, %add3A_597 : i32
    "tpu.region"() ({
      %run_scoped3A = tpu.sem_alloc : memref<!tpu.dma_semaphore, #tpu.memory_space<semaphore_mem>>
      %dma_start3A = arith.constant 0 : i32
      %dma_start3A_667 = tpu.memref_slice %arg11[%add3A_598, %dma_start3A] : memref<10240x64xf32, #tpu.memory_space<vmem_shared>> -> memref<16x64xf32, #tpu.memory_space<vmem_shared>>
      %dma_start3A_668 = arith.constant 0 : i32
      %dma_start3A_669 = tpu.memref_slice %arg11[%add3A_598, %dma_start3A_668] : memref<10240x64xf32, #tpu.memory_space<vmem_shared>> -> memref<16x64xf32, #tpu.memory_space<vmem_shared>>
      tpu.enqueue_dma source(%arg10 : memref<16x64xf32, #tpu.memory_space<vmem>>) target(%dma_start3A_669 : memref<16x64xf32, #tpu.memory_space<vmem_shared>>) target_semaphore(%run_scoped3A : memref<!tpu.dma_semaphore, #tpu.memory_space<semaphore_mem>>)
      %dma_wait3A = arith.constant 0 : i32
      %dma_wait3A_670 = tpu.memref_slice %arg11[%add3A_598, %dma_wait3A] : memref<10240x64xf32, #tpu.memory_space<vmem_shared>> -> memref<16x64xf32, #tpu.memory_space<vmem_shared>>
      %dma_wait3A_671 = arith.constant 0 : i32
      %dma_wait3A_672 = tpu.memref_slice %arg11[%add3A_598, %dma_wait3A_671] : memref<10240x64xf32, #tpu.memory_space<vmem_shared>> -> memref<16x64xf32, #tpu.memory_space<vmem_shared>>
      tpu.wait_dma2 semaphore(%run_scoped3A : memref<!tpu.dma_semaphore, #tpu.memory_space<semaphore_mem>>) src(%arg10 : memref<16x64xf32, #tpu.memory_space<vmem>>) dst(%dma_wait3A_672 : memref<16x64xf32, #tpu.memory_space<vmem_shared>>)
      tpu.yield
    }) : () -> ()
    %add3A_599 = arith.constant 144 : i32
    %add3A_600 = arith.addi %mul3A_580, %add3A_599 : i32
    "tpu.region"() ({
      %run_scoped3A = tpu.sem_alloc : memref<!tpu.dma_semaphore, #tpu.memory_space<semaphore_mem>>
      %dma_start3A = arith.constant 0 : i32
      %dma_start3A_667 = tpu.memref_slice %arg11[%add3A_600, %dma_start3A] : memref<10240x64xf32, #tpu.memory_space<vmem_shared>> -> memref<16x64xf32, #tpu.memory_space<vmem_shared>>
      %dma_start3A_668 = arith.constant 0 : i32
      %dma_start3A_669 = tpu.memref_slice %arg11[%add3A_600, %dma_start3A_668] : memref<10240x64xf32, #tpu.memory_space<vmem_shared>> -> memref<16x64xf32, #tpu.memory_space<vmem_shared>>
      tpu.enqueue_dma source(%arg10 : memref<16x64xf32, #tpu.memory_space<vmem>>) target(%dma_start3A_669 : memref<16x64xf32, #tpu.memory_space<vmem_shared>>) target_semaphore(%run_scoped3A : memref<!tpu.dma_semaphore, #tpu.memory_space<semaphore_mem>>)
      %dma_wait3A = arith.constant 0 : i32
      %dma_wait3A_670 = tpu.memref_slice %arg11[%add3A_600, %dma_wait3A] : memref<10240x64xf32, #tpu.memory_space<vmem_shared>> -> memref<16x64xf32, #tpu.memory_space<vmem_shared>>
      %dma_wait3A_671 = arith.constant 0 : i32
      %dma_wait3A_672 = tpu.memref_slice %arg11[%add3A_600, %dma_wait3A_671] : memref<10240x64xf32, #tpu.memory_space<vmem_shared>> -> memref<16x64xf32, #tpu.memory_space<vmem_shared>>
      tpu.wait_dma2 semaphore(%run_scoped3A : memref<!tpu.dma_semaphore, #tpu.memory_space<semaphore_mem>>) src(%arg10 : memref<16x64xf32, #tpu.memory_space<vmem>>) dst(%dma_wait3A_672 : memref<16x64xf32, #tpu.memory_space<vmem_shared>>)
      tpu.yield
    }) : () -> ()
    %add3A_601 = arith.constant 160 : i32
    %add3A_602 = arith.addi %mul3A_580, %add3A_601 : i32
    "tpu.region"() ({
      %run_scoped3A = tpu.sem_alloc : memref<!tpu.dma_semaphore, #tpu.memory_space<semaphore_mem>>
      %dma_start3A = arith.constant 0 : i32
      %dma_start3A_667 = tpu.memref_slice %arg11[%add3A_602, %dma_start3A] : memref<10240x64xf32, #tpu.memory_space<vmem_shared>> -> memref<16x64xf32, #tpu.memory_space<vmem_shared>>
      %dma_start3A_668 = arith.constant 0 : i32
      %dma_start3A_669 = tpu.memref_slice %arg11[%add3A_602, %dma_start3A_668] : memref<10240x64xf32, #tpu.memory_space<vmem_shared>> -> memref<16x64xf32, #tpu.memory_space<vmem_shared>>
      tpu.enqueue_dma source(%arg10 : memref<16x64xf32, #tpu.memory_space<vmem>>) target(%dma_start3A_669 : memref<16x64xf32, #tpu.memory_space<vmem_shared>>) target_semaphore(%run_scoped3A : memref<!tpu.dma_semaphore, #tpu.memory_space<semaphore_mem>>)
      %dma_wait3A = arith.constant 0 : i32
      %dma_wait3A_670 = tpu.memref_slice %arg11[%add3A_602, %dma_wait3A] : memref<10240x64xf32, #tpu.memory_space<vmem_shared>> -> memref<16x64xf32, #tpu.memory_space<vmem_shared>>
      %dma_wait3A_671 = arith.constant 0 : i32
      %dma_wait3A_672 = tpu.memref_slice %arg11[%add3A_602, %dma_wait3A_671] : memref<10240x64xf32, #tpu.memory_space<vmem_shared>> -> memref<16x64xf32, #tpu.memory_space<vmem_shared>>
      tpu.wait_dma2 semaphore(%run_scoped3A : memref<!tpu.dma_semaphore, #tpu.memory_space<semaphore_mem>>) src(%arg10 : memref<16x64xf32, #tpu.memory_space<vmem>>) dst(%dma_wait3A_672 : memref<16x64xf32, #tpu.memory_space<vmem_shared>>)
      tpu.yield
    }) : () -> ()
    %add3A_603 = arith.constant 176 : i32
    %add3A_604 = arith.addi %mul3A_580, %add3A_603 : i32
    "tpu.region"() ({
      %run_scoped3A = tpu.sem_alloc : memref<!tpu.dma_semaphore, #tpu.memory_space<semaphore_mem>>
      %dma_start3A = arith.constant 0 : i32
      %dma_start3A_667 = tpu.memref_slice %arg11[%add3A_604, %dma_start3A] : memref<10240x64xf32, #tpu.memory_space<vmem_shared>> -> memref<16x64xf32, #tpu.memory_space<vmem_shared>>
      %dma_start3A_668 = arith.constant 0 : i32
      %dma_start3A_669 = tpu.memref_slice %arg11[%add3A_604, %dma_start3A_668] : memref<10240x64xf32, #tpu.memory_space<vmem_shared>> -> memref<16x64xf32, #tpu.memory_space<vmem_shared>>
      tpu.enqueue_dma source(%arg10 : memref<16x64xf32, #tpu.memory_space<vmem>>) target(%dma_start3A_669 : memref<16x64xf32, #tpu.memory_space<vmem_shared>>) target_semaphore(%run_scoped3A : memref<!tpu.dma_semaphore, #tpu.memory_space<semaphore_mem>>)
      %dma_wait3A = arith.constant 0 : i32
      %dma_wait3A_670 = tpu.memref_slice %arg11[%add3A_604, %dma_wait3A] : memref<10240x64xf32, #tpu.memory_space<vmem_shared>> -> memref<16x64xf32, #tpu.memory_space<vmem_shared>>
      %dma_wait3A_671 = arith.constant 0 : i32
      %dma_wait3A_672 = tpu.memref_slice %arg11[%add3A_604, %dma_wait3A_671] : memref<10240x64xf32, #tpu.memory_space<vmem_shared>> -> memref<16x64xf32, #tpu.memory_space<vmem_shared>>
      tpu.wait_dma2 semaphore(%run_scoped3A : memref<!tpu.dma_semaphore, #tpu.memory_space<semaphore_mem>>) src(%arg10 : memref<16x64xf32, #tpu.memory_space<vmem>>) dst(%dma_wait3A_672 : memref<16x64xf32, #tpu.memory_space<vmem_shared>>)
      tpu.yield
    }) : () -> ()
    %add3A_605 = arith.constant 192 : i32
    %add3A_606 = arith.addi %mul3A_580, %add3A_605 : i32
    "tpu.region"() ({
      %run_scoped3A = tpu.sem_alloc : memref<!tpu.dma_semaphore, #tpu.memory_space<semaphore_mem>>
      %dma_start3A = arith.constant 0 : i32
      %dma_start3A_667 = tpu.memref_slice %arg11[%add3A_606, %dma_start3A] : memref<10240x64xf32, #tpu.memory_space<vmem_shared>> -> memref<16x64xf32, #tpu.memory_space<vmem_shared>>
      %dma_start3A_668 = arith.constant 0 : i32
      %dma_start3A_669 = tpu.memref_slice %arg11[%add3A_606, %dma_start3A_668] : memref<10240x64xf32, #tpu.memory_space<vmem_shared>> -> memref<16x64xf32, #tpu.memory_space<vmem_shared>>
      tpu.enqueue_dma source(%arg10 : memref<16x64xf32, #tpu.memory_space<vmem>>) target(%dma_start3A_669 : memref<16x64xf32, #tpu.memory_space<vmem_shared>>) target_semaphore(%run_scoped3A : memref<!tpu.dma_semaphore, #tpu.memory_space<semaphore_mem>>)
      %dma_wait3A = arith.constant 0 : i32
      %dma_wait3A_670 = tpu.memref_slice %arg11[%add3A_606, %dma_wait3A] : memref<10240x64xf32, #tpu.memory_space<vmem_shared>> -> memref<16x64xf32, #tpu.memory_space<vmem_shared>>
      %dma_wait3A_671 = arith.constant 0 : i32
      %dma_wait3A_672 = tpu.memref_slice %arg11[%add3A_606, %dma_wait3A_671] : memref<10240x64xf32, #tpu.memory_space<vmem_shared>> -> memref<16x64xf32, #tpu.memory_space<vmem_shared>>
      tpu.wait_dma2 semaphore(%run_scoped3A : memref<!tpu.dma_semaphore, #tpu.memory_space<semaphore_mem>>) src(%arg10 : memref<16x64xf32, #tpu.memory_space<vmem>>) dst(%dma_wait3A_672 : memref<16x64xf32, #tpu.memory_space<vmem_shared>>)
      tpu.yield
    }) : () -> ()
    %add3A_607 = arith.constant 208 : i32
    %add3A_608 = arith.addi %mul3A_580, %add3A_607 : i32
    "tpu.region"() ({
      %run_scoped3A = tpu.sem_alloc : memref<!tpu.dma_semaphore, #tpu.memory_space<semaphore_mem>>
      %dma_start3A = arith.constant 0 : i32
      %dma_start3A_667 = tpu.memref_slice %arg11[%add3A_608, %dma_start3A] : memref<10240x64xf32, #tpu.memory_space<vmem_shared>> -> memref<16x64xf32, #tpu.memory_space<vmem_shared>>
      %dma_start3A_668 = arith.constant 0 : i32
      %dma_start3A_669 = tpu.memref_slice %arg11[%add3A_608, %dma_start3A_668] : memref<10240x64xf32, #tpu.memory_space<vmem_shared>> -> memref<16x64xf32, #tpu.memory_space<vmem_shared>>
      tpu.enqueue_dma source(%arg10 : memref<16x64xf32, #tpu.memory_space<vmem>>) target(%dma_start3A_669 : memref<16x64xf32, #tpu.memory_space<vmem_shared>>) target_semaphore(%run_scoped3A : memref<!tpu.dma_semaphore, #tpu.memory_space<semaphore_mem>>)
      %dma_wait3A = arith.constant 0 : i32
      %dma_wait3A_670 = tpu.memref_slice %arg11[%add3A_608, %dma_wait3A] : memref<10240x64xf32, #tpu.memory_space<vmem_shared>> -> memref<16x64xf32, #tpu.memory_space<vmem_shared>>
      %dma_wait3A_671 = arith.constant 0 : i32
      %dma_wait3A_672 = tpu.memref_slice %arg11[%add3A_608, %dma_wait3A_671] : memref<10240x64xf32, #tpu.memory_space<vmem_shared>> -> memref<16x64xf32, #tpu.memory_space<vmem_shared>>
      tpu.wait_dma2 semaphore(%run_scoped3A : memref<!tpu.dma_semaphore, #tpu.memory_space<semaphore_mem>>) src(%arg10 : memref<16x64xf32, #tpu.memory_space<vmem>>) dst(%dma_wait3A_672 : memref<16x64xf32, #tpu.memory_space<vmem_shared>>)
      tpu.yield
    }) : () -> ()
    %add3A_609 = arith.constant 224 : i32
    %add3A_610 = arith.addi %mul3A_580, %add3A_609 : i32
    "tpu.region"() ({
      %run_scoped3A = tpu.sem_alloc : memref<!tpu.dma_semaphore, #tpu.memory_space<semaphore_mem>>
      %dma_start3A = arith.constant 0 : i32
      %dma_start3A_667 = tpu.memref_slice %arg11[%add3A_610, %dma_start3A] : memref<10240x64xf32, #tpu.memory_space<vmem_shared>> -> memref<16x64xf32, #tpu.memory_space<vmem_shared>>
      %dma_start3A_668 = arith.constant 0 : i32
      %dma_start3A_669 = tpu.memref_slice %arg11[%add3A_610, %dma_start3A_668] : memref<10240x64xf32, #tpu.memory_space<vmem_shared>> -> memref<16x64xf32, #tpu.memory_space<vmem_shared>>
      tpu.enqueue_dma source(%arg10 : memref<16x64xf32, #tpu.memory_space<vmem>>) target(%dma_start3A_669 : memref<16x64xf32, #tpu.memory_space<vmem_shared>>) target_semaphore(%run_scoped3A : memref<!tpu.dma_semaphore, #tpu.memory_space<semaphore_mem>>)
      %dma_wait3A = arith.constant 0 : i32
      %dma_wait3A_670 = tpu.memref_slice %arg11[%add3A_610, %dma_wait3A] : memref<10240x64xf32, #tpu.memory_space<vmem_shared>> -> memref<16x64xf32, #tpu.memory_space<vmem_shared>>
      %dma_wait3A_671 = arith.constant 0 : i32
      %dma_wait3A_672 = tpu.memref_slice %arg11[%add3A_610, %dma_wait3A_671] : memref<10240x64xf32, #tpu.memory_space<vmem_shared>> -> memref<16x64xf32, #tpu.memory_space<vmem_shared>>
      tpu.wait_dma2 semaphore(%run_scoped3A : memref<!tpu.dma_semaphore, #tpu.memory_space<semaphore_mem>>) src(%arg10 : memref<16x64xf32, #tpu.memory_space<vmem>>) dst(%dma_wait3A_672 : memref<16x64xf32, #tpu.memory_space<vmem_shared>>)
      tpu.yield
    }) : () -> ()
    %add3A_611 = arith.constant 240 : i32
    %add3A_612 = arith.addi %mul3A_580, %add3A_611 : i32
    "tpu.region"() ({
      %run_scoped3A = tpu.sem_alloc : memref<!tpu.dma_semaphore, #tpu.memory_space<semaphore_mem>>
      %dma_start3A = arith.constant 0 : i32
      %dma_start3A_667 = tpu.memref_slice %arg11[%add3A_612, %dma_start3A] : memref<10240x64xf32, #tpu.memory_space<vmem_shared>> -> memref<16x64xf32, #tpu.memory_space<vmem_shared>>
      %dma_start3A_668 = arith.constant 0 : i32
      %dma_start3A_669 = tpu.memref_slice %arg11[%add3A_612, %dma_start3A_668] : memref<10240x64xf32, #tpu.memory_space<vmem_shared>> -> memref<16x64xf32, #tpu.memory_space<vmem_shared>>
      tpu.enqueue_dma source(%arg10 : memref<16x64xf32, #tpu.memory_space<vmem>>) target(%dma_start3A_669 : memref<16x64xf32, #tpu.memory_space<vmem_shared>>) target_semaphore(%run_scoped3A : memref<!tpu.dma_semaphore, #tpu.memory_space<semaphore_mem>>)
      %dma_wait3A = arith.constant 0 : i32
      %dma_wait3A_670 = tpu.memref_slice %arg11[%add3A_612, %dma_wait3A] : memref<10240x64xf32, #tpu.memory_space<vmem_shared>> -> memref<16x64xf32, #tpu.memory_space<vmem_shared>>
      %dma_wait3A_671 = arith.constant 0 : i32
      %dma_wait3A_672 = tpu.memref_slice %arg11[%add3A_612, %dma_wait3A_671] : memref<10240x64xf32, #tpu.memory_space<vmem_shared>> -> memref<16x64xf32, #tpu.memory_space<vmem_shared>>
      tpu.wait_dma2 semaphore(%run_scoped3A : memref<!tpu.dma_semaphore, #tpu.memory_space<semaphore_mem>>) src(%arg10 : memref<16x64xf32, #tpu.memory_space<vmem>>) dst(%dma_wait3A_672 : memref<16x64xf32, #tpu.memory_space<vmem_shared>>)
      tpu.yield
    }) : () -> ()
    %add3A_613 = arith.constant 256 : i32
    %add3A_614 = arith.addi %mul3A_580, %add3A_613 : i32
    "tpu.region"() ({
      %run_scoped3A = tpu.sem_alloc : memref<!tpu.dma_semaphore, #tpu.memory_space<semaphore_mem>>
      %dma_start3A = arith.constant 0 : i32
      %dma_start3A_667 = tpu.memref_slice %arg11[%add3A_614, %dma_start3A] : memref<10240x64xf32, #tpu.memory_space<vmem_shared>> -> memref<16x64xf32, #tpu.memory_space<vmem_shared>>
      %dma_start3A_668 = arith.constant 0 : i32
      %dma_start3A_669 = tpu.memref_slice %arg11[%add3A_614, %dma_start3A_668] : memref<10240x64xf32, #tpu.memory_space<vmem_shared>> -> memref<16x64xf32, #tpu.memory_space<vmem_shared>>
      tpu.enqueue_dma source(%arg10 : memref<16x64xf32, #tpu.memory_space<vmem>>) target(%dma_start3A_669 : memref<16x64xf32, #tpu.memory_space<vmem_shared>>) target_semaphore(%run_scoped3A : memref<!tpu.dma_semaphore, #tpu.memory_space<semaphore_mem>>)
      %dma_wait3A = arith.constant 0 : i32
      %dma_wait3A_670 = tpu.memref_slice %arg11[%add3A_614, %dma_wait3A] : memref<10240x64xf32, #tpu.memory_space<vmem_shared>> -> memref<16x64xf32, #tpu.memory_space<vmem_shared>>
      %dma_wait3A_671 = arith.constant 0 : i32
      %dma_wait3A_672 = tpu.memref_slice %arg11[%add3A_614, %dma_wait3A_671] : memref<10240x64xf32, #tpu.memory_space<vmem_shared>> -> memref<16x64xf32, #tpu.memory_space<vmem_shared>>
      tpu.wait_dma2 semaphore(%run_scoped3A : memref<!tpu.dma_semaphore, #tpu.memory_space<semaphore_mem>>) src(%arg10 : memref<16x64xf32, #tpu.memory_space<vmem>>) dst(%dma_wait3A_672 : memref<16x64xf32, #tpu.memory_space<vmem_shared>>)
      tpu.yield
    }) : () -> ()
    %add3A_615 = arith.constant 272 : i32
    %add3A_616 = arith.addi %mul3A_580, %add3A_615 : i32
    "tpu.region"() ({
      %run_scoped3A = tpu.sem_alloc : memref<!tpu.dma_semaphore, #tpu.memory_space<semaphore_mem>>
      %dma_start3A = arith.constant 0 : i32
      %dma_start3A_667 = tpu.memref_slice %arg11[%add3A_616, %dma_start3A] : memref<10240x64xf32, #tpu.memory_space<vmem_shared>> -> memref<16x64xf32, #tpu.memory_space<vmem_shared>>
      %dma_start3A_668 = arith.constant 0 : i32
      %dma_start3A_669 = tpu.memref_slice %arg11[%add3A_616, %dma_start3A_668] : memref<10240x64xf32, #tpu.memory_space<vmem_shared>> -> memref<16x64xf32, #tpu.memory_space<vmem_shared>>
      tpu.enqueue_dma source(%arg10 : memref<16x64xf32, #tpu.memory_space<vmem>>) target(%dma_start3A_669 : memref<16x64xf32, #tpu.memory_space<vmem_shared>>) target_semaphore(%run_scoped3A : memref<!tpu.dma_semaphore, #tpu.memory_space<semaphore_mem>>)
      %dma_wait3A = arith.constant 0 : i32
      %dma_wait3A_670 = tpu.memref_slice %arg11[%add3A_616, %dma_wait3A] : memref<10240x64xf32, #tpu.memory_space<vmem_shared>> -> memref<16x64xf32, #tpu.memory_space<vmem_shared>>
      %dma_wait3A_671 = arith.constant 0 : i32
      %dma_wait3A_672 = tpu.memref_slice %arg11[%add3A_616, %dma_wait3A_671] : memref<10240x64xf32, #tpu.memory_space<vmem_shared>> -> memref<16x64xf32, #tpu.memory_space<vmem_shared>>
      tpu.wait_dma2 semaphore(%run_scoped3A : memref<!tpu.dma_semaphore, #tpu.memory_space<semaphore_mem>>) src(%arg10 : memref<16x64xf32, #tpu.memory_space<vmem>>) dst(%dma_wait3A_672 : memref<16x64xf32, #tpu.memory_space<vmem_shared>>)
      tpu.yield
    }) : () -> ()
    %add3A_617 = arith.constant 288 : i32
    %add3A_618 = arith.addi %mul3A_580, %add3A_617 : i32
    "tpu.region"() ({
      %run_scoped3A = tpu.sem_alloc : memref<!tpu.dma_semaphore, #tpu.memory_space<semaphore_mem>>
      %dma_start3A = arith.constant 0 : i32
      %dma_start3A_667 = tpu.memref_slice %arg11[%add3A_618, %dma_start3A] : memref<10240x64xf32, #tpu.memory_space<vmem_shared>> -> memref<16x64xf32, #tpu.memory_space<vmem_shared>>
      %dma_start3A_668 = arith.constant 0 : i32
      %dma_start3A_669 = tpu.memref_slice %arg11[%add3A_618, %dma_start3A_668] : memref<10240x64xf32, #tpu.memory_space<vmem_shared>> -> memref<16x64xf32, #tpu.memory_space<vmem_shared>>
      tpu.enqueue_dma source(%arg10 : memref<16x64xf32, #tpu.memory_space<vmem>>) target(%dma_start3A_669 : memref<16x64xf32, #tpu.memory_space<vmem_shared>>) target_semaphore(%run_scoped3A : memref<!tpu.dma_semaphore, #tpu.memory_space<semaphore_mem>>)
      %dma_wait3A = arith.constant 0 : i32
      %dma_wait3A_670 = tpu.memref_slice %arg11[%add3A_618, %dma_wait3A] : memref<10240x64xf32, #tpu.memory_space<vmem_shared>> -> memref<16x64xf32, #tpu.memory_space<vmem_shared>>
      %dma_wait3A_671 = arith.constant 0 : i32
      %dma_wait3A_672 = tpu.memref_slice %arg11[%add3A_618, %dma_wait3A_671] : memref<10240x64xf32, #tpu.memory_space<vmem_shared>> -> memref<16x64xf32, #tpu.memory_space<vmem_shared>>
      tpu.wait_dma2 semaphore(%run_scoped3A : memref<!tpu.dma_semaphore, #tpu.memory_space<semaphore_mem>>) src(%arg10 : memref<16x64xf32, #tpu.memory_space<vmem>>) dst(%dma_wait3A_672 : memref<16x64xf32, #tpu.memory_space<vmem_shared>>)
      tpu.yield
    }) : () -> ()
    %add3A_619 = arith.constant 304 : i32
    %add3A_620 = arith.addi %mul3A_580, %add3A_619 : i32
    "tpu.region"() ({
      %run_scoped3A = tpu.sem_alloc : memref<!tpu.dma_semaphore, #tpu.memory_space<semaphore_mem>>
      %dma_start3A = arith.constant 0 : i32
      %dma_start3A_667 = tpu.memref_slice %arg11[%add3A_620, %dma_start3A] : memref<10240x64xf32, #tpu.memory_space<vmem_shared>> -> memref<16x64xf32, #tpu.memory_space<vmem_shared>>
      %dma_start3A_668 = arith.constant 0 : i32
      %dma_start3A_669 = tpu.memref_slice %arg11[%add3A_620, %dma_start3A_668] : memref<10240x64xf32, #tpu.memory_space<vmem_shared>> -> memref<16x64xf32, #tpu.memory_space<vmem_shared>>
      tpu.enqueue_dma source(%arg10 : memref<16x64xf32, #tpu.memory_space<vmem>>) target(%dma_start3A_669 : memref<16x64xf32, #tpu.memory_space<vmem_shared>>) target_semaphore(%run_scoped3A : memref<!tpu.dma_semaphore, #tpu.memory_space<semaphore_mem>>)
      %dma_wait3A = arith.constant 0 : i32
      %dma_wait3A_670 = tpu.memref_slice %arg11[%add3A_620, %dma_wait3A] : memref<10240x64xf32, #tpu.memory_space<vmem_shared>> -> memref<16x64xf32, #tpu.memory_space<vmem_shared>>
      %dma_wait3A_671 = arith.constant 0 : i32
      %dma_wait3A_672 = tpu.memref_slice %arg11[%add3A_620, %dma_wait3A_671] : memref<10240x64xf32, #tpu.memory_space<vmem_shared>> -> memref<16x64xf32, #tpu.memory_space<vmem_shared>>
      tpu.wait_dma2 semaphore(%run_scoped3A : memref<!tpu.dma_semaphore, #tpu.memory_space<semaphore_mem>>) src(%arg10 : memref<16x64xf32, #tpu.memory_space<vmem>>) dst(%dma_wait3A_672 : memref<16x64xf32, #tpu.memory_space<vmem_shared>>)
      tpu.yield
    }) : () -> ()
    %add3A_621 = arith.constant 320 : i32
    %add3A_622 = arith.addi %mul3A_580, %add3A_621 : i32
    "tpu.region"() ({
      %run_scoped3A = tpu.sem_alloc : memref<!tpu.dma_semaphore, #tpu.memory_space<semaphore_mem>>
      %dma_start3A = arith.constant 0 : i32
      %dma_start3A_667 = tpu.memref_slice %arg11[%add3A_622, %dma_start3A] : memref<10240x64xf32, #tpu.memory_space<vmem_shared>> -> memref<16x64xf32, #tpu.memory_space<vmem_shared>>
      %dma_start3A_668 = arith.constant 0 : i32
      %dma_start3A_669 = tpu.memref_slice %arg11[%add3A_622, %dma_start3A_668] : memref<10240x64xf32, #tpu.memory_space<vmem_shared>> -> memref<16x64xf32, #tpu.memory_space<vmem_shared>>
      tpu.enqueue_dma source(%arg10 : memref<16x64xf32, #tpu.memory_space<vmem>>) target(%dma_start3A_669 : memref<16x64xf32, #tpu.memory_space<vmem_shared>>) target_semaphore(%run_scoped3A : memref<!tpu.dma_semaphore, #tpu.memory_space<semaphore_mem>>)
      %dma_wait3A = arith.constant 0 : i32
      %dma_wait3A_670 = tpu.memref_slice %arg11[%add3A_622, %dma_wait3A] : memref<10240x64xf32, #tpu.memory_space<vmem_shared>> -> memref<16x64xf32, #tpu.memory_space<vmem_shared>>
      %dma_wait3A_671 = arith.constant 0 : i32
      %dma_wait3A_672 = tpu.memref_slice %arg11[%add3A_622, %dma_wait3A_671] : memref<10240x64xf32, #tpu.memory_space<vmem_shared>> -> memref<16x64xf32, #tpu.memory_space<vmem_shared>>
      tpu.wait_dma2 semaphore(%run_scoped3A : memref<!tpu.dma_semaphore, #tpu.memory_space<semaphore_mem>>) src(%arg10 : memref<16x64xf32, #tpu.memory_space<vmem>>) dst(%dma_wait3A_672 : memref<16x64xf32, #tpu.memory_space<vmem_shared>>)
      tpu.yield
    }) : () -> ()
    %add3A_623 = arith.constant 336 : i32
    %add3A_624 = arith.addi %mul3A_580, %add3A_623 : i32
    "tpu.region"() ({
      %run_scoped3A = tpu.sem_alloc : memref<!tpu.dma_semaphore, #tpu.memory_space<semaphore_mem>>
      %dma_start3A = arith.constant 0 : i32
      %dma_start3A_667 = tpu.memref_slice %arg11[%add3A_624, %dma_start3A] : memref<10240x64xf32, #tpu.memory_space<vmem_shared>> -> memref<16x64xf32, #tpu.memory_space<vmem_shared>>
      %dma_start3A_668 = arith.constant 0 : i32
      %dma_start3A_669 = tpu.memref_slice %arg11[%add3A_624, %dma_start3A_668] : memref<10240x64xf32, #tpu.memory_space<vmem_shared>> -> memref<16x64xf32, #tpu.memory_space<vmem_shared>>
      tpu.enqueue_dma source(%arg10 : memref<16x64xf32, #tpu.memory_space<vmem>>) target(%dma_start3A_669 : memref<16x64xf32, #tpu.memory_space<vmem_shared>>) target_semaphore(%run_scoped3A : memref<!tpu.dma_semaphore, #tpu.memory_space<semaphore_mem>>)
      %dma_wait3A = arith.constant 0 : i32
      %dma_wait3A_670 = tpu.memref_slice %arg11[%add3A_624, %dma_wait3A] : memref<10240x64xf32, #tpu.memory_space<vmem_shared>> -> memref<16x64xf32, #tpu.memory_space<vmem_shared>>
      %dma_wait3A_671 = arith.constant 0 : i32
      %dma_wait3A_672 = tpu.memref_slice %arg11[%add3A_624, %dma_wait3A_671] : memref<10240x64xf32, #tpu.memory_space<vmem_shared>> -> memref<16x64xf32, #tpu.memory_space<vmem_shared>>
      tpu.wait_dma2 semaphore(%run_scoped3A : memref<!tpu.dma_semaphore, #tpu.memory_space<semaphore_mem>>) src(%arg10 : memref<16x64xf32, #tpu.memory_space<vmem>>) dst(%dma_wait3A_672 : memref<16x64xf32, #tpu.memory_space<vmem_shared>>)
      tpu.yield
    }) : () -> ()
    %add3A_625 = arith.constant 352 : i32
    %add3A_626 = arith.addi %mul3A_580, %add3A_625 : i32
    "tpu.region"() ({
      %run_scoped3A = tpu.sem_alloc : memref<!tpu.dma_semaphore, #tpu.memory_space<semaphore_mem>>
      %dma_start3A = arith.constant 0 : i32
      %dma_start3A_667 = tpu.memref_slice %arg11[%add3A_626, %dma_start3A] : memref<10240x64xf32, #tpu.memory_space<vmem_shared>> -> memref<16x64xf32, #tpu.memory_space<vmem_shared>>
      %dma_start3A_668 = arith.constant 0 : i32
      %dma_start3A_669 = tpu.memref_slice %arg11[%add3A_626, %dma_start3A_668] : memref<10240x64xf32, #tpu.memory_space<vmem_shared>> -> memref<16x64xf32, #tpu.memory_space<vmem_shared>>
      tpu.enqueue_dma source(%arg10 : memref<16x64xf32, #tpu.memory_space<vmem>>) target(%dma_start3A_669 : memref<16x64xf32, #tpu.memory_space<vmem_shared>>) target_semaphore(%run_scoped3A : memref<!tpu.dma_semaphore, #tpu.memory_space<semaphore_mem>>)
      %dma_wait3A = arith.constant 0 : i32
      %dma_wait3A_670 = tpu.memref_slice %arg11[%add3A_626, %dma_wait3A] : memref<10240x64xf32, #tpu.memory_space<vmem_shared>> -> memref<16x64xf32, #tpu.memory_space<vmem_shared>>
      %dma_wait3A_671 = arith.constant 0 : i32
      %dma_wait3A_672 = tpu.memref_slice %arg11[%add3A_626, %dma_wait3A_671] : memref<10240x64xf32, #tpu.memory_space<vmem_shared>> -> memref<16x64xf32, #tpu.memory_space<vmem_shared>>
      tpu.wait_dma2 semaphore(%run_scoped3A : memref<!tpu.dma_semaphore, #tpu.memory_space<semaphore_mem>>) src(%arg10 : memref<16x64xf32, #tpu.memory_space<vmem>>) dst(%dma_wait3A_672 : memref<16x64xf32, #tpu.memory_space<vmem_shared>>)
      tpu.yield
    }) : () -> ()
    %add3A_627 = arith.constant 368 : i32
    %add3A_628 = arith.addi %mul3A_580, %add3A_627 : i32
    "tpu.region"() ({
      %run_scoped3A = tpu.sem_alloc : memref<!tpu.dma_semaphore, #tpu.memory_space<semaphore_mem>>
      %dma_start3A = arith.constant 0 : i32
      %dma_start3A_667 = tpu.memref_slice %arg11[%add3A_628, %dma_start3A] : memref<10240x64xf32, #tpu.memory_space<vmem_shared>> -> memref<16x64xf32, #tpu.memory_space<vmem_shared>>
      %dma_start3A_668 = arith.constant 0 : i32
      %dma_start3A_669 = tpu.memref_slice %arg11[%add3A_628, %dma_start3A_668] : memref<10240x64xf32, #tpu.memory_space<vmem_shared>> -> memref<16x64xf32, #tpu.memory_space<vmem_shared>>
      tpu.enqueue_dma source(%arg10 : memref<16x64xf32, #tpu.memory_space<vmem>>) target(%dma_start3A_669 : memref<16x64xf32, #tpu.memory_space<vmem_shared>>) target_semaphore(%run_scoped3A : memref<!tpu.dma_semaphore, #tpu.memory_space<semaphore_mem>>)
      %dma_wait3A = arith.constant 0 : i32
      %dma_wait3A_670 = tpu.memref_slice %arg11[%add3A_628, %dma_wait3A] : memref<10240x64xf32, #tpu.memory_space<vmem_shared>> -> memref<16x64xf32, #tpu.memory_space<vmem_shared>>
      %dma_wait3A_671 = arith.constant 0 : i32
      %dma_wait3A_672 = tpu.memref_slice %arg11[%add3A_628, %dma_wait3A_671] : memref<10240x64xf32, #tpu.memory_space<vmem_shared>> -> memref<16x64xf32, #tpu.memory_space<vmem_shared>>
      tpu.wait_dma2 semaphore(%run_scoped3A : memref<!tpu.dma_semaphore, #tpu.memory_space<semaphore_mem>>) src(%arg10 : memref<16x64xf32, #tpu.memory_space<vmem>>) dst(%dma_wait3A_672 : memref<16x64xf32, #tpu.memory_space<vmem_shared>>)
      tpu.yield
    }) : () -> ()
    %add3A_629 = arith.constant 384 : i32
    %add3A_630 = arith.addi %mul3A_580, %add3A_629 : i32
    "tpu.region"() ({
      %run_scoped3A = tpu.sem_alloc : memref<!tpu.dma_semaphore, #tpu.memory_space<semaphore_mem>>
      %dma_start3A = arith.constant 0 : i32
      %dma_start3A_667 = tpu.memref_slice %arg11[%add3A_630, %dma_start3A] : memref<10240x64xf32, #tpu.memory_space<vmem_shared>> -> memref<16x64xf32, #tpu.memory_space<vmem_shared>>
      %dma_start3A_668 = arith.constant 0 : i32
      %dma_start3A_669 = tpu.memref_slice %arg11[%add3A_630, %dma_start3A_668] : memref<10240x64xf32, #tpu.memory_space<vmem_shared>> -> memref<16x64xf32, #tpu.memory_space<vmem_shared>>
      tpu.enqueue_dma source(%arg10 : memref<16x64xf32, #tpu.memory_space<vmem>>) target(%dma_start3A_669 : memref<16x64xf32, #tpu.memory_space<vmem_shared>>) target_semaphore(%run_scoped3A : memref<!tpu.dma_semaphore, #tpu.memory_space<semaphore_mem>>)
      %dma_wait3A = arith.constant 0 : i32
      %dma_wait3A_670 = tpu.memref_slice %arg11[%add3A_630, %dma_wait3A] : memref<10240x64xf32, #tpu.memory_space<vmem_shared>> -> memref<16x64xf32, #tpu.memory_space<vmem_shared>>
      %dma_wait3A_671 = arith.constant 0 : i32
      %dma_wait3A_672 = tpu.memref_slice %arg11[%add3A_630, %dma_wait3A_671] : memref<10240x64xf32, #tpu.memory_space<vmem_shared>> -> memref<16x64xf32, #tpu.memory_space<vmem_shared>>
      tpu.wait_dma2 semaphore(%run_scoped3A : memref<!tpu.dma_semaphore, #tpu.memory_space<semaphore_mem>>) src(%arg10 : memref<16x64xf32, #tpu.memory_space<vmem>>) dst(%dma_wait3A_672 : memref<16x64xf32, #tpu.memory_space<vmem_shared>>)
      tpu.yield
    }) : () -> ()
    %add3A_631 = arith.constant 400 : i32
    %add3A_632 = arith.addi %mul3A_580, %add3A_631 : i32
    "tpu.region"() ({
      %run_scoped3A = tpu.sem_alloc : memref<!tpu.dma_semaphore, #tpu.memory_space<semaphore_mem>>
      %dma_start3A = arith.constant 0 : i32
      %dma_start3A_667 = tpu.memref_slice %arg11[%add3A_632, %dma_start3A] : memref<10240x64xf32, #tpu.memory_space<vmem_shared>> -> memref<16x64xf32, #tpu.memory_space<vmem_shared>>
      %dma_start3A_668 = arith.constant 0 : i32
      %dma_start3A_669 = tpu.memref_slice %arg11[%add3A_632, %dma_start3A_668] : memref<10240x64xf32, #tpu.memory_space<vmem_shared>> -> memref<16x64xf32, #tpu.memory_space<vmem_shared>>
      tpu.enqueue_dma source(%arg10 : memref<16x64xf32, #tpu.memory_space<vmem>>) target(%dma_start3A_669 : memref<16x64xf32, #tpu.memory_space<vmem_shared>>) target_semaphore(%run_scoped3A : memref<!tpu.dma_semaphore, #tpu.memory_space<semaphore_mem>>)
      %dma_wait3A = arith.constant 0 : i32
      %dma_wait3A_670 = tpu.memref_slice %arg11[%add3A_632, %dma_wait3A] : memref<10240x64xf32, #tpu.memory_space<vmem_shared>> -> memref<16x64xf32, #tpu.memory_space<vmem_shared>>
      %dma_wait3A_671 = arith.constant 0 : i32
      %dma_wait3A_672 = tpu.memref_slice %arg11[%add3A_632, %dma_wait3A_671] : memref<10240x64xf32, #tpu.memory_space<vmem_shared>> -> memref<16x64xf32, #tpu.memory_space<vmem_shared>>
      tpu.wait_dma2 semaphore(%run_scoped3A : memref<!tpu.dma_semaphore, #tpu.memory_space<semaphore_mem>>) src(%arg10 : memref<16x64xf32, #tpu.memory_space<vmem>>) dst(%dma_wait3A_672 : memref<16x64xf32, #tpu.memory_space<vmem_shared>>)
      tpu.yield
    }) : () -> ()
    %add3A_633 = arith.constant 416 : i32
    %add3A_634 = arith.addi %mul3A_580, %add3A_633 : i32
    "tpu.region"() ({
      %run_scoped3A = tpu.sem_alloc : memref<!tpu.dma_semaphore, #tpu.memory_space<semaphore_mem>>
      %dma_start3A = arith.constant 0 : i32
      %dma_start3A_667 = tpu.memref_slice %arg11[%add3A_634, %dma_start3A] : memref<10240x64xf32, #tpu.memory_space<vmem_shared>> -> memref<16x64xf32, #tpu.memory_space<vmem_shared>>
      %dma_start3A_668 = arith.constant 0 : i32
      %dma_start3A_669 = tpu.memref_slice %arg11[%add3A_634, %dma_start3A_668] : memref<10240x64xf32, #tpu.memory_space<vmem_shared>> -> memref<16x64xf32, #tpu.memory_space<vmem_shared>>
      tpu.enqueue_dma source(%arg10 : memref<16x64xf32, #tpu.memory_space<vmem>>) target(%dma_start3A_669 : memref<16x64xf32, #tpu.memory_space<vmem_shared>>) target_semaphore(%run_scoped3A : memref<!tpu.dma_semaphore, #tpu.memory_space<semaphore_mem>>)
      %dma_wait3A = arith.constant 0 : i32
      %dma_wait3A_670 = tpu.memref_slice %arg11[%add3A_634, %dma_wait3A] : memref<10240x64xf32, #tpu.memory_space<vmem_shared>> -> memref<16x64xf32, #tpu.memory_space<vmem_shared>>
      %dma_wait3A_671 = arith.constant 0 : i32
      %dma_wait3A_672 = tpu.memref_slice %arg11[%add3A_634, %dma_wait3A_671] : memref<10240x64xf32, #tpu.memory_space<vmem_shared>> -> memref<16x64xf32, #tpu.memory_space<vmem_shared>>
      tpu.wait_dma2 semaphore(%run_scoped3A : memref<!tpu.dma_semaphore, #tpu.memory_space<semaphore_mem>>) src(%arg10 : memref<16x64xf32, #tpu.memory_space<vmem>>) dst(%dma_wait3A_672 : memref<16x64xf32, #tpu.memory_space<vmem_shared>>)
      tpu.yield
    }) : () -> ()
    %add3A_635 = arith.constant 432 : i32
    %add3A_636 = arith.addi %mul3A_580, %add3A_635 : i32
    "tpu.region"() ({
      %run_scoped3A = tpu.sem_alloc : memref<!tpu.dma_semaphore, #tpu.memory_space<semaphore_mem>>
      %dma_start3A = arith.constant 0 : i32
      %dma_start3A_667 = tpu.memref_slice %arg11[%add3A_636, %dma_start3A] : memref<10240x64xf32, #tpu.memory_space<vmem_shared>> -> memref<16x64xf32, #tpu.memory_space<vmem_shared>>
      %dma_start3A_668 = arith.constant 0 : i32
      %dma_start3A_669 = tpu.memref_slice %arg11[%add3A_636, %dma_start3A_668] : memref<10240x64xf32, #tpu.memory_space<vmem_shared>> -> memref<16x64xf32, #tpu.memory_space<vmem_shared>>
      tpu.enqueue_dma source(%arg10 : memref<16x64xf32, #tpu.memory_space<vmem>>) target(%dma_start3A_669 : memref<16x64xf32, #tpu.memory_space<vmem_shared>>) target_semaphore(%run_scoped3A : memref<!tpu.dma_semaphore, #tpu.memory_space<semaphore_mem>>)
      %dma_wait3A = arith.constant 0 : i32
      %dma_wait3A_670 = tpu.memref_slice %arg11[%add3A_636, %dma_wait3A] : memref<10240x64xf32, #tpu.memory_space<vmem_shared>> -> memref<16x64xf32, #tpu.memory_space<vmem_shared>>
      %dma_wait3A_671 = arith.constant 0 : i32
      %dma_wait3A_672 = tpu.memref_slice %arg11[%add3A_636, %dma_wait3A_671] : memref<10240x64xf32, #tpu.memory_space<vmem_shared>> -> memref<16x64xf32, #tpu.memory_space<vmem_shared>>
      tpu.wait_dma2 semaphore(%run_scoped3A : memref<!tpu.dma_semaphore, #tpu.memory_space<semaphore_mem>>) src(%arg10 : memref<16x64xf32, #tpu.memory_space<vmem>>) dst(%dma_wait3A_672 : memref<16x64xf32, #tpu.memory_space<vmem_shared>>)
      tpu.yield
    }) : () -> ()
    %add3A_637 = arith.constant 448 : i32
    %add3A_638 = arith.addi %mul3A_580, %add3A_637 : i32
    "tpu.region"() ({
      %run_scoped3A = tpu.sem_alloc : memref<!tpu.dma_semaphore, #tpu.memory_space<semaphore_mem>>
      %dma_start3A = arith.constant 0 : i32
      %dma_start3A_667 = tpu.memref_slice %arg11[%add3A_638, %dma_start3A] : memref<10240x64xf32, #tpu.memory_space<vmem_shared>> -> memref<16x64xf32, #tpu.memory_space<vmem_shared>>
      %dma_start3A_668 = arith.constant 0 : i32
      %dma_start3A_669 = tpu.memref_slice %arg11[%add3A_638, %dma_start3A_668] : memref<10240x64xf32, #tpu.memory_space<vmem_shared>> -> memref<16x64xf32, #tpu.memory_space<vmem_shared>>
      tpu.enqueue_dma source(%arg10 : memref<16x64xf32, #tpu.memory_space<vmem>>) target(%dma_start3A_669 : memref<16x64xf32, #tpu.memory_space<vmem_shared>>) target_semaphore(%run_scoped3A : memref<!tpu.dma_semaphore, #tpu.memory_space<semaphore_mem>>)
      %dma_wait3A = arith.constant 0 : i32
      %dma_wait3A_670 = tpu.memref_slice %arg11[%add3A_638, %dma_wait3A] : memref<10240x64xf32, #tpu.memory_space<vmem_shared>> -> memref<16x64xf32, #tpu.memory_space<vmem_shared>>
      %dma_wait3A_671 = arith.constant 0 : i32
      %dma_wait3A_672 = tpu.memref_slice %arg11[%add3A_638, %dma_wait3A_671] : memref<10240x64xf32, #tpu.memory_space<vmem_shared>> -> memref<16x64xf32, #tpu.memory_space<vmem_shared>>
      tpu.wait_dma2 semaphore(%run_scoped3A : memref<!tpu.dma_semaphore, #tpu.memory_space<semaphore_mem>>) src(%arg10 : memref<16x64xf32, #tpu.memory_space<vmem>>) dst(%dma_wait3A_672 : memref<16x64xf32, #tpu.memory_space<vmem_shared>>)
      tpu.yield
    }) : () -> ()
    %add3A_639 = arith.constant 464 : i32
    %add3A_640 = arith.addi %mul3A_580, %add3A_639 : i32
    "tpu.region"() ({
      %run_scoped3A = tpu.sem_alloc : memref<!tpu.dma_semaphore, #tpu.memory_space<semaphore_mem>>
      %dma_start3A = arith.constant 0 : i32
      %dma_start3A_667 = tpu.memref_slice %arg11[%add3A_640, %dma_start3A] : memref<10240x64xf32, #tpu.memory_space<vmem_shared>> -> memref<16x64xf32, #tpu.memory_space<vmem_shared>>
      %dma_start3A_668 = arith.constant 0 : i32
      %dma_start3A_669 = tpu.memref_slice %arg11[%add3A_640, %dma_start3A_668] : memref<10240x64xf32, #tpu.memory_space<vmem_shared>> -> memref<16x64xf32, #tpu.memory_space<vmem_shared>>
      tpu.enqueue_dma source(%arg10 : memref<16x64xf32, #tpu.memory_space<vmem>>) target(%dma_start3A_669 : memref<16x64xf32, #tpu.memory_space<vmem_shared>>) target_semaphore(%run_scoped3A : memref<!tpu.dma_semaphore, #tpu.memory_space<semaphore_mem>>)
      %dma_wait3A = arith.constant 0 : i32
      %dma_wait3A_670 = tpu.memref_slice %arg11[%add3A_640, %dma_wait3A] : memref<10240x64xf32, #tpu.memory_space<vmem_shared>> -> memref<16x64xf32, #tpu.memory_space<vmem_shared>>
      %dma_wait3A_671 = arith.constant 0 : i32
      %dma_wait3A_672 = tpu.memref_slice %arg11[%add3A_640, %dma_wait3A_671] : memref<10240x64xf32, #tpu.memory_space<vmem_shared>> -> memref<16x64xf32, #tpu.memory_space<vmem_shared>>
      tpu.wait_dma2 semaphore(%run_scoped3A : memref<!tpu.dma_semaphore, #tpu.memory_space<semaphore_mem>>) src(%arg10 : memref<16x64xf32, #tpu.memory_space<vmem>>) dst(%dma_wait3A_672 : memref<16x64xf32, #tpu.memory_space<vmem_shared>>)
      tpu.yield
    }) : () -> ()
    %add3A_641 = arith.constant 480 : i32
    %add3A_642 = arith.addi %mul3A_580, %add3A_641 : i32
    "tpu.region"() ({
      %run_scoped3A = tpu.sem_alloc : memref<!tpu.dma_semaphore, #tpu.memory_space<semaphore_mem>>
      %dma_start3A = arith.constant 0 : i32
      %dma_start3A_667 = tpu.memref_slice %arg11[%add3A_642, %dma_start3A] : memref<10240x64xf32, #tpu.memory_space<vmem_shared>> -> memref<16x64xf32, #tpu.memory_space<vmem_shared>>
      %dma_start3A_668 = arith.constant 0 : i32
      %dma_start3A_669 = tpu.memref_slice %arg11[%add3A_642, %dma_start3A_668] : memref<10240x64xf32, #tpu.memory_space<vmem_shared>> -> memref<16x64xf32, #tpu.memory_space<vmem_shared>>
      tpu.enqueue_dma source(%arg10 : memref<16x64xf32, #tpu.memory_space<vmem>>) target(%dma_start3A_669 : memref<16x64xf32, #tpu.memory_space<vmem_shared>>) target_semaphore(%run_scoped3A : memref<!tpu.dma_semaphore, #tpu.memory_space<semaphore_mem>>)
      %dma_wait3A = arith.constant 0 : i32
      %dma_wait3A_670 = tpu.memref_slice %arg11[%add3A_642, %dma_wait3A] : memref<10240x64xf32, #tpu.memory_space<vmem_shared>> -> memref<16x64xf32, #tpu.memory_space<vmem_shared>>
      %dma_wait3A_671 = arith.constant 0 : i32
      %dma_wait3A_672 = tpu.memref_slice %arg11[%add3A_642, %dma_wait3A_671] : memref<10240x64xf32, #tpu.memory_space<vmem_shared>> -> memref<16x64xf32, #tpu.memory_space<vmem_shared>>
      tpu.wait_dma2 semaphore(%run_scoped3A : memref<!tpu.dma_semaphore, #tpu.memory_space<semaphore_mem>>) src(%arg10 : memref<16x64xf32, #tpu.memory_space<vmem>>) dst(%dma_wait3A_672 : memref<16x64xf32, #tpu.memory_space<vmem_shared>>)
      tpu.yield
    }) : () -> ()
    %add3A_643 = arith.constant 496 : i32
    %add3A_644 = arith.addi %mul3A_580, %add3A_643 : i32
    "tpu.region"() ({
      %run_scoped3A = tpu.sem_alloc : memref<!tpu.dma_semaphore, #tpu.memory_space<semaphore_mem>>
      %dma_start3A = arith.constant 0 : i32
      %dma_start3A_667 = tpu.memref_slice %arg11[%add3A_644, %dma_start3A] : memref<10240x64xf32, #tpu.memory_space<vmem_shared>> -> memref<16x64xf32, #tpu.memory_space<vmem_shared>>
      %dma_start3A_668 = arith.constant 0 : i32
      %dma_start3A_669 = tpu.memref_slice %arg11[%add3A_644, %dma_start3A_668] : memref<10240x64xf32, #tpu.memory_space<vmem_shared>> -> memref<16x64xf32, #tpu.memory_space<vmem_shared>>
      tpu.enqueue_dma source(%arg10 : memref<16x64xf32, #tpu.memory_space<vmem>>) target(%dma_start3A_669 : memref<16x64xf32, #tpu.memory_space<vmem_shared>>) target_semaphore(%run_scoped3A : memref<!tpu.dma_semaphore, #tpu.memory_space<semaphore_mem>>)
      %dma_wait3A = arith.constant 0 : i32
      %dma_wait3A_670 = tpu.memref_slice %arg11[%add3A_644, %dma_wait3A] : memref<10240x64xf32, #tpu.memory_space<vmem_shared>> -> memref<16x64xf32, #tpu.memory_space<vmem_shared>>
      %dma_wait3A_671 = arith.constant 0 : i32
      %dma_wait3A_672 = tpu.memref_slice %arg11[%add3A_644, %dma_wait3A_671] : memref<10240x64xf32, #tpu.memory_space<vmem_shared>> -> memref<16x64xf32, #tpu.memory_space<vmem_shared>>
      tpu.wait_dma2 semaphore(%run_scoped3A : memref<!tpu.dma_semaphore, #tpu.memory_space<semaphore_mem>>) src(%arg10 : memref<16x64xf32, #tpu.memory_space<vmem>>) dst(%dma_wait3A_672 : memref<16x64xf32, #tpu.memory_space<vmem_shared>>)
      tpu.yield
    }) : () -> ()
    %add3A_645 = arith.constant 512 : i32
    %add3A_646 = arith.addi %mul3A_580, %add3A_645 : i32
    "tpu.region"() ({
      %run_scoped3A = tpu.sem_alloc : memref<!tpu.dma_semaphore, #tpu.memory_space<semaphore_mem>>
      %dma_start3A = arith.constant 0 : i32
      %dma_start3A_667 = tpu.memref_slice %arg11[%add3A_646, %dma_start3A] : memref<10240x64xf32, #tpu.memory_space<vmem_shared>> -> memref<16x64xf32, #tpu.memory_space<vmem_shared>>
      %dma_start3A_668 = arith.constant 0 : i32
      %dma_start3A_669 = tpu.memref_slice %arg11[%add3A_646, %dma_start3A_668] : memref<10240x64xf32, #tpu.memory_space<vmem_shared>> -> memref<16x64xf32, #tpu.memory_space<vmem_shared>>
      tpu.enqueue_dma source(%arg10 : memref<16x64xf32, #tpu.memory_space<vmem>>) target(%dma_start3A_669 : memref<16x64xf32, #tpu.memory_space<vmem_shared>>) target_semaphore(%run_scoped3A : memref<!tpu.dma_semaphore, #tpu.memory_space<semaphore_mem>>)
      %dma_wait3A = arith.constant 0 : i32
      %dma_wait3A_670 = tpu.memref_slice %arg11[%add3A_646, %dma_wait3A] : memref<10240x64xf32, #tpu.memory_space<vmem_shared>> -> memref<16x64xf32, #tpu.memory_space<vmem_shared>>
      %dma_wait3A_671 = arith.constant 0 : i32
      %dma_wait3A_672 = tpu.memref_slice %arg11[%add3A_646, %dma_wait3A_671] : memref<10240x64xf32, #tpu.memory_space<vmem_shared>> -> memref<16x64xf32, #tpu.memory_space<vmem_shared>>
      tpu.wait_dma2 semaphore(%run_scoped3A : memref<!tpu.dma_semaphore, #tpu.memory_space<semaphore_mem>>) src(%arg10 : memref<16x64xf32, #tpu.memory_space<vmem>>) dst(%dma_wait3A_672 : memref<16x64xf32, #tpu.memory_space<vmem_shared>>)
      tpu.yield
    }) : () -> ()
    %add3A_647 = arith.constant 528 : i32
    %add3A_648 = arith.addi %mul3A_580, %add3A_647 : i32
    "tpu.region"() ({
      %run_scoped3A = tpu.sem_alloc : memref<!tpu.dma_semaphore, #tpu.memory_space<semaphore_mem>>
      %dma_start3A = arith.constant 0 : i32
      %dma_start3A_667 = tpu.memref_slice %arg11[%add3A_648, %dma_start3A] : memref<10240x64xf32, #tpu.memory_space<vmem_shared>> -> memref<16x64xf32, #tpu.memory_space<vmem_shared>>
      %dma_start3A_668 = arith.constant 0 : i32
      %dma_start3A_669 = tpu.memref_slice %arg11[%add3A_648, %dma_start3A_668] : memref<10240x64xf32, #tpu.memory_space<vmem_shared>> -> memref<16x64xf32, #tpu.memory_space<vmem_shared>>
      tpu.enqueue_dma source(%arg10 : memref<16x64xf32, #tpu.memory_space<vmem>>) target(%dma_start3A_669 : memref<16x64xf32, #tpu.memory_space<vmem_shared>>) target_semaphore(%run_scoped3A : memref<!tpu.dma_semaphore, #tpu.memory_space<semaphore_mem>>)
      %dma_wait3A = arith.constant 0 : i32
      %dma_wait3A_670 = tpu.memref_slice %arg11[%add3A_648, %dma_wait3A] : memref<10240x64xf32, #tpu.memory_space<vmem_shared>> -> memref<16x64xf32, #tpu.memory_space<vmem_shared>>
      %dma_wait3A_671 = arith.constant 0 : i32
      %dma_wait3A_672 = tpu.memref_slice %arg11[%add3A_648, %dma_wait3A_671] : memref<10240x64xf32, #tpu.memory_space<vmem_shared>> -> memref<16x64xf32, #tpu.memory_space<vmem_shared>>
      tpu.wait_dma2 semaphore(%run_scoped3A : memref<!tpu.dma_semaphore, #tpu.memory_space<semaphore_mem>>) src(%arg10 : memref<16x64xf32, #tpu.memory_space<vmem>>) dst(%dma_wait3A_672 : memref<16x64xf32, #tpu.memory_space<vmem_shared>>)
      tpu.yield
    }) : () -> ()
    %add3A_649 = arith.constant 544 : i32
    %add3A_650 = arith.addi %mul3A_580, %add3A_649 : i32
    "tpu.region"() ({
      %run_scoped3A = tpu.sem_alloc : memref<!tpu.dma_semaphore, #tpu.memory_space<semaphore_mem>>
      %dma_start3A = arith.constant 0 : i32
      %dma_start3A_667 = tpu.memref_slice %arg11[%add3A_650, %dma_start3A] : memref<10240x64xf32, #tpu.memory_space<vmem_shared>> -> memref<16x64xf32, #tpu.memory_space<vmem_shared>>
      %dma_start3A_668 = arith.constant 0 : i32
      %dma_start3A_669 = tpu.memref_slice %arg11[%add3A_650, %dma_start3A_668] : memref<10240x64xf32, #tpu.memory_space<vmem_shared>> -> memref<16x64xf32, #tpu.memory_space<vmem_shared>>
      tpu.enqueue_dma source(%arg10 : memref<16x64xf32, #tpu.memory_space<vmem>>) target(%dma_start3A_669 : memref<16x64xf32, #tpu.memory_space<vmem_shared>>) target_semaphore(%run_scoped3A : memref<!tpu.dma_semaphore, #tpu.memory_space<semaphore_mem>>)
      %dma_wait3A = arith.constant 0 : i32
      %dma_wait3A_670 = tpu.memref_slice %arg11[%add3A_650, %dma_wait3A] : memref<10240x64xf32, #tpu.memory_space<vmem_shared>> -> memref<16x64xf32, #tpu.memory_space<vmem_shared>>
      %dma_wait3A_671 = arith.constant 0 : i32
      %dma_wait3A_672 = tpu.memref_slice %arg11[%add3A_650, %dma_wait3A_671] : memref<10240x64xf32, #tpu.memory_space<vmem_shared>> -> memref<16x64xf32, #tpu.memory_space<vmem_shared>>
      tpu.wait_dma2 semaphore(%run_scoped3A : memref<!tpu.dma_semaphore, #tpu.memory_space<semaphore_mem>>) src(%arg10 : memref<16x64xf32, #tpu.memory_space<vmem>>) dst(%dma_wait3A_672 : memref<16x64xf32, #tpu.memory_space<vmem_shared>>)
      tpu.yield
    }) : () -> ()
    %add3A_651 = arith.constant 560 : i32
    %add3A_652 = arith.addi %mul3A_580, %add3A_651 : i32
    "tpu.region"() ({
      %run_scoped3A = tpu.sem_alloc : memref<!tpu.dma_semaphore, #tpu.memory_space<semaphore_mem>>
      %dma_start3A = arith.constant 0 : i32
      %dma_start3A_667 = tpu.memref_slice %arg11[%add3A_652, %dma_start3A] : memref<10240x64xf32, #tpu.memory_space<vmem_shared>> -> memref<16x64xf32, #tpu.memory_space<vmem_shared>>
      %dma_start3A_668 = arith.constant 0 : i32
      %dma_start3A_669 = tpu.memref_slice %arg11[%add3A_652, %dma_start3A_668] : memref<10240x64xf32, #tpu.memory_space<vmem_shared>> -> memref<16x64xf32, #tpu.memory_space<vmem_shared>>
      tpu.enqueue_dma source(%arg10 : memref<16x64xf32, #tpu.memory_space<vmem>>) target(%dma_start3A_669 : memref<16x64xf32, #tpu.memory_space<vmem_shared>>) target_semaphore(%run_scoped3A : memref<!tpu.dma_semaphore, #tpu.memory_space<semaphore_mem>>)
      %dma_wait3A = arith.constant 0 : i32
      %dma_wait3A_670 = tpu.memref_slice %arg11[%add3A_652, %dma_wait3A] : memref<10240x64xf32, #tpu.memory_space<vmem_shared>> -> memref<16x64xf32, #tpu.memory_space<vmem_shared>>
      %dma_wait3A_671 = arith.constant 0 : i32
      %dma_wait3A_672 = tpu.memref_slice %arg11[%add3A_652, %dma_wait3A_671] : memref<10240x64xf32, #tpu.memory_space<vmem_shared>> -> memref<16x64xf32, #tpu.memory_space<vmem_shared>>
      tpu.wait_dma2 semaphore(%run_scoped3A : memref<!tpu.dma_semaphore, #tpu.memory_space<semaphore_mem>>) src(%arg10 : memref<16x64xf32, #tpu.memory_space<vmem>>) dst(%dma_wait3A_672 : memref<16x64xf32, #tpu.memory_space<vmem_shared>>)
      tpu.yield
    }) : () -> ()
    %add3A_653 = arith.constant 576 : i32
    %add3A_654 = arith.addi %mul3A_580, %add3A_653 : i32
    "tpu.region"() ({
      %run_scoped3A = tpu.sem_alloc : memref<!tpu.dma_semaphore, #tpu.memory_space<semaphore_mem>>
      %dma_start3A = arith.constant 0 : i32
      %dma_start3A_667 = tpu.memref_slice %arg11[%add3A_654, %dma_start3A] : memref<10240x64xf32, #tpu.memory_space<vmem_shared>> -> memref<16x64xf32, #tpu.memory_space<vmem_shared>>
      %dma_start3A_668 = arith.constant 0 : i32
      %dma_start3A_669 = tpu.memref_slice %arg11[%add3A_654, %dma_start3A_668] : memref<10240x64xf32, #tpu.memory_space<vmem_shared>> -> memref<16x64xf32, #tpu.memory_space<vmem_shared>>
      tpu.enqueue_dma source(%arg10 : memref<16x64xf32, #tpu.memory_space<vmem>>) target(%dma_start3A_669 : memref<16x64xf32, #tpu.memory_space<vmem_shared>>) target_semaphore(%run_scoped3A : memref<!tpu.dma_semaphore, #tpu.memory_space<semaphore_mem>>)
      %dma_wait3A = arith.constant 0 : i32
      %dma_wait3A_670 = tpu.memref_slice %arg11[%add3A_654, %dma_wait3A] : memref<10240x64xf32, #tpu.memory_space<vmem_shared>> -> memref<16x64xf32, #tpu.memory_space<vmem_shared>>
      %dma_wait3A_671 = arith.constant 0 : i32
      %dma_wait3A_672 = tpu.memref_slice %arg11[%add3A_654, %dma_wait3A_671] : memref<10240x64xf32, #tpu.memory_space<vmem_shared>> -> memref<16x64xf32, #tpu.memory_space<vmem_shared>>
      tpu.wait_dma2 semaphore(%run_scoped3A : memref<!tpu.dma_semaphore, #tpu.memory_space<semaphore_mem>>) src(%arg10 : memref<16x64xf32, #tpu.memory_space<vmem>>) dst(%dma_wait3A_672 : memref<16x64xf32, #tpu.memory_space<vmem_shared>>)
      tpu.yield
    }) : () -> ()
    %add3A_655 = arith.constant 592 : i32
    %add3A_656 = arith.addi %mul3A_580, %add3A_655 : i32
    "tpu.region"() ({
      %run_scoped3A = tpu.sem_alloc : memref<!tpu.dma_semaphore, #tpu.memory_space<semaphore_mem>>
      %dma_start3A = arith.constant 0 : i32
      %dma_start3A_667 = tpu.memref_slice %arg11[%add3A_656, %dma_start3A] : memref<10240x64xf32, #tpu.memory_space<vmem_shared>> -> memref<16x64xf32, #tpu.memory_space<vmem_shared>>
      %dma_start3A_668 = arith.constant 0 : i32
      %dma_start3A_669 = tpu.memref_slice %arg11[%add3A_656, %dma_start3A_668] : memref<10240x64xf32, #tpu.memory_space<vmem_shared>> -> memref<16x64xf32, #tpu.memory_space<vmem_shared>>
      tpu.enqueue_dma source(%arg10 : memref<16x64xf32, #tpu.memory_space<vmem>>) target(%dma_start3A_669 : memref<16x64xf32, #tpu.memory_space<vmem_shared>>) target_semaphore(%run_scoped3A : memref<!tpu.dma_semaphore, #tpu.memory_space<semaphore_mem>>)
      %dma_wait3A = arith.constant 0 : i32
      %dma_wait3A_670 = tpu.memref_slice %arg11[%add3A_656, %dma_wait3A] : memref<10240x64xf32, #tpu.memory_space<vmem_shared>> -> memref<16x64xf32, #tpu.memory_space<vmem_shared>>
      %dma_wait3A_671 = arith.constant 0 : i32
      %dma_wait3A_672 = tpu.memref_slice %arg11[%add3A_656, %dma_wait3A_671] : memref<10240x64xf32, #tpu.memory_space<vmem_shared>> -> memref<16x64xf32, #tpu.memory_space<vmem_shared>>
      tpu.wait_dma2 semaphore(%run_scoped3A : memref<!tpu.dma_semaphore, #tpu.memory_space<semaphore_mem>>) src(%arg10 : memref<16x64xf32, #tpu.memory_space<vmem>>) dst(%dma_wait3A_672 : memref<16x64xf32, #tpu.memory_space<vmem_shared>>)
      tpu.yield
    }) : () -> ()
    %add3A_657 = arith.constant 608 : i32
    %add3A_658 = arith.addi %mul3A_580, %add3A_657 : i32
    "tpu.region"() ({
      %run_scoped3A = tpu.sem_alloc : memref<!tpu.dma_semaphore, #tpu.memory_space<semaphore_mem>>
      %dma_start3A = arith.constant 0 : i32
      %dma_start3A_667 = tpu.memref_slice %arg11[%add3A_658, %dma_start3A] : memref<10240x64xf32, #tpu.memory_space<vmem_shared>> -> memref<16x64xf32, #tpu.memory_space<vmem_shared>>
      %dma_start3A_668 = arith.constant 0 : i32
      %dma_start3A_669 = tpu.memref_slice %arg11[%add3A_658, %dma_start3A_668] : memref<10240x64xf32, #tpu.memory_space<vmem_shared>> -> memref<16x64xf32, #tpu.memory_space<vmem_shared>>
      tpu.enqueue_dma source(%arg10 : memref<16x64xf32, #tpu.memory_space<vmem>>) target(%dma_start3A_669 : memref<16x64xf32, #tpu.memory_space<vmem_shared>>) target_semaphore(%run_scoped3A : memref<!tpu.dma_semaphore, #tpu.memory_space<semaphore_mem>>)
      %dma_wait3A = arith.constant 0 : i32
      %dma_wait3A_670 = tpu.memref_slice %arg11[%add3A_658, %dma_wait3A] : memref<10240x64xf32, #tpu.memory_space<vmem_shared>> -> memref<16x64xf32, #tpu.memory_space<vmem_shared>>
      %dma_wait3A_671 = arith.constant 0 : i32
      %dma_wait3A_672 = tpu.memref_slice %arg11[%add3A_658, %dma_wait3A_671] : memref<10240x64xf32, #tpu.memory_space<vmem_shared>> -> memref<16x64xf32, #tpu.memory_space<vmem_shared>>
      tpu.wait_dma2 semaphore(%run_scoped3A : memref<!tpu.dma_semaphore, #tpu.memory_space<semaphore_mem>>) src(%arg10 : memref<16x64xf32, #tpu.memory_space<vmem>>) dst(%dma_wait3A_672 : memref<16x64xf32, #tpu.memory_space<vmem_shared>>)
      tpu.yield
    }) : () -> ()
    %add3A_659 = arith.constant 624 : i32
    %add3A_660 = arith.addi %mul3A_580, %add3A_659 : i32
    "tpu.region"() ({
      %run_scoped3A = tpu.sem_alloc : memref<!tpu.dma_semaphore, #tpu.memory_space<semaphore_mem>>
      %dma_start3A = arith.constant 0 : i32
      %dma_start3A_667 = tpu.memref_slice %arg11[%add3A_660, %dma_start3A] : memref<10240x64xf32, #tpu.memory_space<vmem_shared>> -> memref<16x64xf32, #tpu.memory_space<vmem_shared>>
      %dma_start3A_668 = arith.constant 0 : i32
      %dma_start3A_669 = tpu.memref_slice %arg11[%add3A_660, %dma_start3A_668] : memref<10240x64xf32, #tpu.memory_space<vmem_shared>> -> memref<16x64xf32, #tpu.memory_space<vmem_shared>>
      tpu.enqueue_dma source(%arg10 : memref<16x64xf32, #tpu.memory_space<vmem>>) target(%dma_start3A_669 : memref<16x64xf32, #tpu.memory_space<vmem_shared>>) target_semaphore(%run_scoped3A : memref<!tpu.dma_semaphore, #tpu.memory_space<semaphore_mem>>)
      %dma_wait3A = arith.constant 0 : i32
      %dma_wait3A_670 = tpu.memref_slice %arg11[%add3A_660, %dma_wait3A] : memref<10240x64xf32, #tpu.memory_space<vmem_shared>> -> memref<16x64xf32, #tpu.memory_space<vmem_shared>>
      %dma_wait3A_671 = arith.constant 0 : i32
      %dma_wait3A_672 = tpu.memref_slice %arg11[%add3A_660, %dma_wait3A_671] : memref<10240x64xf32, #tpu.memory_space<vmem_shared>> -> memref<16x64xf32, #tpu.memory_space<vmem_shared>>
      tpu.wait_dma2 semaphore(%run_scoped3A : memref<!tpu.dma_semaphore, #tpu.memory_space<semaphore_mem>>) src(%arg10 : memref<16x64xf32, #tpu.memory_space<vmem>>) dst(%dma_wait3A_672 : memref<16x64xf32, #tpu.memory_space<vmem_shared>>)
      tpu.yield
    }) : () -> ()
    "tpu.region"() ({
      %run_scoped3A = tpu.sem_alloc : memref<!tpu.dma_semaphore, #tpu.memory_space<semaphore_mem>>
      %dma_start3A = tpu.memref_slice %arg15[%mul3A_580] : memref<10240xf32, #tpu.memory_space<vmem_shared>> -> memref<640xf32, #tpu.memory_space<vmem_shared>>
      %dma_start3A_667 = tpu.memref_slice %arg15[%mul3A_580] : memref<10240xf32, #tpu.memory_space<vmem_shared>> -> memref<640xf32, #tpu.memory_space<vmem_shared>>
      tpu.enqueue_dma source(%arg14 : memref<640xf32, #tpu.memory_space<vmem>>) target(%dma_start3A_667 : memref<640xf32, #tpu.memory_space<vmem_shared>>) target_semaphore(%run_scoped3A : memref<!tpu.dma_semaphore, #tpu.memory_space<semaphore_mem>>)
      %dma_wait3A = tpu.memref_slice %arg15[%mul3A_580] : memref<10240xf32, #tpu.memory_space<vmem_shared>> -> memref<640xf32, #tpu.memory_space<vmem_shared>>
      %dma_wait3A_668 = tpu.memref_slice %arg15[%mul3A_580] : memref<10240xf32, #tpu.memory_space<vmem_shared>> -> memref<640xf32, #tpu.memory_space<vmem_shared>>
      tpu.wait_dma2 semaphore(%run_scoped3A : memref<!tpu.dma_semaphore, #tpu.memory_space<semaphore_mem>>) src(%arg14 : memref<640xf32, #tpu.memory_space<vmem>>) dst(%dma_wait3A_668 : memref<640xf32, #tpu.memory_space<vmem_shared>>)
      tpu.yield
    }) : () -> ()
    %barrier3A = arith.constant 0 : index
    tpu.barrier barrier_id(%barrier3A)
    "tpu.region"() ({
      %run_scoped3A = tpu.sem_alloc : memref<!tpu.dma_semaphore, #tpu.memory_space<semaphore_mem>>
      %dma_start3A = arith.constant 0 : i32
      %dma_start3A_667 = arith.constant 0 : i32
      %dma_start3A_668 = tpu.memref_slice %arg3[%add3A, %dma_start3A, %dma_start3A_667] : memref<32x79x128xi32, #tpu.memory_space<hbm>> -> memref<1x79x128xi32, #tpu.memory_space<hbm>>
      %dma_start3A_669 = tpu.memref_squeeze %dma_start3A_668 : memref<1x79x128xi32, #tpu.memory_space<hbm>> -> memref<79x128xi32, #tpu.memory_space<hbm>>
      %dma_start3A_670 = arith.constant 0 : i32
      %dma_start3A_671 = arith.constant 0 : i32
      %dma_start3A_672 = tpu.memref_slice %arg3[%add3A, %dma_start3A_670, %dma_start3A_671] : memref<32x79x128xi32, #tpu.memory_space<hbm>> -> memref<1x79x128xi32, #tpu.memory_space<hbm>>
      %dma_start3A_673 = tpu.memref_squeeze %dma_start3A_672 : memref<1x79x128xi32, #tpu.memory_space<hbm>> -> memref<79x128xi32, #tpu.memory_space<hbm>>
      tpu.enqueue_dma source(%dma_start3A_673 : memref<79x128xi32, #tpu.memory_space<hbm>>) target(%arg7 : memref<79x128xi32, #tpu.memory_space<vmem>>) target_semaphore(%run_scoped3A : memref<!tpu.dma_semaphore, #tpu.memory_space<semaphore_mem>>)
      %dma_wait3A = arith.constant 0 : i32
      %dma_wait3A_674 = arith.constant 0 : i32
      %dma_wait3A_675 = tpu.memref_slice %arg3[%add3A, %dma_wait3A, %dma_wait3A_674] : memref<32x79x128xi32, #tpu.memory_space<hbm>> -> memref<1x79x128xi32, #tpu.memory_space<hbm>>
      %dma_wait3A_676 = tpu.memref_squeeze %dma_wait3A_675 : memref<1x79x128xi32, #tpu.memory_space<hbm>> -> memref<79x128xi32, #tpu.memory_space<hbm>>
      %dma_wait3A_677 = arith.constant 0 : i32
      %dma_wait3A_678 = arith.constant 0 : i32
      %dma_wait3A_679 = tpu.memref_slice %arg3[%add3A, %dma_wait3A_677, %dma_wait3A_678] : memref<32x79x128xi32, #tpu.memory_space<hbm>> -> memref<1x79x128xi32, #tpu.memory_space<hbm>>
      %dma_wait3A_680 = tpu.memref_squeeze %dma_wait3A_679 : memref<1x79x128xi32, #tpu.memory_space<hbm>> -> memref<79x128xi32, #tpu.memory_space<hbm>>
      tpu.wait_dma2 semaphore(%run_scoped3A : memref<!tpu.dma_semaphore, #tpu.memory_space<semaphore_mem>>) src(%dma_wait3A_680 : memref<79x128xi32, #tpu.memory_space<hbm>>) dst(%arg7 : memref<79x128xi32, #tpu.memory_space<vmem>>)
      tpu.yield
    }) : () -> ()
    "tpu.region"() ({
      %run_scoped3A = tpu.sem_alloc : memref<!tpu.dma_semaphore, #tpu.memory_space<semaphore_mem>>
      %dma_start3A = arith.constant 0 : i32
      %dma_start3A_667 = arith.constant 0 : i32
      %dma_start3A_668 = tpu.memref_slice %arg4[%add3A, %dma_start3A, %dma_start3A_667] : memref<32x79x128xi32, #tpu.memory_space<hbm>> -> memref<1x79x128xi32, #tpu.memory_space<hbm>>
      %dma_start3A_669 = tpu.memref_squeeze %dma_start3A_668 : memref<1x79x128xi32, #tpu.memory_space<hbm>> -> memref<79x128xi32, #tpu.memory_space<hbm>>
      %dma_start3A_670 = arith.constant 0 : i32
      %dma_start3A_671 = arith.constant 0 : i32
      %dma_start3A_672 = tpu.memref_slice %arg4[%add3A, %dma_start3A_670, %dma_start3A_671] : memref<32x79x128xi32, #tpu.memory_space<hbm>> -> memref<1x79x128xi32, #tpu.memory_space<hbm>>
      %dma_start3A_673 = tpu.memref_squeeze %dma_start3A_672 : memref<1x79x128xi32, #tpu.memory_space<hbm>> -> memref<79x128xi32, #tpu.memory_space<hbm>>
      tpu.enqueue_dma source(%dma_start3A_673 : memref<79x128xi32, #tpu.memory_space<hbm>>) target(%arg8 : memref<79x128xi32, #tpu.memory_space<vmem>>) target_semaphore(%run_scoped3A : memref<!tpu.dma_semaphore, #tpu.memory_space<semaphore_mem>>)
      %dma_wait3A = arith.constant 0 : i32
      %dma_wait3A_674 = arith.constant 0 : i32
      %dma_wait3A_675 = tpu.memref_slice %arg4[%add3A, %dma_wait3A, %dma_wait3A_674] : memref<32x79x128xi32, #tpu.memory_space<hbm>> -> memref<1x79x128xi32, #tpu.memory_space<hbm>>
      %dma_wait3A_676 = tpu.memref_squeeze %dma_wait3A_675 : memref<1x79x128xi32, #tpu.memory_space<hbm>> -> memref<79x128xi32, #tpu.memory_space<hbm>>
      %dma_wait3A_677 = arith.constant 0 : i32
      %dma_wait3A_678 = arith.constant 0 : i32
      %dma_wait3A_679 = tpu.memref_slice %arg4[%add3A, %dma_wait3A_677, %dma_wait3A_678] : memref<32x79x128xi32, #tpu.memory_space<hbm>> -> memref<1x79x128xi32, #tpu.memory_space<hbm>>
      %dma_wait3A_680 = tpu.memref_squeeze %dma_wait3A_679 : memref<1x79x128xi32, #tpu.memory_space<hbm>> -> memref<79x128xi32, #tpu.memory_space<hbm>>
      tpu.wait_dma2 semaphore(%run_scoped3A : memref<!tpu.dma_semaphore, #tpu.memory_space<semaphore_mem>>) src(%dma_wait3A_680 : memref<79x128xi32, #tpu.memory_space<hbm>>) dst(%arg8 : memref<79x128xi32, #tpu.memory_space<vmem>>)
      tpu.yield
    }) : () -> ()
    %scan3A = arith.constant 0 : i32
    %scan3A_661 = arith.constant 0 : i32
    %scan3A_662 = arith.constant 79 : i32
    %scan3A_663 = arith.addi %scan3A_661, %scan3A_662 : i32
    %scan3A_664 = arith.constant 1 : i32
    scf.for %scan3A_667 = %scan3A_661 to %scan3A_663 step %scan3A_664  : i32 {
      %dma_start3A = arith.constant 0 : i32
      %dma_start3A_668 = tpu.memref_slice %arg7[%scan3A_667, %dma_start3A] : memref<79x128xi32, #tpu.memory_space<vmem>> -> memref<1x128xi32, #tpu.memory_space<vmem>>
      %dma_start3A_669 = tpu.memref_squeeze %dma_start3A_668 : memref<1x128xi32, #tpu.memory_space<vmem>> -> memref<128xi32, #tpu.memory_space<vmem>>
      %dma_start3A_670 = arith.constant 0 : i32
      %dma_start3A_671 = arith.constant 0 : i32
      %dma_start3A_672 = tpu.memref_slice %arg2[%dma_start3A_670, %dma_start3A_671] : memref<10000x64xf32, #tpu.memory_space<hbm>> -> memref<10000x64xf32, #tpu.memory_space<hbm>>
      tpu.enqueue_indirect_dma source(%dma_start3A_672 : memref<10000x64xf32, #tpu.memory_space<hbm>>) target(%arg9 : memref<128x64xf32, #tpu.memory_space<vmem>>) offsets(%dma_start3A_669 : memref<128xi32, #tpu.memory_space<vmem>>) semaphore(%arg12 : memref<!tpu.dma_semaphore, #tpu.memory_space<semaphore_mem>>)
      %dma_wait3A = arith.constant 0 : i32
      %dma_wait3A_673 = tpu.memref_slice %arg7[%scan3A_667, %dma_wait3A] : memref<79x128xi32, #tpu.memory_space<vmem>> -> memref<1x128xi32, #tpu.memory_space<vmem>>
      %dma_wait3A_674 = tpu.memref_squeeze %dma_wait3A_673 : memref<1x128xi32, #tpu.memory_space<vmem>> -> memref<128xi32, #tpu.memory_space<vmem>>
      %dma_wait3A_675 = arith.constant 0 : i32
      %dma_wait3A_676 = arith.constant 0 : i32
      %dma_wait3A_677 = tpu.memref_slice %arg2[%dma_wait3A_675, %dma_wait3A_676] : memref<10000x64xf32, #tpu.memory_space<hbm>> -> memref<10000x64xf32, #tpu.memory_space<hbm>>
      tpu.wait_indirect_dma semaphore(%arg12 : memref<!tpu.dma_semaphore, #tpu.memory_space<semaphore_mem>>) src(%dma_wait3A_677 : memref<10000x64xf32, #tpu.memory_space<hbm>>) dst(%arg9 : memref<128x64xf32, #tpu.memory_space<vmem>>)
      "tpu.region"() ({
        %run_scoped3A = tpu.sem_alloc : memref<!tpu.dma_semaphore, #tpu.memory_space<semaphore_mem>>
        %dma_start3A_678 = arith.constant 0 : i32
        %dma_start3A_679 = tpu.memref_slice %arg8[%scan3A_667, %dma_start3A_678] : memref<79x128xi32, #tpu.memory_space<vmem>> -> memref<1x128xi32, #tpu.memory_space<vmem>>
        %dma_start3A_680 = tpu.memref_squeeze %dma_start3A_679 : memref<1x128xi32, #tpu.memory_space<vmem>> -> memref<128xi32, #tpu.memory_space<vmem>>
        %dma_start3A_681 = arith.constant 0 : i32
        %dma_start3A_682 = arith.constant 0 : i32
        %dma_start3A_683 = tpu.memref_slice %arg11[%dma_start3A_681, %dma_start3A_682] : memref<10240x64xf32, #tpu.memory_space<vmem_shared>> -> memref<10240x64xf32, #tpu.memory_space<vmem_shared>>
        tpu.enqueue_indirect_dma source(%arg9 : memref<128x64xf32, #tpu.memory_space<vmem>>) target(%dma_start3A_683 : memref<10240x64xf32, #tpu.memory_space<vmem_shared>>) offsets(%dma_start3A_680 : memref<128xi32, #tpu.memory_space<vmem>>) semaphore(%run_scoped3A : memref<!tpu.dma_semaphore, #tpu.memory_space<semaphore_mem>>) {add = true}
        %dma_wait3A_684 = arith.constant 0 : i32
        %dma_wait3A_685 = tpu.memref_slice %arg8[%scan3A_667, %dma_wait3A_684] : memref<79x128xi32, #tpu.memory_space<vmem>> -> memref<1x128xi32, #tpu.memory_space<vmem>>
        %dma_wait3A_686 = tpu.memref_squeeze %dma_wait3A_685 : memref<1x128xi32, #tpu.memory_space<vmem>> -> memref<128xi32, #tpu.memory_space<vmem>>
        %dma_wait3A_687 = arith.constant 0 : i32
        %dma_wait3A_688 = arith.constant 0 : i32
        %dma_wait3A_689 = tpu.memref_slice %arg11[%dma_wait3A_687, %dma_wait3A_688] : memref<10240x64xf32, #tpu.memory_space<vmem_shared>> -> memref<10240x64xf32, #tpu.memory_space<vmem_shared>>
        tpu.wait_indirect_dma semaphore(%run_scoped3A : memref<!tpu.dma_semaphore, #tpu.memory_space<semaphore_mem>>) src(%arg9 : memref<128x64xf32, #tpu.memory_space<vmem>>) dst(%dma_wait3A_689 : memref<10240x64xf32, #tpu.memory_space<vmem_shared>>)
        tpu.yield
      }) : () -> ()
      "tpu.region"() ({
        %run_scoped3A = tpu.sem_alloc : memref<!tpu.dma_semaphore, #tpu.memory_space<semaphore_mem>>
        %dma_start3A_678 = arith.constant 0 : i32
        %dma_start3A_679 = tpu.memref_slice %arg8[%scan3A_667, %dma_start3A_678] : memref<79x128xi32, #tpu.memory_space<vmem>> -> memref<1x128xi32, #tpu.memory_space<vmem>>
        %dma_start3A_680 = tpu.memref_squeeze %dma_start3A_679 : memref<1x128xi32, #tpu.memory_space<vmem>> -> memref<128xi32, #tpu.memory_space<vmem>>
        %dma_start3A_681 = arith.constant 0 : i32
        %dma_start3A_682 = tpu.memref_slice %arg15[%dma_start3A_681] : memref<10240xf32, #tpu.memory_space<vmem_shared>> -> memref<10240xf32, #tpu.memory_space<vmem_shared>>
        tpu.enqueue_indirect_dma source(%arg13 : memref<128xf32, #tpu.memory_space<vmem>>) target(%dma_start3A_682 : memref<10240xf32, #tpu.memory_space<vmem_shared>>) offsets(%dma_start3A_680 : memref<128xi32, #tpu.memory_space<vmem>>) semaphore(%run_scoped3A : memref<!tpu.dma_semaphore, #tpu.memory_space<semaphore_mem>>) {add = true}
        %dma_wait3A_683 = arith.constant 0 : i32
        %dma_wait3A_684 = tpu.memref_slice %arg8[%scan3A_667, %dma_wait3A_683] : memref<79x128xi32, #tpu.memory_space<vmem>> -> memref<1x128xi32, #tpu.memory_space<vmem>>
        %dma_wait3A_685 = tpu.memref_squeeze %dma_wait3A_684 : memref<1x128xi32, #tpu.memory_space<vmem>> -> memref<128xi32, #tpu.memory_space<vmem>>
        %dma_wait3A_686 = arith.constant 0 : i32
        %dma_wait3A_687 = tpu.memref_slice %arg15[%dma_wait3A_686] : memref<10240xf32, #tpu.memory_space<vmem_shared>> -> memref<10240xf32, #tpu.memory_space<vmem_shared>>
        tpu.wait_indirect_dma semaphore(%run_scoped3A : memref<!tpu.dma_semaphore, #tpu.memory_space<semaphore_mem>>) src(%arg13 : memref<128xf32, #tpu.memory_space<vmem>>) dst(%dma_wait3A_687 : memref<10240xf32, #tpu.memory_space<vmem_shared>>)
        tpu.yield
      }) : () -> ()
    }
    %scan3A_665 = arith.constant 79 : i32
    %barrier3A_666 = arith.constant 0 : index
    tpu.barrier barrier_id(%barrier3A_666)
    "tpu.region"() ({
      %run_scoped3A = tpu.sem_alloc : memref<!tpu.dma_semaphore, #tpu.memory_space<semaphore_mem>>
      %dma_start3A = arith.constant 0 : i32
      %dma_start3A_667 = tpu.memref_slice %arg5[%arg0, %mul3A_580, %dma_start3A] : memref<2x10240x64xf32, #tpu.memory_space<hbm>> -> memref<1x640x64xf32, #tpu.memory_space<hbm>>
      %dma_start3A_668 = tpu.memref_squeeze %dma_start3A_667 : memref<1x640x64xf32, #tpu.memory_space<hbm>> -> memref<640x64xf32, #tpu.memory_space<hbm>>
      %dma_start3A_669 = arith.constant 0 : i32
      %dma_start3A_670 = tpu.memref_slice %arg11[%mul3A_580, %dma_start3A_669] : memref<10240x64xf32, #tpu.memory_space<vmem_shared>> -> memref<640x64xf32, #tpu.memory_space<vmem_shared>>
      tpu.enqueue_dma source(%dma_start3A_670 : memref<640x64xf32, #tpu.memory_space<vmem_shared>>) target(%dma_start3A_668 : memref<640x64xf32, #tpu.memory_space<hbm>>) target_semaphore(%run_scoped3A : memref<!tpu.dma_semaphore, #tpu.memory_space<semaphore_mem>>)
      %dma_wait3A = arith.constant 0 : i32
      %dma_wait3A_671 = tpu.memref_slice %arg5[%arg0, %mul3A_580, %dma_wait3A] : memref<2x10240x64xf32, #tpu.memory_space<hbm>> -> memref<1x640x64xf32, #tpu.memory_space<hbm>>
      %dma_wait3A_672 = tpu.memref_squeeze %dma_wait3A_671 : memref<1x640x64xf32, #tpu.memory_space<hbm>> -> memref<640x64xf32, #tpu.memory_space<hbm>>
      %dma_wait3A_673 = arith.constant 0 : i32
      %dma_wait3A_674 = tpu.memref_slice %arg11[%mul3A_580, %dma_wait3A_673] : memref<10240x64xf32, #tpu.memory_space<vmem_shared>> -> memref<640x64xf32, #tpu.memory_space<vmem_shared>>
      tpu.wait_dma2 semaphore(%run_scoped3A : memref<!tpu.dma_semaphore, #tpu.memory_space<semaphore_mem>>) src(%dma_wait3A_674 : memref<640x64xf32, #tpu.memory_space<vmem_shared>>) dst(%dma_wait3A_672 : memref<640x64xf32, #tpu.memory_space<hbm>>)
      tpu.yield
    }) : () -> ()
    "tpu.region"() ({
      %run_scoped3A = tpu.sem_alloc : memref<!tpu.dma_semaphore, #tpu.memory_space<semaphore_mem>>
      %dma_start3A = tpu.memref_slice %arg6[%arg0, %mul3A_580] : memref<2x10240xf32, #tpu.memory_space<hbm>> -> memref<1x640xf32, #tpu.memory_space<hbm>>
      %dma_start3A_667 = tpu.memref_squeeze %dma_start3A : memref<1x640xf32, #tpu.memory_space<hbm>> -> memref<640xf32, #tpu.memory_space<hbm>>
      %dma_start3A_668 = tpu.memref_slice %arg15[%mul3A_580] : memref<10240xf32, #tpu.memory_space<vmem_shared>> -> memref<640xf32, #tpu.memory_space<vmem_shared>>
      tpu.enqueue_dma source(%dma_start3A_668 : memref<640xf32, #tpu.memory_space<vmem_shared>>) target(%dma_start3A_667 : memref<640xf32, #tpu.memory_space<hbm>>) target_semaphore(%run_scoped3A : memref<!tpu.dma_semaphore, #tpu.memory_space<semaphore_mem>>)
      %dma_wait3A = tpu.memref_slice %arg6[%arg0, %mul3A_580] : memref<2x10240xf32, #tpu.memory_space<hbm>> -> memref<1x640xf32, #tpu.memory_space<hbm>>
      %dma_wait3A_669 = tpu.memref_squeeze %dma_wait3A : memref<1x640xf32, #tpu.memory_space<hbm>> -> memref<640xf32, #tpu.memory_space<hbm>>
      %dma_wait3A_670 = tpu.memref_slice %arg15[%mul3A_580] : memref<10240xf32, #tpu.memory_space<vmem_shared>> -> memref<640xf32, #tpu.memory_space<vmem_shared>>
      tpu.wait_dma2 semaphore(%run_scoped3A : memref<!tpu.dma_semaphore, #tpu.memory_space<semaphore_mem>>) src(%dma_wait3A_670 : memref<640xf32, #tpu.memory_space<vmem_shared>>) dst(%dma_wait3A_669 : memref<640xf32, #tpu.memory_space<hbm>>)
      tpu.yield
    }) : () -> ()
    return
  }
}

module attributes {stable_mosaic.version = 14 : i64} {
  func.func @body(%arg0: i32, %arg1: memref<400x128xf32, #tpu.memory_space<vmem>>, %arg2: memref<128x64xf32, #tpu.memory_space<vmem>>, %arg3: memref<128x64xf32, #tpu.memory_space<vmem>>, %arg4: memref<1x64xf32, #tpu.memory_space<vmem>>, %arg5: memref<400x64xf32, #tpu.memory_space<vmem>>, %arg6: memref<400x64xf32, #tpu.memory_space<vmem>>) attributes {dimension_semantics = [#tpu.dimension_semantics<arbitrary>], iteration_bounds = array<i64: 25>, scalar_prefetch = 0 : i64, scratch_operands = 0 : i64, tpu.core_type = #tpu.core_type<tc>, window_params = [{transform_indices = @transform_0, window_bounds = array<i64: 400, 128>}, {pipeline_mode = #tpu.pipeline_mode<synchronous>, transform_indices = @transform_1, window_bounds = array<i64: 128, 64>}, {pipeline_mode = #tpu.pipeline_mode<synchronous>, transform_indices = @transform_2, window_bounds = array<i64: 128, 64>}, {pipeline_mode = #tpu.pipeline_mode<synchronous>, transform_indices = @transform_3, window_bounds = array<i64: 1, 64>}, {transform_indices = @transform_4, window_bounds = array<i64: 400, 64>}, {transform_indices = @transform_5, window_bounds = array<i64: 400, 64>}]} {
    %get3A = arith.constant 0 : index
    %get3A_0 = arith.constant 0 : index
    %get3A_1 = vector.load %arg1[%get3A, %get3A_0] : memref<400x128xf32, #tpu.memory_space<vmem>>, vector<400x128xf32>
    %get3A_2 = arith.constant 0 : index
    %get3A_3 = arith.constant 0 : index
    %get3A_4 = vector.load %arg2[%get3A_2, %get3A_3] : memref<128x64xf32, #tpu.memory_space<vmem>>, vector<128x64xf32>
    %dot_general3A = arith.constant dense<0.000000e+00> : vector<400x64xf32>
    %dot_general3A_5 = tpu.matmul %get3A_1, %get3A_4, %dot_general3A {dimension_numbers = #tpu.dot_dimension_numbers<[1], [0], [0], [1], [0, 0, 1, 1], [], []>, transpose_lhs_hint = false} : vector<400x128xf32>, vector<128x64xf32>, vector<400x64xf32> -> vector<400x64xf32>
    %swap3A = arith.constant 0 : index
    %swap3A_6 = arith.constant 0 : index
    %swap3A_7 = vector.load %arg5[%swap3A, %swap3A_6] : memref<400x64xf32, #tpu.memory_space<vmem>>, vector<400x64xf32>
    tpu.vector_store %arg5[%swap3A, %swap3A_6], %dot_general3A_5 {strides = array<i32>} : memref<400x64xf32, #tpu.memory_space<vmem>>, vector<400x64xf32>,
    %get3A_8 = arith.constant 0 : index
    %get3A_9 = arith.constant 0 : index
    %get3A_10 = vector.load %arg3[%get3A_8, %get3A_9] : memref<128x64xf32, #tpu.memory_space<vmem>>, vector<128x64xf32>
    %dot_general3A_11 = arith.constant dense<0.000000e+00> : vector<400x64xf32>
    %dot_general3A_12 = tpu.matmul %get3A_1, %get3A_10, %dot_general3A_11 {dimension_numbers = #tpu.dot_dimension_numbers<[1], [0], [0], [1], [0, 0, 1, 1], [], []>, transpose_lhs_hint = false} : vector<400x128xf32>, vector<128x64xf32>, vector<400x64xf32> -> vector<400x64xf32>
    %get3A_13 = arith.constant 0 : index
    %get3A_14 = arith.constant 0 : index
    %get3A_15 = vector.load %arg4[%get3A_13, %get3A_14] : memref<1x64xf32, #tpu.memory_space<vmem>>, vector<1x64xf32>
    %add3A = vector.broadcast %get3A_15 : vector<1x64xf32> to vector<400x64xf32>
    %add3A_16 = arith.addf %dot_general3A_12, %add3A : vector<400x64xf32>
    %swap3A_17 = arith.constant 0 : index
    %swap3A_18 = arith.constant 0 : index
    %swap3A_19 = vector.load %arg6[%swap3A_17, %swap3A_18] : memref<400x64xf32, #tpu.memory_space<vmem>>, vector<400x64xf32>
    tpu.vector_store %arg6[%swap3A_17, %swap3A_18], %add3A_16 {strides = array<i32>} : memref<400x64xf32, #tpu.memory_space<vmem>>, vector<400x64xf32>,
    return
  }
  func.func @transform_0(%arg0: i32) -> (i32, i32) {
    %c0_i32 = arith.constant 0 : i32
    %c0_i32_0 = arith.constant 0 : i32
    return %arg0, %c0_i32 : i32, i32
  }
  func.func @transform_1(%arg0: i32) -> (i32, i32) {
    %c0_i32 = arith.constant 0 : i32
    %c0_i32_0 = arith.constant 0 : i32
    %c0_i32_1 = arith.constant 0 : i32
    return %c0_i32, %c0_i32_0 : i32, i32
  }
  func.func @transform_2(%arg0: i32) -> (i32, i32) {
    %c0_i32 = arith.constant 0 : i32
    %c0_i32_0 = arith.constant 0 : i32
    %c0_i32_1 = arith.constant 0 : i32
    return %c0_i32, %c0_i32_0 : i32, i32
  }
  func.func @transform_3(%arg0: i32) -> (i32, i32) {
    %c0_i32 = arith.constant 0 : i32
    %c0_i32_0 = arith.constant 0 : i32
    %c0_i32_1 = arith.constant 0 : i32
    return %c0_i32, %c0_i32_0 : i32, i32
  }
  func.func @transform_4(%arg0: i32) -> (i32, i32) {
    %c0_i32 = arith.constant 0 : i32
    %c0_i32_0 = arith.constant 0 : i32
    return %arg0, %c0_i32 : i32, i32
  }
  func.func @transform_5(%arg0: i32) -> (i32, i32) {
    %c0_i32 = arith.constant 0 : i32
    %c0_i32_0 = arith.constant 0 : i32
    return %arg0, %c0_i32 : i32, i32
  }
}

module attributes {stable_mosaic.version = 14 : i64} {
  func.func @body(%arg0: i32, %arg1: memref<2x400x64xf32, #tpu.memory_space<vmem>>, %arg2: memref<2x400x1xf32, #tpu.memory_space<vmem>>, %arg3: memref<400x64xf32, #tpu.memory_space<vmem>>, %arg4: memref<64x32xf32, #tpu.memory_space<vmem>>, %arg5: memref<64x32xf32, #tpu.memory_space<vmem>>, %arg6: memref<1x32xf32, #tpu.memory_space<vmem>>, %arg7: memref<400x32xf32, #tpu.memory_space<vmem>>, %arg8: memref<400x32xf32, #tpu.memory_space<vmem>>) attributes {dimension_semantics = [#tpu.dimension_semantics<arbitrary>], iteration_bounds = array<i64: 25>, scalar_prefetch = 0 : i64, scratch_operands = 0 : i64, tpu.core_type = #tpu.core_type<tc>, window_params = [{transform_indices = @transform_0, window_bounds = array<i64: 2, 400, 64>}, {transform_indices = @transform_1, window_bounds = array<i64: 2, 400, 1>}, {transform_indices = @transform_2, window_bounds = array<i64: 400, 64>}, {pipeline_mode = #tpu.pipeline_mode<synchronous>, transform_indices = @transform_3, window_bounds = array<i64: 64, 32>}, {pipeline_mode = #tpu.pipeline_mode<synchronous>, transform_indices = @transform_4, window_bounds = array<i64: 64, 32>}, {pipeline_mode = #tpu.pipeline_mode<synchronous>, transform_indices = @transform_5, window_bounds = array<i64: 1, 32>}, {transform_indices = @transform_6, window_bounds = array<i64: 400, 32>}, {transform_indices = @transform_7, window_bounds = array<i64: 400, 32>}]} {
    %get3A = arith.constant 0 : index
    %get3A_0 = arith.constant 0 : index
    %get3A_1 = arith.constant 0 : index
    %get3A_2 = vector.load %arg1[%get3A, %get3A_0, %get3A_1] : memref<2x400x64xf32, #tpu.memory_space<vmem>>, vector<2x400x64xf32>
    %slice3A = vector.extract_strided_slice %get3A_2 {offsets = [0, 0, 0], sizes = [1, 400, 64], strides = [1, 1, 1]} : vector<2x400x64xf32> to vector<1x400x64xf32>
    %squeeze3A = vector.shape_cast %slice3A : vector<1x400x64xf32> to vector<400x64xf32>
    %slice3A_3 = vector.extract_strided_slice %get3A_2 {offsets = [1, 0, 0], sizes = [1, 400, 64], strides = [1, 1, 1]} : vector<2x400x64xf32> to vector<1x400x64xf32>
    %squeeze3A_4 = vector.shape_cast %slice3A_3 : vector<1x400x64xf32> to vector<400x64xf32>
    %add3A = arith.addf %squeeze3A, %squeeze3A_4 : vector<400x64xf32>
    %get3A_5 = arith.constant 0 : index
    %get3A_6 = arith.constant 0 : index
    %get3A_7 = arith.constant 0 : index
    %get3A_8 = vector.load %arg2[%get3A_5, %get3A_6, %get3A_7] : memref<2x400x1xf32, #tpu.memory_space<vmem>>, vector<2x400x1xf32>
    %slice3A_9 = vector.extract_strided_slice %get3A_8 {offsets = [0, 0, 0], sizes = [1, 400, 1], strides = [1, 1, 1]} : vector<2x400x1xf32> to vector<1x400x1xf32>
    %squeeze3A_10 = vector.shape_cast %slice3A_9 : vector<1x400x1xf32> to vector<400x1xf32>
    %slice3A_11 = vector.extract_strided_slice %get3A_8 {offsets = [1, 0, 0], sizes = [1, 400, 1], strides = [1, 1, 1]} : vector<2x400x1xf32> to vector<1x400x1xf32>
    %squeeze3A_12 = vector.shape_cast %slice3A_11 : vector<1x400x1xf32> to vector<400x1xf32>
    %add3A_13 = arith.addf %squeeze3A_10, %squeeze3A_12 : vector<400x1xf32>
    %max3A = arith.constant 1.000000e+00 : f32
    %max3A_14 = vector.broadcast %max3A : f32 to vector<400x1xf32>
    %max3A_15 = arith.maximumf %add3A_13, %max3A_14 : vector<400x1xf32>
    %div3A = arith.constant 1.000000e+00 : f32
    %div3A_16 = vector.broadcast %div3A : f32 to vector<400x1xf32>
    %div3A_17 = arith.divf %div3A_16, %max3A_15 : vector<400x1xf32>
    %mul3A = vector.broadcast %div3A_17 : vector<400x1xf32> to vector<400x64xf32>
    %mul3A_18 = arith.mulf %add3A, %mul3A : vector<400x64xf32>
    %get3A_19 = arith.constant 0 : index
    %get3A_20 = arith.constant 0 : index
    %get3A_21 = vector.load %arg3[%get3A_19, %get3A_20] : memref<400x64xf32, #tpu.memory_space<vmem>>, vector<400x64xf32>
    %add3A_22 = arith.addf %mul3A_18, %get3A_21 : vector<400x64xf32>
    %max3A_23 = arith.constant 0.000000e+00 : f32
    %max3A_24 = vector.broadcast %max3A_23 : f32 to vector<400x64xf32>
    %max3A_25 = arith.maximumf %add3A_22, %max3A_24 : vector<400x64xf32>
    %get3A_26 = arith.constant 0 : index
    %get3A_27 = arith.constant 0 : index
    %get3A_28 = vector.load %arg4[%get3A_26, %get3A_27] : memref<64x32xf32, #tpu.memory_space<vmem>>, vector<64x32xf32>
    %dot_general3A = arith.constant dense<0.000000e+00> : vector<400x32xf32>
    %dot_general3A_29 = tpu.matmul %max3A_25, %get3A_28, %dot_general3A {dimension_numbers = #tpu.dot_dimension_numbers<[1], [0], [0], [1], [0, 0, 1, 1], [], []>, transpose_lhs_hint = false} : vector<400x64xf32>, vector<64x32xf32>, vector<400x32xf32> -> vector<400x32xf32>
    %swap3A = arith.constant 0 : index
    %swap3A_30 = arith.constant 0 : index
    %swap3A_31 = vector.load %arg7[%swap3A, %swap3A_30] : memref<400x32xf32, #tpu.memory_space<vmem>>, vector<400x32xf32>
    tpu.vector_store %arg7[%swap3A, %swap3A_30], %dot_general3A_29 {strides = array<i32>} : memref<400x32xf32, #tpu.memory_space<vmem>>, vector<400x32xf32>,
    %get3A_32 = arith.constant 0 : index
    %get3A_33 = arith.constant 0 : index
    %get3A_34 = vector.load %arg5[%get3A_32, %get3A_33] : memref<64x32xf32, #tpu.memory_space<vmem>>, vector<64x32xf32>
    %dot_general3A_35 = arith.constant dense<0.000000e+00> : vector<400x32xf32>
    %dot_general3A_36 = tpu.matmul %max3A_25, %get3A_34, %dot_general3A_35 {dimension_numbers = #tpu.dot_dimension_numbers<[1], [0], [0], [1], [0, 0, 1, 1], [], []>, transpose_lhs_hint = false} : vector<400x64xf32>, vector<64x32xf32>, vector<400x32xf32> -> vector<400x32xf32>
    %get3A_37 = arith.constant 0 : index
    %get3A_38 = arith.constant 0 : index
    %get3A_39 = vector.load %arg6[%get3A_37, %get3A_38] : memref<1x32xf32, #tpu.memory_space<vmem>>, vector<1x32xf32>
    %add3A_40 = vector.broadcast %get3A_39 : vector<1x32xf32> to vector<400x32xf32>
    %add3A_41 = arith.addf %dot_general3A_36, %add3A_40 : vector<400x32xf32>
    %swap3A_42 = arith.constant 0 : index
    %swap3A_43 = arith.constant 0 : index
    %swap3A_44 = vector.load %arg8[%swap3A_42, %swap3A_43] : memref<400x32xf32, #tpu.memory_space<vmem>>, vector<400x32xf32>
    tpu.vector_store %arg8[%swap3A_42, %swap3A_43], %add3A_41 {strides = array<i32>} : memref<400x32xf32, #tpu.memory_space<vmem>>, vector<400x32xf32>,
    return
  }
  func.func @transform_0(%arg0: i32) -> (i32, i32, i32) {
    %c0_i32 = arith.constant 0 : i32
    %c0_i32_0 = arith.constant 0 : i32
    %c0_i32_1 = arith.constant 0 : i32
    return %c0_i32, %arg0, %c0_i32_0 : i32, i32, i32
  }
  func.func @transform_1(%arg0: i32) -> (i32, i32, i32) {
    %c0_i32 = arith.constant 0 : i32
    %c0_i32_0 = arith.constant 0 : i32
    %c0_i32_1 = arith.constant 0 : i32
    return %c0_i32, %arg0, %c0_i32_0 : i32, i32, i32
  }
  func.func @transform_2(%arg0: i32) -> (i32, i32) {
    %c0_i32 = arith.constant 0 : i32
    %c0_i32_0 = arith.constant 0 : i32
    return %arg0, %c0_i32 : i32, i32
  }
  func.func @transform_3(%arg0: i32) -> (i32, i32) {
    %c0_i32 = arith.constant 0 : i32
    %c0_i32_0 = arith.constant 0 : i32
    %c0_i32_1 = arith.constant 0 : i32
    return %c0_i32, %c0_i32_0 : i32, i32
  }
  func.func @transform_4(%arg0: i32) -> (i32, i32) {
    %c0_i32 = arith.constant 0 : i32
    %c0_i32_0 = arith.constant 0 : i32
    %c0_i32_1 = arith.constant 0 : i32
    return %c0_i32, %c0_i32_0 : i32, i32
  }
  func.func @transform_5(%arg0: i32) -> (i32, i32) {
    %c0_i32 = arith.constant 0 : i32
    %c0_i32_0 = arith.constant 0 : i32
    %c0_i32_1 = arith.constant 0 : i32
    return %c0_i32, %c0_i32_0 : i32, i32
  }
  func.func @transform_6(%arg0: i32) -> (i32, i32) {
    %c0_i32 = arith.constant 0 : i32
    %c0_i32_0 = arith.constant 0 : i32
    return %arg0, %c0_i32 : i32, i32
  }
  func.func @transform_7(%arg0: i32) -> (i32, i32) {
    %c0_i32 = arith.constant 0 : i32
    %c0_i32_0 = arith.constant 0 : i32
    return %arg0, %c0_i32 : i32, i32
  }
}

module attributes {stable_mosaic.version = 14 : i64} {
  func.func @body(%arg0: i32, %arg1: memref<2x400x32xf32, #tpu.memory_space<vmem>>, %arg2: memref<2x400x1xf32, #tpu.memory_space<vmem>>, %arg3: memref<400x32xf32, #tpu.memory_space<vmem>>, %arg4: memref<32x16xf32, #tpu.memory_space<vmem>>, %arg5: memref<1x16xf32, #tpu.memory_space<vmem>>, %arg6: memref<16x2xf32, #tpu.memory_space<vmem>>, %arg7: memref<1x2xf32, #tpu.memory_space<vmem>>, %arg8: memref<400x2xf32, #tpu.memory_space<vmem>>) attributes {dimension_semantics = [#tpu.dimension_semantics<arbitrary>], iteration_bounds = array<i64: 25>, scalar_prefetch = 0 : i64, scratch_operands = 0 : i64, tpu.core_type = #tpu.core_type<tc>, window_params = [{transform_indices = @transform_0, window_bounds = array<i64: 2, 400, 32>}, {transform_indices = @transform_1, window_bounds = array<i64: 2, 400, 1>}, {transform_indices = @transform_2, window_bounds = array<i64: 400, 32>}, {pipeline_mode = #tpu.pipeline_mode<synchronous>, transform_indices = @transform_3, window_bounds = array<i64: 32, 16>}, {pipeline_mode = #tpu.pipeline_mode<synchronous>, transform_indices = @transform_4, window_bounds = array<i64: 1, 16>}, {pipeline_mode = #tpu.pipeline_mode<synchronous>, transform_indices = @transform_5, window_bounds = array<i64: 16, 2>}, {pipeline_mode = #tpu.pipeline_mode<synchronous>, transform_indices = @transform_6, window_bounds = array<i64: 1, 2>}, {transform_indices = @transform_7, window_bounds = array<i64: 400, 2>}]} {
    %get3A = arith.constant 0 : index
    %get3A_0 = arith.constant 0 : index
    %get3A_1 = arith.constant 0 : index
    %get3A_2 = vector.load %arg1[%get3A, %get3A_0, %get3A_1] : memref<2x400x32xf32, #tpu.memory_space<vmem>>, vector<2x400x32xf32>
    %slice3A = vector.extract_strided_slice %get3A_2 {offsets = [0, 0, 0], sizes = [1, 400, 32], strides = [1, 1, 1]} : vector<2x400x32xf32> to vector<1x400x32xf32>
    %squeeze3A = vector.shape_cast %slice3A : vector<1x400x32xf32> to vector<400x32xf32>
    %slice3A_3 = vector.extract_strided_slice %get3A_2 {offsets = [1, 0, 0], sizes = [1, 400, 32], strides = [1, 1, 1]} : vector<2x400x32xf32> to vector<1x400x32xf32>
    %squeeze3A_4 = vector.shape_cast %slice3A_3 : vector<1x400x32xf32> to vector<400x32xf32>
    %add3A = arith.addf %squeeze3A, %squeeze3A_4 : vector<400x32xf32>
    %get3A_5 = arith.constant 0 : index
    %get3A_6 = arith.constant 0 : index
    %get3A_7 = arith.constant 0 : index
    %get3A_8 = vector.load %arg2[%get3A_5, %get3A_6, %get3A_7] : memref<2x400x1xf32, #tpu.memory_space<vmem>>, vector<2x400x1xf32>
    %slice3A_9 = vector.extract_strided_slice %get3A_8 {offsets = [0, 0, 0], sizes = [1, 400, 1], strides = [1, 1, 1]} : vector<2x400x1xf32> to vector<1x400x1xf32>
    %squeeze3A_10 = vector.shape_cast %slice3A_9 : vector<1x400x1xf32> to vector<400x1xf32>
    %slice3A_11 = vector.extract_strided_slice %get3A_8 {offsets = [1, 0, 0], sizes = [1, 400, 1], strides = [1, 1, 1]} : vector<2x400x1xf32> to vector<1x400x1xf32>
    %squeeze3A_12 = vector.shape_cast %slice3A_11 : vector<1x400x1xf32> to vector<400x1xf32>
    %add3A_13 = arith.addf %squeeze3A_10, %squeeze3A_12 : vector<400x1xf32>
    %max3A = arith.constant 1.000000e+00 : f32
    %max3A_14 = vector.broadcast %max3A : f32 to vector<400x1xf32>
    %max3A_15 = arith.maximumf %add3A_13, %max3A_14 : vector<400x1xf32>
    %div3A = arith.constant 1.000000e+00 : f32
    %div3A_16 = vector.broadcast %div3A : f32 to vector<400x1xf32>
    %div3A_17 = arith.divf %div3A_16, %max3A_15 : vector<400x1xf32>
    %mul3A = vector.broadcast %div3A_17 : vector<400x1xf32> to vector<400x32xf32>
    %mul3A_18 = arith.mulf %add3A, %mul3A : vector<400x32xf32>
    %get3A_19 = arith.constant 0 : index
    %get3A_20 = arith.constant 0 : index
    %get3A_21 = vector.load %arg3[%get3A_19, %get3A_20] : memref<400x32xf32, #tpu.memory_space<vmem>>, vector<400x32xf32>
    %add3A_22 = arith.addf %mul3A_18, %get3A_21 : vector<400x32xf32>
    %max3A_23 = arith.constant 0.000000e+00 : f32
    %max3A_24 = vector.broadcast %max3A_23 : f32 to vector<400x32xf32>
    %max3A_25 = arith.maximumf %add3A_22, %max3A_24 : vector<400x32xf32>
    %get3A_26 = arith.constant 0 : index
    %get3A_27 = arith.constant 0 : index
    %get3A_28 = vector.load %arg4[%get3A_26, %get3A_27] : memref<32x16xf32, #tpu.memory_space<vmem>>, vector<32x16xf32>
    %dot_general3A = arith.constant dense<0.000000e+00> : vector<400x16xf32>
    %dot_general3A_29 = tpu.matmul %max3A_25, %get3A_28, %dot_general3A {dimension_numbers = #tpu.dot_dimension_numbers<[1], [0], [0], [1], [0, 0, 1, 1], [], []>, transpose_lhs_hint = false} : vector<400x32xf32>, vector<32x16xf32>, vector<400x16xf32> -> vector<400x16xf32>
    %get3A_30 = arith.constant 0 : index
    %get3A_31 = arith.constant 0 : index
    %get3A_32 = vector.load %arg5[%get3A_30, %get3A_31] : memref<1x16xf32, #tpu.memory_space<vmem>>, vector<1x16xf32>
    %add3A_33 = vector.broadcast %get3A_32 : vector<1x16xf32> to vector<400x16xf32>
    %add3A_34 = arith.addf %dot_general3A_29, %add3A_33 : vector<400x16xf32>
    %max3A_35 = arith.constant 0.000000e+00 : f32
    %max3A_36 = vector.broadcast %max3A_35 : f32 to vector<400x16xf32>
    %max3A_37 = arith.maximumf %add3A_34, %max3A_36 : vector<400x16xf32>
    %get3A_38 = arith.constant 0 : index
    %get3A_39 = arith.constant 0 : index
    %get3A_40 = vector.load %arg6[%get3A_38, %get3A_39] : memref<16x2xf32, #tpu.memory_space<vmem>>, vector<16x2xf32>
    %dot_general3A_41 = arith.constant dense<0.000000e+00> : vector<400x2xf32>
    %dot_general3A_42 = tpu.matmul %max3A_37, %get3A_40, %dot_general3A_41 {dimension_numbers = #tpu.dot_dimension_numbers<[1], [0], [0], [1], [0, 0, 1, 1], [], []>, transpose_lhs_hint = false} : vector<400x16xf32>, vector<16x2xf32>, vector<400x2xf32> -> vector<400x2xf32>
    %get3A_43 = arith.constant 0 : index
    %get3A_44 = arith.constant 0 : index
    %get3A_45 = vector.load %arg7[%get3A_43, %get3A_44] : memref<1x2xf32, #tpu.memory_space<vmem>>, vector<1x2xf32>
    %add3A_46 = vector.broadcast %get3A_45 : vector<1x2xf32> to vector<400x2xf32>
    %add3A_47 = arith.addf %dot_general3A_42, %add3A_46 : vector<400x2xf32>
    %swap3A = arith.constant 0 : index
    %swap3A_48 = arith.constant 0 : index
    %swap3A_49 = vector.load %arg8[%swap3A, %swap3A_48] : memref<400x2xf32, #tpu.memory_space<vmem>>, vector<400x2xf32>
    tpu.vector_store %arg8[%swap3A, %swap3A_48], %add3A_47 {strides = array<i32>} : memref<400x2xf32, #tpu.memory_space<vmem>>, vector<400x2xf32>,
    return
  }
  func.func @transform_0(%arg0: i32) -> (i32, i32, i32) {
    %c0_i32 = arith.constant 0 : i32
    %c0_i32_0 = arith.constant 0 : i32
    %c0_i32_1 = arith.constant 0 : i32
    return %c0_i32, %arg0, %c0_i32_0 : i32, i32, i32
  }
  func.func @transform_1(%arg0: i32) -> (i32, i32, i32) {
    %c0_i32 = arith.constant 0 : i32
    %c0_i32_0 = arith.constant 0 : i32
    %c0_i32_1 = arith.constant 0 : i32
    return %c0_i32, %arg0, %c0_i32_0 : i32, i32, i32
  }
  func.func @transform_2(%arg0: i32) -> (i32, i32) {
    %c0_i32 = arith.constant 0 : i32
    %c0_i32_0 = arith.constant 0 : i32
    return %arg0, %c0_i32 : i32, i32
  }
  func.func @transform_3(%arg0: i32) -> (i32, i32) {
    %c0_i32 = arith.constant 0 : i32
    %c0_i32_0 = arith.constant 0 : i32
    %c0_i32_1 = arith.constant 0 : i32
    return %c0_i32, %c0_i32_0 : i32, i32
  }
  func.func @transform_4(%arg0: i32) -> (i32, i32) {
    %c0_i32 = arith.constant 0 : i32
    %c0_i32_0 = arith.constant 0 : i32
    %c0_i32_1 = arith.constant 0 : i32
    return %c0_i32, %c0_i32_0 : i32, i32
  }
  func.func @transform_5(%arg0: i32) -> (i32, i32) {
    %c0_i32 = arith.constant 0 : i32
    %c0_i32_0 = arith.constant 0 : i32
    %c0_i32_1 = arith.constant 0 : i32
    return %c0_i32, %c0_i32_0 : i32, i32
  }
  func.func @transform_6(%arg0: i32) -> (i32, i32) {
    %c0_i32 = arith.constant 0 : i32
    %c0_i32_0 = arith.constant 0 : i32
    %c0_i32_1 = arith.constant 0 : i32
    return %c0_i32, %c0_i32_0 : i32, i32
  }
  func.func @transform_7(%arg0: i32) -> (i32, i32) {
    %c0_i32 = arith.constant 0 : i32
    %c0_i32_0 = arith.constant 0 : i32
    return %arg0, %c0_i32 : i32, i32
  }
}

</mosaic_0001>

<sc_bundles>
// kernel: kernel.10.cloned.1.call-start
scs
__scs_entry_jumppad:
0x0: {  	(pc) =	sbr.rel $0x88, $3  }
0x1: {  	(tag) =	ssettag $0x0;
	lr =	simm.s32 $0x1  }
0x2: {  	[smem:$0x3F95] =	sst lr;
	_ =	strace $0xD0000000  }
0x3: {  	_ = 	snop  }
0x4: {  	_ = 	snop  }
0x5: {  	_ = 	snop  }
0x6: {  	_ = 	snop  }
0x7: {  	_ = 	snop  }
__scs_overlays_trampoline_lowered:
0x8: {  	[smem:$0x3FA4] =	sst s0  }
0x9: {  	[smem:$0x3FA5] =	sst s1  }
0xa: {  	[smem:$0x3FA6] =	sst s2  }
0xb: {  	[smem:$0x3FA7] =	sst s3  }
0xc: {  	[smem:$0x3FA8] =	sst s4  }
0xd: {  	[smem:$0x3FA9] =	sst s5  }
0xe: {  	[smem:$0x3FAA] =	sst s6  }
0xf: {  	[smem:$0x3FAB] =	sst s7  }
0x10: {  	[smem:$0x3FAC] =	sst s8  }
0x11: {  	[smem:$0x3FAD] =	sst s9;
	s0 =	simm.s32 @!p0 $0x0  }
0x12: {  	s1 =	sld [smem:$0x3F93];
	s0 =	simm.s32 @p0 $0x1  }
0x13: {  	[smem:$0x3FAE] =	sst s0;
	s0 =	simm.s32 @!p1 $0x0  }
0x14: {  	s2 =	sld [smem:$0x3F92];
	s0 =	simm.s32 @p1 $0x1  }
0x15: {  	[smem:$0x3FAF] =	sst s0;
	s0 =	simm.s32 @!p2 $0x0  }
0x16: {  	s3 =	sld [smem:$0x3FDB];
	s0 =	simm.s32 @p2 $0x1  }
0x17: {  	s4 =	simm.s32 $0x1BF5;
	[smem:$0x3FB1] =	sst s0  }
0x18: {  	s0 =	sld [smem:$0x3F94];
	_ =	swait.ge [sflag:s4], $0x0  }
0x19: {  	s7 =	sld [smem:$0x3F95]  }
0x1a: {  	s8 =	sadd.s32 $0xFFFFE003, lr  }
0x1b: {  	s9 =	sadd.s32 $0xFFFFFEF7, lr;
	s5 =	simm.s32 $0xFFFFFFFF;
	p2 =	slt.u32 s8, $0xFFFFF086  }
0x1c: {  	p1 =	slt.u32 s9, $0xF7A;
	s5 =	simm.s32 @!p2 $0x0  }
0x1d: {  	s5 =	simm.s32 @p1 $0x1;
	p0 =	seq.s32 s7, s2  }
0x1e: {  	s7 =	smul.u32 @!p0 $0xF7A, s2;
	p2 =	seq.s32 @!p0 s5, $0x0  }
0x1f: {  	s9 =	smul.u32 $0xF7A, s1;
	s8 =	simm.s32 @!p0 $0x1BF5;
	p2 =	por !p2, p0  }
0x20: {  	[sflag:s8] =	ssyncset.s32 @!p0 $0xFFFFF086;
	s6 =	sadd.s32 @!p0 s3, s7;
	s7 =	simm.s32 @!p0 $0x108  }
0x21: {  	s3 =	sadd.s32 s3, s9;
	s6 =	sadd.s32 @!p0 $0x88, s6;
	s7 =	simm.s32 @p2 $0x1082  }
0x22: {  	[simem:s7], [sflag:s8] =	dma.local @!p0 [hbm:s6], $0xF7A  }
0x23: {  	s9 =	sor.u32 $0xD0000000, s2;
	s6 =	simm.s32 $0x108;
	_ =	swait.ge @!p0 [sflag:s8], $0x0  }
0x24: {  	s3 =	sadd.s32 $0x88, s3;
	s6 =	simm.s32 @!p1 $0x1082;
	[sflag:s4] =	ssyncset.s32 $0xFFFFF086  }
0x25: {  	[simem:s6], [sflag:s4] =	dma.local [hbm:s3], $0xF7A  }
0x26: {  	[smem:$0x3F95] =	sst s1;
	(tag) =	ssettag s2;
	_ =	strace s9  }
0x27: {  	s1 =	sld [smem:$0x3FA5]  }
0x28: {  	s2 =	sld [smem:$0x3FA6]  }
0x29: {  	s4 =	sld [smem:$0x3FA8]  }
0x2a: {  	p0 =	seq.s32 s5, $0x0;
	s5 =	sld [smem:$0x3FA9]  }
0x2b: {  	s6 =	sld [smem:$0x3FAA]  }
0x2c: {  	s7 =	sld [smem:$0x3FAB]  }
0x2d: {  	s3 =	simm.s32 $0x108;
	s8 =	sld [smem:$0x3FAC]  }
0x2e: {  	s3 =	simm.s32 @!p0 $0x1082;
	s9 =	sld [smem:$0x3FAD]  }
0x2f: {  	lr =	sadd.s32 s0, s3;
	s0 =	sld [smem:$0x3FA4]  }
0x30: {  	s3 =	sld [smem:$0x3FA7]  }
0x31: {  	[smem:$0x3FB0] =	sst s10  }
0x32: {  	s10 =	sld [smem:$0x3FAE];
	_ =	sdelay $0x3  }
0x33: {  	p0 =	seq.s32 s10, $0x1;
	s10 =	sld [smem:$0x3FB0];
	_ =	sdelay $0x3  }
0x34: {  	[smem:$0x3FB0] =	sst s10  }
0x35: {  	s10 =	sld [smem:$0x3FAF];
	_ =	sdelay $0x3  }
0x36: {  	p1 =	seq.s32 s10, $0x1;
	s10 =	sld [smem:$0x3FB0];
	_ =	sdelay $0x3  }
0x37: {  	[smem:$0x3FB0] =	sst s10  }
0x38: {  	s10 =	sld [smem:$0x3FB1]  }
0x39: {  	_ = 	snop;
	(pc) =	sbr.ind lr, $3  }
0x3a: {  	_ = 	snop  }
0x3b: {  	_ = 	snop  }
0x3c: {  	p2 =	seq.s32 s10, $0x1;
	s10 =	sld [smem:$0x3FB0]  }
0x3d: {  	_ =	shalt  }
0x3e: {  	_ =	shalt  }
0x3f: {  	_ =	shalt  }
0x40: {  	_ =	shalt  }
0x41: {  	_ =	shalt  }
0x42: {  	_ =	shalt  }
0x43: {  	_ =	shalt  }
0x44: {  	_ =	shalt  }
0x45: {  	_ =	shalt  }
0x46: {  	_ =	shalt  }
0x47: {  	_ =	shalt  }
0x48: {  	_ =	shalt  }
0x49: {  	_ =	shalt  }
0x4a: {  	_ =	shalt  }
0x4b: {  	_ =	shalt  }
0x4c: {  	_ =	shalt  }
0x4d: {  	_ =	shalt  }
0x4e: {  	_ =	shalt  }
0x4f: {  	_ =	shalt  }
0x50: {  	_ =	shalt  }
0x51: {  	_ =	shalt  }
0x52: {  	_ =	shalt  }
0x53: {  	_ =	shalt  }
0x54: {  	_ =	shalt  }
0x55: {  	_ =	shalt  }
0x56: {  	_ =	shalt  }
0x57: {  	_ =	shalt  }
0x58: {  	_ =	shalt  }
0x59: {  	_ =	shalt  }
0x5a: {  	_ =	shalt  }
0x5b: {  	_ =	shalt  }
0x5c: {  	_ =	shalt  }
0x5d: {  	_ =	shalt  }
0x5e: {  	_ =	shalt  }
0x5f: {  	_ =	shalt  }
0x60: {  	_ =	shalt  }
0x61: {  	_ =	shalt  }
0x62: {  	_ =	shalt  }
0x63: {  	_ =	shalt  }
0x64: {  	_ =	shalt  }
0x65: {  	_ =	shalt  }
0x66: {  	_ =	shalt  }
0x67: {  	_ =	shalt  }
0x68: {  	_ =	shalt  }
0x69: {  	_ =	shalt  }
0x6a: {  	_ =	shalt  }
0x6b: {  	_ =	shalt  }
0x6c: {  	_ =	shalt  }
0x6d: {  	_ =	shalt  }
0x6e: {  	_ =	shalt  }
0x6f: {  	_ =	shalt  }
0x70: {  	_ =	shalt  }
0x71: {  	_ =	shalt  }
0x72: {  	_ =	shalt  }
0x73: {  	_ =	shalt  }
0x74: {  	_ =	shalt  }
0x75: {  	_ =	shalt  }
0x76: {  	_ =	shalt  }
0x77: {  	_ =	shalt  }
0x78: {  	_ =	shalt  }
0x79: {  	_ =	shalt  }
0x7a: {  	_ =	shalt  }
0x7b: {  	_ =	shalt  }
0x7c: {  	_ =	shalt  }
0x7d: {  	_ =	shalt  }
0x7e: {  	_ =	shalt  }
0x7f: {  	_ =	shalt  }
0x80: {  	_ =	shalt  }
0x81: {  	_ =	shalt  }
0x82: {  	_ =	shalt  }
0x83: {  	_ =	shalt  }
0x84: {  	_ =	shalt  }
0x85: {  	_ =	shalt  }
0x86: {  	_ =	shalt  }
0x87: {  	_ =	shalt  }
.Lfunc_end0:
.L_simem_size_0:
called_computation.1_lowered:
.L_overlay_start_0:
0x88: {  	s2 =	sld [smem:$0x3FD9]  }
0x89: {  	s3 =	sld [smem:$0x3FFE];
	_ =	sdelay $0x1  }
0x8a: {  	s1 =	srdreg.scid  }
0x8b: {  	s0 =	sand.u32 $0x1, s1  }
0x8c: {  	s16 =	sshll.u32 s0, $0xA;
	s2 =	sadd.s32 s3, s2  }
0x8d: {  	s2 =	sadd.s32 s2, s16  }
0x8e: {  	[smem:$0x3FBC] =	sst s2  }
0x8f: {  	_ = 	snop  }
0x90: {  	(tm) =	ssettm $0x1  }
0x91: {  	s17 =	sld [smem:$0x3FFB];
	_ =	sdelay $0x3  }
0x92: {  	_ =	strace s17  }
0x93: {  	s2 =	sld [smem:$0x3FFC];
	_ =	sdelay $0x3  }
0x94: {  	_ =	strace s2  }
0x95: {  	s2 =	sld [smem:$0x3FFD];
	_ =	sdelay $0x3  }
0x96: {  	_ =	strace s2  }
0x97: {  	_ =	strace $0x8FFFFFFF  }
0x98: {  	s18 =	sld [smem:$0x3FDB];
	_ =	sdelay $0x1  }
0x99: {  	s19 =	simm.s32 $_scs_section_size  }
0x9a: {  	s4 =	simm.s32 $_size__tile_overlayer_lowered;
	s5 =	simm.s32 $_tile_overlayer_lowered  }
0x9b: {  	s22 =	simm.s32 $0x1BFF;
	s21 =	sshll.u32 s5, $0x1;
	s2 =	sadd.s32 s19, s18  }
0x9c: {  	s6 =	simm.s32 $0x0;
	s20 =	sshll.u32 s4, $0x1;
	s4 =	sadd.s32 s21, s2  }
0x9d: {  	[timem:s6], [sflag:s22] =	dma.local [hbm:s4], s20  }
0x9e: {  	_ =	swait.ge [sflag:s22], s20  }
0x9f: {  	s3 =	ssub.s32 $0x0, s20;
	[sflag:s22] =	ssyncset.done $0x0  }
0xa0: {  	[sflag:s22] =	ssyncadd.s32 s3;
	_ =	sdelay $0x1  }
0xa1: {  	s23 =	simm.s32 $0x1B8B  }
0xa2: {  	_ =	swait.ge [sflag:s23], $0x1  }
0xa3: {  	[sflag:s23] =	ssyncset.done $0x0  }
0xa4: {  	s25 =	simm.s32 $0x1B8E;
	s24 =	sld [smem:$0x3FFE];
	[sflag:s23] =	ssyncadd.s32 $0xFFFFFFFF  }
0xa5: {  	s26 =	simm.s32 $execute0_lowered;
	[smem:$0x3FD2] =	sst s25  }
0xa6: {  	s4 =	sshll.u32 s26, $0x1;
	_ =	strace $0x80000049;
	[dreg:$0x1] =	wrdreg $0xFFFFFFFF  }
0xa7: {  	s28 =	simm.s32 $_size_execute0_lowered;
	s2 =	sadd.s32 s2, s4;
	[dreg:$0x0] =	wrdreg $0x0  }
0xa8: {  	s4 =	sshll.u32 s28, $0x1;
	[dreg:$0x2] =	wrdreg s2  }
0xa9: {  	[dreg:$0x3] =	wrdreg s4  }
0xaa: {  	[dreg:$0x4] =	wrdreg $0xC0  }
0xab: {  	_ =	task [dreg:s6], $0x5FFFF  }
0xac: {  	[dreg:$0x1] =	wrdreg $0xFFFFFFFF  }
0xad: {  	[dreg:$0x0] =	wrdreg $0x60  }
0xae: {  	[dreg:$0x2] =	wrdreg s24  }
0xaf: {  	[dreg:$0x3] =	wrdreg $0x61000  }
0xb0: {  	[dreg:$0x4] =	wrdreg $0x9  }
0xb1: {  	_ =	task.clear_ibuf [dreg:s6], $0x5FFFF;
	_ =	strace $0x90000049  }
0xb2: {  	s29 =	simm.s32 $0x9;
	_ =	strace $0x8000004B  }
0xb3: {  	_ =	swait.ge [sflag:s29], $0x1  }
0xb4: {  	[sflag:s29] =	ssyncadd.s32 $0xFFFFFFFF  }
0xb5: {  	_ =	strace $0x9000004B  }
0xb6: {  	_ =	sfence  }
0xb7: {  	s30 =	sld [smem:$0x0];
	_ =	sdelay $0x2  }
0xb8: {  	s31 =	sshll.u32 s1, $0xD;
	s1 =	sshrl.u32 s1, $0x2  }
0xb9: {  	s3 =	sand.u32 $0x4000, s31;
	s1 =	sadd.s32 s1, s30  }
0xba: {  	s0 =	sor.u32 s3, s0;
	s1 =	sshll.u32 s1, $0x11  }
0xbb: {  	s0 =	sor.u32 s1, s0  }
0xbc: {  	s0 =	sadd.s32 $0x8F2B, s0  }
0xbd: {  	[sflag:s0] =	ssyncadd.remote.s32 $0x1  }
0xbe: {  	_ =	sfence.sel $0xFFFF  }
0xbf: {  	[dreg:$0x0] =	wrdreg $0xFFFFFFFF;
	(pc) =	sbr.abs _section_cstart, $3  }
0xc0: {  	[dreg:$0x1] =	wrdreg $0xFFFFFFFF  }
0xc1: {  	_ =	task.clear_ibuf [dreg:s6], $0x2FFFF;
	_ =	strace $0x9FFFFFFF  }
0xc2: {  	(tm) =	ssettm $0x7FFFFFFF  }
0xc3: {  	_ =	shalt  }
tec
execute0_lowered:
.L_overlay_start_1:
0x0: {  	(tag) =	ssettag $0x1  }
0x1: {  	s0 =	srdreg.scid  }
0x2: {  	s7 =	stileid.u32;
	s0 =	sand.u32 $0x1, s0  }
0x3: {  	s5 =	smul.u32 $0x5000, s7;
	s1 =	sshll.u32 s0, $0x4  }
0x4: {  	s1 =	sor.u32 s7, s1;
	s7 =	smul.u32 $0x14000, s7  }
0x5: {  	s2 =	rddreg [dreg:$0x1];
	s4 =	simm.s32 $0x0;
	s6 =	smul.u32 $0x50000, s0  }
0x6: {  	[smem:$0x7FF] =	sst s4;
	s1 =	smul.u32 $0x4F0, s1;
	s7 =	sshrl.u32 s7, $0x2  }
0x7: {  	s3 =	rddreg [dreg:$0x0];
	_ =	strace $0x8000004A;
	s16 =	sadd.s32 s7, s2  }
0x8: {  	s28 =	sadd.s32 s5, s6;
	s18 =	sadd.s32 s1, s3;
	s30 =	sadd.s32 $0x200, s16  }
0x9: {  	s1 =	sshrl.u32 s28, $0x3;
	s31 =	sadd.s32 $0x400, s16;
	[dreg:$0x3] =	wrdreg s30  }
0xa: {  	s19 =	sadd.s32 s1, s3;
	s1 =	sadd.s32 $0x600, s16;
	[dreg:$0x4] =	wrdreg s31  }
0xb: {  	s4 =	sadd.s32 $0x1E00, s3;
	s3 =	sadd.s32 $0x800, s16;
	[dreg:$0x5] =	wrdreg s1  }
0xc: {  	s6 =	sadd.s32 $0xA00, s16;
	[dreg:$0x6] =	wrdreg s3  }
0xd: {  	s7 =	sadd.s32 $0xC00, s16;
	[dreg:$0x7] =	wrdreg s6  }
0xe: {  	s8 =	sadd.s32 $0xE00, s16;
	[dreg:$0x8] =	wrdreg s7  }
0xf: {  	s9 =	sadd.s32 $0x1000, s16;
	[dreg:$0x9] =	wrdreg s8  }
0x10: {  	s10 =	sadd.s32 $0x1200, s16;
	[dreg:$0xa] =	wrdreg s9  }
0x11: {  	s11 =	sadd.s32 $0x1400, s16;
	[dreg:$0xb] =	wrdreg s10  }
0x12: {  	s12 =	sadd.s32 $0x1600, s16;
	[dreg:$0xc] =	wrdreg s11  }
0x13: {  	s13 =	sadd.s32 $0x1800, s16;
	[dreg:$0xd] =	wrdreg s12  }
0x14: {  	s14 =	sadd.s32 $0x1A00, s16;
	[dreg:$0xe] =	wrdreg s13  }
0x15: {  	s15 =	sadd.s32 $0x1C00, s16;
	[dreg:$0xf] =	wrdreg s14  }
0x16: {  	s17 =	sadd.s32 $0x1E00, s16;
	[dreg:$0x10] =	wrdreg s15  }
0x17: {  	s21 =	sadd.s32 $0x2000, s16;
	[dreg:$0x11] =	wrdreg s17  }
0x18: {  	s22 =	sadd.s32 $0x2200, s16;
	[dreg:$0x12] =	wrdreg s21  }
0x19: {  	s0 =	ssub.s32 $0x2, s0;
	s23 =	sadd.s32 $0x2400, s16;
	[dreg:$0x13] =	wrdreg s22  }
0x1a: {  	s29 =	sshrl.u32 s0, $0x1;
	s24 =	sadd.s32 $0x2600, s16;
	[dreg:$0x14] =	wrdreg s23  }
0x1b: {  	s20 =	ssub.s32 s0, s29;
	s25 =	sadd.s32 $0x2800, s16;
	[dreg:$0x15] =	wrdreg s24  }
0x1c: {  	s5 =	sadd.s32 s5, s2;
	s26 =	sadd.s32 $0x2A00, s16;
	[dreg:$0x16] =	wrdreg s25  }
0x1d: {  	s20 =	smax.u32 s20, $0x1;
	s28 =	sadd.s32 $0x2C00, s16;
	[dreg:$0x17] =	wrdreg s26  }
0x1e: {  	s29 =	sadd.s32 $0x2E00, s16;
	s0 =	sadd.s32 $0x3600, s16;
	[dreg:$0x18] =	wrdreg s28  }
0x1f: {  	[dreg:$0x19] =	wrdreg s29;
	s30 =	sadd.s32 $0x3000, s16;
	s31 =	sadd.s32 $0x3200, s16  }
0x20: {  	s1 =	sadd.s32 $0x3400, s16;
	s3 =	sadd.s32 $0x3800, s16;
	s6 =	sadd.s32 $0x3A00, s16  }
0x21: {  	s7 =	sadd.s32 $0x3C00, s16;
	s8 =	sadd.s32 $0x3E00, s16;
	s9 =	sadd.s32 $0x4000, s16  }
0x22: {  	s10 =	sadd.s32 $0x4200, s16;
	s11 =	sadd.s32 $0x4400, s16;
	s12 =	sadd.s32 $0x4600, s16  }
0x23: {  	s13 =	sadd.s32 $0x4800, s16;
	s14 =	sadd.s32 $0x4A00, s16;
	s15 =	sadd.s32 $0x4C00, s16  }
0x24: {  	s16 =	sadd.s32 $0x4E00, s16;
	s17 =	sadd.s32 $0x1F600, s18;
	s18 =	sadd.s32 $0x15800, s18  }
0x25: {  	s19 =	sadd.s32 $0x29400, s19;
	s21 =	simm.s32 $0x5F00;
	s22 =	simm.s32 $0x2  }
0x26: {  	s23 =	simm.s32 $0x80;
	s24 =	simm.s32 $0x4F00;
	[dreg:$0x1a] =	wrdreg s30  }
0x27: {  	v0 =	vimm.f32 $0.0e+00;
	s25 =	simm.s32 $0x1;
	s26 =	simm.s32 $0x0;
	[dreg:$0x1b] =	wrdreg s31  }
.LBB2_1:
0x28: {  	[tilespmem:$0x5F00] =	vst v0  }
0x29: {  	[tilespmem:$0x5F10] =	vst v0  }
0x2a: {  	[tilespmem:$0x5F20] =	vst v0  }
0x2b: {  	[tilespmem:$0x5F30] =	vst v0  }
0x2c: {  	[tilespmem:$0x5F40] =	vst v0  }
0x2d: {  	[tilespmem:$0x5F50] =	vst v0  }
0x2e: {  	[tilespmem:$0x5F60] =	vst v0  }
0x2f: {  	[tilespmem:$0x5F70] =	vst v0  }
0x30: {  	[tilespmem:$0x5F80] =	vst v0  }
0x31: {  	[tilespmem:$0x5F90] =	vst v0  }
0x32: {  	[tilespmem:$0x5FA0] =	vst v0  }
0x33: {  	[tilespmem:$0x5FB0] =	vst v0  }
0x34: {  	[tilespmem:$0x5FC0] =	vst v0  }
0x35: {  	[tilespmem:$0x5FD0] =	vst v0  }
0x36: {  	[tilespmem:$0x5FE0] =	vst v0  }
0x37: {  	[tilespmem:$0x5FF0] =	vst v0  }
0x38: {  	[tilespmem:$0x6000] =	vst v0  }
0x39: {  	[tilespmem:$0x6010] =	vst v0  }
0x3a: {  	[tilespmem:$0x6020] =	vst v0  }
0x3b: {  	[tilespmem:$0x6030] =	vst v0  }
0x3c: {  	[tilespmem:$0x6040] =	vst v0  }
0x3d: {  	[tilespmem:$0x6050] =	vst v0  }
0x3e: {  	[tilespmem:$0x6060] =	vst v0  }
0x3f: {  	[tilespmem:$0x6070] =	vst v0  }
0x40: {  	[tilespmem:$0x6080] =	vst v0  }
0x41: {  	[tilespmem:$0x6090] =	vst v0  }
0x42: {  	[tilespmem:$0x60A0] =	vst v0  }
0x43: {  	[tilespmem:$0x60B0] =	vst v0  }
0x44: {  	[tilespmem:$0x60C0] =	vst v0  }
0x45: {  	[tilespmem:$0x60D0] =	vst v0  }
0x46: {  	[tilespmem:$0x60E0] =	vst v0  }
0x47: {  	[tilespmem:$0x60F0] =	vst v0  }
0x48: {  	[spmem:s5] =	stream.linear.scatter [tilespmem:s21], [sflag:$0x2], $0x200, $0x38;
	[tilespmem:$0xB100] =	vst v63  }
0x49: {  	_ =	swait.ge [sflag:s22], $0x200  }
0x4a: {  	[sflag:s22] =	ssyncset.done $0x0  }
0x4b: {  	s28 =	rddreg [dreg:$0x3];
	[sflag:s22] =	ssyncadd.s32 $0xFFFFFE00  }
0x4c: {  	[spmem:s28] =	stream.linear.scatter [tilespmem:s21], [sflag:$0x2], $0x200, $0x38;
	[tilespmem:$0xB100] =	vst v63  }
0x4d: {  	_ =	swait.ge [sflag:s22], $0x200  }
0x4e: {  	[sflag:s22] =	ssyncset.done $0x0  }
0x4f: {  	s28 =	rddreg [dreg:$0x4];
	[sflag:s22] =	ssyncadd.s32 $0xFFFFFE00  }
0x50: {  	[spmem:s28] =	stream.linear.scatter [tilespmem:s21], [sflag:$0x2], $0x200, $0x38;
	[tilespmem:$0xB100] =	vst v63  }
0x51: {  	_ =	swait.ge [sflag:s22], $0x200  }
0x52: {  	[sflag:s22] =	ssyncset.done $0x0  }
0x53: {  	s28 =	rddreg [dreg:$0x5];
	[sflag:s22] =	ssyncadd.s32 $0xFFFFFE00  }
0x54: {  	[spmem:s28] =	stream.linear.scatter [tilespmem:s21], [sflag:$0x2], $0x200, $0x38;
	[tilespmem:$0xB100] =	vst v63  }
0x55: {  	_ =	swait.ge [sflag:s22], $0x200  }
0x56: {  	[sflag:s22] =	ssyncset.done $0x0  }
0x57: {  	s28 =	rddreg [dreg:$0x6];
	[sflag:s22] =	ssyncadd.s32 $0xFFFFFE00  }
0x58: {  	[spmem:s28] =	stream.linear.scatter [tilespmem:s21], [sflag:$0x2], $0x200, $0x38;
	[tilespmem:$0xB100] =	vst v63  }
0x59: {  	_ =	swait.ge [sflag:s22], $0x200  }
0x5a: {  	[sflag:s22] =	ssyncset.done $0x0  }
0x5b: {  	s28 =	rddreg [dreg:$0x7];
	[sflag:s22] =	ssyncadd.s32 $0xFFFFFE00  }
0x5c: {  	[spmem:s28] =	stream.linear.scatter [tilespmem:s21], [sflag:$0x2], $0x200, $0x38;
	[tilespmem:$0xB100] =	vst v63  }
0x5d: {  	_ =	swait.ge [sflag:s22], $0x200  }
0x5e: {  	[sflag:s22] =	ssyncset.done $0x0  }
0x5f: {  	s28 =	rddreg [dreg:$0x8];
	[sflag:s22] =	ssyncadd.s32 $0xFFFFFE00  }
0x60: {  	[spmem:s28] =	stream.linear.scatter [tilespmem:s21], [sflag:$0x2], $0x200, $0x38;
	[tilespmem:$0xB100] =	vst v63  }
0x61: {  	_ =	swait.ge [sflag:s22], $0x200  }
0x62: {  	[sflag:s22] =	ssyncset.done $0x0  }
0x63: {  	s28 =	rddreg [dreg:$0x9];
	[sflag:s22] =	ssyncadd.s32 $0xFFFFFE00  }
0x64: {  	[spmem:s28] =	stream.linear.scatter [tilespmem:s21], [sflag:$0x2], $0x200, $0x38;
	[tilespmem:$0xB100] =	vst v63  }
0x65: {  	_ =	swait.ge [sflag:s22], $0x200  }
0x66: {  	[sflag:s22] =	ssyncset.done $0x0  }
0x67: {  	s28 =	rddreg [dreg:$0xa];
	[sflag:s22] =	ssyncadd.s32 $0xFFFFFE00  }
0x68: {  	[spmem:s28] =	stream.linear.scatter [tilespmem:s21], [sflag:$0x2], $0x200, $0x38;
	[tilespmem:$0xB100] =	vst v63  }
0x69: {  	_ =	swait.ge [sflag:s22], $0x200  }
0x6a: {  	[sflag:s22] =	ssyncset.done $0x0  }
0x6b: {  	s28 =	rddreg [dreg:$0xb];
	[sflag:s22] =	ssyncadd.s32 $0xFFFFFE00  }
0x6c: {  	[spmem:s28] =	stream.linear.scatter [tilespmem:s21], [sflag:$0x2], $0x200, $0x38;
	[tilespmem:$0xB100] =	vst v63  }
0x6d: {  	_ =	swait.ge [sflag:s22], $0x200  }
0x6e: {  	[sflag:s22] =	ssyncset.done $0x0  }
0x6f: {  	s28 =	rddreg [dreg:$0xc];
	[sflag:s22] =	ssyncadd.s32 $0xFFFFFE00  }
0x70: {  	[spmem:s28] =	stream.linear.scatter [tilespmem:s21], [sflag:$0x2], $0x200, $0x38;
	[tilespmem:$0xB100] =	vst v63  }
0x71: {  	_ =	swait.ge [sflag:s22], $0x200  }
0x72: {  	[sflag:s22] =	ssyncset.done $0x0  }
0x73: {  	s28 =	rddreg [dreg:$0xd];
	[sflag:s22] =	ssyncadd.s32 $0xFFFFFE00  }
0x74: {  	[spmem:s28] =	stream.linear.scatter [tilespmem:s21], [sflag:$0x2], $0x200, $0x38;
	[tilespmem:$0xB100] =	vst v63  }
0x75: {  	_ =	swait.ge [sflag:s22], $0x200  }
0x76: {  	[sflag:s22] =	ssyncset.done $0x0  }
0x77: {  	s28 =	rddreg [dreg:$0xe];
	[sflag:s22] =	ssyncadd.s32 $0xFFFFFE00  }
0x78: {  	[spmem:s28] =	stream.linear.scatter [tilespmem:s21], [sflag:$0x2], $0x200, $0x38;
	[tilespmem:$0xB100] =	vst v63  }
0x79: {  	_ =	swait.ge [sflag:s22], $0x200  }
0x7a: {  	[sflag:s22] =	ssyncset.done $0x0  }
0x7b: {  	s28 =	rddreg [dreg:$0xf];
	[sflag:s22] =	ssyncadd.s32 $0xFFFFFE00  }
0x7c: {  	[spmem:s28] =	stream.linear.scatter [tilespmem:s21], [sflag:$0x2], $0x200, $0x38;
	[tilespmem:$0xB100] =	vst v63  }
0x7d: {  	_ =	swait.ge [sflag:s22], $0x200  }
0x7e: {  	[sflag:s22] =	ssyncset.done $0x0  }
0x7f: {  	s28 =	rddreg [dreg:$0x10];
	[sflag:s22] =	ssyncadd.s32 $0xFFFFFE00  }
0x80: {  	[spmem:s28] =	stream.linear.scatter [tilespmem:s21], [sflag:$0x2], $0x200, $0x38;
	[tilespmem:$0xB100] =	vst v63  }
0x81: {  	_ =	swait.ge [sflag:s22], $0x200  }
0x82: {  	[sflag:s22] =	ssyncset.done $0x0  }
0x83: {  	s28 =	rddreg [dreg:$0x11];
	[sflag:s22] =	ssyncadd.s32 $0xFFFFFE00  }
0x84: {  	[spmem:s28] =	stream.linear.scatter [tilespmem:s21], [sflag:$0x2], $0x200, $0x38;
	[tilespmem:$0xB100] =	vst v63  }
0x85: {  	_ =	swait.ge [sflag:s22], $0x200  }
0x86: {  	[sflag:s22] =	ssyncset.done $0x0  }
0x87: {  	s28 =	rddreg [dreg:$0x12];
	[sflag:s22] =	ssyncadd.s32 $0xFFFFFE00  }
0x88: {  	[spmem:s28] =	stream.linear.scatter [tilespmem:s21], [sflag:$0x2], $0x200, $0x38;
	[tilespmem:$0xB100] =	vst v63  }
0x89: {  	_ =	swait.ge [sflag:s22], $0x200  }
0x8a: {  	[sflag:s22] =	ssyncset.done $0x0  }
0x8b: {  	s28 =	rddreg [dreg:$0x13];
	[sflag:s22] =	ssyncadd.s32 $0xFFFFFE00  }
0x8c: {  	[spmem:s28] =	stream.linear.scatter [tilespmem:s21], [sflag:$0x2], $0x200, $0x38;
	[tilespmem:$0xB100] =	vst v63  }
0x8d: {  	_ =	swait.ge [sflag:s22], $0x200  }
0x8e: {  	[sflag:s22] =	ssyncset.done $0x0  }
0x8f: {  	s28 =	rddreg [dreg:$0x14];
	[sflag:s22] =	ssyncadd.s32 $0xFFFFFE00  }
0x90: {  	[spmem:s28] =	stream.linear.scatter [tilespmem:s21], [sflag:$0x2], $0x200, $0x38;
	[tilespmem:$0xB100] =	vst v63  }
0x91: {  	_ =	swait.ge [sflag:s22], $0x200  }
0x92: {  	[sflag:s22] =	ssyncset.done $0x0  }
0x93: {  	s28 =	rddreg [dreg:$0x15];
	[sflag:s22] =	ssyncadd.s32 $0xFFFFFE00  }
0x94: {  	[spmem:s28] =	stream.linear.scatter [tilespmem:s21], [sflag:$0x2], $0x200, $0x38;
	[tilespmem:$0xB100] =	vst v63  }
0x95: {  	_ =	swait.ge [sflag:s22], $0x200  }
0x96: {  	[sflag:s22] =	ssyncset.done $0x0  }
0x97: {  	s28 =	rddreg [dreg:$0x16];
	[sflag:s22] =	ssyncadd.s32 $0xFFFFFE00  }
0x98: {  	[spmem:s28] =	stream.linear.scatter [tilespmem:s21], [sflag:$0x2], $0x200, $0x38;
	[tilespmem:$0xB100] =	vst v63  }
0x99: {  	_ =	swait.ge [sflag:s22], $0x200  }
0x9a: {  	[sflag:s22] =	ssyncset.done $0x0  }
0x9b: {  	s28 =	rddreg [dreg:$0x17];
	[sflag:s22] =	ssyncadd.s32 $0xFFFFFE00  }
0x9c: {  	[spmem:s28] =	stream.linear.scatter [tilespmem:s21], [sflag:$0x2], $0x200, $0x38;
	[tilespmem:$0xB100] =	vst v63  }
0x9d: {  	_ =	swait.ge [sflag:s22], $0x200  }
0x9e: {  	[sflag:s22] =	ssyncset.done $0x0  }
0x9f: {  	s28 =	rddreg [dreg:$0x18];
	[sflag:s22] =	ssyncadd.s32 $0xFFFFFE00  }
0xa0: {  	[spmem:s28] =	stream.linear.scatter [tilespmem:s21], [sflag:$0x2], $0x200, $0x38;
	[tilespmem:$0xB100] =	vst v63  }
0xa1: {  	_ =	swait.ge [sflag:s22], $0x200  }
0xa2: {  	[sflag:s22] =	ssyncset.done $0x0  }
0xa3: {  	s28 =	rddreg [dreg:$0x19];
	[sflag:s22] =	ssyncadd.s32 $0xFFFFFE00  }
0xa4: {  	[spmem:s28] =	stream.linear.scatter [tilespmem:s21], [sflag:$0x2], $0x200, $0x38;
	[tilespmem:$0xB100] =	vst v63  }
0xa5: {  	_ =	swait.ge [sflag:s22], $0x200  }
0xa6: {  	[sflag:s22] =	ssyncset.done $0x0  }
0xa7: {  	s28 =	rddreg [dreg:$0x1a];
	[sflag:s22] =	ssyncadd.s32 $0xFFFFFE00  }
0xa8: {  	[spmem:s28] =	stream.linear.scatter [tilespmem:s21], [sflag:$0x2], $0x200, $0x38;
	[tilespmem:$0xB100] =	vst v63  }
0xa9: {  	_ =	swait.ge [sflag:s22], $0x200  }
0xaa: {  	[sflag:s22] =	ssyncset.done $0x0  }
0xab: {  	s28 =	rddreg [dreg:$0x1b];
	[sflag:s22] =	ssyncadd.s32 $0xFFFFFE00  }
0xac: {  	[spmem:s28] =	stream.linear.scatter [tilespmem:s21], [sflag:$0x2], $0x200, $0x38;
	[tilespmem:$0xB100] =	vst v63  }
0xad: {  	_ =	swait.ge [sflag:s22], $0x200  }
0xae: {  	[sflag:s22] =	ssyncset.done $0x0  }
0xaf: {  	[sflag:s22] =	ssyncadd.s32 $0xFFFFFE00  }
0xb0: {  	[spmem:s1] =	stream.linear.scatter [tilespmem:s21], [sflag:$0x2], $0x200, $0x38;
	[tilespmem:$0xB100] =	vst v63  }
0xb1: {  	_ =	swait.ge [sflag:s22], $0x200  }
0xb2: {  	[sflag:s22] =	ssyncset.done $0x0  }
0xb3: {  	[sflag:s22] =	ssyncadd.s32 $0xFFFFFE00  }
0xb4: {  	[spmem:s0] =	stream.linear.scatter [tilespmem:s21], [sflag:$0x2], $0x200, $0x38;
	[tilespmem:$0xB100] =	vst v63  }
0xb5: {  	_ =	swait.ge [sflag:s22], $0x200  }
0xb6: {  	[sflag:s22] =	ssyncset.done $0x0  }
0xb7: {  	[sflag:s22] =	ssyncadd.s32 $0xFFFFFE00  }
0xb8: {  	[spmem:s3] =	stream.linear.scatter [tilespmem:s21], [sflag:$0x2], $0x200, $0x38;
	[tilespmem:$0xB100] =	vst v63  }
0xb9: {  	_ =	swait.ge [sflag:s22], $0x200  }
0xba: {  	[sflag:s22] =	ssyncset.done $0x0  }
0xbb: {  	[sflag:s22] =	ssyncadd.s32 $0xFFFFFE00  }
0xbc: {  	[spmem:s6] =	stream.linear.scatter [tilespmem:s21], [sflag:$0x2], $0x200, $0x38;
	[tilespmem:$0xB100] =	vst v63  }
0xbd: {  	_ =	swait.ge [sflag:s22], $0x200  }
0xbe: {  	[sflag:s22] =	ssyncset.done $0x0  }
0xbf: {  	[sflag:s22] =	ssyncadd.s32 $0xFFFFFE00  }
0xc0: {  	[spmem:s7] =	stream.linear.scatter [tilespmem:s21], [sflag:$0x2], $0x200, $0x38;
	[tilespmem:$0xB100] =	vst v63  }
0xc1: {  	_ =	swait.ge [sflag:s22], $0x200  }
0xc2: {  	[sflag:s22] =	ssyncset.done $0x0  }
0xc3: {  	[sflag:s22] =	ssyncadd.s32 $0xFFFFFE00  }
0xc4: {  	[spmem:s8] =	stream.linear.scatter [tilespmem:s21], [sflag:$0x2], $0x200, $0x38;
	[tilespmem:$0xB100] =	vst v63  }
0xc5: {  	_ =	swait.ge [sflag:s22], $0x200  }
0xc6: {  	[sflag:s22] =	ssyncset.done $0x0  }
0xc7: {  	[sflag:s22] =	ssyncadd.s32 $0xFFFFFE00  }
0xc8: {  	[spmem:s9] =	stream.linear.scatter [tilespmem:s21], [sflag:$0x2], $0x200, $0x38;
	[tilespmem:$0xB100] =	vst v63  }
0xc9: {  	_ =	swait.ge [sflag:s22], $0x200  }
0xca: {  	[sflag:s22] =	ssyncset.done $0x0  }
0xcb: {  	[sflag:s22] =	ssyncadd.s32 $0xFFFFFE00  }
0xcc: {  	[spmem:s10] =	stream.linear.scatter [tilespmem:s21], [sflag:$0x2], $0x200, $0x38;
	[tilespmem:$0xB100] =	vst v63  }
0xcd: {  	_ =	swait.ge [sflag:s22], $0x200  }
0xce: {  	[sflag:s22] =	ssyncset.done $0x0  }
0xcf: {  	[sflag:s22] =	ssyncadd.s32 $0xFFFFFE00  }
0xd0: {  	[spmem:s11] =	stream.linear.scatter [tilespmem:s21], [sflag:$0x2], $0x200, $0x38;
	[tilespmem:$0xB100] =	vst v63  }
0xd1: {  	_ =	swait.ge [sflag:s22], $0x200  }
0xd2: {  	[sflag:s22] =	ssyncset.done $0x0  }
0xd3: {  	[sflag:s22] =	ssyncadd.s32 $0xFFFFFE00  }
0xd4: {  	[spmem:s12] =	stream.linear.scatter [tilespmem:s21], [sflag:$0x2], $0x200, $0x38;
	[tilespmem:$0xB100] =	vst v63  }
0xd5: {  	_ =	swait.ge [sflag:s22], $0x200  }
0xd6: {  	[sflag:s22] =	ssyncset.done $0x0  }
0xd7: {  	[sflag:s22] =	ssyncadd.s32 $0xFFFFFE00  }
0xd8: {  	[spmem:s13] =	stream.linear.scatter [tilespmem:s21], [sflag:$0x2], $0x200, $0x38;
	[tilespmem:$0xB100] =	vst v63  }
0xd9: {  	_ =	swait.ge [sflag:s22], $0x200  }
0xda: {  	[sflag:s22] =	ssyncset.done $0x0  }
0xdb: {  	[sflag:s22] =	ssyncadd.s32 $0xFFFFFE00  }
0xdc: {  	[spmem:s14] =	stream.linear.scatter [tilespmem:s21], [sflag:$0x2], $0x200, $0x38;
	[tilespmem:$0xB100] =	vst v63  }
0xdd: {  	_ =	swait.ge [sflag:s22], $0x200  }
0xde: {  	[sflag:s22] =	ssyncset.done $0x0  }
0xdf: {  	[sflag:s22] =	ssyncadd.s32 $0xFFFFFE00  }
0xe0: {  	[spmem:s15] =	stream.linear.scatter [tilespmem:s21], [sflag:$0x2], $0x200, $0x38;
	[tilespmem:$0xB100] =	vst v63  }
0xe1: {  	_ =	swait.ge [sflag:s22], $0x200  }
0xe2: {  	[sflag:s22] =	ssyncset.done $0x0  }
0xe3: {  	[sflag:s22] =	ssyncadd.s32 $0xFFFFFE00  }
0xe4: {  	[spmem:s16] =	stream.linear.scatter [tilespmem:s21], [sflag:$0x2], $0x200, $0x38;
	[tilespmem:$0xB100] =	vst v63  }
0xe5: {  	_ =	swait.ge [sflag:s22], $0x200  }
0xe6: {  	[sflag:s22] =	ssyncset.done $0x0  }
0xe7: {  	[sflag:s22] =	ssyncadd.s32 $0xFFFFFE00  }
0xe8: {  	s28 =	simm.s32 $0x0;
	[bflag:$0x0] =	sbarrier.arrive $0xFFFF  }
0xe9: {  	[tilespmem:s28], [sflag:$0x2] =	stream.linear.gather [hbm4b:s17+s28], $0x2780, $0x38;
	[tilespmem:$0xB100] =	vst v63  }
0xea: {  	_ =	swait.ge [sflag:s22], $0x2780  }
0xeb: {  	[sflag:s22] =	ssyncset.done $0x0  }
0xec: {  	s29 =	simm.s32 $0x2780;
	[sflag:s22] =	ssyncadd.s32 $0xFFFFD880  }
0xed: {  	[tilespmem:s29], [sflag:$0x2] =	stream.linear.gather [hbm4b:s18+s28], $0x2780, $0x38;
	[tilespmem:$0xB100] =	vst v63  }
0xee: {  	_ =	swait.ge [sflag:s22], $0x2780  }
0xef: {  	[sflag:s22] =	ssyncset.done $0x0  }
0xf0: {  	s28 =	simm.s32 $0x0;
	[sflag:s22] =	ssyncadd.s32 $0xFFFFD880  }
0xf1: {  	[tilespmem:s24], [sflag:$0x1] =	stream.indirect.gather [hbm4b:s4+s23], $0x20, s28, s23, $0xb8;
	[tilespmem:$0xB100] =	vst v63  }
0xf2: {  	_ =	swait.ge [sflag:s25], $0x1000  }
0xf3: {  	[sflag:s25] =	ssyncset.done $0x0  }
0xf4: {  	s28 =	simm.s32 $0x2780;
	[sflag:s25] =	ssyncadd.s32 $0xFFFFF000  }
0xf5: {  	[spmem:s2] =	stream.indirect.scatter.add.f32 [tilespmem:s24], [sflag:$0x2], $0x20, s28, s23, $0xb8;
	[tilespmem:$0xB100] =	vst v63  }
0xf6: {  	_ =	swait.ge [sflag:s22], $0x1000  }
0xf7: {  	s29 =	simm.s32 $0x400;
	s28 =	simm.s32 $0x200;
	[sflag:s22] =	ssyncset.done $0x0  }
.LBB2_2:
0xf8: {  	s30 =	sshra.s32 s28, $0x2  }
0xf9: {  	[sflag:s22] =	ssyncadd.s32 $0xFFFFF000;
	s28 =	smov.u32 s29;
	s31 =	sadd.s32 $0x200, s29  }
0xfa: {  	[tilespmem:s24], [sflag:$0x1] =	stream.indirect.gather [hbm4b:s4+s23], $0x20, s30, s23, $0xb8;
	[tilespmem:$0xB100] =	vst v63  }
0xfb: {  	p0 =	sne.s32 s29, $0x9C00;
	_ =	swait.ge [sflag:s25], $0x1000  }
.Ltmp0:
0xfc: {  	[sflag:s25] =	ssyncset.done $0x0;
	(pc) =	sbr.rel @p0 .LBB2_2-.Ltmp0, $4  }
0xfd: {  	s29 =	sadd.s32 $0x2780, s30;
	[sflag:s25] =	ssyncadd.s32 $0xFFFFF000  }
0xfe: {  	[spmem:s2] =	stream.indirect.scatter.add.f32 [tilespmem:s24], [sflag:$0x2], $0x20, s29, s23, $0xb8;
	[tilespmem:$0xB100] =	vst v63  }
0xff: {  	_ =	swait.ge [sflag:s22], $0x1000  }
0x100: {  	s29 =	smov.u32 s31;
	[sflag:s22] =	ssyncset.done $0x0  }
0x101: {  	s28 =	sshra.s32 s28, $0x2;
	[sflag:s22] =	ssyncadd.s32 $0xFFFFF000  }
0x102: {  	[tilespmem:s24], [sflag:$0x1] =	stream.indirect.gather [hbm4b:s4+s23], $0x20, s28, s23, $0xb8;
	[tilespmem:$0xB100] =	vst v63  }
0x103: {  	_ =	swait.ge [sflag:s25], $0x1000  }
0x104: {  	[sflag:s25] =	ssyncset.done $0x0  }
0x105: {  	s28 =	sadd.s32 $0x2780, s28;
	[sflag:s25] =	ssyncadd.s32 $0xFFFFF000  }
0x106: {  	[spmem:s2] =	stream.indirect.scatter.add.f32 [tilespmem:s24], [sflag:$0x2], $0x20, s28, s23, $0xb8;
	[tilespmem:$0xB100] =	vst v63  }
0x107: {  	s31 =	stileid.u32;
	_ =	swait.ge [sflag:s22], $0x1000  }
0x108: {  	s29 =	sshrl.u32 s5, $0x3;
	s26 =	sadd.s32 $0x1, s26;
	[sflag:s22] =	ssyncset.done $0x0  }
0x109: {  	p0 =	sne.s32 s26, s20;
	s28 =	sshll.u32 s31, $0x6;
	[sflag:s22] =	ssyncadd.s32 $0xFFFFF000  }
.Ltmp1:
0x10a: {  	s28 =	sor.u32 $0x1C02, s28;
	[bflag:$0x0] =	sbarrier.arrive $0xFFFF;
	(pc) =	sbr.rel @p0 .LBB2_1-.Ltmp1, $4  }
0x10b: {  	[hbm:s19], [sflag:s28] =	dma.local [spmem:s29], $0xA00  }
0x10c: {  	_ =	swait.ge [sflag:s22], $0xA00  }
0x10d: {  	[sflag:s22] =	ssyncset.done $0x0  }
0x10e: {  	[sflag:s22] =	ssyncadd.s32 $0xFFFFF600  }
0x10f: {  	_ =	sfence.sel $0x180000  }
0x110: {  	[bflag:$0x0] =	sbarrier.arrive $0xFFFF  }
0x111: {  	_ =	strace $0x9000004A  }
0x112: {  	s0 =	stileid.u32;
	[bflag:$0x2] =	sbarrier.arrive $0xFFFF  }
0x113: {  	p0 =	sne.s32 s0, $0x0;
	s0 =	rddreg [dreg:$0x2]  }
0x114: {  	s0 =	sadd.s32 @!p0 $0x100000, s0  }
0x115: {  	[sflag:s0] =	ssyncadd.tile.s32 @!p0 $0x1;
	_ =	shalt  }
.Lfunc_end2:
_tile_overlayer_lowered:
.L_overlay_start_2:
0x116: {  	(tag) =	ssettag $0x2  }
0x117: {  	s0 =	rddreg [dreg:$0x0];
	s2 =	stileid.u32  }
0x118: {  	s1 =	rddreg [dreg:$0x1];
	p0 =	sne.s32 s2, $0x0  }
0x119: {  	s3 =	rddreg [dreg:$0x2];
	[bflag:$0x3] =	sbarrier.arrive $0xFFFF;
	s2 =	simm.s32 @!p0 $0x1C02  }
0x11a: {  	[timem:s3], [sflag:s2] =	dma.local @!p0 [hbm:s0], s1  }
0x11b: {  	s0 =	simm.s32 @!p0 $0x2  }
0x11c: {  	_ =	swait.ge @!p0 [sflag:s0], s1  }
0x11d: {  	s1 =	ssub.s32 @!p0 $0x0, s1;
	[sflag:s0] =	ssyncset.done @!p0 $0x0  }
0x11e: {  	[sflag:s0] =	ssyncadd.s32 @!p0 s1  }
0x11f: {  	[bflag:$0x3] =	sbarrier.arrive $0xFFFF  }
0x120: {  	_ =	shalt  }

// kernel: kernel.7.cloned.1.call-start
scs
__scs_entry_jumppad:
0x0: {  	(pc) =	sbr.rel $0x88, $3  }
0x1: {  	(tag) =	ssettag $0x0;
	lr =	simm.s32 $0x1  }
0x2: {  	[smem:$0x3F95] =	sst lr;
	_ =	strace $0xD0000000  }
0x3: {  	_ = 	snop  }
0x4: {  	_ = 	snop  }
0x5: {  	_ = 	snop  }
0x6: {  	_ = 	snop  }
0x7: {  	_ = 	snop  }
__scs_overlays_trampoline_lowered:
0x8: {  	[smem:$0x3FA4] =	sst s0  }
0x9: {  	[smem:$0x3FA5] =	sst s1  }
0xa: {  	[smem:$0x3FA6] =	sst s2  }
0xb: {  	[smem:$0x3FA7] =	sst s3  }
0xc: {  	[smem:$0x3FA8] =	sst s4  }
0xd: {  	[smem:$0x3FA9] =	sst s5  }
0xe: {  	[smem:$0x3FAA] =	sst s6  }
0xf: {  	[smem:$0x3FAB] =	sst s7  }
0x10: {  	[smem:$0x3FAC] =	sst s8  }
0x11: {  	[smem:$0x3FAD] =	sst s9;
	s0 =	simm.s32 @!p0 $0x0  }
0x12: {  	s1 =	sld [smem:$0x3F93];
	s0 =	simm.s32 @p0 $0x1  }
0x13: {  	[smem:$0x3FAE] =	sst s0;
	s0 =	simm.s32 @!p1 $0x0  }
0x14: {  	s2 =	sld [smem:$0x3F92];
	s0 =	simm.s32 @p1 $0x1  }
0x15: {  	[smem:$0x3FAF] =	sst s0;
	s0 =	simm.s32 @!p2 $0x0  }
0x16: {  	s3 =	sld [smem:$0x3FDB];
	s0 =	simm.s32 @p2 $0x1  }
0x17: {  	s4 =	simm.s32 $0x1BF5;
	[smem:$0x3FB1] =	sst s0  }
0x18: {  	s0 =	sld [smem:$0x3F94];
	_ =	swait.ge [sflag:s4], $0x0  }
0x19: {  	s7 =	sld [smem:$0x3F95]  }
0x1a: {  	s8 =	sadd.s32 $0xFFFFE003, lr  }
0x1b: {  	s9 =	sadd.s32 $0xFFFFFEF7, lr;
	s5 =	simm.s32 $0xFFFFFFFF;
	p2 =	slt.u32 s8, $0xFFFFF086  }
0x1c: {  	p1 =	slt.u32 s9, $0xF7A;
	s5 =	simm.s32 @!p2 $0x0  }
0x1d: {  	s5 =	simm.s32 @p1 $0x1;
	p0 =	seq.s32 s7, s2  }
0x1e: {  	s7 =	smul.u32 @!p0 $0xF7A, s2;
	p2 =	seq.s32 @!p0 s5, $0x0  }
0x1f: {  	s9 =	smul.u32 $0xF7A, s1;
	s8 =	simm.s32 @!p0 $0x1BF5;
	p2 =	por !p2, p0  }
0x20: {  	[sflag:s8] =	ssyncset.s32 @!p0 $0xFFFFF086;
	s6 =	sadd.s32 @!p0 s3, s7;
	s7 =	simm.s32 @!p0 $0x108  }
0x21: {  	s3 =	sadd.s32 s3, s9;
	s6 =	sadd.s32 @!p0 $0x88, s6;
	s7 =	simm.s32 @p2 $0x1082  }
0x22: {  	[simem:s7], [sflag:s8] =	dma.local @!p0 [hbm:s6], $0xF7A  }
0x23: {  	s9 =	sor.u32 $0xD0000000, s2;
	s6 =	simm.s32 $0x108;
	_ =	swait.ge @!p0 [sflag:s8], $0x0  }
0x24: {  	s3 =	sadd.s32 $0x88, s3;
	s6 =	simm.s32 @!p1 $0x1082;
	[sflag:s4] =	ssyncset.s32 $0xFFFFF086  }
0x25: {  	[simem:s6], [sflag:s4] =	dma.local [hbm:s3], $0xF7A  }
0x26: {  	[smem:$0x3F95] =	sst s1;
	(tag) =	ssettag s2;
	_ =	strace s9  }
0x27: {  	s1 =	sld [smem:$0x3FA5]  }
0x28: {  	s2 =	sld [smem:$0x3FA6]  }
0x29: {  	s4 =	sld [smem:$0x3FA8]  }
0x2a: {  	p0 =	seq.s32 s5, $0x0;
	s5 =	sld [smem:$0x3FA9]  }
0x2b: {  	s6 =	sld [smem:$0x3FAA]  }
0x2c: {  	s7 =	sld [smem:$0x3FAB]  }
0x2d: {  	s3 =	simm.s32 $0x108;
	s8 =	sld [smem:$0x3FAC]  }
0x2e: {  	s3 =	simm.s32 @!p0 $0x1082;
	s9 =	sld [smem:$0x3FAD]  }
0x2f: {  	lr =	sadd.s32 s0, s3;
	s0 =	sld [smem:$0x3FA4]  }
0x30: {  	s3 =	sld [smem:$0x3FA7]  }
0x31: {  	[smem:$0x3FB0] =	sst s10  }
0x32: {  	s10 =	sld [smem:$0x3FAE];
	_ =	sdelay $0x3  }
0x33: {  	p0 =	seq.s32 s10, $0x1;
	s10 =	sld [smem:$0x3FB0];
	_ =	sdelay $0x3  }
0x34: {  	[smem:$0x3FB0] =	sst s10  }
0x35: {  	s10 =	sld [smem:$0x3FAF];
	_ =	sdelay $0x3  }
0x36: {  	p1 =	seq.s32 s10, $0x1;
	s10 =	sld [smem:$0x3FB0];
	_ =	sdelay $0x3  }
0x37: {  	[smem:$0x3FB0] =	sst s10  }
0x38: {  	s10 =	sld [smem:$0x3FB1]  }
0x39: {  	_ = 	snop;
	(pc) =	sbr.ind lr, $3  }
0x3a: {  	_ = 	snop  }
0x3b: {  	_ = 	snop  }
0x3c: {  	p2 =	seq.s32 s10, $0x1;
	s10 =	sld [smem:$0x3FB0]  }
0x3d: {  	_ =	shalt  }
0x3e: {  	_ =	shalt  }
0x3f: {  	_ =	shalt  }
0x40: {  	_ =	shalt  }
0x41: {  	_ =	shalt  }
0x42: {  	_ =	shalt  }
0x43: {  	_ =	shalt  }
0x44: {  	_ =	shalt  }
0x45: {  	_ =	shalt  }
0x46: {  	_ =	shalt  }
0x47: {  	_ =	shalt  }
0x48: {  	_ =	shalt  }
0x49: {  	_ =	shalt  }
0x4a: {  	_ =	shalt  }
0x4b: {  	_ =	shalt  }
0x4c: {  	_ =	shalt  }
0x4d: {  	_ =	shalt  }
0x4e: {  	_ =	shalt  }
0x4f: {  	_ =	shalt  }
0x50: {  	_ =	shalt  }
0x51: {  	_ =	shalt  }
0x52: {  	_ =	shalt  }
0x53: {  	_ =	shalt  }
0x54: {  	_ =	shalt  }
0x55: {  	_ =	shalt  }
0x56: {  	_ =	shalt  }
0x57: {  	_ =	shalt  }
0x58: {  	_ =	shalt  }
0x59: {  	_ =	shalt  }
0x5a: {  	_ =	shalt  }
0x5b: {  	_ =	shalt  }
0x5c: {  	_ =	shalt  }
0x5d: {  	_ =	shalt  }
0x5e: {  	_ =	shalt  }
0x5f: {  	_ =	shalt  }
0x60: {  	_ =	shalt  }
0x61: {  	_ =	shalt  }
0x62: {  	_ =	shalt  }
0x63: {  	_ =	shalt  }
0x64: {  	_ =	shalt  }
0x65: {  	_ =	shalt  }
0x66: {  	_ =	shalt  }
0x67: {  	_ =	shalt  }
0x68: {  	_ =	shalt  }
0x69: {  	_ =	shalt  }
0x6a: {  	_ =	shalt  }
0x6b: {  	_ =	shalt  }
0x6c: {  	_ =	shalt  }
0x6d: {  	_ =	shalt  }
0x6e: {  	_ =	shalt  }
0x6f: {  	_ =	shalt  }
0x70: {  	_ =	shalt  }
0x71: {  	_ =	shalt  }
0x72: {  	_ =	shalt  }
0x73: {  	_ =	shalt  }
0x74: {  	_ =	shalt  }
0x75: {  	_ =	shalt  }
0x76: {  	_ =	shalt  }
0x77: {  	_ =	shalt  }
0x78: {  	_ =	shalt  }
0x79: {  	_ =	shalt  }
0x7a: {  	_ =	shalt  }
0x7b: {  	_ =	shalt  }
0x7c: {  	_ =	shalt  }
0x7d: {  	_ =	shalt  }
0x7e: {  	_ =	shalt  }
0x7f: {  	_ =	shalt  }
0x80: {  	_ =	shalt  }
0x81: {  	_ =	shalt  }
0x82: {  	_ =	shalt  }
0x83: {  	_ =	shalt  }
0x84: {  	_ =	shalt  }
0x85: {  	_ =	shalt  }
0x86: {  	_ =	shalt  }
0x87: {  	_ =	shalt  }
.Lfunc_end0:
.L_simem_size_0:
called_computation_lowered:
.L_overlay_start_0:
0x88: {  	s2 =	sld [smem:$0x3FD9]  }
0x89: {  	s3 =	sld [smem:$0x3FFE];
	_ =	sdelay $0x1  }
0x8a: {  	s1 =	srdreg.scid  }
0x8b: {  	s0 =	sand.u32 $0x1, s1  }
0x8c: {  	s16 =	sshll.u32 s0, $0xA;
	s2 =	sadd.s32 s3, s2  }
0x8d: {  	s2 =	sadd.s32 s2, s16  }
0x8e: {  	[smem:$0x3FBC] =	sst s2  }
0x8f: {  	_ = 	snop  }
0x90: {  	(tm) =	ssettm $0x1  }
0x91: {  	s17 =	sld [smem:$0x3FFB];
	_ =	sdelay $0x3  }
0x92: {  	_ =	strace s17  }
0x93: {  	s2 =	sld [smem:$0x3FFC];
	_ =	sdelay $0x3  }
0x94: {  	_ =	strace s2  }
0x95: {  	s2 =	sld [smem:$0x3FFD];
	_ =	sdelay $0x3  }
0x96: {  	_ =	strace s2  }
0x97: {  	_ =	strace $0x8FFFFFFF  }
0x98: {  	s18 =	sld [smem:$0x3FDB];
	_ =	sdelay $0x1  }
0x99: {  	s19 =	simm.s32 $_scs_section_size  }
0x9a: {  	s4 =	simm.s32 $_size__tile_overlayer_lowered;
	s5 =	simm.s32 $_tile_overlayer_lowered  }
0x9b: {  	s22 =	simm.s32 $0x1BFF;
	s21 =	sshll.u32 s5, $0x1;
	s2 =	sadd.s32 s19, s18  }
0x9c: {  	s6 =	simm.s32 $0x0;
	s20 =	sshll.u32 s4, $0x1;
	s4 =	sadd.s32 s21, s2  }
0x9d: {  	[timem:s6], [sflag:s22] =	dma.local [hbm:s4], s20  }
0x9e: {  	_ =	swait.ge [sflag:s22], s20  }
0x9f: {  	s3 =	ssub.s32 $0x0, s20;
	[sflag:s22] =	ssyncset.done $0x0  }
0xa0: {  	[sflag:s22] =	ssyncadd.s32 s3;
	_ =	sdelay $0x1  }
0xa1: {  	s23 =	simm.s32 $0x1B8B  }
0xa2: {  	_ =	swait.ge [sflag:s23], $0x1  }
0xa3: {  	[sflag:s23] =	ssyncset.done $0x0  }
0xa4: {  	s25 =	simm.s32 $0x1B8E;
	s24 =	sld [smem:$0x3FFE];
	[sflag:s23] =	ssyncadd.s32 $0xFFFFFFFF  }
0xa5: {  	s26 =	simm.s32 $execute0_lowered;
	[smem:$0x3FD2] =	sst s25  }
0xa6: {  	s4 =	sshll.u32 s26, $0x1;
	_ =	strace $0x80000046;
	[dreg:$0x1] =	wrdreg $0xFFFFFFFF  }
0xa7: {  	s28 =	simm.s32 $_size_execute0_lowered;
	s2 =	sadd.s32 s2, s4;
	[dreg:$0x0] =	wrdreg $0x0  }
0xa8: {  	s4 =	sshll.u32 s28, $0x1;
	[dreg:$0x2] =	wrdreg s2  }
0xa9: {  	[dreg:$0x3] =	wrdreg s4  }
0xaa: {  	[dreg:$0x4] =	wrdreg $0xC0  }
0xab: {  	_ =	task [dreg:s6], $0x5FFFF  }
0xac: {  	[dreg:$0x1] =	wrdreg $0xFFFFFFFF  }
0xad: {  	[dreg:$0x0] =	wrdreg $0x60  }
0xae: {  	[dreg:$0x2] =	wrdreg s24  }
0xaf: {  	[dreg:$0x3] =	wrdreg $0x73000  }
0xb0: {  	[dreg:$0x4] =	wrdreg $0x116000  }
0xb1: {  	[dreg:$0x5] =	wrdreg $0x9  }
0xb2: {  	_ =	task.clear_ibuf [dreg:s6], $0x6FFFF;
	_ =	strace $0x90000046  }
0xb3: {  	s29 =	simm.s32 $0x9;
	_ =	strace $0x80000048  }
0xb4: {  	_ =	swait.ge [sflag:s29], $0x1  }
0xb5: {  	[sflag:s29] =	ssyncadd.s32 $0xFFFFFFFF  }
0xb6: {  	_ =	strace $0x90000048  }
0xb7: {  	_ =	sfence  }
0xb8: {  	s30 =	sld [smem:$0x0];
	_ =	sdelay $0x2  }
0xb9: {  	s31 =	sshll.u32 s1, $0xD;
	s1 =	sshrl.u32 s1, $0x2  }
0xba: {  	s3 =	sand.u32 $0x4000, s31;
	s1 =	sadd.s32 s1, s30  }
0xbb: {  	s0 =	sor.u32 s3, s0;
	s1 =	sshll.u32 s1, $0x11  }
0xbc: {  	s0 =	sor.u32 s1, s0  }
0xbd: {  	s0 =	sadd.s32 $0x8F2B, s0  }
0xbe: {  	[sflag:s0] =	ssyncadd.remote.s32 $0x1  }
0xbf: {  	_ =	sfence.sel $0xFFFF  }
0xc0: {  	[dreg:$0x0] =	wrdreg $0xFFFFFFFF;
	(pc) =	sbr.abs _section_cstart, $3  }
0xc1: {  	[dreg:$0x1] =	wrdreg $0xFFFFFFFF  }
0xc2: {  	_ =	task.clear_ibuf [dreg:s6], $0x2FFFF;
	_ =	strace $0x9FFFFFFF  }
0xc3: {  	(tm) =	ssettm $0x7FFFFFFF  }
tec
execute0_lowered:
.L_overlay_start_1:
0x0: {  	(tag) =	ssettag $0x1  }
0x1: {  	s0 =	srdreg.scid;
	s9 =	stileid.u32  }
0x2: {  	s0 =	sand.u32 $0x1, s0;
	s6 =	smul.u32 $0xA000, s9  }
0x3: {  	s19 =	smul.u32 $0x280, s9;
	s1 =	sshll.u32 s0, $0x4  }
0x4: {  	s4 =	rddreg [dreg:$0x0];
	s1 =	sor.u32 s9, s1;
	s9 =	smul.u32 $0x28000, s9  }
0x5: {  	s2 =	rddreg [dreg:$0x1]  }
0x6: {  	s3 =	rddreg [dreg:$0x2];
	s5 =	simm.s32 $0x0;
	s10 =	sshrl.u32 s9, $0x2  }
0x7: {  	[smem:$0x7FF] =	sst s5;
	s18 =	sadd.s32 s10, s2  }
0x8: {  	s5 =	sadd.s32 $0x1E00, s4;
	s7 =	smul.u32 $0xA0000, s0;
	s11 =	sadd.s32 $0x400, s18  }
0x9: {  	_ =	strace $0x80000047;
	s12 =	sadd.s32 $0x800, s18;
	[dreg:$0x4] =	wrdreg s11  }
0xa: {  	s8 =	smul.u32 $0x2800, s0;
	s13 =	sadd.s32 $0xC00, s18;
	[dreg:$0x5] =	wrdreg s12  }
0xb: {  	s0 =	ssub.s32 $0x2, s0;
	s14 =	sadd.s32 $0x1000, s18;
	[dreg:$0x6] =	wrdreg s13  }
0xc: {  	s1 =	smul.u32 $0x4F0, s1;
	s15 =	sadd.s32 $0x1400, s18;
	[dreg:$0x7] =	wrdreg s14  }
0xd: {  	s7 =	sadd.s32 s6, s7;
	s16 =	sadd.s32 $0x1800, s18;
	[dreg:$0x8] =	wrdreg s15  }
0xe: {  	s8 =	sadd.s32 s19, s8;
	s17 =	sadd.s32 $0x1C00, s18;
	[dreg:$0x9] =	wrdreg s16  }
0xf: {  	s7 =	sshrl.u32 s7, $0x3;
	s20 =	sadd.s32 $0x2000, s18;
	[dreg:$0xa] =	wrdreg s17  }
0x10: {  	s26 =	sshrl.u32 s8, $0x3;
	s21 =	sadd.s32 $0x2400, s18;
	[dreg:$0xb] =	wrdreg s20  }
0x11: {  	s8 =	sshrl.u32 s0, $0x1;
	s23 =	sadd.s32 $0x2800, s18;
	[dreg:$0xc] =	wrdreg s21  }
0x12: {  	s1 =	sadd.s32 s1, s4;
	s24 =	sadd.s32 $0x2C00, s18;
	[dreg:$0xd] =	wrdreg s23  }
0x13: {  	s22 =	sadd.s32 s7, s4;
	s25 =	sadd.s32 $0x3000, s18;
	[dreg:$0xe] =	wrdreg s24  }
0x14: {  	s4 =	sadd.s32 s26, s4;
	s26 =	sadd.s32 $0x3400, s18;
	[dreg:$0xf] =	wrdreg s25  }
0x15: {  	s0 =	ssub.s32 s0, s8;
	s8 =	sadd.s32 $0x3800, s18;
	[dreg:$0x10] =	wrdreg s26  }
0x16: {  	s9 =	sadd.s32 $0x3C00, s18;
	[dreg:$0x11] =	wrdreg s8  }
0x17: {  	s10 =	sadd.s32 $0x4000, s18;
	[dreg:$0x12] =	wrdreg s9  }
0x18: {  	[dreg:$0x13] =	wrdreg s10;
	s11 =	sadd.s32 $0x4400, s18  }
0x19: {  	s12 =	sadd.s32 $0x4800, s18;
	[dreg:$0x14] =	wrdreg s11  }
0x1a: {  	s13 =	sadd.s32 $0x4C00, s18;
	[dreg:$0x15] =	wrdreg s12  }
0x1b: {  	s14 =	sadd.s32 $0x5000, s18;
	[dreg:$0x16] =	wrdreg s13  }
0x1c: {  	s15 =	sadd.s32 $0x5400, s18;
	[dreg:$0x17] =	wrdreg s14  }
0x1d: {  	s16 =	sadd.s32 $0x5800, s18;
	[dreg:$0x18] =	wrdreg s15  }
0x1e: {  	s28 =	simm.s32 $0x80;
	s17 =	sadd.s32 $0x5C00, s18;
	[dreg:$0x19] =	wrdreg s16  }
0x1f: {  	s29 =	simm.s32 $0x4F00;
	s20 =	sadd.s32 $0x6000, s18;
	[dreg:$0x1a] =	wrdreg s17  }
0x20: {  	s30 =	simm.s32 $0x1;
	s21 =	sadd.s32 $0x6400, s18;
	[dreg:$0x1b] =	wrdreg s20  }
0x21: {  	s31 =	simm.s32 $0x11300;
	s23 =	sadd.s32 $0x6800, s18;
	[dreg:$0x1c] =	wrdreg s21  }
0x22: {  	s6 =	sadd.s32 s6, s2;
	s24 =	sadd.s32 $0x6C00, s18;
	[dreg:$0x1d] =	wrdreg s23  }
0x23: {  	s19 =	sadd.s32 s19, s3;
	s25 =	sadd.s32 $0x7000, s18;
	[dreg:$0x1e] =	wrdreg s24  }
0x24: {  	s22 =	sadd.s32 $0x29E00, s22;
	s26 =	sadd.s32 $0x7400, s18;
	[dreg:$0x1f] =	wrdreg s25  }
0x25: {  	s9 =	sadd.s32 $0x7800, s18;
	s10 =	sadd.s32 $0x7C00, s18;
	[smem:$0x7FD] =	sst s26  }
0x26: {  	s11 =	sadd.s32 $0x8000, s18;
	s12 =	sadd.s32 $0x8400, s18;
	s13 =	sadd.s32 $0x8800, s18  }
0x27: {  	s14 =	sadd.s32 $0x8C00, s18;
	s15 =	sadd.s32 $0x9000, s18;
	s16 =	sadd.s32 $0x9400, s18  }
0x28: {  	s17 =	sadd.s32 $0x9800, s18;
	s18 =	sadd.s32 $0x9C00, s18;
	s20 =	sadd.s32 $0x1F600, s1  }
0x29: {  	s21 =	sadd.s32 $0x15800, s1;
	s23 =	sadd.s32 $0x29400, s4;
	s24 =	smax.u32 s0, $0x1  }
0x2a: {  	v0 =	vimm.f32 $0.0e+00;
	v1 =	vimm.f32 $1.000000000e+00;
	s25 =	simm.s32 $0x6F00;
	s26 =	simm.s32 $0x2;
	s1 =	simm.s32 $0x0  }
.LBB2_1:
0x2b: {  	[tilespmem:$0x6F00] =	vst v0  }
0x2c: {  	[tilespmem:$0x6F10] =	vst v0  }
0x2d: {  	[tilespmem:$0x6F20] =	vst v0  }
0x2e: {  	[tilespmem:$0x6F30] =	vst v0  }
0x2f: {  	[tilespmem:$0x6F40] =	vst v0  }
0x30: {  	[tilespmem:$0x6F50] =	vst v0  }
0x31: {  	[tilespmem:$0x6F60] =	vst v0  }
0x32: {  	[tilespmem:$0x6F70] =	vst v0  }
0x33: {  	[tilespmem:$0x6F80] =	vst v0  }
0x34: {  	[tilespmem:$0x6F90] =	vst v0  }
0x35: {  	[tilespmem:$0x6FA0] =	vst v0  }
0x36: {  	[tilespmem:$0x6FB0] =	vst v0  }
0x37: {  	[tilespmem:$0x6FC0] =	vst v0  }
0x38: {  	[tilespmem:$0x6FD0] =	vst v0  }
0x39: {  	[tilespmem:$0x6FE0] =	vst v0  }
0x3a: {  	[tilespmem:$0x6FF0] =	vst v0  }
0x3b: {  	[tilespmem:$0x7000] =	vst v0  }
0x3c: {  	[tilespmem:$0x7010] =	vst v0  }
0x3d: {  	[tilespmem:$0x7020] =	vst v0  }
0x3e: {  	[tilespmem:$0x7030] =	vst v0  }
0x3f: {  	[tilespmem:$0x7040] =	vst v0  }
0x40: {  	[tilespmem:$0x7050] =	vst v0  }
0x41: {  	[tilespmem:$0x7060] =	vst v0  }
0x42: {  	[tilespmem:$0x7070] =	vst v0  }
0x43: {  	[tilespmem:$0x7080] =	vst v0  }
0x44: {  	[tilespmem:$0x7090] =	vst v0  }
0x45: {  	[tilespmem:$0x70A0] =	vst v0  }
0x46: {  	[tilespmem:$0x70B0] =	vst v0  }
0x47: {  	[tilespmem:$0x70C0] =	vst v0  }
0x48: {  	[tilespmem:$0x70D0] =	vst v0  }
0x49: {  	[tilespmem:$0x70E0] =	vst v0  }
0x4a: {  	[tilespmem:$0x70F0] =	vst v0  }
0x4b: {  	[tilespmem:$0x7100] =	vst v0  }
0x4c: {  	[tilespmem:$0x7110] =	vst v0  }
0x4d: {  	[tilespmem:$0x7120] =	vst v0  }
0x4e: {  	[tilespmem:$0x7130] =	vst v0  }
0x4f: {  	[tilespmem:$0x7140] =	vst v0  }
0x50: {  	[tilespmem:$0x7150] =	vst v0  }
0x51: {  	[tilespmem:$0x7160] =	vst v0  }
0x52: {  	[tilespmem:$0x7170] =	vst v0  }
0x53: {  	[tilespmem:$0x7180] =	vst v0  }
0x54: {  	[tilespmem:$0x7190] =	vst v0  }
0x55: {  	[tilespmem:$0x71A0] =	vst v0  }
0x56: {  	[tilespmem:$0x71B0] =	vst v0  }
0x57: {  	[tilespmem:$0x71C0] =	vst v0  }
0x58: {  	[tilespmem:$0x71D0] =	vst v0  }
0x59: {  	[tilespmem:$0x71E0] =	vst v0  }
0x5a: {  	[tilespmem:$0x71F0] =	vst v0  }
0x5b: {  	[tilespmem:$0x7200] =	vst v0  }
0x5c: {  	[tilespmem:$0x7210] =	vst v0  }
0x5d: {  	[tilespmem:$0x7220] =	vst v0  }
0x5e: {  	[tilespmem:$0x7230] =	vst v0  }
0x5f: {  	[tilespmem:$0x7240] =	vst v0  }
0x60: {  	[tilespmem:$0x7250] =	vst v0  }
0x61: {  	[tilespmem:$0x7260] =	vst v0  }
0x62: {  	[tilespmem:$0x7270] =	vst v0  }
0x63: {  	[tilespmem:$0x7280] =	vst v0  }
0x64: {  	[tilespmem:$0x7290] =	vst v0  }
0x65: {  	[tilespmem:$0x72A0] =	vst v0  }
0x66: {  	[tilespmem:$0x72B0] =	vst v0  }
0x67: {  	[tilespmem:$0x72C0] =	vst v0  }
0x68: {  	[tilespmem:$0x72D0] =	vst v0  }
0x69: {  	[tilespmem:$0x72E0] =	vst v0  }
0x6a: {  	[tilespmem:$0x72F0] =	vst v0  }
0x6b: {  	[tilespmem:$0x11380] =	vst v0  }
0x6c: {  	[tilespmem:$0x11390] =	vst v0  }
0x6d: {  	[tilespmem:$0x113A0] =	vst v0  }
0x6e: {  	[tilespmem:$0x113B0] =	vst v0  }
0x6f: {  	[tilespmem:$0x113C0] =	vst v0  }
0x70: {  	[tilespmem:$0x113D0] =	vst v0  }
0x71: {  	[tilespmem:$0x113E0] =	vst v0  }
0x72: {  	[tilespmem:$0x113F0] =	vst v0  }
0x73: {  	[tilespmem:$0x11400] =	vst v0  }
0x74: {  	[tilespmem:$0x11410] =	vst v0  }
0x75: {  	[tilespmem:$0x11420] =	vst v0  }
0x76: {  	[tilespmem:$0x11430] =	vst v0  }
0x77: {  	[tilespmem:$0x11440] =	vst v0  }
0x78: {  	[tilespmem:$0x11450] =	vst v0  }
0x79: {  	[tilespmem:$0x11460] =	vst v0  }
0x7a: {  	[tilespmem:$0x11470] =	vst v0  }
0x7b: {  	[tilespmem:$0x11480] =	vst v0  }
0x7c: {  	[tilespmem:$0x11490] =	vst v0  }
0x7d: {  	[tilespmem:$0x114A0] =	vst v0  }
0x7e: {  	[tilespmem:$0x114B0] =	vst v0  }
0x7f: {  	[tilespmem:$0x114C0] =	vst v0  }
0x80: {  	[tilespmem:$0x114D0] =	vst v0  }
0x81: {  	[tilespmem:$0x114E0] =	vst v0  }
0x82: {  	[tilespmem:$0x114F0] =	vst v0  }
0x83: {  	[tilespmem:$0x11500] =	vst v0  }
0x84: {  	[tilespmem:$0x11510] =	vst v0  }
0x85: {  	[tilespmem:$0x11520] =	vst v0  }
0x86: {  	[tilespmem:$0x11530] =	vst v0  }
0x87: {  	[tilespmem:$0x11540] =	vst v0  }
0x88: {  	[tilespmem:$0x11550] =	vst v0  }
0x89: {  	[tilespmem:$0x11560] =	vst v0  }
0x8a: {  	[tilespmem:$0x11570] =	vst v0  }
0x8b: {  	[tilespmem:$0x11580] =	vst v0  }
0x8c: {  	[tilespmem:$0x11590] =	vst v0  }
0x8d: {  	[tilespmem:$0x115A0] =	vst v0  }
0x8e: {  	[tilespmem:$0x115B0] =	vst v0  }
0x8f: {  	[tilespmem:$0x115C0] =	vst v0  }
0x90: {  	[tilespmem:$0x115D0] =	vst v0  }
0x91: {  	[tilespmem:$0x115E0] =	vst v0  }
0x92: {  	[tilespmem:$0x115F0] =	vst v0  }
0x93: {  	[tilespmem:$0x11300] =	vst v1  }
0x94: {  	[tilespmem:$0x11310] =	vst v1  }
0x95: {  	[tilespmem:$0x11320] =	vst v1  }
0x96: {  	[tilespmem:$0x11330] =	vst v1  }
0x97: {  	[tilespmem:$0x11340] =	vst v1  }
0x98: {  	[tilespmem:$0x11350] =	vst v1  }
0x99: {  	[tilespmem:$0x11360] =	vst v1  }
0x9a: {  	[tilespmem:$0x11370] =	vst v1  }
0x9b: {  	[spmem:s6] =	stream.linear.scatter [tilespmem:s25], [sflag:$0x2], $0x400, $0x38;
	[tilespmem:$0x11880] =	vst v63  }
0x9c: {  	_ =	swait.ge [sflag:s26], $0x400  }
0x9d: {  	[sflag:s26] =	ssyncset.done $0x0  }
0x9e: {  	s0 =	rddreg [dreg:$0x4];
	[sflag:s26] =	ssyncadd.s32 $0xFFFFFC00  }
0x9f: {  	[spmem:s0] =	stream.linear.scatter [tilespmem:s25], [sflag:$0x2], $0x400, $0x38;
	[tilespmem:$0x11880] =	vst v63  }
0xa0: {  	_ =	swait.ge [sflag:s26], $0x400  }
0xa1: {  	[sflag:s26] =	ssyncset.done $0x0  }
0xa2: {  	s4 =	rddreg [dreg:$0x5];
	[sflag:s26] =	ssyncadd.s32 $0xFFFFFC00  }
0xa3: {  	[spmem:s4] =	stream.linear.scatter [tilespmem:s25], [sflag:$0x2], $0x400, $0x38;
	[tilespmem:$0x11880] =	vst v63  }
0xa4: {  	_ =	swait.ge [sflag:s26], $0x400  }
0xa5: {  	[sflag:s26] =	ssyncset.done $0x0  }
0xa6: {  	s7 =	rddreg [dreg:$0x6];
	[sflag:s26] =	ssyncadd.s32 $0xFFFFFC00  }
0xa7: {  	[spmem:s7] =	stream.linear.scatter [tilespmem:s25], [sflag:$0x2], $0x400, $0x38;
	[tilespmem:$0x11880] =	vst v63  }
0xa8: {  	_ =	swait.ge [sflag:s26], $0x400  }
0xa9: {  	[sflag:s26] =	ssyncset.done $0x0  }
0xaa: {  	s8 =	rddreg [dreg:$0x7];
	[sflag:s26] =	ssyncadd.s32 $0xFFFFFC00  }
0xab: {  	[spmem:s8] =	stream.linear.scatter [tilespmem:s25], [sflag:$0x2], $0x400, $0x38;
	[tilespmem:$0x11880] =	vst v63  }
0xac: {  	_ =	swait.ge [sflag:s26], $0x400  }
0xad: {  	[sflag:s26] =	ssyncset.done $0x0  }
0xae: {  	s4 =	rddreg [dreg:$0x8];
	[sflag:s26] =	ssyncadd.s32 $0xFFFFFC00  }
0xaf: {  	[spmem:s4] =	stream.linear.scatter [tilespmem:s25], [sflag:$0x2], $0x400, $0x38;
	[tilespmem:$0x11880] =	vst v63  }
0xb0: {  	_ =	swait.ge [sflag:s26], $0x400  }
0xb1: {  	[sflag:s26] =	ssyncset.done $0x0  }
0xb2: {  	s7 =	rddreg [dreg:$0x9];
	[sflag:s26] =	ssyncadd.s32 $0xFFFFFC00  }
0xb3: {  	[spmem:s7] =	stream.linear.scatter [tilespmem:s25], [sflag:$0x2], $0x400, $0x38;
	[tilespmem:$0x11880] =	vst v63  }
0xb4: {  	_ =	swait.ge [sflag:s26], $0x400  }
0xb5: {  	[sflag:s26] =	ssyncset.done $0x0  }
0xb6: {  	s8 =	rddreg [dreg:$0xa];
	[sflag:s26] =	ssyncadd.s32 $0xFFFFFC00  }
0xb7: {  	[spmem:s8] =	stream.linear.scatter [tilespmem:s25], [sflag:$0x2], $0x400, $0x38;
	[tilespmem:$0x11880] =	vst v63  }
0xb8: {  	_ =	swait.ge [sflag:s26], $0x400  }
0xb9: {  	[sflag:s26] =	ssyncset.done $0x0  }
0xba: {  	s4 =	rddreg [dreg:$0xb];
	[sflag:s26] =	ssyncadd.s32 $0xFFFFFC00  }
0xbb: {  	[spmem:s4] =	stream.linear.scatter [tilespmem:s25], [sflag:$0x2], $0x400, $0x38;
	[tilespmem:$0x11880] =	vst v63  }
0xbc: {  	_ =	swait.ge [sflag:s26], $0x400  }
0xbd: {  	[sflag:s26] =	ssyncset.done $0x0  }
0xbe: {  	s7 =	rddreg [dreg:$0xc];
	[sflag:s26] =	ssyncadd.s32 $0xFFFFFC00  }
0xbf: {  	[spmem:s7] =	stream.linear.scatter [tilespmem:s25], [sflag:$0x2], $0x400, $0x38;
	[tilespmem:$0x11880] =	vst v63  }
0xc0: {  	_ =	swait.ge [sflag:s26], $0x400  }
0xc1: {  	[sflag:s26] =	ssyncset.done $0x0  }
0xc2: {  	s8 =	rddreg [dreg:$0xd];
	[sflag:s26] =	ssyncadd.s32 $0xFFFFFC00  }
0xc3: {  	[spmem:s8] =	stream.linear.scatter [tilespmem:s25], [sflag:$0x2], $0x400, $0x38;
	[tilespmem:$0x11880] =	vst v63  }
0xc4: {  	_ =	swait.ge [sflag:s26], $0x400  }
0xc5: {  	[sflag:s26] =	ssyncset.done $0x0  }
0xc6: {  	s4 =	rddreg [dreg:$0xe];
	[sflag:s26] =	ssyncadd.s32 $0xFFFFFC00  }
0xc7: {  	[spmem:s4] =	stream.linear.scatter [tilespmem:s25], [sflag:$0x2], $0x400, $0x38;
	[tilespmem:$0x11880] =	vst v63  }
0xc8: {  	_ =	swait.ge [sflag:s26], $0x400  }
0xc9: {  	[sflag:s26] =	ssyncset.done $0x0  }
0xca: {  	s7 =	rddreg [dreg:$0xf];
	[sflag:s26] =	ssyncadd.s32 $0xFFFFFC00  }
0xcb: {  	[spmem:s7] =	stream.linear.scatter [tilespmem:s25], [sflag:$0x2], $0x400, $0x38;
	[tilespmem:$0x11880] =	vst v63  }
0xcc: {  	_ =	swait.ge [sflag:s26], $0x400  }
0xcd: {  	[sflag:s26] =	ssyncset.done $0x0  }
0xce: {  	s8 =	rddreg [dreg:$0x10];
	[sflag:s26] =	ssyncadd.s32 $0xFFFFFC00  }
0xcf: {  	[spmem:s8] =	stream.linear.scatter [tilespmem:s25], [sflag:$0x2], $0x400, $0x38;
	[tilespmem:$0x11880] =	vst v63  }
0xd0: {  	_ =	swait.ge [sflag:s26], $0x400  }
0xd1: {  	[sflag:s26] =	ssyncset.done $0x0  }
0xd2: {  	s4 =	rddreg [dreg:$0x11];
	[sflag:s26] =	ssyncadd.s32 $0xFFFFFC00  }
0xd3: {  	[spmem:s4] =	stream.linear.scatter [tilespmem:s25], [sflag:$0x2], $0x400, $0x38;
	[tilespmem:$0x11880] =	vst v63  }
0xd4: {  	_ =	swait.ge [sflag:s26], $0x400  }
0xd5: {  	[sflag:s26] =	ssyncset.done $0x0  }
0xd6: {  	s7 =	rddreg [dreg:$0x12];
	[sflag:s26] =	ssyncadd.s32 $0xFFFFFC00  }
0xd7: {  	[spmem:s7] =	stream.linear.scatter [tilespmem:s25], [sflag:$0x2], $0x400, $0x38;
	[tilespmem:$0x11880] =	vst v63  }
0xd8: {  	_ =	swait.ge [sflag:s26], $0x400  }
0xd9: {  	[sflag:s26] =	ssyncset.done $0x0  }
0xda: {  	s8 =	rddreg [dreg:$0x13];
	[sflag:s26] =	ssyncadd.s32 $0xFFFFFC00  }
0xdb: {  	[spmem:s8] =	stream.linear.scatter [tilespmem:s25], [sflag:$0x2], $0x400, $0x38;
	[tilespmem:$0x11880] =	vst v63  }
0xdc: {  	_ =	swait.ge [sflag:s26], $0x400  }
0xdd: {  	[sflag:s26] =	ssyncset.done $0x0  }
0xde: {  	s4 =	rddreg [dreg:$0x14];
	[sflag:s26] =	ssyncadd.s32 $0xFFFFFC00  }
0xdf: {  	[spmem:s4] =	stream.linear.scatter [tilespmem:s25], [sflag:$0x2], $0x400, $0x38;
	[tilespmem:$0x11880] =	vst v63  }
0xe0: {  	_ =	swait.ge [sflag:s26], $0x400  }
0xe1: {  	[sflag:s26] =	ssyncset.done $0x0  }
0xe2: {  	s7 =	rddreg [dreg:$0x15];
	[sflag:s26] =	ssyncadd.s32 $0xFFFFFC00  }
0xe3: {  	[spmem:s7] =	stream.linear.scatter [tilespmem:s25], [sflag:$0x2], $0x400, $0x38;
	[tilespmem:$0x11880] =	vst v63  }
0xe4: {  	_ =	swait.ge [sflag:s26], $0x400  }
0xe5: {  	[sflag:s26] =	ssyncset.done $0x0  }
0xe6: {  	s8 =	rddreg [dreg:$0x16];
	[sflag:s26] =	ssyncadd.s32 $0xFFFFFC00  }
0xe7: {  	[spmem:s8] =	stream.linear.scatter [tilespmem:s25], [sflag:$0x2], $0x400, $0x38;
	[tilespmem:$0x11880] =	vst v63  }
0xe8: {  	_ =	swait.ge [sflag:s26], $0x400  }
0xe9: {  	[sflag:s26] =	ssyncset.done $0x0  }
0xea: {  	s4 =	rddreg [dreg:$0x17];
	[sflag:s26] =	ssyncadd.s32 $0xFFFFFC00  }
0xeb: {  	[spmem:s4] =	stream.linear.scatter [tilespmem:s25], [sflag:$0x2], $0x400, $0x38;
	[tilespmem:$0x11880] =	vst v63  }
0xec: {  	_ =	swait.ge [sflag:s26], $0x400  }
0xed: {  	[sflag:s26] =	ssyncset.done $0x0  }
0xee: {  	s7 =	rddreg [dreg:$0x18];
	[sflag:s26] =	ssyncadd.s32 $0xFFFFFC00  }
0xef: {  	[spmem:s7] =	stream.linear.scatter [tilespmem:s25], [sflag:$0x2], $0x400, $0x38;
	[tilespmem:$0x11880] =	vst v63  }
0xf0: {  	_ =	swait.ge [sflag:s26], $0x400  }
0xf1: {  	[sflag:s26] =	ssyncset.done $0x0  }
0xf2: {  	s8 =	rddreg [dreg:$0x19];
	[sflag:s26] =	ssyncadd.s32 $0xFFFFFC00  }
0xf3: {  	[spmem:s8] =	stream.linear.scatter [tilespmem:s25], [sflag:$0x2], $0x400, $0x38;
	[tilespmem:$0x11880] =	vst v63  }
0xf4: {  	_ =	swait.ge [sflag:s26], $0x400  }
0xf5: {  	[sflag:s26] =	ssyncset.done $0x0  }
0xf6: {  	s4 =	rddreg [dreg:$0x1a];
	[sflag:s26] =	ssyncadd.s32 $0xFFFFFC00  }
0xf7: {  	[spmem:s4] =	stream.linear.scatter [tilespmem:s25], [sflag:$0x2], $0x400, $0x38;
	[tilespmem:$0x11880] =	vst v63  }
0xf8: {  	_ =	swait.ge [sflag:s26], $0x400  }
0xf9: {  	[sflag:s26] =	ssyncset.done $0x0  }
0xfa: {  	s7 =	rddreg [dreg:$0x1b];
	[sflag:s26] =	ssyncadd.s32 $0xFFFFFC00  }
0xfb: {  	[spmem:s7] =	stream.linear.scatter [tilespmem:s25], [sflag:$0x2], $0x400, $0x38;
	[tilespmem:$0x11880] =	vst v63  }
0xfc: {  	_ =	swait.ge [sflag:s26], $0x400  }
0xfd: {  	[sflag:s26] =	ssyncset.done $0x0  }
0xfe: {  	s8 =	rddreg [dreg:$0x1c];
	[sflag:s26] =	ssyncadd.s32 $0xFFFFFC00  }
0xff: {  	[spmem:s8] =	stream.linear.scatter [tilespmem:s25], [sflag:$0x2], $0x400, $0x38;
	[tilespmem:$0x11880] =	vst v63  }
0x100: {  	_ =	swait.ge [sflag:s26], $0x400  }
0x101: {  	[sflag:s26] =	ssyncset.done $0x0  }
0x102: {  	s4 =	rddreg [dreg:$0x1d];
	[sflag:s26] =	ssyncadd.s32 $0xFFFFFC00  }
0x103: {  	[spmem:s4] =	stream.linear.scatter [tilespmem:s25], [sflag:$0x2], $0x400, $0x38;
	[tilespmem:$0x11880] =	vst v63  }
0x104: {  	_ =	swait.ge [sflag:s26], $0x400  }
0x105: {  	[sflag:s26] =	ssyncset.done $0x0  }
0x106: {  	s7 =	rddreg [dreg:$0x1e];
	[sflag:s26] =	ssyncadd.s32 $0xFFFFFC00  }
0x107: {  	[spmem:s7] =	stream.linear.scatter [tilespmem:s25], [sflag:$0x2], $0x400, $0x38;
	[tilespmem:$0x11880] =	vst v63  }
0x108: {  	_ =	swait.ge [sflag:s26], $0x400  }
0x109: {  	[sflag:s26] =	ssyncset.done $0x0  }
0x10a: {  	s8 =	rddreg [dreg:$0x1f];
	[sflag:s26] =	ssyncadd.s32 $0xFFFFFC00  }
0x10b: {  	[spmem:s8] =	stream.linear.scatter [tilespmem:s25], [sflag:$0x2], $0x400, $0x38;
	[tilespmem:$0x11880] =	vst v63  }
0x10c: {  	_ =	swait.ge [sflag:s26], $0x400  }
0x10d: {  	s4 =	sld [smem:$0x7FD]  }
0x10e: {  	[sflag:s26] =	ssyncset.done $0x0  }
0x10f: {  	[sflag:s26] =	ssyncadd.s32 $0xFFFFFC00  }
0x110: {  	[spmem:s4] =	stream.linear.scatter [tilespmem:s25], [sflag:$0x2], $0x400, $0x38;
	[tilespmem:$0x11880] =	vst v63  }
0x111: {  	_ =	swait.ge [sflag:s26], $0x400  }
0x112: {  	[sflag:s26] =	ssyncset.done $0x0  }
0x113: {  	[sflag:s26] =	ssyncadd.s32 $0xFFFFFC00  }
0x114: {  	[spmem:s9] =	stream.linear.scatter [tilespmem:s25], [sflag:$0x2], $0x400, $0x38;
	[tilespmem:$0x11880] =	vst v63  }
0x115: {  	_ =	swait.ge [sflag:s26], $0x400  }
0x116: {  	[sflag:s26] =	ssyncset.done $0x0  }
0x117: {  	[sflag:s26] =	ssyncadd.s32 $0xFFFFFC00  }
0x118: {  	[spmem:s10] =	stream.linear.scatter [tilespmem:s25], [sflag:$0x2], $0x400, $0x38;
	[tilespmem:$0x11880] =	vst v63  }
0x119: {  	_ =	swait.ge [sflag:s26], $0x400  }
0x11a: {  	[sflag:s26] =	ssyncset.done $0x0  }
0x11b: {  	[sflag:s26] =	ssyncadd.s32 $0xFFFFFC00  }
0x11c: {  	[spmem:s11] =	stream.linear.scatter [tilespmem:s25], [sflag:$0x2], $0x400, $0x38;
	[tilespmem:$0x11880] =	vst v63  }
0x11d: {  	_ =	swait.ge [sflag:s26], $0x400  }
0x11e: {  	[sflag:s26] =	ssyncset.done $0x0  }
0x11f: {  	[sflag:s26] =	ssyncadd.s32 $0xFFFFFC00  }
0x120: {  	[spmem:s12] =	stream.linear.scatter [tilespmem:s25], [sflag:$0x2], $0x400, $0x38;
	[tilespmem:$0x11880] =	vst v63  }
0x121: {  	_ =	swait.ge [sflag:s26], $0x400  }
0x122: {  	[sflag:s26] =	ssyncset.done $0x0  }
0x123: {  	[sflag:s26] =	ssyncadd.s32 $0xFFFFFC00  }
0x124: {  	[spmem:s13] =	stream.linear.scatter [tilespmem:s25], [sflag:$0x2], $0x400, $0x38;
	[tilespmem:$0x11880] =	vst v63  }
0x125: {  	_ =	swait.ge [sflag:s26], $0x400  }
0x126: {  	[sflag:s26] =	ssyncset.done $0x0  }
0x127: {  	[sflag:s26] =	ssyncadd.s32 $0xFFFFFC00  }
0x128: {  	[spmem:s14] =	stream.linear.scatter [tilespmem:s25], [sflag:$0x2], $0x400, $0x38;
	[tilespmem:$0x11880] =	vst v63  }
0x129: {  	_ =	swait.ge [sflag:s26], $0x400  }
0x12a: {  	[sflag:s26] =	ssyncset.done $0x0  }
0x12b: {  	[sflag:s26] =	ssyncadd.s32 $0xFFFFFC00  }
0x12c: {  	[spmem:s15] =	stream.linear.scatter [tilespmem:s25], [sflag:$0x2], $0x400, $0x38;
	[tilespmem:$0x11880] =	vst v63  }
0x12d: {  	_ =	swait.ge [sflag:s26], $0x400  }
0x12e: {  	[sflag:s26] =	ssyncset.done $0x0  }
0x12f: {  	[sflag:s26] =	ssyncadd.s32 $0xFFFFFC00  }
0x130: {  	[spmem:s16] =	stream.linear.scatter [tilespmem:s25], [sflag:$0x2], $0x400, $0x38;
	[tilespmem:$0x11880] =	vst v63  }
0x131: {  	_ =	swait.ge [sflag:s26], $0x400  }
0x132: {  	[sflag:s26] =	ssyncset.done $0x0  }
0x133: {  	[sflag:s26] =	ssyncadd.s32 $0xFFFFFC00  }
0x134: {  	[spmem:s17] =	stream.linear.scatter [tilespmem:s25], [sflag:$0x2], $0x400, $0x38;
	[tilespmem:$0x11880] =	vst v63  }
0x135: {  	_ =	swait.ge [sflag:s26], $0x400  }
0x136: {  	[sflag:s26] =	ssyncset.done $0x0  }
0x137: {  	[sflag:s26] =	ssyncadd.s32 $0xFFFFFC00  }
0x138: {  	[spmem:s18] =	stream.linear.scatter [tilespmem:s25], [sflag:$0x2], $0x400, $0x38;
	[tilespmem:$0x11880] =	vst v63  }
0x139: {  	_ =	swait.ge [sflag:s26], $0x400  }
0x13a: {  	[sflag:s26] =	ssyncset.done $0x0  }
0x13b: {  	s7 =	simm.s32 $0x11380;
	[sflag:s26] =	ssyncadd.s32 $0xFFFFFC00  }
0x13c: {  	[spmem:s19] =	stream.linear.scatter [tilespmem:s7], [sflag:$0x2], $0x280, $0x38;
	[tilespmem:$0x11880] =	vst v63  }
0x13d: {  	_ =	swait.ge [sflag:s26], $0x280  }
0x13e: {  	[sflag:s26] =	ssyncset.done $0x0  }
0x13f: {  	[sflag:s26] =	ssyncadd.s32 $0xFFFFFD80  }
0x140: {  	s8 =	simm.s32 $0x0;
	[bflag:$0x0] =	sbarrier.arrive $0xFFFF  }
0x141: {  	[tilespmem:s8], [sflag:$0x2] =	stream.linear.gather [hbm4b:s20+s8], $0x2780, $0x38;
	[tilespmem:$0x11880] =	vst v63  }
0x142: {  	_ =	swait.ge [sflag:s26], $0x2780  }
0x143: {  	[sflag:s26] =	ssyncset.done $0x0  }
0x144: {  	s4 =	simm.s32 $0x2780;
	[sflag:s26] =	ssyncadd.s32 $0xFFFFD880  }
0x145: {  	[tilespmem:s4], [sflag:$0x2] =	stream.linear.gather [hbm4b:s21+s8], $0x2780, $0x38;
	[tilespmem:$0x11880] =	vst v63  }
0x146: {  	_ =	swait.ge [sflag:s26], $0x2780  }
0x147: {  	[sflag:s26] =	ssyncset.done $0x0  }
0x148: {  	s7 =	simm.s32 $0x0;
	[sflag:s26] =	ssyncadd.s32 $0xFFFFD880  }
0x149: {  	[tilespmem:s29], [sflag:$0x1] =	stream.indirect.gather [hbm4b:s5+s28], $0x40, s7, s28, $0xb8;
	[tilespmem:$0x11880] =	vst v63  }
0x14a: {  	_ =	swait.ge [sflag:s30], $0x2000  }
0x14b: {  	[sflag:s30] =	ssyncset.done $0x0  }
0x14c: {  	s8 =	simm.s32 $0x2780;
	[sflag:s30] =	ssyncadd.s32 $0xFFFFE000  }
0x14d: {  	[spmem:s2] =	stream.indirect.scatter.add.f32 [tilespmem:s29], [sflag:$0x2], $0x40, s8, s28, $0xb8;
	[tilespmem:$0x11880] =	vst v63  }
0x14e: {  	_ =	swait.ge [sflag:s26], $0x2000  }
0x14f: {  	[sflag:s26] =	ssyncset.done $0x0  }
0x150: {  	[sflag:s26] =	ssyncadd.s32 $0xFFFFE000  }
0x151: {  	[spmem:s3] =	stream.indirect.scatter.add.f32 [tilespmem:s31], [sflag:$0x2], $0x1, s8, s28, $0xb8;
	[tilespmem:$0x11880] =	vst v63  }
0x152: {  	_ =	swait.ge [sflag:s26], $0x80  }
0x153: {  	s0 =	simm.s32 $0x200;
	s4 =	simm.s32 $0x400;
	[sflag:s26] =	ssyncset.done $0x0  }
.LBB2_2:
0x154: {  	s7 =	sshra.s32 s0, $0x2  }
0x155: {  	[sflag:s26] =	ssyncadd.s32 $0xFFFFFF80;
	s0 =	smov.u32 s4;
	s8 =	sadd.s32 $0x200, s4  }
0x156: {  	[tilespmem:s29], [sflag:$0x1] =	stream.indirect.gather [hbm4b:s5+s28], $0x40, s7, s28, $0xb8;
	[tilespmem:$0x11880] =	vst v63  }
0x157: {  	p0 =	sne.s32 s4, $0x9C00;
	_ =	swait.ge [sflag:s30], $0x2000  }
0x158: {  	[sflag:s30] =	ssyncset.done $0x0  }
0x159: {  	s4 =	sadd.s32 $0x2780, s7;
	[sflag:s30] =	ssyncadd.s32 $0xFFFFE000  }
0x15a: {  	[spmem:s2] =	stream.indirect.scatter.add.f32 [tilespmem:s29], [sflag:$0x2], $0x40, s4, s28, $0xb8;
	[tilespmem:$0x11880] =	vst v63  }
0x15b: {  	_ =	swait.ge [sflag:s26], $0x2000  }
.Ltmp0:
0x15c: {  	[sflag:s26] =	ssyncset.done $0x0;
	(pc) =	sbr.rel @p0 .LBB2_2-.Ltmp0, $4  }
0x15d: {  	[sflag:s26] =	ssyncadd.s32 $0xFFFFE000  }
0x15e: {  	[spmem:s3] =	stream.indirect.scatter.add.f32 [tilespmem:s31], [sflag:$0x2], $0x1, s4, s28, $0xb8;
	[tilespmem:$0x11880] =	vst v63  }
0x15f: {  	_ =	swait.ge [sflag:s26], $0x80  }
0x160: {  	s4 =	smov.u32 s8;
	[sflag:s26] =	ssyncset.done $0x0  }
0x161: {  	s0 =	sshra.s32 s0, $0x2;
	[sflag:s26] =	ssyncadd.s32 $0xFFFFFF80  }
0x162: {  	[tilespmem:s29], [sflag:$0x1] =	stream.indirect.gather [hbm4b:s5+s28], $0x40, s0, s28, $0xb8;
	[tilespmem:$0x11880] =	vst v63  }
0x163: {  	_ =	swait.ge [sflag:s30], $0x2000  }
0x164: {  	[sflag:s30] =	ssyncset.done $0x0  }
0x165: {  	s0 =	sadd.s32 $0x2780, s0;
	[sflag:s30] =	ssyncadd.s32 $0xFFFFE000  }
0x166: {  	[spmem:s2] =	stream.indirect.scatter.add.f32 [tilespmem:s29], [sflag:$0x2], $0x40, s0, s28, $0xb8;
	[tilespmem:$0x11880] =	vst v63  }
0x167: {  	_ =	swait.ge [sflag:s26], $0x2000  }
0x168: {  	[sflag:s26] =	ssyncset.done $0x0  }
0x169: {  	[sflag:s26] =	ssyncadd.s32 $0xFFFFE000  }
0x16a: {  	[spmem:s3] =	stream.indirect.scatter.add.f32 [tilespmem:s31], [sflag:$0x2], $0x1, s0, s28, $0xb8;
	[tilespmem:$0x11880] =	vst v63  }
0x16b: {  	_ =	swait.ge [sflag:s26], $0x80  }
0x16c: {  	s7 =	stileid.u32;
	[sflag:s26] =	ssyncset.done $0x0  }
0x16d: {  	s0 =	sshll.u32 s7, $0x6;
	[sflag:s26] =	ssyncadd.s32 $0xFFFFFF80  }
0x16e: {  	s4 =	sshrl.u32 s6, $0x3;
	s0 =	sor.u32 $0x1C02, s0;
	[bflag:$0x0] =	sbarrier.arrive $0xFFFF  }
0x16f: {  	[hbm:s22], [sflag:s0] =	dma.local [spmem:s4], $0x1400  }
0x170: {  	s1 =	sadd.s32 $0x1, s1;
	_ =	swait.ge [sflag:s26], $0x1400  }
0x171: {  	p0 =	sne.s32 s1, s24;
	[sflag:s26] =	ssyncset.done $0x0  }
.Ltmp1:
0x172: {  	s8 =	sshrl.u32 s19, $0x3;
	[sflag:s26] =	ssyncadd.s32 $0xFFFFEC00;
	(pc) =	sbr.rel @p0 .LBB2_1-.Ltmp1, $4  }
0x173: {  	[hbm:s23], [sflag:s0] =	dma.local [spmem:s8], $0x50  }
0x174: {  	_ =	swait.ge [sflag:s26], $0x50  }
0x175: {  	[sflag:s26] =	ssyncset.done $0x0  }
0x176: {  	[sflag:s26] =	ssyncadd.s32 $0xFFFFFFB0  }
0x177: {  	_ =	sfence.sel $0x180000  }
0x178: {  	[bflag:$0x0] =	sbarrier.arrive $0xFFFF  }
0x179: {  	_ =	strace $0x90000047  }
0x17a: {  	s0 =	stileid.u32;
	[bflag:$0x2] =	sbarrier.arrive $0xFFFF  }
0x17b: {  	p0 =	sne.s32 s0, $0x0;
	s0 =	rddreg [dreg:$0x3]  }
0x17c: {  	s0 =	sadd.s32 @!p0 $0x100000, s0  }
0x17d: {  	[sflag:s0] =	ssyncadd.tile.s32 @!p0 $0x1;
	_ =	shalt  }
.Lfunc_end2:
_tile_overlayer_lowered:
.L_overlay_start_2:
0x17e: {  	(tag) =	ssettag $0x2  }
0x17f: {  	s0 =	rddreg [dreg:$0x0];
	s2 =	stileid.u32  }
0x180: {  	s1 =	rddreg [dreg:$0x1];
	p0 =	sne.s32 s2, $0x0  }
0x181: {  	s3 =	rddreg [dreg:$0x2];
	[bflag:$0x3] =	sbarrier.arrive $0xFFFF;
	s2 =	simm.s32 @!p0 $0x1C02  }
0x182: {  	[timem:s3], [sflag:s2] =	dma.local @!p0 [hbm:s0], s1  }
0x183: {  	s0 =	simm.s32 @!p0 $0x2  }
0x184: {  	_ =	swait.ge @!p0 [sflag:s0], s1  }
0x185: {  	s1 =	ssub.s32 @!p0 $0x0, s1;
	[sflag:s0] =	ssyncset.done @!p0 $0x0  }
0x186: {  	[sflag:s0] =	ssyncadd.s32 @!p0 s1  }
0x187: {  	[bflag:$0x3] =	sbarrier.arrive $0xFFFF  }
0x188: {  	_ =	shalt  }

</sc_bundles>
